<compile_context>
chip_gen: v7x
topology: tpu7x:2x2x1
jax: 0.10.2.dev20260603
libtpu: 0.0.44.dev20260713+nightly
codegen_flags: <defaults>
</compile_context>

<pallas_src>
import functools

import numpy as np
import jax
import jax.numpy as jnp
from jax import lax
from jax.experimental import pallas as pl
from jax.experimental.pallas import tpu as pltpu
from jax.experimental.pallas import tpu_sc as plsc

NC = 2
NS = 16
NW = NC * NS
C = 100
HW = 16
MW = 32
EBLK = 3200


def _leaky(x):
    return jnp.where(x >= 0, x, 0.01 * x)


def _embed_body(ntb, x_ref, w0r, b0r, w1r, b1r, w2r, b2r, o_ref):
    sel = pl.program_id(0) < ntb
    w0 = jnp.where(sel, w0r[0], w0r[1])
    b0 = jnp.where(sel, b0r[0], b0r[1])
    w1 = jnp.where(sel, w1r[0], w1r[1])
    b1 = jnp.where(sel, b1r[0], b1r[1])
    w2 = jnp.where(sel, w2r[0], w2r[1])
    b2 = jnp.where(sel, b2r[0], b2r[1])
    x = x_ref[...]
    h = _leaky(jnp.dot(x, w0, preferred_element_type=jnp.float32) + b0[None, :])
    h = _leaky(jnp.dot(h, w1, preferred_element_type=jnp.float32) + b1[None, :])
    h = jnp.dot(h, w2, preferred_element_type=jnp.float32) + b2[None, :]
    o_ref[...] = h


def _embed(xs, wt, wo, blk, ntb):
    n = xs.shape[0]
    ws = [jnp.stack([a[0], b[0]]) for a, b in zip(wt, wo)]
    bs = [jnp.stack([a[1], b[1]]) for a, b in zip(wt, wo)]
    full = lambda r: pl.BlockSpec(r, lambda i: (0,) * len(r))
    args = []
    specs = [pl.BlockSpec((blk, xs.shape[1]), lambda i: (i, 0))]
    for w, b in zip(ws, bs):
        args += [w, b]
        specs += [full(w.shape), full(b.shape)]
    return pl.pallas_call(
        functools.partial(_embed_body, ntb),
        grid=(n // blk,),
        in_specs=specs,
        out_specs=pl.BlockSpec((blk, HW), lambda i: (i, 0)),
        out_shape=jax.ShapeDtypeStruct((n, HW), jnp.float32),
    )(xs, *args)


def _make_gather(e, k):
    pt = e // NW
    chunks = pt // C
    mesh = plsc.VectorSubcoreMesh(core_axis_name="c", subcore_axis_name="s")

    @functools.partial(
        pl.kernel,
        out_type=jax.ShapeDtypeStruct((e, HW), jnp.float32),
        mesh=mesh,
        compiler_params=pltpu.CompilerParams(use_tc_tiling_on_sc=False),
        scratch_types=[
            pltpu.VMEM((chunks, C), jnp.int32),
            pltpu.VMEM((k, C, HW), jnp.float32),
            pltpu.SemaphoreType.DMA,
            pltpu.SemaphoreType.DMA,
        ],
    )
    def gather(h_hbm, idx_hbm, out_hbm, idx_v, bufs, gsem, osem):
        wid = lax.axis_index("s") * NC + lax.axis_index("c")
        pltpu.sync_copy(idx_hbm.at[wid], idx_v)

        def grp(g, carry):
            cps = [
                pltpu.async_copy(h_hbm.at[idx_v.at[g * k + t]], bufs.at[t], gsem)
                for t in range(k)
            ]
            for cp in cps:
                cp.wait()
            ocs = [
                pltpu.async_copy(
                    bufs.at[t],
                    out_hbm.at[pl.ds((wid * chunks + g * k + t) * C, C)],
                    osem,
                )
                for t in range(k)
            ]
            for oc in ocs:
                oc.wait()
            return carry

        lax.fori_loop(0, chunks // k, grp, 0)

    return gather


def _msg_body(blk, eft_ref, xjp_ref, w1t, b1c, w2t, b2c, t2hi, t2lo, b3t,
              o_ref):
    m = blk // 8
    ef_t = eft_ref[...]
    xjT = xjp_ref[...].T
    h1 = _leaky(jnp.dot(w1t[...], ef_t, preferred_element_type=jnp.float32)
                + b1c[...])
    h2 = _leaky(jnp.dot(w2t[...], h1, preferred_element_type=jnp.float32)
                + b2c[...])
    msg_t = []
    for t in range(8):
        xjt = xjT[t * HW:(t + 1) * HW]
        h2t = h2[:, t * m:(t + 1) * m]
        z = jnp.concatenate([xjt[i:i + 1, :] * h2t for i in range(HW)], axis=0)
        zhi = z.astype(jnp.bfloat16).astype(jnp.float32)
        zlo = z - zhi
        mt = (jnp.dot(t2hi[...], zhi, preferred_element_type=jnp.float32)
              + jnp.dot(t2hi[...], zlo, preferred_element_type=jnp.float32)
              + jnp.dot(t2lo[...], zhi, preferred_element_type=jnp.float32)
              + jnp.dot(b3t[...], xjt, preferred_element_type=jnp.float32))
        msg_t.append(mt)
    cnt = jnp.concatenate(
        [jnp.ones((1, m), jnp.float32), jnp.zeros((HW - 1, m), jnp.float32)],
        axis=0)
    low = jnp.concatenate(
        [msg_t[0], cnt, msg_t[2], cnt, msg_t[4], cnt, msg_t[6], cnt], axis=0)
    high = jnp.concatenate(
        [msg_t[1], cnt, msg_t[3], cnt, msg_t[5], cnt, msg_t[7], cnt], axis=0)
    o_ref[...] = jnp.concatenate([low, high], axis=1).T


def _edge_consts(edge_ps):
    (w1, b1), (w2, b2), (w3, b3) = edge_ps
    hdim = w3.shape[0]
    out_c = 16
    in_c = w3.shape[1] // out_c
    t2 = w3.reshape(hdim, in_c, out_c).transpose(1, 0, 2).reshape(in_c * hdim, out_c)
    b3r = b3.reshape(in_c, out_c)
    t2t = t2.T
    t2hi = t2t.astype(jnp.bfloat16).astype(jnp.float32)
    t2lo = t2t - t2hi
    return (w1.T, b1.reshape(-1, 1), w2.T, b2.reshape(-1, 1), t2hi, t2lo,
            b3r.T)


def _msg(ef, xjp, consts, blk):
    e = ef.shape[0]
    eft = ef.T
    full = lambda r: pl.BlockSpec(r, lambda i: (0,) * len(r))
    specs = [pl.BlockSpec((16, blk), lambda i: (0, i)),
             pl.BlockSpec((blk // 8, 128), lambda i: (i, 0))]
    specs += [full(c.shape) for c in consts]
    return pl.pallas_call(
        functools.partial(_msg_body, blk),
        grid=(e // blk,),
        in_specs=specs,
        out_specs=pl.BlockSpec((blk // 4, 128), lambda i: (i, 0)),
        out_shape=jax.ShapeDtypeStruct((e // 4, 128), jnp.float32),
    )(eft, xjp, *consts)


def _make_scatter(e, nd, k):
    pt = e // NW
    chunks = pt // C
    bufrows = k * C
    mesh = plsc.VectorSubcoreMesh(core_axis_name="c", subcore_axis_name="s")

    @functools.partial(
        pl.kernel,
        out_type=jax.ShapeDtypeStruct((NC, nd, MW), jnp.float32),
        mesh=mesh,
        compiler_params=pltpu.CompilerParams(use_tc_tiling_on_sc=False),
        scratch_types=[
            pltpu.VMEM((chunks, C), jnp.int32),
            pltpu.VMEM((bufrows, MW), jnp.float32),
            pltpu.VMEM_SHARED((nd, MW), jnp.float32),
            pltpu.SemaphoreType.DMA,
        ],
    )
    def scatter(msg_hbm, idx_hbm, zer_hbm, out_hbm, idx_v, buf, acc, sem):
        cid = lax.axis_index("c")
        sid = lax.axis_index("s")
        wid = sid * NC + cid

        @pl.when(sid == 0)
        def _():
            pltpu.sync_copy(zer_hbm, acc)

        plsc.subcore_barrier()
        pltpu.sync_copy(idx_hbm.at[wid], idx_v)

        def grp(g, carry):
            pltpu.sync_copy(msg_hbm.at[pl.ds(wid * pt + g * bufrows, bufrows)], buf)
            cps = [
                pltpu.async_copy(
                    buf.at[pl.ds(t * C, C)],
                    acc.at[idx_v.at[g * k + t]],
                    sem,
                    add=True,
                )
                for t in range(k)
            ]
            for cp in cps:
                cp.wait()
            return carry

        lax.fori_loop(0, chunks // k, grp, 0)
        plsc.subcore_barrier()

        @pl.when(sid == 0)
        def _():
            pltpu.sync_copy(acc, out_hbm.at[cid])

    return scatter


def _combine_body(final, p_ref, hd_ref, root_ref, bias_ref, wr, br, o_ref):
    p = p_ref[...]
    a = p[0] + p[1]
    agg = a[:, :HW] / jnp.maximum(a[:, HW:HW + 1], 1.0)
    o = agg + jnp.dot(hd_ref[...], root_ref[...],
                      preferred_element_type=jnp.float32) + bias_ref[...]
    h = _leaky(o)
    if final:
        o_ref[...] = _leaky(jnp.dot(h, wr[...], preferred_element_type=jnp.float32)
                            + br[...])
    else:
        o_ref[...] = h


def _combine(part, h_all, nd, root, bias, lin=None):
    full = lambda r: pl.BlockSpec(r, lambda i: (0,) * len(r))
    if lin is None:
        wr, br = jnp.zeros((16, 1), jnp.float32), jnp.zeros((1, 1), jnp.float32)
        out_w = HW
    else:
        wr, br = lin[0], lin[1].reshape(1, -1)
        out_w = lin[0].shape[1]
    args = [part, h_all, root, bias.reshape(1, -1), wr, br]
    specs = [full(part.shape), pl.BlockSpec((nd, HW), lambda i: (0, 0)),
             full(root.shape), full((1, 16)), full(wr.shape), full(br.shape)]
    return pl.pallas_call(
        functools.partial(_combine_body, lin is not None),
        grid=(1,),
        in_specs=specs,
        out_specs=full((nd, out_w)),
        out_shape=jax.ShapeDtypeStruct((nd, out_w), jnp.float32),
    )(*args)


def kernel(x_target, x_other, e_feat0, e_feat1, params, edge_index0,
           edge_index1, h_id_target, h_id_other):
    p = params
    n_tgt = x_target.shape[0]

    xs = jnp.concatenate([x_target, x_other], axis=0)
    h0 = _embed(xs, p['emb_target'], p['emb_other'], blk=1000, ntb=n_tgt // 1000)

    def layer(h_all, nd, ei, ef, edge_ps, root, bias, k, lin=None):
        e = ef.shape[0]
        nblk = e // EBLK
        src = ei[0].astype(jnp.int32).reshape(nblk, 8, EBLK // 8)
        src = src.transpose(0, 2, 1).reshape(NW, (e // NW) // C, C)
        dst = ei[1].astype(jnp.int32).reshape(nblk, 4, EBLK // 4)
        dst = dst.transpose(0, 2, 1).reshape(NW, (e // NW) // C, C)
        xj = _make_gather(e, k)(h_all, src)
        xjp = xj.reshape(e // 8, 128)
        msgp = _msg(ef, xjp, _edge_consts(edge_ps), blk=EBLK)
        msg_lin = msgp.reshape(e, MW)
        zer = jnp.zeros((nd, MW), jnp.float32)
        part = _make_scatter(e, nd, k)(msg_lin, dst, zer)
        return _combine(part, h_all[:nd], nd, root, bias, lin=lin)

    h1 = layer(h0, 5000, edge_index0, e_feat0, p['edge_nn0'], p['root0'],
               p['bias0'], k=10)
    out = layer(h1, 2000, edge_index1, e_feat1, p['edge_nn1'], p['root1'],
                p['bias1'], k=5, lin=p['lin1'])
    return out

# --- scband reference (transcript-rebuilt; emitter-appended) ---
"""Pipeline reference for scband-model-52407190946026 (READ-ONLY COPY).

The authoritative reference and input builder live on the scoring server;
editing this copy changes nothing except your own understanding.
"""

import jax, jax.numpy as jnp
import numpy as np

N_NODES = 10000
N_TGT = 2000
SIZE0 = (10000, 5000)
SIZE1 = (5000, 2000)
E0 = 160000
E1 = 80000
D_IN = 128
D_EDGE = 16
EMB = 16
HID = 16


def leaky(x):
    return jnp.where(x >= 0, x, 0.01 * x)


def mlp_apply(x, ps):
    n = len(ps)
    for i, (W, b) in enumerate(ps):
        x = x @ W + b
        if i < n - 1:
            x = leaky(x)
    return x


def _lin(k, fi, fo):
    kw, kb = jax.random.split(k)
    s = 1.0 / np.sqrt(fi)
    W = jax.random.uniform(kw, (fi, fo), minval=-s, maxval=s, dtype=jnp.float32)
    b = jax.random.uniform(kb, (fo,), minval=-s, maxval=s, dtype=jnp.float32)
    return (W, b)


def _mlp(k, sizes):
    ks = jax.random.split(k, len(sizes) - 1)
    return [_lin(ks[i], sizes[i], sizes[i + 1]) for i in range(len(sizes) - 1)]


def setup_inputs(seed: int = 0):
    key = jax.random.key(seed)
    ks = jax.random.split(key, 16)
    x_target = jax.random.normal(ks[0], (N_TGT, D_IN), dtype=jnp.float32)
    x_other = jax.random.normal(ks[1], (N_NODES - N_TGT, D_IN), dtype=jnp.float32)
    h_id_target = jnp.arange(N_TGT)
    h_id_other = jnp.arange(N_TGT, N_NODES)
    src0 = jax.random.randint(ks[2], (E0,), 0, SIZE0[0])
    dst0 = jax.random.randint(ks[3], (E0,), 0, SIZE0[1])
    edge_index0 = jnp.stack([src0, dst0])
    e_feat0 = jax.random.normal(ks[4], (E0, D_EDGE), dtype=jnp.float32)
    src1 = jax.random.randint(ks[5], (E1,), 0, SIZE1[0])
    dst1 = jax.random.randint(ks[6], (E1,), 0, SIZE1[1])
    edge_index1 = jnp.stack([src1, dst1])
    e_feat1 = jax.random.normal(ks[7], (E1, D_EDGE), dtype=jnp.float32)
    params = {
        'emb_other': _mlp(ks[8], [D_IN, 64, 64, EMB]),
        'emb_target': _mlp(ks[9], [D_IN, 64, 64, EMB]),
        'edge_nn0': _mlp(ks[10], [D_EDGE, HID, HID, EMB * HID]),
        'root0': jax.random.normal(ks[11], (EMB, HID), dtype=jnp.float32) * (1.0 / np.sqrt(EMB)),
        'bias0': jnp.zeros((HID,), dtype=jnp.float32),
        'edge_nn1': _mlp(ks[12], [D_EDGE, HID, HID, HID * HID]),
        'root1': jax.random.normal(ks[13], (HID, HID), dtype=jnp.float32) * (1.0 / np.sqrt(HID)),
        'bias1': jnp.zeros((HID,), dtype=jnp.float32),
        'lin1': _lin(ks[14], HID, 1),
    }
    return {'x_target': x_target, 'x_other': x_other, 'e_feat0': e_feat0, 'e_feat1': e_feat1,
            'params': params, 'edge_index0': edge_index0, 'edge_index1': edge_index1,
            'h_id_target': h_id_target, 'h_id_other': h_id_other}


def nnconv(h_src, h_dst, ei, ef, edge_ps, root, bias, in_c, out_c):
    # NNConv: per-edge weight matrix generated by edge MLP, mean aggregation, root weight + bias
    w = mlp_apply(ef, edge_ps).reshape(-1, in_c, out_c)
    xj = h_src[ei[0]]
    msg = jnp.einsum('ei,eio->eo', xj, w)
    nd = h_dst.shape[0]
    summed = jax.ops.segment_sum(msg, ei[1], num_segments=nd)
    cnt = jax.ops.segment_sum(jnp.ones((ei.shape[1],), dtype=msg.dtype), ei[1], num_segments=nd)
    agg = summed / jnp.maximum(cnt, 1.0)[:, None]
    return agg + h_dst @ root + bias


def forward(x_target, x_other, e_feat0, e_feat1, params, edge_index0, edge_index1, h_id_target, h_id_other):
    h = jnp.zeros((N_NODES, EMB), dtype=jnp.float32)
    h = h.at[h_id_target].set(mlp_apply(x_target, params['emb_target']))
    h = h.at[h_id_other].set(mlp_apply(x_other, params['emb_other']))
    h = leaky(nnconv(h, h[:SIZE0[1]], edge_index0, e_feat0, params['edge_nn0'], params['root0'], params['bias0'], EMB, HID))
    h = leaky(nnconv(h, h[:SIZE1[1]], edge_index1, e_feat1, params['edge_nn1'], params['root1'], params['bias1'], HID, HID))
    W, b = params['lin1']
    return leaky(h @ W + b)


def reference(x_target, x_other, e_feat0, e_feat1, params, edge_index0, edge_index1, h_id_target, h_id_other):
    return forward(x_target, x_other, e_feat0, e_feat1, params, edge_index0, edge_index1, h_id_target, h_id_other)

if __name__ == "__main__":
    import jax
    _d = setup_inputs()
    print(jax.jit(kernel)(*tuple(_d.values())))

</pallas_src>

<mosaic_0001>
#map = affine_map<(d0, d1) -> (0, 0)>
#map1 = affine_map<(d0, d1) -> (0, 0, 0)>
module attributes {stable_mosaic.version = 14 : i64} {
  func.func @gather(%arg0: i32, %arg1: i32, %arg2: memref<10000x16xf32, #tpu.memory_space<hbm>>, %arg3: memref<32x50x100xi32, #tpu.memory_space<hbm>>, %arg4: memref<160000x16xf32, #tpu.memory_space<hbm>>, %arg5: memref<50x100xi32, #tpu.memory_space<vmem>>, %arg6: memref<10x100x16xf32, #tpu.memory_space<vmem>>, %arg7: memref<!tpu.dma_semaphore, #tpu.memory_space<semaphore_mem>>, %arg8: memref<!tpu.dma_semaphore, #tpu.memory_space<semaphore_mem>>) attributes {dimension_semantics = [#tpu.dimension_semantics<core_parallel>, #tpu.dimension_semantics<subcore_parallel>], iteration_bounds = array<i64: 2, 16>, scalar_prefetch = 0 : i64, scratch_operands = 4 : i64, tpu.core_type = #tpu.core_type<sc_vector_subcore>, window_params = [{transform_indices = #map}, {transform_indices = #map1}, {transform_indices = #map}]} {
    %mul3A = arith.constant 2 : i32
    %mul3A_0 = arith.muli %arg1, %mul3A : i32
    %add3A = arith.addi %mul3A_0, %arg0 : i32
    "tpu.region"() ({
      %run_scoped3A = tpu.sem_alloc : memref<!tpu.dma_semaphore, #tpu.memory_space<semaphore_mem>>
      %dma_start3A = arith.constant 0 : i32
      %dma_start3A_6 = arith.constant 0 : i32
      %dma_start3A_7 = tpu.memref_slice %arg3[%add3A, %dma_start3A, %dma_start3A_6] : memref<32x50x100xi32, #tpu.memory_space<hbm>> -> memref<1x50x100xi32, #tpu.memory_space<hbm>>
      %dma_start3A_8 = tpu.memref_squeeze %dma_start3A_7 : memref<1x50x100xi32, #tpu.memory_space<hbm>> -> memref<50x100xi32, #tpu.memory_space<hbm>>
      %dma_start3A_9 = arith.constant 0 : i32
      %dma_start3A_10 = arith.constant 0 : i32
      %dma_start3A_11 = tpu.memref_slice %arg3[%add3A, %dma_start3A_9, %dma_start3A_10] : memref<32x50x100xi32, #tpu.memory_space<hbm>> -> memref<1x50x100xi32, #tpu.memory_space<hbm>>
      %dma_start3A_12 = tpu.memref_squeeze %dma_start3A_11 : memref<1x50x100xi32, #tpu.memory_space<hbm>> -> memref<50x100xi32, #tpu.memory_space<hbm>>
      tpu.enqueue_dma source(%dma_start3A_12 : memref<50x100xi32, #tpu.memory_space<hbm>>) target(%arg5 : memref<50x100xi32, #tpu.memory_space<vmem>>) target_semaphore(%run_scoped3A : memref<!tpu.dma_semaphore, #tpu.memory_space<semaphore_mem>>)
      %dma_wait3A = arith.constant 0 : i32
      %dma_wait3A_13 = arith.constant 0 : i32
      %dma_wait3A_14 = tpu.memref_slice %arg3[%add3A, %dma_wait3A, %dma_wait3A_13] : memref<32x50x100xi32, #tpu.memory_space<hbm>> -> memref<1x50x100xi32, #tpu.memory_space<hbm>>
      %dma_wait3A_15 = tpu.memref_squeeze %dma_wait3A_14 : memref<1x50x100xi32, #tpu.memory_space<hbm>> -> memref<50x100xi32, #tpu.memory_space<hbm>>
      %dma_wait3A_16 = arith.constant 0 : i32
      %dma_wait3A_17 = arith.constant 0 : i32
      %dma_wait3A_18 = tpu.memref_slice %arg3[%add3A, %dma_wait3A_16, %dma_wait3A_17] : memref<32x50x100xi32, #tpu.memory_space<hbm>> -> memref<1x50x100xi32, #tpu.memory_space<hbm>>
      %dma_wait3A_19 = tpu.memref_squeeze %dma_wait3A_18 : memref<1x50x100xi32, #tpu.memory_space<hbm>> -> memref<50x100xi32, #tpu.memory_space<hbm>>
      tpu.wait_dma2 semaphore(%run_scoped3A : memref<!tpu.dma_semaphore, #tpu.memory_space<semaphore_mem>>) src(%dma_wait3A_19 : memref<50x100xi32, #tpu.memory_space<hbm>>) dst(%arg5 : memref<50x100xi32, #tpu.memory_space<vmem>>)
      tpu.yield
    }) : () -> ()
    %scan3A = arith.constant 0 : i32
    %scan3A_1 = arith.constant 0 : i32
    %scan3A_2 = arith.constant 5 : i32
    %scan3A_3 = arith.addi %scan3A_1, %scan3A_2 : i32
    %scan3A_4 = arith.constant 1 : i32
    scf.for %scan3A_6 = %scan3A_1 to %scan3A_3 step %scan3A_4  : i32 {
      %mul3A_7 = arith.constant 10 : i32
      %mul3A_8 = arith.muli %scan3A_6, %mul3A_7 : i32
      %add3A_9 = arith.constant 0 : i32
      %add3A_10 = arith.addi %mul3A_8, %add3A_9 : i32
      %dma_start3A = arith.constant 0 : i32
      %dma_start3A_11 = arith.constant 0 : i32
      %dma_start3A_12 = arith.constant 0 : i32
      %dma_start3A_13 = tpu.memref_slice %arg6[%dma_start3A, %dma_start3A_11, %dma_start3A_12] : memref<10x100x16xf32, #tpu.memory_space<vmem>> -> memref<1x100x16xf32, #tpu.memory_space<vmem>>
      %dma_start3A_14 = tpu.memref_squeeze %dma_start3A_13 : memref<1x100x16xf32, #tpu.memory_space<vmem>> -> memref<100x16xf32, #tpu.memory_space<vmem>>
      %dma_start3A_15 = arith.constant 0 : i32
      %dma_start3A_16 = tpu.memref_slice %arg5[%add3A_10, %dma_start3A_15] : memref<50x100xi32, #tpu.memory_space<vmem>> -> memref<1x100xi32, #tpu.memory_space<vmem>>
      %dma_start3A_17 = tpu.memref_squeeze %dma_start3A_16 : memref<1x100xi32, #tpu.memory_space<vmem>> -> memref<100xi32, #tpu.memory_space<vmem>>
      %dma_start3A_18 = arith.constant 0 : i32
      %dma_start3A_19 = arith.constant 0 : i32
      %dma_start3A_20 = tpu.memref_slice %arg2[%dma_start3A_18, %dma_start3A_19] : memref<10000x16xf32, #tpu.memory_space<hbm>> -> memref<10000x16xf32, #tpu.memory_space<hbm>>
      tpu.enqueue_indirect_dma source(%dma_start3A_20 : memref<10000x16xf32, #tpu.memory_space<hbm>>) target(%dma_start3A_14 : memref<100x16xf32, #tpu.memory_space<vmem>>) offsets(%dma_start3A_17 : memref<100xi32, #tpu.memory_space<vmem>>) semaphore(%arg7 : memref<!tpu.dma_semaphore, #tpu.memory_space<semaphore_mem>>)
      %mul3A_21 = arith.constant 10 : i32
      %mul3A_22 = arith.muli %scan3A_6, %mul3A_21 : i32
      %add3A_23 = arith.constant 1 : i32
      %add3A_24 = arith.addi %mul3A_22, %add3A_23 : i32
      %dma_start3A_25 = arith.constant 1 : i32
      %dma_start3A_26 = arith.constant 0 : i32
      %dma_start3A_27 = arith.constant 0 : i32
      %dma_start3A_28 = tpu.memref_slice %arg6[%dma_start3A_25, %dma_start3A_26, %dma_start3A_27] : memref<10x100x16xf32, #tpu.memory_space<vmem>> -> memref<1x100x16xf32, #tpu.memory_space<vmem>>
      %dma_start3A_29 = tpu.memref_squeeze %dma_start3A_28 : memref<1x100x16xf32, #tpu.memory_space<vmem>> -> memref<100x16xf32, #tpu.memory_space<vmem>>
      %dma_start3A_30 = arith.constant 0 : i32
      %dma_start3A_31 = tpu.memref_slice %arg5[%add3A_24, %dma_start3A_30] : memref<50x100xi32, #tpu.memory_space<vmem>> -> memref<1x100xi32, #tpu.memory_space<vmem>>
      %dma_start3A_32 = tpu.memref_squeeze %dma_start3A_31 : memref<1x100xi32, #tpu.memory_space<vmem>> -> memref<100xi32, #tpu.memory_space<vmem>>
      %dma_start3A_33 = arith.constant 0 : i32
      %dma_start3A_34 = arith.constant 0 : i32
      %dma_start3A_35 = tpu.memref_slice %arg2[%dma_start3A_33, %dma_start3A_34] : memref<10000x16xf32, #tpu.memory_space<hbm>> -> memref<10000x16xf32, #tpu.memory_space<hbm>>
      tpu.enqueue_indirect_dma source(%dma_start3A_35 : memref<10000x16xf32, #tpu.memory_space<hbm>>) target(%dma_start3A_29 : memref<100x16xf32, #tpu.memory_space<vmem>>) offsets(%dma_start3A_32 : memref<100xi32, #tpu.memory_space<vmem>>) semaphore(%arg7 : memref<!tpu.dma_semaphore, #tpu.memory_space<semaphore_mem>>)
      %mul3A_36 = arith.constant 10 : i32
      %mul3A_37 = arith.muli %scan3A_6, %mul3A_36 : i32
      %add3A_38 = arith.constant 2 : i32
      %add3A_39 = arith.addi %mul3A_37, %add3A_38 : i32
      %dma_start3A_40 = arith.constant 2 : i32
      %dma_start3A_41 = arith.constant 0 : i32
      %dma_start3A_42 = arith.constant 0 : i32
      %dma_start3A_43 = tpu.memref_slice %arg6[%dma_start3A_40, %dma_start3A_41, %dma_start3A_42] : memref<10x100x16xf32, #tpu.memory_space<vmem>> -> memref<1x100x16xf32, #tpu.memory_space<vmem>>
      %dma_start3A_44 = tpu.memref_squeeze %dma_start3A_43 : memref<1x100x16xf32, #tpu.memory_space<vmem>> -> memref<100x16xf32, #tpu.memory_space<vmem>>
      %dma_start3A_45 = arith.constant 0 : i32
      %dma_start3A_46 = tpu.memref_slice %arg5[%add3A_39, %dma_start3A_45] : memref<50x100xi32, #tpu.memory_space<vmem>> -> memref<1x100xi32, #tpu.memory_space<vmem>>
      %dma_start3A_47 = tpu.memref_squeeze %dma_start3A_46 : memref<1x100xi32, #tpu.memory_space<vmem>> -> memref<100xi32, #tpu.memory_space<vmem>>
      %dma_start3A_48 = arith.constant 0 : i32
      %dma_start3A_49 = arith.constant 0 : i32
      %dma_start3A_50 = tpu.memref_slice %arg2[%dma_start3A_48, %dma_start3A_49] : memref<10000x16xf32, #tpu.memory_space<hbm>> -> memref<10000x16xf32, #tpu.memory_space<hbm>>
      tpu.enqueue_indirect_dma source(%dma_start3A_50 : memref<10000x16xf32, #tpu.memory_space<hbm>>) target(%dma_start3A_44 : memref<100x16xf32, #tpu.memory_space<vmem>>) offsets(%dma_start3A_47 : memref<100xi32, #tpu.memory_space<vmem>>) semaphore(%arg7 : memref<!tpu.dma_semaphore, #tpu.memory_space<semaphore_mem>>)
      %mul3A_51 = arith.constant 10 : i32
      %mul3A_52 = arith.muli %scan3A_6, %mul3A_51 : i32
      %add3A_53 = arith.constant 3 : i32
      %add3A_54 = arith.addi %mul3A_52, %add3A_53 : i32
      %dma_start3A_55 = arith.constant 3 : i32
      %dma_start3A_56 = arith.constant 0 : i32
      %dma_start3A_57 = arith.constant 0 : i32
      %dma_start3A_58 = tpu.memref_slice %arg6[%dma_start3A_55, %dma_start3A_56, %dma_start3A_57] : memref<10x100x16xf32, #tpu.memory_space<vmem>> -> memref<1x100x16xf32, #tpu.memory_space<vmem>>
      %dma_start3A_59 = tpu.memref_squeeze %dma_start3A_58 : memref<1x100x16xf32, #tpu.memory_space<vmem>> -> memref<100x16xf32, #tpu.memory_space<vmem>>
      %dma_start3A_60 = arith.constant 0 : i32
      %dma_start3A_61 = tpu.memref_slice %arg5[%add3A_54, %dma_start3A_60] : memref<50x100xi32, #tpu.memory_space<vmem>> -> memref<1x100xi32, #tpu.memory_space<vmem>>
      %dma_start3A_62 = tpu.memref_squeeze %dma_start3A_61 : memref<1x100xi32, #tpu.memory_space<vmem>> -> memref<100xi32, #tpu.memory_space<vmem>>
      %dma_start3A_63 = arith.constant 0 : i32
      %dma_start3A_64 = arith.constant 0 : i32
      %dma_start3A_65 = tpu.memref_slice %arg2[%dma_start3A_63, %dma_start3A_64] : memref<10000x16xf32, #tpu.memory_space<hbm>> -> memref<10000x16xf32, #tpu.memory_space<hbm>>
      tpu.enqueue_indirect_dma source(%dma_start3A_65 : memref<10000x16xf32, #tpu.memory_space<hbm>>) target(%dma_start3A_59 : memref<100x16xf32, #tpu.memory_space<vmem>>) offsets(%dma_start3A_62 : memref<100xi32, #tpu.memory_space<vmem>>) semaphore(%arg7 : memref<!tpu.dma_semaphore, #tpu.memory_space<semaphore_mem>>)
      %mul3A_66 = arith.constant 10 : i32
      %mul3A_67 = arith.muli %scan3A_6, %mul3A_66 : i32
      %add3A_68 = arith.constant 4 : i32
      %add3A_69 = arith.addi %mul3A_67, %add3A_68 : i32
      %dma_start3A_70 = arith.constant 4 : i32
      %dma_start3A_71 = arith.constant 0 : i32
      %dma_start3A_72 = arith.constant 0 : i32
      %dma_start3A_73 = tpu.memref_slice %arg6[%dma_start3A_70, %dma_start3A_71, %dma_start3A_72] : memref<10x100x16xf32, #tpu.memory_space<vmem>> -> memref<1x100x16xf32, #tpu.memory_space<vmem>>
      %dma_start3A_74 = tpu.memref_squeeze %dma_start3A_73 : memref<1x100x16xf32, #tpu.memory_space<vmem>> -> memref<100x16xf32, #tpu.memory_space<vmem>>
      %dma_start3A_75 = arith.constant 0 : i32
      %dma_start3A_76 = tpu.memref_slice %arg5[%add3A_69, %dma_start3A_75] : memref<50x100xi32, #tpu.memory_space<vmem>> -> memref<1x100xi32, #tpu.memory_space<vmem>>
      %dma_start3A_77 = tpu.memref_squeeze %dma_start3A_76 : memref<1x100xi32, #tpu.memory_space<vmem>> -> memref<100xi32, #tpu.memory_space<vmem>>
      %dma_start3A_78 = arith.constant 0 : i32
      %dma_start3A_79 = arith.constant 0 : i32
      %dma_start3A_80 = tpu.memref_slice %arg2[%dma_start3A_78, %dma_start3A_79] : memref<10000x16xf32, #tpu.memory_space<hbm>> -> memref<10000x16xf32, #tpu.memory_space<hbm>>
      tpu.enqueue_indirect_dma source(%dma_start3A_80 : memref<10000x16xf32, #tpu.memory_space<hbm>>) target(%dma_start3A_74 : memref<100x16xf32, #tpu.memory_space<vmem>>) offsets(%dma_start3A_77 : memref<100xi32, #tpu.memory_space<vmem>>) semaphore(%arg7 : memref<!tpu.dma_semaphore, #tpu.memory_space<semaphore_mem>>)
      %mul3A_81 = arith.constant 10 : i32
      %mul3A_82 = arith.muli %scan3A_6, %mul3A_81 : i32
      %add3A_83 = arith.constant 5 : i32
      %add3A_84 = arith.addi %mul3A_82, %add3A_83 : i32
      %dma_start3A_85 = arith.constant 5 : i32
      %dma_start3A_86 = arith.constant 0 : i32
      %dma_start3A_87 = arith.constant 0 : i32
      %dma_start3A_88 = tpu.memref_slice %arg6[%dma_start3A_85, %dma_start3A_86, %dma_start3A_87] : memref<10x100x16xf32, #tpu.memory_space<vmem>> -> memref<1x100x16xf32, #tpu.memory_space<vmem>>
      %dma_start3A_89 = tpu.memref_squeeze %dma_start3A_88 : memref<1x100x16xf32, #tpu.memory_space<vmem>> -> memref<100x16xf32, #tpu.memory_space<vmem>>
      %dma_start3A_90 = arith.constant 0 : i32
      %dma_start3A_91 = tpu.memref_slice %arg5[%add3A_84, %dma_start3A_90] : memref<50x100xi32, #tpu.memory_space<vmem>> -> memref<1x100xi32, #tpu.memory_space<vmem>>
      %dma_start3A_92 = tpu.memref_squeeze %dma_start3A_91 : memref<1x100xi32, #tpu.memory_space<vmem>> -> memref<100xi32, #tpu.memory_space<vmem>>
      %dma_start3A_93 = arith.constant 0 : i32
      %dma_start3A_94 = arith.constant 0 : i32
      %dma_start3A_95 = tpu.memref_slice %arg2[%dma_start3A_93, %dma_start3A_94] : memref<10000x16xf32, #tpu.memory_space<hbm>> -> memref<10000x16xf32, #tpu.memory_space<hbm>>
      tpu.enqueue_indirect_dma source(%dma_start3A_95 : memref<10000x16xf32, #tpu.memory_space<hbm>>) target(%dma_start3A_89 : memref<100x16xf32, #tpu.memory_space<vmem>>) offsets(%dma_start3A_92 : memref<100xi32, #tpu.memory_space<vmem>>) semaphore(%arg7 : memref<!tpu.dma_semaphore, #tpu.memory_space<semaphore_mem>>)
      %mul3A_96 = arith.constant 10 : i32
      %mul3A_97 = arith.muli %scan3A_6, %mul3A_96 : i32
      %add3A_98 = arith.constant 6 : i32
      %add3A_99 = arith.addi %mul3A_97, %add3A_98 : i32
      %dma_start3A_100 = arith.constant 6 : i32
      %dma_start3A_101 = arith.constant 0 : i32
      %dma_start3A_102 = arith.constant 0 : i32
      %dma_start3A_103 = tpu.memref_slice %arg6[%dma_start3A_100, %dma_start3A_101, %dma_start3A_102] : memref<10x100x16xf32, #tpu.memory_space<vmem>> -> memref<1x100x16xf32, #tpu.memory_space<vmem>>
      %dma_start3A_104 = tpu.memref_squeeze %dma_start3A_103 : memref<1x100x16xf32, #tpu.memory_space<vmem>> -> memref<100x16xf32, #tpu.memory_space<vmem>>
      %dma_start3A_105 = arith.constant 0 : i32
      %dma_start3A_106 = tpu.memref_slice %arg5[%add3A_99, %dma_start3A_105] : memref<50x100xi32, #tpu.memory_space<vmem>> -> memref<1x100xi32, #tpu.memory_space<vmem>>
      %dma_start3A_107 = tpu.memref_squeeze %dma_start3A_106 : memref<1x100xi32, #tpu.memory_space<vmem>> -> memref<100xi32, #tpu.memory_space<vmem>>
      %dma_start3A_108 = arith.constant 0 : i32
      %dma_start3A_109 = arith.constant 0 : i32
      %dma_start3A_110 = tpu.memref_slice %arg2[%dma_start3A_108, %dma_start3A_109] : memref<10000x16xf32, #tpu.memory_space<hbm>> -> memref<10000x16xf32, #tpu.memory_space<hbm>>
      tpu.enqueue_indirect_dma source(%dma_start3A_110 : memref<10000x16xf32, #tpu.memory_space<hbm>>) target(%dma_start3A_104 : memref<100x16xf32, #tpu.memory_space<vmem>>) offsets(%dma_start3A_107 : memref<100xi32, #tpu.memory_space<vmem>>) semaphore(%arg7 : memref<!tpu.dma_semaphore, #tpu.memory_space<semaphore_mem>>)
      %mul3A_111 = arith.constant 10 : i32
      %mul3A_112 = arith.muli %scan3A_6, %mul3A_111 : i32
      %add3A_113 = arith.constant 7 : i32
      %add3A_114 = arith.addi %mul3A_112, %add3A_113 : i32
      %dma_start3A_115 = arith.constant 7 : i32
      %dma_start3A_116 = arith.constant 0 : i32
      %dma_start3A_117 = arith.constant 0 : i32
      %dma_start3A_118 = tpu.memref_slice %arg6[%dma_start3A_115, %dma_start3A_116, %dma_start3A_117] : memref<10x100x16xf32, #tpu.memory_space<vmem>> -> memref<1x100x16xf32, #tpu.memory_space<vmem>>
      %dma_start3A_119 = tpu.memref_squeeze %dma_start3A_118 : memref<1x100x16xf32, #tpu.memory_space<vmem>> -> memref<100x16xf32, #tpu.memory_space<vmem>>
      %dma_start3A_120 = arith.constant 0 : i32
      %dma_start3A_121 = tpu.memref_slice %arg5[%add3A_114, %dma_start3A_120] : memref<50x100xi32, #tpu.memory_space<vmem>> -> memref<1x100xi32, #tpu.memory_space<vmem>>
      %dma_start3A_122 = tpu.memref_squeeze %dma_start3A_121 : memref<1x100xi32, #tpu.memory_space<vmem>> -> memref<100xi32, #tpu.memory_space<vmem>>
      %dma_start3A_123 = arith.constant 0 : i32
      %dma_start3A_124 = arith.constant 0 : i32
      %dma_start3A_125 = tpu.memref_slice %arg2[%dma_start3A_123, %dma_start3A_124] : memref<10000x16xf32, #tpu.memory_space<hbm>> -> memref<10000x16xf32, #tpu.memory_space<hbm>>
      tpu.enqueue_indirect_dma source(%dma_start3A_125 : memref<10000x16xf32, #tpu.memory_space<hbm>>) target(%dma_start3A_119 : memref<100x16xf32, #tpu.memory_space<vmem>>) offsets(%dma_start3A_122 : memref<100xi32, #tpu.memory_space<vmem>>) semaphore(%arg7 : memref<!tpu.dma_semaphore, #tpu.memory_space<semaphore_mem>>)
      %mul3A_126 = arith.constant 10 : i32
      %mul3A_127 = arith.muli %scan3A_6, %mul3A_126 : i32
      %add3A_128 = arith.constant 8 : i32
      %add3A_129 = arith.addi %mul3A_127, %add3A_128 : i32
      %dma_start3A_130 = arith.constant 8 : i32
      %dma_start3A_131 = arith.constant 0 : i32
      %dma_start3A_132 = arith.constant 0 : i32
      %dma_start3A_133 = tpu.memref_slice %arg6[%dma_start3A_130, %dma_start3A_131, %dma_start3A_132] : memref<10x100x16xf32, #tpu.memory_space<vmem>> -> memref<1x100x16xf32, #tpu.memory_space<vmem>>
      %dma_start3A_134 = tpu.memref_squeeze %dma_start3A_133 : memref<1x100x16xf32, #tpu.memory_space<vmem>> -> memref<100x16xf32, #tpu.memory_space<vmem>>
      %dma_start3A_135 = arith.constant 0 : i32
      %dma_start3A_136 = tpu.memref_slice %arg5[%add3A_129, %dma_start3A_135] : memref<50x100xi32, #tpu.memory_space<vmem>> -> memref<1x100xi32, #tpu.memory_space<vmem>>
      %dma_start3A_137 = tpu.memref_squeeze %dma_start3A_136 : memref<1x100xi32, #tpu.memory_space<vmem>> -> memref<100xi32, #tpu.memory_space<vmem>>
      %dma_start3A_138 = arith.constant 0 : i32
      %dma_start3A_139 = arith.constant 0 : i32
      %dma_start3A_140 = tpu.memref_slice %arg2[%dma_start3A_138, %dma_start3A_139] : memref<10000x16xf32, #tpu.memory_space<hbm>> -> memref<10000x16xf32, #tpu.memory_space<hbm>>
      tpu.enqueue_indirect_dma source(%dma_start3A_140 : memref<10000x16xf32, #tpu.memory_space<hbm>>) target(%dma_start3A_134 : memref<100x16xf32, #tpu.memory_space<vmem>>) offsets(%dma_start3A_137 : memref<100xi32, #tpu.memory_space<vmem>>) semaphore(%arg7 : memref<!tpu.dma_semaphore, #tpu.memory_space<semaphore_mem>>)
      %mul3A_141 = arith.constant 10 : i32
      %mul3A_142 = arith.muli %scan3A_6, %mul3A_141 : i32
      %add3A_143 = arith.constant 9 : i32
      %add3A_144 = arith.addi %mul3A_142, %add3A_143 : i32
      %dma_start3A_145 = arith.constant 9 : i32
      %dma_start3A_146 = arith.constant 0 : i32
      %dma_start3A_147 = arith.constant 0 : i32
      %dma_start3A_148 = tpu.memref_slice %arg6[%dma_start3A_145, %dma_start3A_146, %dma_start3A_147] : memref<10x100x16xf32, #tpu.memory_space<vmem>> -> memref<1x100x16xf32, #tpu.memory_space<vmem>>
      %dma_start3A_149 = tpu.memref_squeeze %dma_start3A_148 : memref<1x100x16xf32, #tpu.memory_space<vmem>> -> memref<100x16xf32, #tpu.memory_space<vmem>>
      %dma_start3A_150 = arith.constant 0 : i32
      %dma_start3A_151 = tpu.memref_slice %arg5[%add3A_144, %dma_start3A_150] : memref<50x100xi32, #tpu.memory_space<vmem>> -> memref<1x100xi32, #tpu.memory_space<vmem>>
      %dma_start3A_152 = tpu.memref_squeeze %dma_start3A_151 : memref<1x100xi32, #tpu.memory_space<vmem>> -> memref<100xi32, #tpu.memory_space<vmem>>
      %dma_start3A_153 = arith.constant 0 : i32
      %dma_start3A_154 = arith.constant 0 : i32
      %dma_start3A_155 = tpu.memref_slice %arg2[%dma_start3A_153, %dma_start3A_154] : memref<10000x16xf32, #tpu.memory_space<hbm>> -> memref<10000x16xf32, #tpu.memory_space<hbm>>
      tpu.enqueue_indirect_dma source(%dma_start3A_155 : memref<10000x16xf32, #tpu.memory_space<hbm>>) target(%dma_start3A_149 : memref<100x16xf32, #tpu.memory_space<vmem>>) offsets(%dma_start3A_152 : memref<100xi32, #tpu.memory_space<vmem>>) semaphore(%arg7 : memref<!tpu.dma_semaphore, #tpu.memory_space<semaphore_mem>>)
      %dma_wait3A = arith.constant 0 : i32
      %dma_wait3A_156 = arith.constant 0 : i32
      %dma_wait3A_157 = arith.constant 0 : i32
      %dma_wait3A_158 = tpu.memref_slice %arg6[%dma_wait3A, %dma_wait3A_156, %dma_wait3A_157] : memref<10x100x16xf32, #tpu.memory_space<vmem>> -> memref<1x100x16xf32, #tpu.memory_space<vmem>>
      %dma_wait3A_159 = tpu.memref_squeeze %dma_wait3A_158 : memref<1x100x16xf32, #tpu.memory_space<vmem>> -> memref<100x16xf32, #tpu.memory_space<vmem>>
      %dma_wait3A_160 = arith.constant 0 : i32
      %dma_wait3A_161 = tpu.memref_slice %arg5[%add3A_10, %dma_wait3A_160] : memref<50x100xi32, #tpu.memory_space<vmem>> -> memref<1x100xi32, #tpu.memory_space<vmem>>
      %dma_wait3A_162 = tpu.memref_squeeze %dma_wait3A_161 : memref<1x100xi32, #tpu.memory_space<vmem>> -> memref<100xi32, #tpu.memory_space<vmem>>
      %dma_wait3A_163 = arith.constant 0 : i32
      %dma_wait3A_164 = arith.constant 0 : i32
      %dma_wait3A_165 = tpu.memref_slice %arg2[%dma_wait3A_163, %dma_wait3A_164] : memref<10000x16xf32, #tpu.memory_space<hbm>> -> memref<10000x16xf32, #tpu.memory_space<hbm>>
      tpu.wait_indirect_dma semaphore(%arg7 : memref<!tpu.dma_semaphore, #tpu.memory_space<semaphore_mem>>) src(%dma_wait3A_165 : memref<10000x16xf32, #tpu.memory_space<hbm>>) dst(%dma_wait3A_159 : memref<100x16xf32, #tpu.memory_space<vmem>>)
      %dma_wait3A_166 = arith.constant 1 : i32
      %dma_wait3A_167 = arith.constant 0 : i32
      %dma_wait3A_168 = arith.constant 0 : i32
      %dma_wait3A_169 = tpu.memref_slice %arg6[%dma_wait3A_166, %dma_wait3A_167, %dma_wait3A_168] : memref<10x100x16xf32, #tpu.memory_space<vmem>> -> memref<1x100x16xf32, #tpu.memory_space<vmem>>
      %dma_wait3A_170 = tpu.memref_squeeze %dma_wait3A_169 : memref<1x100x16xf32, #tpu.memory_space<vmem>> -> memref<100x16xf32, #tpu.memory_space<vmem>>
      %dma_wait3A_171 = arith.constant 0 : i32
      %dma_wait3A_172 = tpu.memref_slice %arg5[%add3A_24, %dma_wait3A_171] : memref<50x100xi32, #tpu.memory_space<vmem>> -> memref<1x100xi32, #tpu.memory_space<vmem>>
      %dma_wait3A_173 = tpu.memref_squeeze %dma_wait3A_172 : memref<1x100xi32, #tpu.memory_space<vmem>> -> memref<100xi32, #tpu.memory_space<vmem>>
      %dma_wait3A_174 = arith.constant 0 : i32
      %dma_wait3A_175 = arith.constant 0 : i32
      %dma_wait3A_176 = tpu.memref_slice %arg2[%dma_wait3A_174, %dma_wait3A_175] : memref<10000x16xf32, #tpu.memory_space<hbm>> -> memref<10000x16xf32, #tpu.memory_space<hbm>>
      tpu.wait_indirect_dma semaphore(%arg7 : memref<!tpu.dma_semaphore, #tpu.memory_space<semaphore_mem>>) src(%dma_wait3A_176 : memref<10000x16xf32, #tpu.memory_space<hbm>>) dst(%dma_wait3A_170 : memref<100x16xf32, #tpu.memory_space<vmem>>)
      %dma_wait3A_177 = arith.constant 2 : i32
      %dma_wait3A_178 = arith.constant 0 : i32
      %dma_wait3A_179 = arith.constant 0 : i32
      %dma_wait3A_180 = tpu.memref_slice %arg6[%dma_wait3A_177, %dma_wait3A_178, %dma_wait3A_179] : memref<10x100x16xf32, #tpu.memory_space<vmem>> -> memref<1x100x16xf32, #tpu.memory_space<vmem>>
      %dma_wait3A_181 = tpu.memref_squeeze %dma_wait3A_180 : memref<1x100x16xf32, #tpu.memory_space<vmem>> -> memref<100x16xf32, #tpu.memory_space<vmem>>
      %dma_wait3A_182 = arith.constant 0 : i32
      %dma_wait3A_183 = tpu.memref_slice %arg5[%add3A_39, %dma_wait3A_182] : memref<50x100xi32, #tpu.memory_space<vmem>> -> memref<1x100xi32, #tpu.memory_space<vmem>>
      %dma_wait3A_184 = tpu.memref_squeeze %dma_wait3A_183 : memref<1x100xi32, #tpu.memory_space<vmem>> -> memref<100xi32, #tpu.memory_space<vmem>>
      %dma_wait3A_185 = arith.constant 0 : i32
      %dma_wait3A_186 = arith.constant 0 : i32
      %dma_wait3A_187 = tpu.memref_slice %arg2[%dma_wait3A_185, %dma_wait3A_186] : memref<10000x16xf32, #tpu.memory_space<hbm>> -> memref<10000x16xf32, #tpu.memory_space<hbm>>
      tpu.wait_indirect_dma semaphore(%arg7 : memref<!tpu.dma_semaphore, #tpu.memory_space<semaphore_mem>>) src(%dma_wait3A_187 : memref<10000x16xf32, #tpu.memory_space<hbm>>) dst(%dma_wait3A_181 : memref<100x16xf32, #tpu.memory_space<vmem>>)
      %dma_wait3A_188 = arith.constant 3 : i32
      %dma_wait3A_189 = arith.constant 0 : i32
      %dma_wait3A_190 = arith.constant 0 : i32
      %dma_wait3A_191 = tpu.memref_slice %arg6[%dma_wait3A_188, %dma_wait3A_189, %dma_wait3A_190] : memref<10x100x16xf32, #tpu.memory_space<vmem>> -> memref<1x100x16xf32, #tpu.memory_space<vmem>>
      %dma_wait3A_192 = tpu.memref_squeeze %dma_wait3A_191 : memref<1x100x16xf32, #tpu.memory_space<vmem>> -> memref<100x16xf32, #tpu.memory_space<vmem>>
      %dma_wait3A_193 = arith.constant 0 : i32
      %dma_wait3A_194 = tpu.memref_slice %arg5[%add3A_54, %dma_wait3A_193] : memref<50x100xi32, #tpu.memory_space<vmem>> -> memref<1x100xi32, #tpu.memory_space<vmem>>
      %dma_wait3A_195 = tpu.memref_squeeze %dma_wait3A_194 : memref<1x100xi32, #tpu.memory_space<vmem>> -> memref<100xi32, #tpu.memory_space<vmem>>
      %dma_wait3A_196 = arith.constant 0 : i32
      %dma_wait3A_197 = arith.constant 0 : i32
      %dma_wait3A_198 = tpu.memref_slice %arg2[%dma_wait3A_196, %dma_wait3A_197] : memref<10000x16xf32, #tpu.memory_space<hbm>> -> memref<10000x16xf32, #tpu.memory_space<hbm>>
      tpu.wait_indirect_dma semaphore(%arg7 : memref<!tpu.dma_semaphore, #tpu.memory_space<semaphore_mem>>) src(%dma_wait3A_198 : memref<10000x16xf32, #tpu.memory_space<hbm>>) dst(%dma_wait3A_192 : memref<100x16xf32, #tpu.memory_space<vmem>>)
      %dma_wait3A_199 = arith.constant 4 : i32
      %dma_wait3A_200 = arith.constant 0 : i32
      %dma_wait3A_201 = arith.constant 0 : i32
      %dma_wait3A_202 = tpu.memref_slice %arg6[%dma_wait3A_199, %dma_wait3A_200, %dma_wait3A_201] : memref<10x100x16xf32, #tpu.memory_space<vmem>> -> memref<1x100x16xf32, #tpu.memory_space<vmem>>
      %dma_wait3A_203 = tpu.memref_squeeze %dma_wait3A_202 : memref<1x100x16xf32, #tpu.memory_space<vmem>> -> memref<100x16xf32, #tpu.memory_space<vmem>>
      %dma_wait3A_204 = arith.constant 0 : i32
      %dma_wait3A_205 = tpu.memref_slice %arg5[%add3A_69, %dma_wait3A_204] : memref<50x100xi32, #tpu.memory_space<vmem>> -> memref<1x100xi32, #tpu.memory_space<vmem>>
      %dma_wait3A_206 = tpu.memref_squeeze %dma_wait3A_205 : memref<1x100xi32, #tpu.memory_space<vmem>> -> memref<100xi32, #tpu.memory_space<vmem>>
      %dma_wait3A_207 = arith.constant 0 : i32
      %dma_wait3A_208 = arith.constant 0 : i32
      %dma_wait3A_209 = tpu.memref_slice %arg2[%dma_wait3A_207, %dma_wait3A_208] : memref<10000x16xf32, #tpu.memory_space<hbm>> -> memref<10000x16xf32, #tpu.memory_space<hbm>>
      tpu.wait_indirect_dma semaphore(%arg7 : memref<!tpu.dma_semaphore, #tpu.memory_space<semaphore_mem>>) src(%dma_wait3A_209 : memref<10000x16xf32, #tpu.memory_space<hbm>>) dst(%dma_wait3A_203 : memref<100x16xf32, #tpu.memory_space<vmem>>)
      %dma_wait3A_210 = arith.constant 5 : i32
      %dma_wait3A_211 = arith.constant 0 : i32
      %dma_wait3A_212 = arith.constant 0 : i32
      %dma_wait3A_213 = tpu.memref_slice %arg6[%dma_wait3A_210, %dma_wait3A_211, %dma_wait3A_212] : memref<10x100x16xf32, #tpu.memory_space<vmem>> -> memref<1x100x16xf32, #tpu.memory_space<vmem>>
      %dma_wait3A_214 = tpu.memref_squeeze %dma_wait3A_213 : memref<1x100x16xf32, #tpu.memory_space<vmem>> -> memref<100x16xf32, #tpu.memory_space<vmem>>
      %dma_wait3A_215 = arith.constant 0 : i32
      %dma_wait3A_216 = tpu.memref_slice %arg5[%add3A_84, %dma_wait3A_215] : memref<50x100xi32, #tpu.memory_space<vmem>> -> memref<1x100xi32, #tpu.memory_space<vmem>>
      %dma_wait3A_217 = tpu.memref_squeeze %dma_wait3A_216 : memref<1x100xi32, #tpu.memory_space<vmem>> -> memref<100xi32, #tpu.memory_space<vmem>>
      %dma_wait3A_218 = arith.constant 0 : i32
      %dma_wait3A_219 = arith.constant 0 : i32
      %dma_wait3A_220 = tpu.memref_slice %arg2[%dma_wait3A_218, %dma_wait3A_219] : memref<10000x16xf32, #tpu.memory_space<hbm>> -> memref<10000x16xf32, #tpu.memory_space<hbm>>
      tpu.wait_indirect_dma semaphore(%arg7 : memref<!tpu.dma_semaphore, #tpu.memory_space<semaphore_mem>>) src(%dma_wait3A_220 : memref<10000x16xf32, #tpu.memory_space<hbm>>) dst(%dma_wait3A_214 : memref<100x16xf32, #tpu.memory_space<vmem>>)
      %dma_wait3A_221 = arith.constant 6 : i32
      %dma_wait3A_222 = arith.constant 0 : i32
      %dma_wait3A_223 = arith.constant 0 : i32
      %dma_wait3A_224 = tpu.memref_slice %arg6[%dma_wait3A_221, %dma_wait3A_222, %dma_wait3A_223] : memref<10x100x16xf32, #tpu.memory_space<vmem>> -> memref<1x100x16xf32, #tpu.memory_space<vmem>>
      %dma_wait3A_225 = tpu.memref_squeeze %dma_wait3A_224 : memref<1x100x16xf32, #tpu.memory_space<vmem>> -> memref<100x16xf32, #tpu.memory_space<vmem>>
      %dma_wait3A_226 = arith.constant 0 : i32
      %dma_wait3A_227 = tpu.memref_slice %arg5[%add3A_99, %dma_wait3A_226] : memref<50x100xi32, #tpu.memory_space<vmem>> -> memref<1x100xi32, #tpu.memory_space<vmem>>
      %dma_wait3A_228 = tpu.memref_squeeze %dma_wait3A_227 : memref<1x100xi32, #tpu.memory_space<vmem>> -> memref<100xi32, #tpu.memory_space<vmem>>
      %dma_wait3A_229 = arith.constant 0 : i32
      %dma_wait3A_230 = arith.constant 0 : i32
      %dma_wait3A_231 = tpu.memref_slice %arg2[%dma_wait3A_229, %dma_wait3A_230] : memref<10000x16xf32, #tpu.memory_space<hbm>> -> memref<10000x16xf32, #tpu.memory_space<hbm>>
      tpu.wait_indirect_dma semaphore(%arg7 : memref<!tpu.dma_semaphore, #tpu.memory_space<semaphore_mem>>) src(%dma_wait3A_231 : memref<10000x16xf32, #tpu.memory_space<hbm>>) dst(%dma_wait3A_225 : memref<100x16xf32, #tpu.memory_space<vmem>>)
      %dma_wait3A_232 = arith.constant 7 : i32
      %dma_wait3A_233 = arith.constant 0 : i32
      %dma_wait3A_234 = arith.constant 0 : i32
      %dma_wait3A_235 = tpu.memref_slice %arg6[%dma_wait3A_232, %dma_wait3A_233, %dma_wait3A_234] : memref<10x100x16xf32, #tpu.memory_space<vmem>> -> memref<1x100x16xf32, #tpu.memory_space<vmem>>
      %dma_wait3A_236 = tpu.memref_squeeze %dma_wait3A_235 : memref<1x100x16xf32, #tpu.memory_space<vmem>> -> memref<100x16xf32, #tpu.memory_space<vmem>>
      %dma_wait3A_237 = arith.constant 0 : i32
      %dma_wait3A_238 = tpu.memref_slice %arg5[%add3A_114, %dma_wait3A_237] : memref<50x100xi32, #tpu.memory_space<vmem>> -> memref<1x100xi32, #tpu.memory_space<vmem>>
      %dma_wait3A_239 = tpu.memref_squeeze %dma_wait3A_238 : memref<1x100xi32, #tpu.memory_space<vmem>> -> memref<100xi32, #tpu.memory_space<vmem>>
      %dma_wait3A_240 = arith.constant 0 : i32
      %dma_wait3A_241 = arith.constant 0 : i32
      %dma_wait3A_242 = tpu.memref_slice %arg2[%dma_wait3A_240, %dma_wait3A_241] : memref<10000x16xf32, #tpu.memory_space<hbm>> -> memref<10000x16xf32, #tpu.memory_space<hbm>>
      tpu.wait_indirect_dma semaphore(%arg7 : memref<!tpu.dma_semaphore, #tpu.memory_space<semaphore_mem>>) src(%dma_wait3A_242 : memref<10000x16xf32, #tpu.memory_space<hbm>>) dst(%dma_wait3A_236 : memref<100x16xf32, #tpu.memory_space<vmem>>)
      %dma_wait3A_243 = arith.constant 8 : i32
      %dma_wait3A_244 = arith.constant 0 : i32
      %dma_wait3A_245 = arith.constant 0 : i32
      %dma_wait3A_246 = tpu.memref_slice %arg6[%dma_wait3A_243, %dma_wait3A_244, %dma_wait3A_245] : memref<10x100x16xf32, #tpu.memory_space<vmem>> -> memref<1x100x16xf32, #tpu.memory_space<vmem>>
      %dma_wait3A_247 = tpu.memref_squeeze %dma_wait3A_246 : memref<1x100x16xf32, #tpu.memory_space<vmem>> -> memref<100x16xf32, #tpu.memory_space<vmem>>
      %dma_wait3A_248 = arith.constant 0 : i32
      %dma_wait3A_249 = tpu.memref_slice %arg5[%add3A_129, %dma_wait3A_248] : memref<50x100xi32, #tpu.memory_space<vmem>> -> memref<1x100xi32, #tpu.memory_space<vmem>>
      %dma_wait3A_250 = tpu.memref_squeeze %dma_wait3A_249 : memref<1x100xi32, #tpu.memory_space<vmem>> -> memref<100xi32, #tpu.memory_space<vmem>>
      %dma_wait3A_251 = arith.constant 0 : i32
      %dma_wait3A_252 = arith.constant 0 : i32
      %dma_wait3A_253 = tpu.memref_slice %arg2[%dma_wait3A_251, %dma_wait3A_252] : memref<10000x16xf32, #tpu.memory_space<hbm>> -> memref<10000x16xf32, #tpu.memory_space<hbm>>
      tpu.wait_indirect_dma semaphore(%arg7 : memref<!tpu.dma_semaphore, #tpu.memory_space<semaphore_mem>>) src(%dma_wait3A_253 : memref<10000x16xf32, #tpu.memory_space<hbm>>) dst(%dma_wait3A_247 : memref<100x16xf32, #tpu.memory_space<vmem>>)
      %dma_wait3A_254 = arith.constant 9 : i32
      %dma_wait3A_255 = arith.constant 0 : i32
      %dma_wait3A_256 = arith.constant 0 : i32
      %dma_wait3A_257 = tpu.memref_slice %arg6[%dma_wait3A_254, %dma_wait3A_255, %dma_wait3A_256] : memref<10x100x16xf32, #tpu.memory_space<vmem>> -> memref<1x100x16xf32, #tpu.memory_space<vmem>>
      %dma_wait3A_258 = tpu.memref_squeeze %dma_wait3A_257 : memref<1x100x16xf32, #tpu.memory_space<vmem>> -> memref<100x16xf32, #tpu.memory_space<vmem>>
      %dma_wait3A_259 = arith.constant 0 : i32
      %dma_wait3A_260 = tpu.memref_slice %arg5[%add3A_144, %dma_wait3A_259] : memref<50x100xi32, #tpu.memory_space<vmem>> -> memref<1x100xi32, #tpu.memory_space<vmem>>
      %dma_wait3A_261 = tpu.memref_squeeze %dma_wait3A_260 : memref<1x100xi32, #tpu.memory_space<vmem>> -> memref<100xi32, #tpu.memory_space<vmem>>
      %dma_wait3A_262 = arith.constant 0 : i32
      %dma_wait3A_263 = arith.constant 0 : i32
      %dma_wait3A_264 = tpu.memref_slice %arg2[%dma_wait3A_262, %dma_wait3A_263] : memref<10000x16xf32, #tpu.memory_space<hbm>> -> memref<10000x16xf32, #tpu.memory_space<hbm>>
      tpu.wait_indirect_dma semaphore(%arg7 : memref<!tpu.dma_semaphore, #tpu.memory_space<semaphore_mem>>) src(%dma_wait3A_264 : memref<10000x16xf32, #tpu.memory_space<hbm>>) dst(%dma_wait3A_258 : memref<100x16xf32, #tpu.memory_space<vmem>>)
      %mul3A_265 = arith.constant 50 : i32
      %mul3A_266 = arith.muli %add3A, %mul3A_265 : i32
      %mul3A_267 = arith.constant 10 : i32
      %mul3A_268 = arith.muli %scan3A_6, %mul3A_267 : i32
      %add3A_269 = arith.addi %mul3A_266, %mul3A_268 : i32
      %add3A_270 = arith.constant 0 : i32
      %add3A_271 = arith.addi %add3A_269, %add3A_270 : i32
      %mul3A_272 = arith.constant 100 : i32
      %mul3A_273 = arith.muli %add3A_271, %mul3A_272 : i32
      %dma_start3A_274 = arith.constant 0 : i32
      %dma_start3A_275 = arith.constant 0 : i32
      %dma_start3A_276 = arith.constant 0 : i32
      %dma_start3A_277 = tpu.memref_slice %arg6[%dma_start3A_274, %dma_start3A_275, %dma_start3A_276] : memref<10x100x16xf32, #tpu.memory_space<vmem>> -> memref<1x100x16xf32, #tpu.memory_space<vmem>>
      %dma_start3A_278 = tpu.memref_squeeze %dma_start3A_277 : memref<1x100x16xf32, #tpu.memory_space<vmem>> -> memref<100x16xf32, #tpu.memory_space<vmem>>
      %dma_start3A_279 = arith.constant 0 : i32
      %dma_start3A_280 = tpu.memref_slice %arg4[%mul3A_273, %dma_start3A_279] : memref<160000x16xf32, #tpu.memory_space<hbm>> -> memref<100x16xf32, #tpu.memory_space<hbm>>
      %dma_start3A_281 = arith.constant 0 : i32
      %dma_start3A_282 = tpu.memref_slice %arg4[%mul3A_273, %dma_start3A_281] : memref<160000x16xf32, #tpu.memory_space<hbm>> -> memref<100x16xf32, #tpu.memory_space<hbm>>
      %dma_start3A_283 = arith.constant 0 : i32
      %dma_start3A_284 = arith.constant 0 : i32
      %dma_start3A_285 = tpu.memref_slice %arg6[%dma_start3A_274, %dma_start3A_283, %dma_start3A_284] : memref<10x100x16xf32, #tpu.memory_space<vmem>> -> memref<1x100x16xf32, #tpu.memory_space<vmem>>
      %dma_start3A_286 = tpu.memref_squeeze %dma_start3A_285 : memref<1x100x16xf32, #tpu.memory_space<vmem>> -> memref<100x16xf32, #tpu.memory_space<vmem>>
      tpu.enqueue_dma source(%dma_start3A_286 : memref<100x16xf32, #tpu.memory_space<vmem>>) target(%dma_start3A_282 : memref<100x16xf32, #tpu.memory_space<hbm>>) target_semaphore(%arg8 : memref<!tpu.dma_semaphore, #tpu.memory_space<semaphore_mem>>)
      %mul3A_287 = arith.constant 50 : i32
      %mul3A_288 = arith.muli %add3A, %mul3A_287 : i32
      %mul3A_289 = arith.constant 10 : i32
      %mul3A_290 = arith.muli %scan3A_6, %mul3A_289 : i32
      %add3A_291 = arith.addi %mul3A_288, %mul3A_290 : i32
      %add3A_292 = arith.constant 1 : i32
      %add3A_293 = arith.addi %add3A_291, %add3A_292 : i32
      %mul3A_294 = arith.constant 100 : i32
      %mul3A_295 = arith.muli %add3A_293, %mul3A_294 : i32
      %dma_start3A_296 = arith.constant 1 : i32
      %dma_start3A_297 = arith.constant 0 : i32
      %dma_start3A_298 = arith.constant 0 : i32
      %dma_start3A_299 = tpu.memref_slice %arg6[%dma_start3A_296, %dma_start3A_297, %dma_start3A_298] : memref<10x100x16xf32, #tpu.memory_space<vmem>> -> memref<1x100x16xf32, #tpu.memory_space<vmem>>
      %dma_start3A_300 = tpu.memref_squeeze %dma_start3A_299 : memref<1x100x16xf32, #tpu.memory_space<vmem>> -> memref<100x16xf32, #tpu.memory_space<vmem>>
      %dma_start3A_301 = arith.constant 0 : i32
      %dma_start3A_302 = tpu.memref_slice %arg4[%mul3A_295, %dma_start3A_301] : memref<160000x16xf32, #tpu.memory_space<hbm>> -> memref<100x16xf32, #tpu.memory_space<hbm>>
      %dma_start3A_303 = arith.constant 0 : i32
      %dma_start3A_304 = tpu.memref_slice %arg4[%mul3A_295, %dma_start3A_303] : memref<160000x16xf32, #tpu.memory_space<hbm>> -> memref<100x16xf32, #tpu.memory_space<hbm>>
      %dma_start3A_305 = arith.constant 0 : i32
      %dma_start3A_306 = arith.constant 0 : i32
      %dma_start3A_307 = tpu.memref_slice %arg6[%dma_start3A_296, %dma_start3A_305, %dma_start3A_306] : memref<10x100x16xf32, #tpu.memory_space<vmem>> -> memref<1x100x16xf32, #tpu.memory_space<vmem>>
      %dma_start3A_308 = tpu.memref_squeeze %dma_start3A_307 : memref<1x100x16xf32, #tpu.memory_space<vmem>> -> memref<100x16xf32, #tpu.memory_space<vmem>>
      tpu.enqueue_dma source(%dma_start3A_308 : memref<100x16xf32, #tpu.memory_space<vmem>>) target(%dma_start3A_304 : memref<100x16xf32, #tpu.memory_space<hbm>>) target_semaphore(%arg8 : memref<!tpu.dma_semaphore, #tpu.memory_space<semaphore_mem>>)
      %mul3A_309 = arith.constant 50 : i32
      %mul3A_310 = arith.muli %add3A, %mul3A_309 : i32
      %mul3A_311 = arith.constant 10 : i32
      %mul3A_312 = arith.muli %scan3A_6, %mul3A_311 : i32
      %add3A_313 = arith.addi %mul3A_310, %mul3A_312 : i32
      %add3A_314 = arith.constant 2 : i32
      %add3A_315 = arith.addi %add3A_313, %add3A_314 : i32
      %mul3A_316 = arith.constant 100 : i32
      %mul3A_317 = arith.muli %add3A_315, %mul3A_316 : i32
      %dma_start3A_318 = arith.constant 2 : i32
      %dma_start3A_319 = arith.constant 0 : i32
      %dma_start3A_320 = arith.constant 0 : i32
      %dma_start3A_321 = tpu.memref_slice %arg6[%dma_start3A_318, %dma_start3A_319, %dma_start3A_320] : memref<10x100x16xf32, #tpu.memory_space<vmem>> -> memref<1x100x16xf32, #tpu.memory_space<vmem>>
      %dma_start3A_322 = tpu.memref_squeeze %dma_start3A_321 : memref<1x100x16xf32, #tpu.memory_space<vmem>> -> memref<100x16xf32, #tpu.memory_space<vmem>>
      %dma_start3A_323 = arith.constant 0 : i32
      %dma_start3A_324 = tpu.memref_slice %arg4[%mul3A_317, %dma_start3A_323] : memref<160000x16xf32, #tpu.memory_space<hbm>> -> memref<100x16xf32, #tpu.memory_space<hbm>>
      %dma_start3A_325 = arith.constant 0 : i32
      %dma_start3A_326 = tpu.memref_slice %arg4[%mul3A_317, %dma_start3A_325] : memref<160000x16xf32, #tpu.memory_space<hbm>> -> memref<100x16xf32, #tpu.memory_space<hbm>>
      %dma_start3A_327 = arith.constant 0 : i32
      %dma_start3A_328 = arith.constant 0 : i32
      %dma_start3A_329 = tpu.memref_slice %arg6[%dma_start3A_318, %dma_start3A_327, %dma_start3A_328] : memref<10x100x16xf32, #tpu.memory_space<vmem>> -> memref<1x100x16xf32, #tpu.memory_space<vmem>>
      %dma_start3A_330 = tpu.memref_squeeze %dma_start3A_329 : memref<1x100x16xf32, #tpu.memory_space<vmem>> -> memref<100x16xf32, #tpu.memory_space<vmem>>
      tpu.enqueue_dma source(%dma_start3A_330 : memref<100x16xf32, #tpu.memory_space<vmem>>) target(%dma_start3A_326 : memref<100x16xf32, #tpu.memory_space<hbm>>) target_semaphore(%arg8 : memref<!tpu.dma_semaphore, #tpu.memory_space<semaphore_mem>>)
      %mul3A_331 = arith.constant 50 : i32
      %mul3A_332 = arith.muli %add3A, %mul3A_331 : i32
      %mul3A_333 = arith.constant 10 : i32
      %mul3A_334 = arith.muli %scan3A_6, %mul3A_333 : i32
      %add3A_335 = arith.addi %mul3A_332, %mul3A_334 : i32
      %add3A_336 = arith.constant 3 : i32
      %add3A_337 = arith.addi %add3A_335, %add3A_336 : i32
      %mul3A_338 = arith.constant 100 : i32
      %mul3A_339 = arith.muli %add3A_337, %mul3A_338 : i32
      %dma_start3A_340 = arith.constant 3 : i32
      %dma_start3A_341 = arith.constant 0 : i32
      %dma_start3A_342 = arith.constant 0 : i32
      %dma_start3A_343 = tpu.memref_slice %arg6[%dma_start3A_340, %dma_start3A_341, %dma_start3A_342] : memref<10x100x16xf32, #tpu.memory_space<vmem>> -> memref<1x100x16xf32, #tpu.memory_space<vmem>>
      %dma_start3A_344 = tpu.memref_squeeze %dma_start3A_343 : memref<1x100x16xf32, #tpu.memory_space<vmem>> -> memref<100x16xf32, #tpu.memory_space<vmem>>
      %dma_start3A_345 = arith.constant 0 : i32
      %dma_start3A_346 = tpu.memref_slice %arg4[%mul3A_339, %dma_start3A_345] : memref<160000x16xf32, #tpu.memory_space<hbm>> -> memref<100x16xf32, #tpu.memory_space<hbm>>
      %dma_start3A_347 = arith.constant 0 : i32
      %dma_start3A_348 = tpu.memref_slice %arg4[%mul3A_339, %dma_start3A_347] : memref<160000x16xf32, #tpu.memory_space<hbm>> -> memref<100x16xf32, #tpu.memory_space<hbm>>
      %dma_start3A_349 = arith.constant 0 : i32
      %dma_start3A_350 = arith.constant 0 : i32
      %dma_start3A_351 = tpu.memref_slice %arg6[%dma_start3A_340, %dma_start3A_349, %dma_start3A_350] : memref<10x100x16xf32, #tpu.memory_space<vmem>> -> memref<1x100x16xf32, #tpu.memory_space<vmem>>
      %dma_start3A_352 = tpu.memref_squeeze %dma_start3A_351 : memref<1x100x16xf32, #tpu.memory_space<vmem>> -> memref<100x16xf32, #tpu.memory_space<vmem>>
      tpu.enqueue_dma source(%dma_start3A_352 : memref<100x16xf32, #tpu.memory_space<vmem>>) target(%dma_start3A_348 : memref<100x16xf32, #tpu.memory_space<hbm>>) target_semaphore(%arg8 : memref<!tpu.dma_semaphore, #tpu.memory_space<semaphore_mem>>)
      %mul3A_353 = arith.constant 50 : i32
      %mul3A_354 = arith.muli %add3A, %mul3A_353 : i32
      %mul3A_355 = arith.constant 10 : i32
      %mul3A_356 = arith.muli %scan3A_6, %mul3A_355 : i32
      %add3A_357 = arith.addi %mul3A_354, %mul3A_356 : i32
      %add3A_358 = arith.constant 4 : i32
      %add3A_359 = arith.addi %add3A_357, %add3A_358 : i32
      %mul3A_360 = arith.constant 100 : i32
      %mul3A_361 = arith.muli %add3A_359, %mul3A_360 : i32
      %dma_start3A_362 = arith.constant 4 : i32
      %dma_start3A_363 = arith.constant 0 : i32
      %dma_start3A_364 = arith.constant 0 : i32
      %dma_start3A_365 = tpu.memref_slice %arg6[%dma_start3A_362, %dma_start3A_363, %dma_start3A_364] : memref<10x100x16xf32, #tpu.memory_space<vmem>> -> memref<1x100x16xf32, #tpu.memory_space<vmem>>
      %dma_start3A_366 = tpu.memref_squeeze %dma_start3A_365 : memref<1x100x16xf32, #tpu.memory_space<vmem>> -> memref<100x16xf32, #tpu.memory_space<vmem>>
      %dma_start3A_367 = arith.constant 0 : i32
      %dma_start3A_368 = tpu.memref_slice %arg4[%mul3A_361, %dma_start3A_367] : memref<160000x16xf32, #tpu.memory_space<hbm>> -> memref<100x16xf32, #tpu.memory_space<hbm>>
      %dma_start3A_369 = arith.constant 0 : i32
      %dma_start3A_370 = tpu.memref_slice %arg4[%mul3A_361, %dma_start3A_369] : memref<160000x16xf32, #tpu.memory_space<hbm>> -> memref<100x16xf32, #tpu.memory_space<hbm>>
      %dma_start3A_371 = arith.constant 0 : i32
      %dma_start3A_372 = arith.constant 0 : i32
      %dma_start3A_373 = tpu.memref_slice %arg6[%dma_start3A_362, %dma_start3A_371, %dma_start3A_372] : memref<10x100x16xf32, #tpu.memory_space<vmem>> -> memref<1x100x16xf32, #tpu.memory_space<vmem>>
      %dma_start3A_374 = tpu.memref_squeeze %dma_start3A_373 : memref<1x100x16xf32, #tpu.memory_space<vmem>> -> memref<100x16xf32, #tpu.memory_space<vmem>>
      tpu.enqueue_dma source(%dma_start3A_374 : memref<100x16xf32, #tpu.memory_space<vmem>>) target(%dma_start3A_370 : memref<100x16xf32, #tpu.memory_space<hbm>>) target_semaphore(%arg8 : memref<!tpu.dma_semaphore, #tpu.memory_space<semaphore_mem>>)
      %mul3A_375 = arith.constant 50 : i32
      %mul3A_376 = arith.muli %add3A, %mul3A_375 : i32
      %mul3A_377 = arith.constant 10 : i32
      %mul3A_378 = arith.muli %scan3A_6, %mul3A_377 : i32
      %add3A_379 = arith.addi %mul3A_376, %mul3A_378 : i32
      %add3A_380 = arith.constant 5 : i32
      %add3A_381 = arith.addi %add3A_379, %add3A_380 : i32
      %mul3A_382 = arith.constant 100 : i32
      %mul3A_383 = arith.muli %add3A_381, %mul3A_382 : i32
      %dma_start3A_384 = arith.constant 5 : i32
      %dma_start3A_385 = arith.constant 0 : i32
      %dma_start3A_386 = arith.constant 0 : i32
      %dma_start3A_387 = tpu.memref_slice %arg6[%dma_start3A_384, %dma_start3A_385, %dma_start3A_386] : memref<10x100x16xf32, #tpu.memory_space<vmem>> -> memref<1x100x16xf32, #tpu.memory_space<vmem>>
      %dma_start3A_388 = tpu.memref_squeeze %dma_start3A_387 : memref<1x100x16xf32, #tpu.memory_space<vmem>> -> memref<100x16xf32, #tpu.memory_space<vmem>>
      %dma_start3A_389 = arith.constant 0 : i32
      %dma_start3A_390 = tpu.memref_slice %arg4[%mul3A_383, %dma_start3A_389] : memref<160000x16xf32, #tpu.memory_space<hbm>> -> memref<100x16xf32, #tpu.memory_space<hbm>>
      %dma_start3A_391 = arith.constant 0 : i32
      %dma_start3A_392 = tpu.memref_slice %arg4[%mul3A_383, %dma_start3A_391] : memref<160000x16xf32, #tpu.memory_space<hbm>> -> memref<100x16xf32, #tpu.memory_space<hbm>>
      %dma_start3A_393 = arith.constant 0 : i32
      %dma_start3A_394 = arith.constant 0 : i32
      %dma_start3A_395 = tpu.memref_slice %arg6[%dma_start3A_384, %dma_start3A_393, %dma_start3A_394] : memref<10x100x16xf32, #tpu.memory_space<vmem>> -> memref<1x100x16xf32, #tpu.memory_space<vmem>>
      %dma_start3A_396 = tpu.memref_squeeze %dma_start3A_395 : memref<1x100x16xf32, #tpu.memory_space<vmem>> -> memref<100x16xf32, #tpu.memory_space<vmem>>
      tpu.enqueue_dma source(%dma_start3A_396 : memref<100x16xf32, #tpu.memory_space<vmem>>) target(%dma_start3A_392 : memref<100x16xf32, #tpu.memory_space<hbm>>) target_semaphore(%arg8 : memref<!tpu.dma_semaphore, #tpu.memory_space<semaphore_mem>>)
      %mul3A_397 = arith.constant 50 : i32
      %mul3A_398 = arith.muli %add3A, %mul3A_397 : i32
      %mul3A_399 = arith.constant 10 : i32
      %mul3A_400 = arith.muli %scan3A_6, %mul3A_399 : i32
      %add3A_401 = arith.addi %mul3A_398, %mul3A_400 : i32
      %add3A_402 = arith.constant 6 : i32
      %add3A_403 = arith.addi %add3A_401, %add3A_402 : i32
      %mul3A_404 = arith.constant 100 : i32
      %mul3A_405 = arith.muli %add3A_403, %mul3A_404 : i32
      %dma_start3A_406 = arith.constant 6 : i32
      %dma_start3A_407 = arith.constant 0 : i32
      %dma_start3A_408 = arith.constant 0 : i32
      %dma_start3A_409 = tpu.memref_slice %arg6[%dma_start3A_406, %dma_start3A_407, %dma_start3A_408] : memref<10x100x16xf32, #tpu.memory_space<vmem>> -> memref<1x100x16xf32, #tpu.memory_space<vmem>>
      %dma_start3A_410 = tpu.memref_squeeze %dma_start3A_409 : memref<1x100x16xf32, #tpu.memory_space<vmem>> -> memref<100x16xf32, #tpu.memory_space<vmem>>
      %dma_start3A_411 = arith.constant 0 : i32
      %dma_start3A_412 = tpu.memref_slice %arg4[%mul3A_405, %dma_start3A_411] : memref<160000x16xf32, #tpu.memory_space<hbm>> -> memref<100x16xf32, #tpu.memory_space<hbm>>
      %dma_start3A_413 = arith.constant 0 : i32
      %dma_start3A_414 = tpu.memref_slice %arg4[%mul3A_405, %dma_start3A_413] : memref<160000x16xf32, #tpu.memory_space<hbm>> -> memref<100x16xf32, #tpu.memory_space<hbm>>
      %dma_start3A_415 = arith.constant 0 : i32
      %dma_start3A_416 = arith.constant 0 : i32
      %dma_start3A_417 = tpu.memref_slice %arg6[%dma_start3A_406, %dma_start3A_415, %dma_start3A_416] : memref<10x100x16xf32, #tpu.memory_space<vmem>> -> memref<1x100x16xf32, #tpu.memory_space<vmem>>
      %dma_start3A_418 = tpu.memref_squeeze %dma_start3A_417 : memref<1x100x16xf32, #tpu.memory_space<vmem>> -> memref<100x16xf32, #tpu.memory_space<vmem>>
      tpu.enqueue_dma source(%dma_start3A_418 : memref<100x16xf32, #tpu.memory_space<vmem>>) target(%dma_start3A_414 : memref<100x16xf32, #tpu.memory_space<hbm>>) target_semaphore(%arg8 : memref<!tpu.dma_semaphore, #tpu.memory_space<semaphore_mem>>)
      %mul3A_419 = arith.constant 50 : i32
      %mul3A_420 = arith.muli %add3A, %mul3A_419 : i32
      %mul3A_421 = arith.constant 10 : i32
      %mul3A_422 = arith.muli %scan3A_6, %mul3A_421 : i32
      %add3A_423 = arith.addi %mul3A_420, %mul3A_422 : i32
      %add3A_424 = arith.constant 7 : i32
      %add3A_425 = arith.addi %add3A_423, %add3A_424 : i32
      %mul3A_426 = arith.constant 100 : i32
      %mul3A_427 = arith.muli %add3A_425, %mul3A_426 : i32
      %dma_start3A_428 = arith.constant 7 : i32
      %dma_start3A_429 = arith.constant 0 : i32
      %dma_start3A_430 = arith.constant 0 : i32
      %dma_start3A_431 = tpu.memref_slice %arg6[%dma_start3A_428, %dma_start3A_429, %dma_start3A_430] : memref<10x100x16xf32, #tpu.memory_space<vmem>> -> memref<1x100x16xf32, #tpu.memory_space<vmem>>
      %dma_start3A_432 = tpu.memref_squeeze %dma_start3A_431 : memref<1x100x16xf32, #tpu.memory_space<vmem>> -> memref<100x16xf32, #tpu.memory_space<vmem>>
      %dma_start3A_433 = arith.constant 0 : i32
      %dma_start3A_434 = tpu.memref_slice %arg4[%mul3A_427, %dma_start3A_433] : memref<160000x16xf32, #tpu.memory_space<hbm>> -> memref<100x16xf32, #tpu.memory_space<hbm>>
      %dma_start3A_435 = arith.constant 0 : i32
      %dma_start3A_436 = tpu.memref_slice %arg4[%mul3A_427, %dma_start3A_435] : memref<160000x16xf32, #tpu.memory_space<hbm>> -> memref<100x16xf32, #tpu.memory_space<hbm>>
      %dma_start3A_437 = arith.constant 0 : i32
      %dma_start3A_438 = arith.constant 0 : i32
      %dma_start3A_439 = tpu.memref_slice %arg6[%dma_start3A_428, %dma_start3A_437, %dma_start3A_438] : memref<10x100x16xf32, #tpu.memory_space<vmem>> -> memref<1x100x16xf32, #tpu.memory_space<vmem>>
      %dma_start3A_440 = tpu.memref_squeeze %dma_start3A_439 : memref<1x100x16xf32, #tpu.memory_space<vmem>> -> memref<100x16xf32, #tpu.memory_space<vmem>>
      tpu.enqueue_dma source(%dma_start3A_440 : memref<100x16xf32, #tpu.memory_space<vmem>>) target(%dma_start3A_436 : memref<100x16xf32, #tpu.memory_space<hbm>>) target_semaphore(%arg8 : memref<!tpu.dma_semaphore, #tpu.memory_space<semaphore_mem>>)
      %mul3A_441 = arith.constant 50 : i32
      %mul3A_442 = arith.muli %add3A, %mul3A_441 : i32
      %mul3A_443 = arith.constant 10 : i32
      %mul3A_444 = arith.muli %scan3A_6, %mul3A_443 : i32
      %add3A_445 = arith.addi %mul3A_442, %mul3A_444 : i32
      %add3A_446 = arith.constant 8 : i32
      %add3A_447 = arith.addi %add3A_445, %add3A_446 : i32
      %mul3A_448 = arith.constant 100 : i32
      %mul3A_449 = arith.muli %add3A_447, %mul3A_448 : i32
      %dma_start3A_450 = arith.constant 8 : i32
      %dma_start3A_451 = arith.constant 0 : i32
      %dma_start3A_452 = arith.constant 0 : i32
      %dma_start3A_453 = tpu.memref_slice %arg6[%dma_start3A_450, %dma_start3A_451, %dma_start3A_452] : memref<10x100x16xf32, #tpu.memory_space<vmem>> -> memref<1x100x16xf32, #tpu.memory_space<vmem>>
      %dma_start3A_454 = tpu.memref_squeeze %dma_start3A_453 : memref<1x100x16xf32, #tpu.memory_space<vmem>> -> memref<100x16xf32, #tpu.memory_space<vmem>>
      %dma_start3A_455 = arith.constant 0 : i32
      %dma_start3A_456 = tpu.memref_slice %arg4[%mul3A_449, %dma_start3A_455] : memref<160000x16xf32, #tpu.memory_space<hbm>> -> memref<100x16xf32, #tpu.memory_space<hbm>>
      %dma_start3A_457 = arith.constant 0 : i32
      %dma_start3A_458 = tpu.memref_slice %arg4[%mul3A_449, %dma_start3A_457] : memref<160000x16xf32, #tpu.memory_space<hbm>> -> memref<100x16xf32, #tpu.memory_space<hbm>>
      %dma_start3A_459 = arith.constant 0 : i32
      %dma_start3A_460 = arith.constant 0 : i32
      %dma_start3A_461 = tpu.memref_slice %arg6[%dma_start3A_450, %dma_start3A_459, %dma_start3A_460] : memref<10x100x16xf32, #tpu.memory_space<vmem>> -> memref<1x100x16xf32, #tpu.memory_space<vmem>>
      %dma_start3A_462 = tpu.memref_squeeze %dma_start3A_461 : memref<1x100x16xf32, #tpu.memory_space<vmem>> -> memref<100x16xf32, #tpu.memory_space<vmem>>
      tpu.enqueue_dma source(%dma_start3A_462 : memref<100x16xf32, #tpu.memory_space<vmem>>) target(%dma_start3A_458 : memref<100x16xf32, #tpu.memory_space<hbm>>) target_semaphore(%arg8 : memref<!tpu.dma_semaphore, #tpu.memory_space<semaphore_mem>>)
      %mul3A_463 = arith.constant 50 : i32
      %mul3A_464 = arith.muli %add3A, %mul3A_463 : i32
      %mul3A_465 = arith.constant 10 : i32
      %mul3A_466 = arith.muli %scan3A_6, %mul3A_465 : i32
      %add3A_467 = arith.addi %mul3A_464, %mul3A_466 : i32
      %add3A_468 = arith.constant 9 : i32
      %add3A_469 = arith.addi %add3A_467, %add3A_468 : i32
      %mul3A_470 = arith.constant 100 : i32
      %mul3A_471 = arith.muli %add3A_469, %mul3A_470 : i32
      %dma_start3A_472 = arith.constant 9 : i32
      %dma_start3A_473 = arith.constant 0 : i32
      %dma_start3A_474 = arith.constant 0 : i32
      %dma_start3A_475 = tpu.memref_slice %arg6[%dma_start3A_472, %dma_start3A_473, %dma_start3A_474] : memref<10x100x16xf32, #tpu.memory_space<vmem>> -> memref<1x100x16xf32, #tpu.memory_space<vmem>>
      %dma_start3A_476 = tpu.memref_squeeze %dma_start3A_475 : memref<1x100x16xf32, #tpu.memory_space<vmem>> -> memref<100x16xf32, #tpu.memory_space<vmem>>
      %dma_start3A_477 = arith.constant 0 : i32
      %dma_start3A_478 = tpu.memref_slice %arg4[%mul3A_471, %dma_start3A_477] : memref<160000x16xf32, #tpu.memory_space<hbm>> -> memref<100x16xf32, #tpu.memory_space<hbm>>
      %dma_start3A_479 = arith.constant 0 : i32
      %dma_start3A_480 = tpu.memref_slice %arg4[%mul3A_471, %dma_start3A_479] : memref<160000x16xf32, #tpu.memory_space<hbm>> -> memref<100x16xf32, #tpu.memory_space<hbm>>
      %dma_start3A_481 = arith.constant 0 : i32
      %dma_start3A_482 = arith.constant 0 : i32
      %dma_start3A_483 = tpu.memref_slice %arg6[%dma_start3A_472, %dma_start3A_481, %dma_start3A_482] : memref<10x100x16xf32, #tpu.memory_space<vmem>> -> memref<1x100x16xf32, #tpu.memory_space<vmem>>
      %dma_start3A_484 = tpu.memref_squeeze %dma_start3A_483 : memref<1x100x16xf32, #tpu.memory_space<vmem>> -> memref<100x16xf32, #tpu.memory_space<vmem>>
      tpu.enqueue_dma source(%dma_start3A_484 : memref<100x16xf32, #tpu.memory_space<vmem>>) target(%dma_start3A_480 : memref<100x16xf32, #tpu.memory_space<hbm>>) target_semaphore(%arg8 : memref<!tpu.dma_semaphore, #tpu.memory_space<semaphore_mem>>)
      %dma_wait3A_485 = arith.constant 0 : i32
      %dma_wait3A_486 = arith.constant 0 : i32
      %dma_wait3A_487 = arith.constant 0 : i32
      %dma_wait3A_488 = tpu.memref_slice %arg6[%dma_wait3A_485, %dma_wait3A_486, %dma_wait3A_487] : memref<10x100x16xf32, #tpu.memory_space<vmem>> -> memref<1x100x16xf32, #tpu.memory_space<vmem>>
      %dma_wait3A_489 = tpu.memref_squeeze %dma_wait3A_488 : memref<1x100x16xf32, #tpu.memory_space<vmem>> -> memref<100x16xf32, #tpu.memory_space<vmem>>
      %dma_wait3A_490 = arith.constant 0 : i32
      %dma_wait3A_491 = tpu.memref_slice %arg4[%mul3A_273, %dma_wait3A_490] : memref<160000x16xf32, #tpu.memory_space<hbm>> -> memref<100x16xf32, #tpu.memory_space<hbm>>
      %dma_wait3A_492 = arith.constant 0 : i32
      %dma_wait3A_493 = tpu.memref_slice %arg4[%mul3A_273, %dma_wait3A_492] : memref<160000x16xf32, #tpu.memory_space<hbm>> -> memref<100x16xf32, #tpu.memory_space<hbm>>
      %dma_wait3A_494 = arith.constant 0 : i32
      %dma_wait3A_495 = arith.constant 0 : i32
      %dma_wait3A_496 = tpu.memref_slice %arg6[%dma_wait3A_485, %dma_wait3A_494, %dma_wait3A_495] : memref<10x100x16xf32, #tpu.memory_space<vmem>> -> memref<1x100x16xf32, #tpu.memory_space<vmem>>
      %dma_wait3A_497 = tpu.memref_squeeze %dma_wait3A_496 : memref<1x100x16xf32, #tpu.memory_space<vmem>> -> memref<100x16xf32, #tpu.memory_space<vmem>>
      tpu.wait_dma2 semaphore(%arg8 : memref<!tpu.dma_semaphore, #tpu.memory_space<semaphore_mem>>) src(%dma_wait3A_497 : memref<100x16xf32, #tpu.memory_space<vmem>>) dst(%dma_wait3A_493 : memref<100x16xf32, #tpu.memory_space<hbm>>)
      %dma_wait3A_498 = arith.constant 1 : i32
      %dma_wait3A_499 = arith.constant 0 : i32
      %dma_wait3A_500 = arith.constant 0 : i32
      %dma_wait3A_501 = tpu.memref_slice %arg6[%dma_wait3A_498, %dma_wait3A_499, %dma_wait3A_500] : memref<10x100x16xf32, #tpu.memory_space<vmem>> -> memref<1x100x16xf32, #tpu.memory_space<vmem>>
      %dma_wait3A_502 = tpu.memref_squeeze %dma_wait3A_501 : memref<1x100x16xf32, #tpu.memory_space<vmem>> -> memref<100x16xf32, #tpu.memory_space<vmem>>
      %dma_wait3A_503 = arith.constant 0 : i32
      %dma_wait3A_504 = tpu.memref_slice %arg4[%mul3A_295, %dma_wait3A_503] : memref<160000x16xf32, #tpu.memory_space<hbm>> -> memref<100x16xf32, #tpu.memory_space<hbm>>
      %dma_wait3A_505 = arith.constant 0 : i32
      %dma_wait3A_506 = tpu.memref_slice %arg4[%mul3A_295, %dma_wait3A_505] : memref<160000x16xf32, #tpu.memory_space<hbm>> -> memref<100x16xf32, #tpu.memory_space<hbm>>
      %dma_wait3A_507 = arith.constant 0 : i32
      %dma_wait3A_508 = arith.constant 0 : i32
      %dma_wait3A_509 = tpu.memref_slice %arg6[%dma_wait3A_498, %dma_wait3A_507, %dma_wait3A_508] : memref<10x100x16xf32, #tpu.memory_space<vmem>> -> memref<1x100x16xf32, #tpu.memory_space<vmem>>
      %dma_wait3A_510 = tpu.memref_squeeze %dma_wait3A_509 : memref<1x100x16xf32, #tpu.memory_space<vmem>> -> memref<100x16xf32, #tpu.memory_space<vmem>>
      tpu.wait_dma2 semaphore(%arg8 : memref<!tpu.dma_semaphore, #tpu.memory_space<semaphore_mem>>) src(%dma_wait3A_510 : memref<100x16xf32, #tpu.memory_space<vmem>>) dst(%dma_wait3A_506 : memref<100x16xf32, #tpu.memory_space<hbm>>)
      %dma_wait3A_511 = arith.constant 2 : i32
      %dma_wait3A_512 = arith.constant 0 : i32
      %dma_wait3A_513 = arith.constant 0 : i32
      %dma_wait3A_514 = tpu.memref_slice %arg6[%dma_wait3A_511, %dma_wait3A_512, %dma_wait3A_513] : memref<10x100x16xf32, #tpu.memory_space<vmem>> -> memref<1x100x16xf32, #tpu.memory_space<vmem>>
      %dma_wait3A_515 = tpu.memref_squeeze %dma_wait3A_514 : memref<1x100x16xf32, #tpu.memory_space<vmem>> -> memref<100x16xf32, #tpu.memory_space<vmem>>
      %dma_wait3A_516 = arith.constant 0 : i32
      %dma_wait3A_517 = tpu.memref_slice %arg4[%mul3A_317, %dma_wait3A_516] : memref<160000x16xf32, #tpu.memory_space<hbm>> -> memref<100x16xf32, #tpu.memory_space<hbm>>
      %dma_wait3A_518 = arith.constant 0 : i32
      %dma_wait3A_519 = tpu.memref_slice %arg4[%mul3A_317, %dma_wait3A_518] : memref<160000x16xf32, #tpu.memory_space<hbm>> -> memref<100x16xf32, #tpu.memory_space<hbm>>
      %dma_wait3A_520 = arith.constant 0 : i32
      %dma_wait3A_521 = arith.constant 0 : i32
      %dma_wait3A_522 = tpu.memref_slice %arg6[%dma_wait3A_511, %dma_wait3A_520, %dma_wait3A_521] : memref<10x100x16xf32, #tpu.memory_space<vmem>> -> memref<1x100x16xf32, #tpu.memory_space<vmem>>
      %dma_wait3A_523 = tpu.memref_squeeze %dma_wait3A_522 : memref<1x100x16xf32, #tpu.memory_space<vmem>> -> memref<100x16xf32, #tpu.memory_space<vmem>>
      tpu.wait_dma2 semaphore(%arg8 : memref<!tpu.dma_semaphore, #tpu.memory_space<semaphore_mem>>) src(%dma_wait3A_523 : memref<100x16xf32, #tpu.memory_space<vmem>>) dst(%dma_wait3A_519 : memref<100x16xf32, #tpu.memory_space<hbm>>)
      %dma_wait3A_524 = arith.constant 3 : i32
      %dma_wait3A_525 = arith.constant 0 : i32
      %dma_wait3A_526 = arith.constant 0 : i32
      %dma_wait3A_527 = tpu.memref_slice %arg6[%dma_wait3A_524, %dma_wait3A_525, %dma_wait3A_526] : memref<10x100x16xf32, #tpu.memory_space<vmem>> -> memref<1x100x16xf32, #tpu.memory_space<vmem>>
      %dma_wait3A_528 = tpu.memref_squeeze %dma_wait3A_527 : memref<1x100x16xf32, #tpu.memory_space<vmem>> -> memref<100x16xf32, #tpu.memory_space<vmem>>
      %dma_wait3A_529 = arith.constant 0 : i32
      %dma_wait3A_530 = tpu.memref_slice %arg4[%mul3A_339, %dma_wait3A_529] : memref<160000x16xf32, #tpu.memory_space<hbm>> -> memref<100x16xf32, #tpu.memory_space<hbm>>
      %dma_wait3A_531 = arith.constant 0 : i32
      %dma_wait3A_532 = tpu.memref_slice %arg4[%mul3A_339, %dma_wait3A_531] : memref<160000x16xf32, #tpu.memory_space<hbm>> -> memref<100x16xf32, #tpu.memory_space<hbm>>
      %dma_wait3A_533 = arith.constant 0 : i32
      %dma_wait3A_534 = arith.constant 0 : i32
      %dma_wait3A_535 = tpu.memref_slice %arg6[%dma_wait3A_524, %dma_wait3A_533, %dma_wait3A_534] : memref<10x100x16xf32, #tpu.memory_space<vmem>> -> memref<1x100x16xf32, #tpu.memory_space<vmem>>
      %dma_wait3A_536 = tpu.memref_squeeze %dma_wait3A_535 : memref<1x100x16xf32, #tpu.memory_space<vmem>> -> memref<100x16xf32, #tpu.memory_space<vmem>>
      tpu.wait_dma2 semaphore(%arg8 : memref<!tpu.dma_semaphore, #tpu.memory_space<semaphore_mem>>) src(%dma_wait3A_536 : memref<100x16xf32, #tpu.memory_space<vmem>>) dst(%dma_wait3A_532 : memref<100x16xf32, #tpu.memory_space<hbm>>)
      %dma_wait3A_537 = arith.constant 4 : i32
      %dma_wait3A_538 = arith.constant 0 : i32
      %dma_wait3A_539 = arith.constant 0 : i32
      %dma_wait3A_540 = tpu.memref_slice %arg6[%dma_wait3A_537, %dma_wait3A_538, %dma_wait3A_539] : memref<10x100x16xf32, #tpu.memory_space<vmem>> -> memref<1x100x16xf32, #tpu.memory_space<vmem>>
      %dma_wait3A_541 = tpu.memref_squeeze %dma_wait3A_540 : memref<1x100x16xf32, #tpu.memory_space<vmem>> -> memref<100x16xf32, #tpu.memory_space<vmem>>
      %dma_wait3A_542 = arith.constant 0 : i32
      %dma_wait3A_543 = tpu.memref_slice %arg4[%mul3A_361, %dma_wait3A_542] : memref<160000x16xf32, #tpu.memory_space<hbm>> -> memref<100x16xf32, #tpu.memory_space<hbm>>
      %dma_wait3A_544 = arith.constant 0 : i32
      %dma_wait3A_545 = tpu.memref_slice %arg4[%mul3A_361, %dma_wait3A_544] : memref<160000x16xf32, #tpu.memory_space<hbm>> -> memref<100x16xf32, #tpu.memory_space<hbm>>
      %dma_wait3A_546 = arith.constant 0 : i32
      %dma_wait3A_547 = arith.constant 0 : i32
      %dma_wait3A_548 = tpu.memref_slice %arg6[%dma_wait3A_537, %dma_wait3A_546, %dma_wait3A_547] : memref<10x100x16xf32, #tpu.memory_space<vmem>> -> memref<1x100x16xf32, #tpu.memory_space<vmem>>
      %dma_wait3A_549 = tpu.memref_squeeze %dma_wait3A_548 : memref<1x100x16xf32, #tpu.memory_space<vmem>> -> memref<100x16xf32, #tpu.memory_space<vmem>>
      tpu.wait_dma2 semaphore(%arg8 : memref<!tpu.dma_semaphore, #tpu.memory_space<semaphore_mem>>) src(%dma_wait3A_549 : memref<100x16xf32, #tpu.memory_space<vmem>>) dst(%dma_wait3A_545 : memref<100x16xf32, #tpu.memory_space<hbm>>)
      %dma_wait3A_550 = arith.constant 5 : i32
      %dma_wait3A_551 = arith.constant 0 : i32
      %dma_wait3A_552 = arith.constant 0 : i32
      %dma_wait3A_553 = tpu.memref_slice %arg6[%dma_wait3A_550, %dma_wait3A_551, %dma_wait3A_552] : memref<10x100x16xf32, #tpu.memory_space<vmem>> -> memref<1x100x16xf32, #tpu.memory_space<vmem>>
      %dma_wait3A_554 = tpu.memref_squeeze %dma_wait3A_553 : memref<1x100x16xf32, #tpu.memory_space<vmem>> -> memref<100x16xf32, #tpu.memory_space<vmem>>
      %dma_wait3A_555 = arith.constant 0 : i32
      %dma_wait3A_556 = tpu.memref_slice %arg4[%mul3A_383, %dma_wait3A_555] : memref<160000x16xf32, #tpu.memory_space<hbm>> -> memref<100x16xf32, #tpu.memory_space<hbm>>
      %dma_wait3A_557 = arith.constant 0 : i32
      %dma_wait3A_558 = tpu.memref_slice %arg4[%mul3A_383, %dma_wait3A_557] : memref<160000x16xf32, #tpu.memory_space<hbm>> -> memref<100x16xf32, #tpu.memory_space<hbm>>
      %dma_wait3A_559 = arith.constant 0 : i32
      %dma_wait3A_560 = arith.constant 0 : i32
      %dma_wait3A_561 = tpu.memref_slice %arg6[%dma_wait3A_550, %dma_wait3A_559, %dma_wait3A_560] : memref<10x100x16xf32, #tpu.memory_space<vmem>> -> memref<1x100x16xf32, #tpu.memory_space<vmem>>
      %dma_wait3A_562 = tpu.memref_squeeze %dma_wait3A_561 : memref<1x100x16xf32, #tpu.memory_space<vmem>> -> memref<100x16xf32, #tpu.memory_space<vmem>>
      tpu.wait_dma2 semaphore(%arg8 : memref<!tpu.dma_semaphore, #tpu.memory_space<semaphore_mem>>) src(%dma_wait3A_562 : memref<100x16xf32, #tpu.memory_space<vmem>>) dst(%dma_wait3A_558 : memref<100x16xf32, #tpu.memory_space<hbm>>)
      %dma_wait3A_563 = arith.constant 6 : i32
      %dma_wait3A_564 = arith.constant 0 : i32
      %dma_wait3A_565 = arith.constant 0 : i32
      %dma_wait3A_566 = tpu.memref_slice %arg6[%dma_wait3A_563, %dma_wait3A_564, %dma_wait3A_565] : memref<10x100x16xf32, #tpu.memory_space<vmem>> -> memref<1x100x16xf32, #tpu.memory_space<vmem>>
      %dma_wait3A_567 = tpu.memref_squeeze %dma_wait3A_566 : memref<1x100x16xf32, #tpu.memory_space<vmem>> -> memref<100x16xf32, #tpu.memory_space<vmem>>
      %dma_wait3A_568 = arith.constant 0 : i32
      %dma_wait3A_569 = tpu.memref_slice %arg4[%mul3A_405, %dma_wait3A_568] : memref<160000x16xf32, #tpu.memory_space<hbm>> -> memref<100x16xf32, #tpu.memory_space<hbm>>
      %dma_wait3A_570 = arith.constant 0 : i32
      %dma_wait3A_571 = tpu.memref_slice %arg4[%mul3A_405, %dma_wait3A_570] : memref<160000x16xf32, #tpu.memory_space<hbm>> -> memref<100x16xf32, #tpu.memory_space<hbm>>
      %dma_wait3A_572 = arith.constant 0 : i32
      %dma_wait3A_573 = arith.constant 0 : i32
      %dma_wait3A_574 = tpu.memref_slice %arg6[%dma_wait3A_563, %dma_wait3A_572, %dma_wait3A_573] : memref<10x100x16xf32, #tpu.memory_space<vmem>> -> memref<1x100x16xf32, #tpu.memory_space<vmem>>
      %dma_wait3A_575 = tpu.memref_squeeze %dma_wait3A_574 : memref<1x100x16xf32, #tpu.memory_space<vmem>> -> memref<100x16xf32, #tpu.memory_space<vmem>>
      tpu.wait_dma2 semaphore(%arg8 : memref<!tpu.dma_semaphore, #tpu.memory_space<semaphore_mem>>) src(%dma_wait3A_575 : memref<100x16xf32, #tpu.memory_space<vmem>>) dst(%dma_wait3A_571 : memref<100x16xf32, #tpu.memory_space<hbm>>)
      %dma_wait3A_576 = arith.constant 7 : i32
      %dma_wait3A_577 = arith.constant 0 : i32
      %dma_wait3A_578 = arith.constant 0 : i32
      %dma_wait3A_579 = tpu.memref_slice %arg6[%dma_wait3A_576, %dma_wait3A_577, %dma_wait3A_578] : memref<10x100x16xf32, #tpu.memory_space<vmem>> -> memref<1x100x16xf32, #tpu.memory_space<vmem>>
      %dma_wait3A_580 = tpu.memref_squeeze %dma_wait3A_579 : memref<1x100x16xf32, #tpu.memory_space<vmem>> -> memref<100x16xf32, #tpu.memory_space<vmem>>
      %dma_wait3A_581 = arith.constant 0 : i32
      %dma_wait3A_582 = tpu.memref_slice %arg4[%mul3A_427, %dma_wait3A_581] : memref<160000x16xf32, #tpu.memory_space<hbm>> -> memref<100x16xf32, #tpu.memory_space<hbm>>
      %dma_wait3A_583 = arith.constant 0 : i32
      %dma_wait3A_584 = tpu.memref_slice %arg4[%mul3A_427, %dma_wait3A_583] : memref<160000x16xf32, #tpu.memory_space<hbm>> -> memref<100x16xf32, #tpu.memory_space<hbm>>
      %dma_wait3A_585 = arith.constant 0 : i32
      %dma_wait3A_586 = arith.constant 0 : i32
      %dma_wait3A_587 = tpu.memref_slice %arg6[%dma_wait3A_576, %dma_wait3A_585, %dma_wait3A_586] : memref<10x100x16xf32, #tpu.memory_space<vmem>> -> memref<1x100x16xf32, #tpu.memory_space<vmem>>
      %dma_wait3A_588 = tpu.memref_squeeze %dma_wait3A_587 : memref<1x100x16xf32, #tpu.memory_space<vmem>> -> memref<100x16xf32, #tpu.memory_space<vmem>>
      tpu.wait_dma2 semaphore(%arg8 : memref<!tpu.dma_semaphore, #tpu.memory_space<semaphore_mem>>) src(%dma_wait3A_588 : memref<100x16xf32, #tpu.memory_space<vmem>>) dst(%dma_wait3A_584 : memref<100x16xf32, #tpu.memory_space<hbm>>)
      %dma_wait3A_589 = arith.constant 8 : i32
      %dma_wait3A_590 = arith.constant 0 : i32
      %dma_wait3A_591 = arith.constant 0 : i32
      %dma_wait3A_592 = tpu.memref_slice %arg6[%dma_wait3A_589, %dma_wait3A_590, %dma_wait3A_591] : memref<10x100x16xf32, #tpu.memory_space<vmem>> -> memref<1x100x16xf32, #tpu.memory_space<vmem>>
      %dma_wait3A_593 = tpu.memref_squeeze %dma_wait3A_592 : memref<1x100x16xf32, #tpu.memory_space<vmem>> -> memref<100x16xf32, #tpu.memory_space<vmem>>
      %dma_wait3A_594 = arith.constant 0 : i32
      %dma_wait3A_595 = tpu.memref_slice %arg4[%mul3A_449, %dma_wait3A_594] : memref<160000x16xf32, #tpu.memory_space<hbm>> -> memref<100x16xf32, #tpu.memory_space<hbm>>
      %dma_wait3A_596 = arith.constant 0 : i32
      %dma_wait3A_597 = tpu.memref_slice %arg4[%mul3A_449, %dma_wait3A_596] : memref<160000x16xf32, #tpu.memory_space<hbm>> -> memref<100x16xf32, #tpu.memory_space<hbm>>
      %dma_wait3A_598 = arith.constant 0 : i32
      %dma_wait3A_599 = arith.constant 0 : i32
      %dma_wait3A_600 = tpu.memref_slice %arg6[%dma_wait3A_589, %dma_wait3A_598, %dma_wait3A_599] : memref<10x100x16xf32, #tpu.memory_space<vmem>> -> memref<1x100x16xf32, #tpu.memory_space<vmem>>
      %dma_wait3A_601 = tpu.memref_squeeze %dma_wait3A_600 : memref<1x100x16xf32, #tpu.memory_space<vmem>> -> memref<100x16xf32, #tpu.memory_space<vmem>>
      tpu.wait_dma2 semaphore(%arg8 : memref<!tpu.dma_semaphore, #tpu.memory_space<semaphore_mem>>) src(%dma_wait3A_601 : memref<100x16xf32, #tpu.memory_space<vmem>>) dst(%dma_wait3A_597 : memref<100x16xf32, #tpu.memory_space<hbm>>)
      %dma_wait3A_602 = arith.constant 9 : i32
      %dma_wait3A_603 = arith.constant 0 : i32
      %dma_wait3A_604 = arith.constant 0 : i32
      %dma_wait3A_605 = tpu.memref_slice %arg6[%dma_wait3A_602, %dma_wait3A_603, %dma_wait3A_604] : memref<10x100x16xf32, #tpu.memory_space<vmem>> -> memref<1x100x16xf32, #tpu.memory_space<vmem>>
      %dma_wait3A_606 = tpu.memref_squeeze %dma_wait3A_605 : memref<1x100x16xf32, #tpu.memory_space<vmem>> -> memref<100x16xf32, #tpu.memory_space<vmem>>
      %dma_wait3A_607 = arith.constant 0 : i32
      %dma_wait3A_608 = tpu.memref_slice %arg4[%mul3A_471, %dma_wait3A_607] : memref<160000x16xf32, #tpu.memory_space<hbm>> -> memref<100x16xf32, #tpu.memory_space<hbm>>
      %dma_wait3A_609 = arith.constant 0 : i32
      %dma_wait3A_610 = tpu.memref_slice %arg4[%mul3A_471, %dma_wait3A_609] : memref<160000x16xf32, #tpu.memory_space<hbm>> -> memref<100x16xf32, #tpu.memory_space<hbm>>
      %dma_wait3A_611 = arith.constant 0 : i32
      %dma_wait3A_612 = arith.constant 0 : i32
      %dma_wait3A_613 = tpu.memref_slice %arg6[%dma_wait3A_602, %dma_wait3A_611, %dma_wait3A_612] : memref<10x100x16xf32, #tpu.memory_space<vmem>> -> memref<1x100x16xf32, #tpu.memory_space<vmem>>
      %dma_wait3A_614 = tpu.memref_squeeze %dma_wait3A_613 : memref<1x100x16xf32, #tpu.memory_space<vmem>> -> memref<100x16xf32, #tpu.memory_space<vmem>>
      tpu.wait_dma2 semaphore(%arg8 : memref<!tpu.dma_semaphore, #tpu.memory_space<semaphore_mem>>) src(%dma_wait3A_614 : memref<100x16xf32, #tpu.memory_space<vmem>>) dst(%dma_wait3A_610 : memref<100x16xf32, #tpu.memory_space<hbm>>)
    }
    %scan3A_5 = arith.constant 5 : i32
    return
  }
}

#map = affine_map<(d0, d1) -> (0, 0)>
#map1 = affine_map<(d0, d1) -> (0, 0, 0)>
module attributes {stable_mosaic.version = 14 : i64} {
  func.func @scatter(%arg0: i32, %arg1: i32, %arg2: memref<80000x32xf32, #tpu.memory_space<hbm>>, %arg3: memref<32x25x100xi32, #tpu.memory_space<hbm>>, %arg4: memref<2000x32xf32, #tpu.memory_space<hbm>>, %arg5: memref<2x2000x32xf32, #tpu.memory_space<hbm>>, %arg6: memref<25x100xi32, #tpu.memory_space<vmem>>, %arg7: memref<500x32xf32, #tpu.memory_space<vmem>>, %arg8: memref<2000x32xf32, #tpu.memory_space<vmem_shared>>, %arg9: memref<!tpu.dma_semaphore, #tpu.memory_space<semaphore_mem>>) attributes {dimension_semantics = [#tpu.dimension_semantics<core_parallel>, #tpu.dimension_semantics<subcore_parallel>], iteration_bounds = array<i64: 2, 16>, scalar_prefetch = 0 : i64, scratch_operands = 4 : i64, tpu.core_type = #tpu.core_type<sc_vector_subcore>, window_params = [{transform_indices = #map}, {transform_indices = #map1}, {transform_indices = #map}, {transform_indices = #map1}]} {
    %mul3A = arith.constant 2 : i32
    %mul3A_0 = arith.muli %arg1, %mul3A : i32
    %add3A = arith.addi %mul3A_0, %arg0 : i32
    %eq3A = arith.constant 0 : i32
    %eq3A_1 = arith.cmpi eq, %arg1, %eq3A : i32
    %convert_element_type3A = arith.extui %eq3A_1 : i1 to i32
    %cond3A = arith.constant 0 : i32
    %cond3A_2 = arith.cmpi ne, %convert_element_type3A, %cond3A : i32
    scf.if %cond3A_2 {
      "tpu.region"() ({
        %run_scoped3A = tpu.sem_alloc : memref<!tpu.dma_semaphore, #tpu.memory_space<semaphore_mem>>
        tpu.enqueue_dma source(%arg4 : memref<2000x32xf32, #tpu.memory_space<hbm>>) target(%arg8 : memref<2000x32xf32, #tpu.memory_space<vmem_shared>>) target_semaphore(%run_scoped3A : memref<!tpu.dma_semaphore, #tpu.memory_space<semaphore_mem>>)
        tpu.wait_dma2 semaphore(%run_scoped3A : memref<!tpu.dma_semaphore, #tpu.memory_space<semaphore_mem>>) src(%arg4 : memref<2000x32xf32, #tpu.memory_space<hbm>>) dst(%arg8 : memref<2000x32xf32, #tpu.memory_space<vmem_shared>>)
        tpu.yield
      }) : () -> ()
    } else {
    }
    %barrier3A = arith.constant 0 : index
    tpu.barrier barrier_id(%barrier3A)
    "tpu.region"() ({
      %run_scoped3A = tpu.sem_alloc : memref<!tpu.dma_semaphore, #tpu.memory_space<semaphore_mem>>
      %dma_start3A = arith.constant 0 : i32
      %dma_start3A_14 = arith.constant 0 : i32
      %dma_start3A_15 = tpu.memref_slice %arg3[%add3A, %dma_start3A, %dma_start3A_14] : memref<32x25x100xi32, #tpu.memory_space<hbm>> -> memref<1x25x100xi32, #tpu.memory_space<hbm>>
      %dma_start3A_16 = tpu.memref_squeeze %dma_start3A_15 : memref<1x25x100xi32, #tpu.memory_space<hbm>> -> memref<25x100xi32, #tpu.memory_space<hbm>>
      %dma_start3A_17 = arith.constant 0 : i32
      %dma_start3A_18 = arith.constant 0 : i32
      %dma_start3A_19 = tpu.memref_slice %arg3[%add3A, %dma_start3A_17, %dma_start3A_18] : memref<32x25x100xi32, #tpu.memory_space<hbm>> -> memref<1x25x100xi32, #tpu.memory_space<hbm>>
      %dma_start3A_20 = tpu.memref_squeeze %dma_start3A_19 : memref<1x25x100xi32, #tpu.memory_space<hbm>> -> memref<25x100xi32, #tpu.memory_space<hbm>>
      tpu.enqueue_dma source(%dma_start3A_20 : memref<25x100xi32, #tpu.memory_space<hbm>>) target(%arg6 : memref<25x100xi32, #tpu.memory_space<vmem>>) target_semaphore(%run_scoped3A : memref<!tpu.dma_semaphore, #tpu.memory_space<semaphore_mem>>)
      %dma_wait3A = arith.constant 0 : i32
      %dma_wait3A_21 = arith.constant 0 : i32
      %dma_wait3A_22 = tpu.memref_slice %arg3[%add3A, %dma_wait3A, %dma_wait3A_21] : memref<32x25x100xi32, #tpu.memory_space<hbm>> -> memref<1x25x100xi32, #tpu.memory_space<hbm>>
      %dma_wait3A_23 = tpu.memref_squeeze %dma_wait3A_22 : memref<1x25x100xi32, #tpu.memory_space<hbm>> -> memref<25x100xi32, #tpu.memory_space<hbm>>
      %dma_wait3A_24 = arith.constant 0 : i32
      %dma_wait3A_25 = arith.constant 0 : i32
      %dma_wait3A_26 = tpu.memref_slice %arg3[%add3A, %dma_wait3A_24, %dma_wait3A_25] : memref<32x25x100xi32, #tpu.memory_space<hbm>> -> memref<1x25x100xi32, #tpu.memory_space<hbm>>
      %dma_wait3A_27 = tpu.memref_squeeze %dma_wait3A_26 : memref<1x25x100xi32, #tpu.memory_space<hbm>> -> memref<25x100xi32, #tpu.memory_space<hbm>>
      tpu.wait_dma2 semaphore(%run_scoped3A : memref<!tpu.dma_semaphore, #tpu.memory_space<semaphore_mem>>) src(%dma_wait3A_27 : memref<25x100xi32, #tpu.memory_space<hbm>>) dst(%arg6 : memref<25x100xi32, #tpu.memory_space<vmem>>)
      tpu.yield
    }) : () -> ()
    %scan3A = arith.constant 0 : i32
    %scan3A_3 = arith.constant 0 : i32
    %scan3A_4 = arith.constant 5 : i32
    %scan3A_5 = arith.addi %scan3A_3, %scan3A_4 : i32
    %scan3A_6 = arith.constant 1 : i32
    scf.for %scan3A_14 = %scan3A_3 to %scan3A_5 step %scan3A_6  : i32 {
      %mul3A_15 = arith.constant 2500 : i32
      %mul3A_16 = arith.muli %add3A, %mul3A_15 : i32
      %mul3A_17 = arith.constant 500 : i32
      %mul3A_18 = arith.muli %scan3A_14, %mul3A_17 : i32
      %add3A_19 = arith.addi %mul3A_16, %mul3A_18 : i32
      "tpu.region"() ({
        %run_scoped3A = tpu.sem_alloc : memref<!tpu.dma_semaphore, #tpu.memory_space<semaphore_mem>>
        %dma_start3A_128 = arith.constant 0 : i32
        %dma_start3A_129 = tpu.memref_slice %arg2[%add3A_19, %dma_start3A_128] : memref<80000x32xf32, #tpu.memory_space<hbm>> -> memref<500x32xf32, #tpu.memory_space<hbm>>
        %dma_start3A_130 = arith.constant 0 : i32
        %dma_start3A_131 = tpu.memref_slice %arg2[%add3A_19, %dma_start3A_130] : memref<80000x32xf32, #tpu.memory_space<hbm>> -> memref<500x32xf32, #tpu.memory_space<hbm>>
        tpu.enqueue_dma source(%dma_start3A_131 : memref<500x32xf32, #tpu.memory_space<hbm>>) target(%arg7 : memref<500x32xf32, #tpu.memory_space<vmem>>) target_semaphore(%run_scoped3A : memref<!tpu.dma_semaphore, #tpu.memory_space<semaphore_mem>>)
        %dma_wait3A_132 = arith.constant 0 : i32
        %dma_wait3A_133 = tpu.memref_slice %arg2[%add3A_19, %dma_wait3A_132] : memref<80000x32xf32, #tpu.memory_space<hbm>> -> memref<500x32xf32, #tpu.memory_space<hbm>>
        %dma_wait3A_134 = arith.constant 0 : i32
        %dma_wait3A_135 = tpu.memref_slice %arg2[%add3A_19, %dma_wait3A_134] : memref<80000x32xf32, #tpu.memory_space<hbm>> -> memref<500x32xf32, #tpu.memory_space<hbm>>
        tpu.wait_dma2 semaphore(%run_scoped3A : memref<!tpu.dma_semaphore, #tpu.memory_space<semaphore_mem>>) src(%dma_wait3A_135 : memref<500x32xf32, #tpu.memory_space<hbm>>) dst(%arg7 : memref<500x32xf32, #tpu.memory_space<vmem>>)
        tpu.yield
      }) : () -> ()
      %mul3A_20 = arith.constant 5 : i32
      %mul3A_21 = arith.muli %scan3A_14, %mul3A_20 : i32
      %add3A_22 = arith.constant 0 : i32
      %add3A_23 = arith.addi %mul3A_21, %add3A_22 : i32
      %dma_start3A = arith.constant 0 : i32
      %dma_start3A_24 = arith.constant 0 : i32
      %dma_start3A_25 = tpu.memref_slice %arg7[%dma_start3A, %dma_start3A_24] : memref<500x32xf32, #tpu.memory_space<vmem>> -> memref<100x32xf32, #tpu.memory_space<vmem>>
      %dma_start3A_26 = arith.constant 0 : i32
      %dma_start3A_27 = tpu.memref_slice %arg6[%add3A_23, %dma_start3A_26] : memref<25x100xi32, #tpu.memory_space<vmem>> -> memref<1x100xi32, #tpu.memory_space<vmem>>
      %dma_start3A_28 = tpu.memref_squeeze %dma_start3A_27 : memref<1x100xi32, #tpu.memory_space<vmem>> -> memref<100xi32, #tpu.memory_space<vmem>>
      %dma_start3A_29 = arith.constant 0 : i32
      %dma_start3A_30 = arith.constant 0 : i32
      %dma_start3A_31 = tpu.memref_slice %arg8[%dma_start3A_29, %dma_start3A_30] : memref<2000x32xf32, #tpu.memory_space<vmem_shared>> -> memref<2000x32xf32, #tpu.memory_space<vmem_shared>>
      tpu.enqueue_indirect_dma source(%dma_start3A_25 : memref<100x32xf32, #tpu.memory_space<vmem>>) target(%dma_start3A_31 : memref<2000x32xf32, #tpu.memory_space<vmem_shared>>) offsets(%dma_start3A_28 : memref<100xi32, #tpu.memory_space<vmem>>) semaphore(%arg9 : memref<!tpu.dma_semaphore, #tpu.memory_space<semaphore_mem>>) {add = true}
      %mul3A_32 = arith.constant 5 : i32
      %mul3A_33 = arith.muli %scan3A_14, %mul3A_32 : i32
      %add3A_34 = arith.constant 1 : i32
      %add3A_35 = arith.addi %mul3A_33, %add3A_34 : i32
      %dma_start3A_36 = arith.constant 100 : i32
      %dma_start3A_37 = arith.constant 0 : i32
      %dma_start3A_38 = tpu.memref_slice %arg7[%dma_start3A_36, %dma_start3A_37] : memref<500x32xf32, #tpu.memory_space<vmem>> -> memref<100x32xf32, #tpu.memory_space<vmem>>
      %dma_start3A_39 = arith.constant 0 : i32
      %dma_start3A_40 = tpu.memref_slice %arg6[%add3A_35, %dma_start3A_39] : memref<25x100xi32, #tpu.memory_space<vmem>> -> memref<1x100xi32, #tpu.memory_space<vmem>>
      %dma_start3A_41 = tpu.memref_squeeze %dma_start3A_40 : memref<1x100xi32, #tpu.memory_space<vmem>> -> memref<100xi32, #tpu.memory_space<vmem>>
      %dma_start3A_42 = arith.constant 0 : i32
      %dma_start3A_43 = arith.constant 0 : i32
      %dma_start3A_44 = tpu.memref_slice %arg8[%dma_start3A_42, %dma_start3A_43] : memref<2000x32xf32, #tpu.memory_space<vmem_shared>> -> memref<2000x32xf32, #tpu.memory_space<vmem_shared>>
      tpu.enqueue_indirect_dma source(%dma_start3A_38 : memref<100x32xf32, #tpu.memory_space<vmem>>) target(%dma_start3A_44 : memref<2000x32xf32, #tpu.memory_space<vmem_shared>>) offsets(%dma_start3A_41 : memref<100xi32, #tpu.memory_space<vmem>>) semaphore(%arg9 : memref<!tpu.dma_semaphore, #tpu.memory_space<semaphore_mem>>) {add = true}
      %mul3A_45 = arith.constant 5 : i32
      %mul3A_46 = arith.muli %scan3A_14, %mul3A_45 : i32
      %add3A_47 = arith.constant 2 : i32
      %add3A_48 = arith.addi %mul3A_46, %add3A_47 : i32
      %dma_start3A_49 = arith.constant 200 : i32
      %dma_start3A_50 = arith.constant 0 : i32
      %dma_start3A_51 = tpu.memref_slice %arg7[%dma_start3A_49, %dma_start3A_50] : memref<500x32xf32, #tpu.memory_space<vmem>> -> memref<100x32xf32, #tpu.memory_space<vmem>>
      %dma_start3A_52 = arith.constant 0 : i32
      %dma_start3A_53 = tpu.memref_slice %arg6[%add3A_48, %dma_start3A_52] : memref<25x100xi32, #tpu.memory_space<vmem>> -> memref<1x100xi32, #tpu.memory_space<vmem>>
      %dma_start3A_54 = tpu.memref_squeeze %dma_start3A_53 : memref<1x100xi32, #tpu.memory_space<vmem>> -> memref<100xi32, #tpu.memory_space<vmem>>
      %dma_start3A_55 = arith.constant 0 : i32
      %dma_start3A_56 = arith.constant 0 : i32
      %dma_start3A_57 = tpu.memref_slice %arg8[%dma_start3A_55, %dma_start3A_56] : memref<2000x32xf32, #tpu.memory_space<vmem_shared>> -> memref<2000x32xf32, #tpu.memory_space<vmem_shared>>
      tpu.enqueue_indirect_dma source(%dma_start3A_51 : memref<100x32xf32, #tpu.memory_space<vmem>>) target(%dma_start3A_57 : memref<2000x32xf32, #tpu.memory_space<vmem_shared>>) offsets(%dma_start3A_54 : memref<100xi32, #tpu.memory_space<vmem>>) semaphore(%arg9 : memref<!tpu.dma_semaphore, #tpu.memory_space<semaphore_mem>>) {add = true}
      %mul3A_58 = arith.constant 5 : i32
      %mul3A_59 = arith.muli %scan3A_14, %mul3A_58 : i32
      %add3A_60 = arith.constant 3 : i32
      %add3A_61 = arith.addi %mul3A_59, %add3A_60 : i32
      %dma_start3A_62 = arith.constant 300 : i32
      %dma_start3A_63 = arith.constant 0 : i32
      %dma_start3A_64 = tpu.memref_slice %arg7[%dma_start3A_62, %dma_start3A_63] : memref<500x32xf32, #tpu.memory_space<vmem>> -> memref<100x32xf32, #tpu.memory_space<vmem>>
      %dma_start3A_65 = arith.constant 0 : i32
      %dma_start3A_66 = tpu.memref_slice %arg6[%add3A_61, %dma_start3A_65] : memref<25x100xi32, #tpu.memory_space<vmem>> -> memref<1x100xi32, #tpu.memory_space<vmem>>
      %dma_start3A_67 = tpu.memref_squeeze %dma_start3A_66 : memref<1x100xi32, #tpu.memory_space<vmem>> -> memref<100xi32, #tpu.memory_space<vmem>>
      %dma_start3A_68 = arith.constant 0 : i32
      %dma_start3A_69 = arith.constant 0 : i32
      %dma_start3A_70 = tpu.memref_slice %arg8[%dma_start3A_68, %dma_start3A_69] : memref<2000x32xf32, #tpu.memory_space<vmem_shared>> -> memref<2000x32xf32, #tpu.memory_space<vmem_shared>>
      tpu.enqueue_indirect_dma source(%dma_start3A_64 : memref<100x32xf32, #tpu.memory_space<vmem>>) target(%dma_start3A_70 : memref<2000x32xf32, #tpu.memory_space<vmem_shared>>) offsets(%dma_start3A_67 : memref<100xi32, #tpu.memory_space<vmem>>) semaphore(%arg9 : memref<!tpu.dma_semaphore, #tpu.memory_space<semaphore_mem>>) {add = true}
      %mul3A_71 = arith.constant 5 : i32
      %mul3A_72 = arith.muli %scan3A_14, %mul3A_71 : i32
      %add3A_73 = arith.constant 4 : i32
      %add3A_74 = arith.addi %mul3A_72, %add3A_73 : i32
      %dma_start3A_75 = arith.constant 400 : i32
      %dma_start3A_76 = arith.constant 0 : i32
      %dma_start3A_77 = tpu.memref_slice %arg7[%dma_start3A_75, %dma_start3A_76] : memref<500x32xf32, #tpu.memory_space<vmem>> -> memref<100x32xf32, #tpu.memory_space<vmem>>
      %dma_start3A_78 = arith.constant 0 : i32
      %dma_start3A_79 = tpu.memref_slice %arg6[%add3A_74, %dma_start3A_78] : memref<25x100xi32, #tpu.memory_space<vmem>> -> memref<1x100xi32, #tpu.memory_space<vmem>>
      %dma_start3A_80 = tpu.memref_squeeze %dma_start3A_79 : memref<1x100xi32, #tpu.memory_space<vmem>> -> memref<100xi32, #tpu.memory_space<vmem>>
      %dma_start3A_81 = arith.constant 0 : i32
      %dma_start3A_82 = arith.constant 0 : i32
      %dma_start3A_83 = tpu.memref_slice %arg8[%dma_start3A_81, %dma_start3A_82] : memref<2000x32xf32, #tpu.memory_space<vmem_shared>> -> memref<2000x32xf32, #tpu.memory_space<vmem_shared>>
      tpu.enqueue_indirect_dma source(%dma_start3A_77 : memref<100x32xf32, #tpu.memory_space<vmem>>) target(%dma_start3A_83 : memref<2000x32xf32, #tpu.memory_space<vmem_shared>>) offsets(%dma_start3A_80 : memref<100xi32, #tpu.memory_space<vmem>>) semaphore(%arg9 : memref<!tpu.dma_semaphore, #tpu.memory_space<semaphore_mem>>) {add = true}
      %dma_wait3A = arith.constant 0 : i32
      %dma_wait3A_84 = arith.constant 0 : i32
      %dma_wait3A_85 = tpu.memref_slice %arg7[%dma_wait3A, %dma_wait3A_84] : memref<500x32xf32, #tpu.memory_space<vmem>> -> memref<100x32xf32, #tpu.memory_space<vmem>>
      %dma_wait3A_86 = arith.constant 0 : i32
      %dma_wait3A_87 = tpu.memref_slice %arg6[%add3A_23, %dma_wait3A_86] : memref<25x100xi32, #tpu.memory_space<vmem>> -> memref<1x100xi32, #tpu.memory_space<vmem>>
      %dma_wait3A_88 = tpu.memref_squeeze %dma_wait3A_87 : memref<1x100xi32, #tpu.memory_space<vmem>> -> memref<100xi32, #tpu.memory_space<vmem>>
      %dma_wait3A_89 = arith.constant 0 : i32
      %dma_wait3A_90 = arith.constant 0 : i32
      %dma_wait3A_91 = tpu.memref_slice %arg8[%dma_wait3A_89, %dma_wait3A_90] : memref<2000x32xf32, #tpu.memory_space<vmem_shared>> -> memref<2000x32xf32, #tpu.memory_space<vmem_shared>>
      tpu.wait_indirect_dma semaphore(%arg9 : memref<!tpu.dma_semaphore, #tpu.memory_space<semaphore_mem>>) src(%dma_wait3A_85 : memref<100x32xf32, #tpu.memory_space<vmem>>) dst(%dma_wait3A_91 : memref<2000x32xf32, #tpu.memory_space<vmem_shared>>)
      %dma_wait3A_92 = arith.constant 100 : i32
      %dma_wait3A_93 = arith.constant 0 : i32
      %dma_wait3A_94 = tpu.memref_slice %arg7[%dma_wait3A_92, %dma_wait3A_93] : memref<500x32xf32, #tpu.memory_space<vmem>> -> memref<100x32xf32, #tpu.memory_space<vmem>>
      %dma_wait3A_95 = arith.constant 0 : i32
      %dma_wait3A_96 = tpu.memref_slice %arg6[%add3A_35, %dma_wait3A_95] : memref<25x100xi32, #tpu.memory_space<vmem>> -> memref<1x100xi32, #tpu.memory_space<vmem>>
      %dma_wait3A_97 = tpu.memref_squeeze %dma_wait3A_96 : memref<1x100xi32, #tpu.memory_space<vmem>> -> memref<100xi32, #tpu.memory_space<vmem>>
      %dma_wait3A_98 = arith.constant 0 : i32
      %dma_wait3A_99 = arith.constant 0 : i32
      %dma_wait3A_100 = tpu.memref_slice %arg8[%dma_wait3A_98, %dma_wait3A_99] : memref<2000x32xf32, #tpu.memory_space<vmem_shared>> -> memref<2000x32xf32, #tpu.memory_space<vmem_shared>>
      tpu.wait_indirect_dma semaphore(%arg9 : memref<!tpu.dma_semaphore, #tpu.memory_space<semaphore_mem>>) src(%dma_wait3A_94 : memref<100x32xf32, #tpu.memory_space<vmem>>) dst(%dma_wait3A_100 : memref<2000x32xf32, #tpu.memory_space<vmem_shared>>)
      %dma_wait3A_101 = arith.constant 200 : i32
      %dma_wait3A_102 = arith.constant 0 : i32
      %dma_wait3A_103 = tpu.memref_slice %arg7[%dma_wait3A_101, %dma_wait3A_102] : memref<500x32xf32, #tpu.memory_space<vmem>> -> memref<100x32xf32, #tpu.memory_space<vmem>>
      %dma_wait3A_104 = arith.constant 0 : i32
      %dma_wait3A_105 = tpu.memref_slice %arg6[%add3A_48, %dma_wait3A_104] : memref<25x100xi32, #tpu.memory_space<vmem>> -> memref<1x100xi32, #tpu.memory_space<vmem>>
      %dma_wait3A_106 = tpu.memref_squeeze %dma_wait3A_105 : memref<1x100xi32, #tpu.memory_space<vmem>> -> memref<100xi32, #tpu.memory_space<vmem>>
      %dma_wait3A_107 = arith.constant 0 : i32
      %dma_wait3A_108 = arith.constant 0 : i32
      %dma_wait3A_109 = tpu.memref_slice %arg8[%dma_wait3A_107, %dma_wait3A_108] : memref<2000x32xf32, #tpu.memory_space<vmem_shared>> -> memref<2000x32xf32, #tpu.memory_space<vmem_shared>>
      tpu.wait_indirect_dma semaphore(%arg9 : memref<!tpu.dma_semaphore, #tpu.memory_space<semaphore_mem>>) src(%dma_wait3A_103 : memref<100x32xf32, #tpu.memory_space<vmem>>) dst(%dma_wait3A_109 : memref<2000x32xf32, #tpu.memory_space<vmem_shared>>)
      %dma_wait3A_110 = arith.constant 300 : i32
      %dma_wait3A_111 = arith.constant 0 : i32
      %dma_wait3A_112 = tpu.memref_slice %arg7[%dma_wait3A_110, %dma_wait3A_111] : memref<500x32xf32, #tpu.memory_space<vmem>> -> memref<100x32xf32, #tpu.memory_space<vmem>>
      %dma_wait3A_113 = arith.constant 0 : i32
      %dma_wait3A_114 = tpu.memref_slice %arg6[%add3A_61, %dma_wait3A_113] : memref<25x100xi32, #tpu.memory_space<vmem>> -> memref<1x100xi32, #tpu.memory_space<vmem>>
      %dma_wait3A_115 = tpu.memref_squeeze %dma_wait3A_114 : memref<1x100xi32, #tpu.memory_space<vmem>> -> memref<100xi32, #tpu.memory_space<vmem>>
      %dma_wait3A_116 = arith.constant 0 : i32
      %dma_wait3A_117 = arith.constant 0 : i32
      %dma_wait3A_118 = tpu.memref_slice %arg8[%dma_wait3A_116, %dma_wait3A_117] : memref<2000x32xf32, #tpu.memory_space<vmem_shared>> -> memref<2000x32xf32, #tpu.memory_space<vmem_shared>>
      tpu.wait_indirect_dma semaphore(%arg9 : memref<!tpu.dma_semaphore, #tpu.memory_space<semaphore_mem>>) src(%dma_wait3A_112 : memref<100x32xf32, #tpu.memory_space<vmem>>) dst(%dma_wait3A_118 : memref<2000x32xf32, #tpu.memory_space<vmem_shared>>)
      %dma_wait3A_119 = arith.constant 400 : i32
      %dma_wait3A_120 = arith.constant 0 : i32
      %dma_wait3A_121 = tpu.memref_slice %arg7[%dma_wait3A_119, %dma_wait3A_120] : memref<500x32xf32, #tpu.memory_space<vmem>> -> memref<100x32xf32, #tpu.memory_space<vmem>>
      %dma_wait3A_122 = arith.constant 0 : i32
      %dma_wait3A_123 = tpu.memref_slice %arg6[%add3A_74, %dma_wait3A_122] : memref<25x100xi32, #tpu.memory_space<vmem>> -> memref<1x100xi32, #tpu.memory_space<vmem>>
      %dma_wait3A_124 = tpu.memref_squeeze %dma_wait3A_123 : memref<1x100xi32, #tpu.memory_space<vmem>> -> memref<100xi32, #tpu.memory_space<vmem>>
      %dma_wait3A_125 = arith.constant 0 : i32
      %dma_wait3A_126 = arith.constant 0 : i32
      %dma_wait3A_127 = tpu.memref_slice %arg8[%dma_wait3A_125, %dma_wait3A_126] : memref<2000x32xf32, #tpu.memory_space<vmem_shared>> -> memref<2000x32xf32, #tpu.memory_space<vmem_shared>>
      tpu.wait_indirect_dma semaphore(%arg9 : memref<!tpu.dma_semaphore, #tpu.memory_space<semaphore_mem>>) src(%dma_wait3A_121 : memref<100x32xf32, #tpu.memory_space<vmem>>) dst(%dma_wait3A_127 : memref<2000x32xf32, #tpu.memory_space<vmem_shared>>)
    }
    %scan3A_7 = arith.constant 5 : i32
    %barrier3A_8 = arith.constant 0 : index
    tpu.barrier barrier_id(%barrier3A_8)
    %eq3A_9 = arith.constant 0 : i32
    %eq3A_10 = arith.cmpi eq, %arg1, %eq3A_9 : i32
    %convert_element_type3A_11 = arith.extui %eq3A_10 : i1 to i32
    %cond3A_12 = arith.constant 0 : i32
    %cond3A_13 = arith.cmpi ne, %convert_element_type3A_11, %cond3A_12 : i32
    scf.if %cond3A_13 {
      "tpu.region"() ({
        %run_scoped3A = tpu.sem_alloc : memref<!tpu.dma_semaphore, #tpu.memory_space<semaphore_mem>>
        %dma_start3A = arith.constant 0 : i32
        %dma_start3A_14 = arith.constant 0 : i32
        %dma_start3A_15 = tpu.memref_slice %arg5[%arg0, %dma_start3A, %dma_start3A_14] : memref<2x2000x32xf32, #tpu.memory_space<hbm>> -> memref<1x2000x32xf32, #tpu.memory_space<hbm>>
        %dma_start3A_16 = tpu.memref_squeeze %dma_start3A_15 : memref<1x2000x32xf32, #tpu.memory_space<hbm>> -> memref<2000x32xf32, #tpu.memory_space<hbm>>
        tpu.enqueue_dma source(%arg8 : memref<2000x32xf32, #tpu.memory_space<vmem_shared>>) target(%dma_start3A_16 : memref<2000x32xf32, #tpu.memory_space<hbm>>) target_semaphore(%run_scoped3A : memref<!tpu.dma_semaphore, #tpu.memory_space<semaphore_mem>>)
        %dma_wait3A = arith.constant 0 : i32
        %dma_wait3A_17 = arith.constant 0 : i32
        %dma_wait3A_18 = tpu.memref_slice %arg5[%arg0, %dma_wait3A, %dma_wait3A_17] : memref<2x2000x32xf32, #tpu.memory_space<hbm>> -> memref<1x2000x32xf32, #tpu.memory_space<hbm>>
        %dma_wait3A_19 = tpu.memref_squeeze %dma_wait3A_18 : memref<1x2000x32xf32, #tpu.memory_space<hbm>> -> memref<2000x32xf32, #tpu.memory_space<hbm>>
        tpu.wait_dma2 semaphore(%run_scoped3A : memref<!tpu.dma_semaphore, #tpu.memory_space<semaphore_mem>>) src(%arg8 : memref<2000x32xf32, #tpu.memory_space<vmem_shared>>) dst(%dma_wait3A_19 : memref<2000x32xf32, #tpu.memory_space<hbm>>)
        tpu.yield
      }) : () -> ()
    } else {
    }
    return
  }
}

#map = affine_map<(d0, d1) -> (0, 0)>
#map1 = affine_map<(d0, d1) -> (0, 0, 0)>
module attributes {stable_mosaic.version = 14 : i64} {
  func.func @gather(%arg0: i32, %arg1: i32, %arg2: memref<5000x16xf32, #tpu.memory_space<hbm>>, %arg3: memref<32x25x100xi32, #tpu.memory_space<hbm>>, %arg4: memref<80000x16xf32, #tpu.memory_space<hbm>>, %arg5: memref<25x100xi32, #tpu.memory_space<vmem>>, %arg6: memref<5x100x16xf32, #tpu.memory_space<vmem>>, %arg7: memref<!tpu.dma_semaphore, #tpu.memory_space<semaphore_mem>>, %arg8: memref<!tpu.dma_semaphore, #tpu.memory_space<semaphore_mem>>) attributes {dimension_semantics = [#tpu.dimension_semantics<core_parallel>, #tpu.dimension_semantics<subcore_parallel>], iteration_bounds = array<i64: 2, 16>, scalar_prefetch = 0 : i64, scratch_operands = 4 : i64, tpu.core_type = #tpu.core_type<sc_vector_subcore>, window_params = [{transform_indices = #map}, {transform_indices = #map1}, {transform_indices = #map}]} {
    %mul3A = arith.constant 2 : i32
    %mul3A_0 = arith.muli %arg1, %mul3A : i32
    %add3A = arith.addi %mul3A_0, %arg0 : i32
    "tpu.region"() ({
      %run_scoped3A = tpu.sem_alloc : memref<!tpu.dma_semaphore, #tpu.memory_space<semaphore_mem>>
      %dma_start3A = arith.constant 0 : i32
      %dma_start3A_6 = arith.constant 0 : i32
      %dma_start3A_7 = tpu.memref_slice %arg3[%add3A, %dma_start3A, %dma_start3A_6] : memref<32x25x100xi32, #tpu.memory_space<hbm>> -> memref<1x25x100xi32, #tpu.memory_space<hbm>>
      %dma_start3A_8 = tpu.memref_squeeze %dma_start3A_7 : memref<1x25x100xi32, #tpu.memory_space<hbm>> -> memref<25x100xi32, #tpu.memory_space<hbm>>
      %dma_start3A_9 = arith.constant 0 : i32
      %dma_start3A_10 = arith.constant 0 : i32
      %dma_start3A_11 = tpu.memref_slice %arg3[%add3A, %dma_start3A_9, %dma_start3A_10] : memref<32x25x100xi32, #tpu.memory_space<hbm>> -> memref<1x25x100xi32, #tpu.memory_space<hbm>>
      %dma_start3A_12 = tpu.memref_squeeze %dma_start3A_11 : memref<1x25x100xi32, #tpu.memory_space<hbm>> -> memref<25x100xi32, #tpu.memory_space<hbm>>
      tpu.enqueue_dma source(%dma_start3A_12 : memref<25x100xi32, #tpu.memory_space<hbm>>) target(%arg5 : memref<25x100xi32, #tpu.memory_space<vmem>>) target_semaphore(%run_scoped3A : memref<!tpu.dma_semaphore, #tpu.memory_space<semaphore_mem>>)
      %dma_wait3A = arith.constant 0 : i32
      %dma_wait3A_13 = arith.constant 0 : i32
      %dma_wait3A_14 = tpu.memref_slice %arg3[%add3A, %dma_wait3A, %dma_wait3A_13] : memref<32x25x100xi32, #tpu.memory_space<hbm>> -> memref<1x25x100xi32, #tpu.memory_space<hbm>>
      %dma_wait3A_15 = tpu.memref_squeeze %dma_wait3A_14 : memref<1x25x100xi32, #tpu.memory_space<hbm>> -> memref<25x100xi32, #tpu.memory_space<hbm>>
      %dma_wait3A_16 = arith.constant 0 : i32
      %dma_wait3A_17 = arith.constant 0 : i32
      %dma_wait3A_18 = tpu.memref_slice %arg3[%add3A, %dma_wait3A_16, %dma_wait3A_17] : memref<32x25x100xi32, #tpu.memory_space<hbm>> -> memref<1x25x100xi32, #tpu.memory_space<hbm>>
      %dma_wait3A_19 = tpu.memref_squeeze %dma_wait3A_18 : memref<1x25x100xi32, #tpu.memory_space<hbm>> -> memref<25x100xi32, #tpu.memory_space<hbm>>
      tpu.wait_dma2 semaphore(%run_scoped3A : memref<!tpu.dma_semaphore, #tpu.memory_space<semaphore_mem>>) src(%dma_wait3A_19 : memref<25x100xi32, #tpu.memory_space<hbm>>) dst(%arg5 : memref<25x100xi32, #tpu.memory_space<vmem>>)
      tpu.yield
    }) : () -> ()
    %scan3A = arith.constant 0 : i32
    %scan3A_1 = arith.constant 0 : i32
    %scan3A_2 = arith.constant 5 : i32
    %scan3A_3 = arith.addi %scan3A_1, %scan3A_2 : i32
    %scan3A_4 = arith.constant 1 : i32
    scf.for %scan3A_6 = %scan3A_1 to %scan3A_3 step %scan3A_4  : i32 {
      %mul3A_7 = arith.constant 5 : i32
      %mul3A_8 = arith.muli %scan3A_6, %mul3A_7 : i32
      %add3A_9 = arith.constant 0 : i32
      %add3A_10 = arith.addi %mul3A_8, %add3A_9 : i32
      %dma_start3A = arith.constant 0 : i32
      %dma_start3A_11 = arith.constant 0 : i32
      %dma_start3A_12 = arith.constant 0 : i32
      %dma_start3A_13 = tpu.memref_slice %arg6[%dma_start3A, %dma_start3A_11, %dma_start3A_12] : memref<5x100x16xf32, #tpu.memory_space<vmem>> -> memref<1x100x16xf32, #tpu.memory_space<vmem>>
      %dma_start3A_14 = tpu.memref_squeeze %dma_start3A_13 : memref<1x100x16xf32, #tpu.memory_space<vmem>> -> memref<100x16xf32, #tpu.memory_space<vmem>>
      %dma_start3A_15 = arith.constant 0 : i32
      %dma_start3A_16 = tpu.memref_slice %arg5[%add3A_10, %dma_start3A_15] : memref<25x100xi32, #tpu.memory_space<vmem>> -> memref<1x100xi32, #tpu.memory_space<vmem>>
      %dma_start3A_17 = tpu.memref_squeeze %dma_start3A_16 : memref<1x100xi32, #tpu.memory_space<vmem>> -> memref<100xi32, #tpu.memory_space<vmem>>
      %dma_start3A_18 = arith.constant 0 : i32
      %dma_start3A_19 = arith.constant 0 : i32
      %dma_start3A_20 = tpu.memref_slice %arg2[%dma_start3A_18, %dma_start3A_19] : memref<5000x16xf32, #tpu.memory_space<hbm>> -> memref<5000x16xf32, #tpu.memory_space<hbm>>
      tpu.enqueue_indirect_dma source(%dma_start3A_20 : memref<5000x16xf32, #tpu.memory_space<hbm>>) target(%dma_start3A_14 : memref<100x16xf32, #tpu.memory_space<vmem>>) offsets(%dma_start3A_17 : memref<100xi32, #tpu.memory_space<vmem>>) semaphore(%arg7 : memref<!tpu.dma_semaphore, #tpu.memory_space<semaphore_mem>>)
      %mul3A_21 = arith.constant 5 : i32
      %mul3A_22 = arith.muli %scan3A_6, %mul3A_21 : i32
      %add3A_23 = arith.constant 1 : i32
      %add3A_24 = arith.addi %mul3A_22, %add3A_23 : i32
      %dma_start3A_25 = arith.constant 1 : i32
      %dma_start3A_26 = arith.constant 0 : i32
      %dma_start3A_27 = arith.constant 0 : i32
      %dma_start3A_28 = tpu.memref_slice %arg6[%dma_start3A_25, %dma_start3A_26, %dma_start3A_27] : memref<5x100x16xf32, #tpu.memory_space<vmem>> -> memref<1x100x16xf32, #tpu.memory_space<vmem>>
      %dma_start3A_29 = tpu.memref_squeeze %dma_start3A_28 : memref<1x100x16xf32, #tpu.memory_space<vmem>> -> memref<100x16xf32, #tpu.memory_space<vmem>>
      %dma_start3A_30 = arith.constant 0 : i32
      %dma_start3A_31 = tpu.memref_slice %arg5[%add3A_24, %dma_start3A_30] : memref<25x100xi32, #tpu.memory_space<vmem>> -> memref<1x100xi32, #tpu.memory_space<vmem>>
      %dma_start3A_32 = tpu.memref_squeeze %dma_start3A_31 : memref<1x100xi32, #tpu.memory_space<vmem>> -> memref<100xi32, #tpu.memory_space<vmem>>
      %dma_start3A_33 = arith.constant 0 : i32
      %dma_start3A_34 = arith.constant 0 : i32
      %dma_start3A_35 = tpu.memref_slice %arg2[%dma_start3A_33, %dma_start3A_34] : memref<5000x16xf32, #tpu.memory_space<hbm>> -> memref<5000x16xf32, #tpu.memory_space<hbm>>
      tpu.enqueue_indirect_dma source(%dma_start3A_35 : memref<5000x16xf32, #tpu.memory_space<hbm>>) target(%dma_start3A_29 : memref<100x16xf32, #tpu.memory_space<vmem>>) offsets(%dma_start3A_32 : memref<100xi32, #tpu.memory_space<vmem>>) semaphore(%arg7 : memref<!tpu.dma_semaphore, #tpu.memory_space<semaphore_mem>>)
      %mul3A_36 = arith.constant 5 : i32
      %mul3A_37 = arith.muli %scan3A_6, %mul3A_36 : i32
      %add3A_38 = arith.constant 2 : i32
      %add3A_39 = arith.addi %mul3A_37, %add3A_38 : i32
      %dma_start3A_40 = arith.constant 2 : i32
      %dma_start3A_41 = arith.constant 0 : i32
      %dma_start3A_42 = arith.constant 0 : i32
      %dma_start3A_43 = tpu.memref_slice %arg6[%dma_start3A_40, %dma_start3A_41, %dma_start3A_42] : memref<5x100x16xf32, #tpu.memory_space<vmem>> -> memref<1x100x16xf32, #tpu.memory_space<vmem>>
      %dma_start3A_44 = tpu.memref_squeeze %dma_start3A_43 : memref<1x100x16xf32, #tpu.memory_space<vmem>> -> memref<100x16xf32, #tpu.memory_space<vmem>>
      %dma_start3A_45 = arith.constant 0 : i32
      %dma_start3A_46 = tpu.memref_slice %arg5[%add3A_39, %dma_start3A_45] : memref<25x100xi32, #tpu.memory_space<vmem>> -> memref<1x100xi32, #tpu.memory_space<vmem>>
      %dma_start3A_47 = tpu.memref_squeeze %dma_start3A_46 : memref<1x100xi32, #tpu.memory_space<vmem>> -> memref<100xi32, #tpu.memory_space<vmem>>
      %dma_start3A_48 = arith.constant 0 : i32
      %dma_start3A_49 = arith.constant 0 : i32
      %dma_start3A_50 = tpu.memref_slice %arg2[%dma_start3A_48, %dma_start3A_49] : memref<5000x16xf32, #tpu.memory_space<hbm>> -> memref<5000x16xf32, #tpu.memory_space<hbm>>
      tpu.enqueue_indirect_dma source(%dma_start3A_50 : memref<5000x16xf32, #tpu.memory_space<hbm>>) target(%dma_start3A_44 : memref<100x16xf32, #tpu.memory_space<vmem>>) offsets(%dma_start3A_47 : memref<100xi32, #tpu.memory_space<vmem>>) semaphore(%arg7 : memref<!tpu.dma_semaphore, #tpu.memory_space<semaphore_mem>>)
      %mul3A_51 = arith.constant 5 : i32
      %mul3A_52 = arith.muli %scan3A_6, %mul3A_51 : i32
      %add3A_53 = arith.constant 3 : i32
      %add3A_54 = arith.addi %mul3A_52, %add3A_53 : i32
      %dma_start3A_55 = arith.constant 3 : i32
      %dma_start3A_56 = arith.constant 0 : i32
      %dma_start3A_57 = arith.constant 0 : i32
      %dma_start3A_58 = tpu.memref_slice %arg6[%dma_start3A_55, %dma_start3A_56, %dma_start3A_57] : memref<5x100x16xf32, #tpu.memory_space<vmem>> -> memref<1x100x16xf32, #tpu.memory_space<vmem>>
      %dma_start3A_59 = tpu.memref_squeeze %dma_start3A_58 : memref<1x100x16xf32, #tpu.memory_space<vmem>> -> memref<100x16xf32, #tpu.memory_space<vmem>>
      %dma_start3A_60 = arith.constant 0 : i32
      %dma_start3A_61 = tpu.memref_slice %arg5[%add3A_54, %dma_start3A_60] : memref<25x100xi32, #tpu.memory_space<vmem>> -> memref<1x100xi32, #tpu.memory_space<vmem>>
      %dma_start3A_62 = tpu.memref_squeeze %dma_start3A_61 : memref<1x100xi32, #tpu.memory_space<vmem>> -> memref<100xi32, #tpu.memory_space<vmem>>
      %dma_start3A_63 = arith.constant 0 : i32
      %dma_start3A_64 = arith.constant 0 : i32
      %dma_start3A_65 = tpu.memref_slice %arg2[%dma_start3A_63, %dma_start3A_64] : memref<5000x16xf32, #tpu.memory_space<hbm>> -> memref<5000x16xf32, #tpu.memory_space<hbm>>
      tpu.enqueue_indirect_dma source(%dma_start3A_65 : memref<5000x16xf32, #tpu.memory_space<hbm>>) target(%dma_start3A_59 : memref<100x16xf32, #tpu.memory_space<vmem>>) offsets(%dma_start3A_62 : memref<100xi32, #tpu.memory_space<vmem>>) semaphore(%arg7 : memref<!tpu.dma_semaphore, #tpu.memory_space<semaphore_mem>>)
      %mul3A_66 = arith.constant 5 : i32
      %mul3A_67 = arith.muli %scan3A_6, %mul3A_66 : i32
      %add3A_68 = arith.constant 4 : i32
      %add3A_69 = arith.addi %mul3A_67, %add3A_68 : i32
      %dma_start3A_70 = arith.constant 4 : i32
      %dma_start3A_71 = arith.constant 0 : i32
      %dma_start3A_72 = arith.constant 0 : i32
      %dma_start3A_73 = tpu.memref_slice %arg6[%dma_start3A_70, %dma_start3A_71, %dma_start3A_72] : memref<5x100x16xf32, #tpu.memory_space<vmem>> -> memref<1x100x16xf32, #tpu.memory_space<vmem>>
      %dma_start3A_74 = tpu.memref_squeeze %dma_start3A_73 : memref<1x100x16xf32, #tpu.memory_space<vmem>> -> memref<100x16xf32, #tpu.memory_space<vmem>>
      %dma_start3A_75 = arith.constant 0 : i32
      %dma_start3A_76 = tpu.memref_slice %arg5[%add3A_69, %dma_start3A_75] : memref<25x100xi32, #tpu.memory_space<vmem>> -> memref<1x100xi32, #tpu.memory_space<vmem>>
      %dma_start3A_77 = tpu.memref_squeeze %dma_start3A_76 : memref<1x100xi32, #tpu.memory_space<vmem>> -> memref<100xi32, #tpu.memory_space<vmem>>
      %dma_start3A_78 = arith.constant 0 : i32
      %dma_start3A_79 = arith.constant 0 : i32
      %dma_start3A_80 = tpu.memref_slice %arg2[%dma_start3A_78, %dma_start3A_79] : memref<5000x16xf32, #tpu.memory_space<hbm>> -> memref<5000x16xf32, #tpu.memory_space<hbm>>
      tpu.enqueue_indirect_dma source(%dma_start3A_80 : memref<5000x16xf32, #tpu.memory_space<hbm>>) target(%dma_start3A_74 : memref<100x16xf32, #tpu.memory_space<vmem>>) offsets(%dma_start3A_77 : memref<100xi32, #tpu.memory_space<vmem>>) semaphore(%arg7 : memref<!tpu.dma_semaphore, #tpu.memory_space<semaphore_mem>>)
      %dma_wait3A = arith.constant 0 : i32
      %dma_wait3A_81 = arith.constant 0 : i32
      %dma_wait3A_82 = arith.constant 0 : i32
      %dma_wait3A_83 = tpu.memref_slice %arg6[%dma_wait3A, %dma_wait3A_81, %dma_wait3A_82] : memref<5x100x16xf32, #tpu.memory_space<vmem>> -> memref<1x100x16xf32, #tpu.memory_space<vmem>>
      %dma_wait3A_84 = tpu.memref_squeeze %dma_wait3A_83 : memref<1x100x16xf32, #tpu.memory_space<vmem>> -> memref<100x16xf32, #tpu.memory_space<vmem>>
      %dma_wait3A_85 = arith.constant 0 : i32
      %dma_wait3A_86 = tpu.memref_slice %arg5[%add3A_10, %dma_wait3A_85] : memref<25x100xi32, #tpu.memory_space<vmem>> -> memref<1x100xi32, #tpu.memory_space<vmem>>
      %dma_wait3A_87 = tpu.memref_squeeze %dma_wait3A_86 : memref<1x100xi32, #tpu.memory_space<vmem>> -> memref<100xi32, #tpu.memory_space<vmem>>
      %dma_wait3A_88 = arith.constant 0 : i32
      %dma_wait3A_89 = arith.constant 0 : i32
      %dma_wait3A_90 = tpu.memref_slice %arg2[%dma_wait3A_88, %dma_wait3A_89] : memref<5000x16xf32, #tpu.memory_space<hbm>> -> memref<5000x16xf32, #tpu.memory_space<hbm>>
      tpu.wait_indirect_dma semaphore(%arg7 : memref<!tpu.dma_semaphore, #tpu.memory_space<semaphore_mem>>) src(%dma_wait3A_90 : memref<5000x16xf32, #tpu.memory_space<hbm>>) dst(%dma_wait3A_84 : memref<100x16xf32, #tpu.memory_space<vmem>>)
      %dma_wait3A_91 = arith.constant 1 : i32
      %dma_wait3A_92 = arith.constant 0 : i32
      %dma_wait3A_93 = arith.constant 0 : i32
      %dma_wait3A_94 = tpu.memref_slice %arg6[%dma_wait3A_91, %dma_wait3A_92, %dma_wait3A_93] : memref<5x100x16xf32, #tpu.memory_space<vmem>> -> memref<1x100x16xf32, #tpu.memory_space<vmem>>
      %dma_wait3A_95 = tpu.memref_squeeze %dma_wait3A_94 : memref<1x100x16xf32, #tpu.memory_space<vmem>> -> memref<100x16xf32, #tpu.memory_space<vmem>>
      %dma_wait3A_96 = arith.constant 0 : i32
      %dma_wait3A_97 = tpu.memref_slice %arg5[%add3A_24, %dma_wait3A_96] : memref<25x100xi32, #tpu.memory_space<vmem>> -> memref<1x100xi32, #tpu.memory_space<vmem>>
      %dma_wait3A_98 = tpu.memref_squeeze %dma_wait3A_97 : memref<1x100xi32, #tpu.memory_space<vmem>> -> memref<100xi32, #tpu.memory_space<vmem>>
      %dma_wait3A_99 = arith.constant 0 : i32
      %dma_wait3A_100 = arith.constant 0 : i32
      %dma_wait3A_101 = tpu.memref_slice %arg2[%dma_wait3A_99, %dma_wait3A_100] : memref<5000x16xf32, #tpu.memory_space<hbm>> -> memref<5000x16xf32, #tpu.memory_space<hbm>>
      tpu.wait_indirect_dma semaphore(%arg7 : memref<!tpu.dma_semaphore, #tpu.memory_space<semaphore_mem>>) src(%dma_wait3A_101 : memref<5000x16xf32, #tpu.memory_space<hbm>>) dst(%dma_wait3A_95 : memref<100x16xf32, #tpu.memory_space<vmem>>)
      %dma_wait3A_102 = arith.constant 2 : i32
      %dma_wait3A_103 = arith.constant 0 : i32
      %dma_wait3A_104 = arith.constant 0 : i32
      %dma_wait3A_105 = tpu.memref_slice %arg6[%dma_wait3A_102, %dma_wait3A_103, %dma_wait3A_104] : memref<5x100x16xf32, #tpu.memory_space<vmem>> -> memref<1x100x16xf32, #tpu.memory_space<vmem>>
      %dma_wait3A_106 = tpu.memref_squeeze %dma_wait3A_105 : memref<1x100x16xf32, #tpu.memory_space<vmem>> -> memref<100x16xf32, #tpu.memory_space<vmem>>
      %dma_wait3A_107 = arith.constant 0 : i32
      %dma_wait3A_108 = tpu.memref_slice %arg5[%add3A_39, %dma_wait3A_107] : memref<25x100xi32, #tpu.memory_space<vmem>> -> memref<1x100xi32, #tpu.memory_space<vmem>>
      %dma_wait3A_109 = tpu.memref_squeeze %dma_wait3A_108 : memref<1x100xi32, #tpu.memory_space<vmem>> -> memref<100xi32, #tpu.memory_space<vmem>>
      %dma_wait3A_110 = arith.constant 0 : i32
      %dma_wait3A_111 = arith.constant 0 : i32
      %dma_wait3A_112 = tpu.memref_slice %arg2[%dma_wait3A_110, %dma_wait3A_111] : memref<5000x16xf32, #tpu.memory_space<hbm>> -> memref<5000x16xf32, #tpu.memory_space<hbm>>
      tpu.wait_indirect_dma semaphore(%arg7 : memref<!tpu.dma_semaphore, #tpu.memory_space<semaphore_mem>>) src(%dma_wait3A_112 : memref<5000x16xf32, #tpu.memory_space<hbm>>) dst(%dma_wait3A_106 : memref<100x16xf32, #tpu.memory_space<vmem>>)
      %dma_wait3A_113 = arith.constant 3 : i32
      %dma_wait3A_114 = arith.constant 0 : i32
      %dma_wait3A_115 = arith.constant 0 : i32
      %dma_wait3A_116 = tpu.memref_slice %arg6[%dma_wait3A_113, %dma_wait3A_114, %dma_wait3A_115] : memref<5x100x16xf32, #tpu.memory_space<vmem>> -> memref<1x100x16xf32, #tpu.memory_space<vmem>>
      %dma_wait3A_117 = tpu.memref_squeeze %dma_wait3A_116 : memref<1x100x16xf32, #tpu.memory_space<vmem>> -> memref<100x16xf32, #tpu.memory_space<vmem>>
      %dma_wait3A_118 = arith.constant 0 : i32
      %dma_wait3A_119 = tpu.memref_slice %arg5[%add3A_54, %dma_wait3A_118] : memref<25x100xi32, #tpu.memory_space<vmem>> -> memref<1x100xi32, #tpu.memory_space<vmem>>
      %dma_wait3A_120 = tpu.memref_squeeze %dma_wait3A_119 : memref<1x100xi32, #tpu.memory_space<vmem>> -> memref<100xi32, #tpu.memory_space<vmem>>
      %dma_wait3A_121 = arith.constant 0 : i32
      %dma_wait3A_122 = arith.constant 0 : i32
      %dma_wait3A_123 = tpu.memref_slice %arg2[%dma_wait3A_121, %dma_wait3A_122] : memref<5000x16xf32, #tpu.memory_space<hbm>> -> memref<5000x16xf32, #tpu.memory_space<hbm>>
      tpu.wait_indirect_dma semaphore(%arg7 : memref<!tpu.dma_semaphore, #tpu.memory_space<semaphore_mem>>) src(%dma_wait3A_123 : memref<5000x16xf32, #tpu.memory_space<hbm>>) dst(%dma_wait3A_117 : memref<100x16xf32, #tpu.memory_space<vmem>>)
      %dma_wait3A_124 = arith.constant 4 : i32
      %dma_wait3A_125 = arith.constant 0 : i32
      %dma_wait3A_126 = arith.constant 0 : i32
      %dma_wait3A_127 = tpu.memref_slice %arg6[%dma_wait3A_124, %dma_wait3A_125, %dma_wait3A_126] : memref<5x100x16xf32, #tpu.memory_space<vmem>> -> memref<1x100x16xf32, #tpu.memory_space<vmem>>
      %dma_wait3A_128 = tpu.memref_squeeze %dma_wait3A_127 : memref<1x100x16xf32, #tpu.memory_space<vmem>> -> memref<100x16xf32, #tpu.memory_space<vmem>>
      %dma_wait3A_129 = arith.constant 0 : i32
      %dma_wait3A_130 = tpu.memref_slice %arg5[%add3A_69, %dma_wait3A_129] : memref<25x100xi32, #tpu.memory_space<vmem>> -> memref<1x100xi32, #tpu.memory_space<vmem>>
      %dma_wait3A_131 = tpu.memref_squeeze %dma_wait3A_130 : memref<1x100xi32, #tpu.memory_space<vmem>> -> memref<100xi32, #tpu.memory_space<vmem>>
      %dma_wait3A_132 = arith.constant 0 : i32
      %dma_wait3A_133 = arith.constant 0 : i32
      %dma_wait3A_134 = tpu.memref_slice %arg2[%dma_wait3A_132, %dma_wait3A_133] : memref<5000x16xf32, #tpu.memory_space<hbm>> -> memref<5000x16xf32, #tpu.memory_space<hbm>>
      tpu.wait_indirect_dma semaphore(%arg7 : memref<!tpu.dma_semaphore, #tpu.memory_space<semaphore_mem>>) src(%dma_wait3A_134 : memref<5000x16xf32, #tpu.memory_space<hbm>>) dst(%dma_wait3A_128 : memref<100x16xf32, #tpu.memory_space<vmem>>)
      %mul3A_135 = arith.constant 25 : i32
      %mul3A_136 = arith.muli %add3A, %mul3A_135 : i32
      %mul3A_137 = arith.constant 5 : i32
      %mul3A_138 = arith.muli %scan3A_6, %mul3A_137 : i32
      %add3A_139 = arith.addi %mul3A_136, %mul3A_138 : i32
      %add3A_140 = arith.constant 0 : i32
      %add3A_141 = arith.addi %add3A_139, %add3A_140 : i32
      %mul3A_142 = arith.constant 100 : i32
      %mul3A_143 = arith.muli %add3A_141, %mul3A_142 : i32
      %dma_start3A_144 = arith.constant 0 : i32
      %dma_start3A_145 = arith.constant 0 : i32
      %dma_start3A_146 = arith.constant 0 : i32
      %dma_start3A_147 = tpu.memref_slice %arg6[%dma_start3A_144, %dma_start3A_145, %dma_start3A_146] : memref<5x100x16xf32, #tpu.memory_space<vmem>> -> memref<1x100x16xf32, #tpu.memory_space<vmem>>
      %dma_start3A_148 = tpu.memref_squeeze %dma_start3A_147 : memref<1x100x16xf32, #tpu.memory_space<vmem>> -> memref<100x16xf32, #tpu.memory_space<vmem>>
      %dma_start3A_149 = arith.constant 0 : i32
      %dma_start3A_150 = tpu.memref_slice %arg4[%mul3A_143, %dma_start3A_149] : memref<80000x16xf32, #tpu.memory_space<hbm>> -> memref<100x16xf32, #tpu.memory_space<hbm>>
      %dma_start3A_151 = arith.constant 0 : i32
      %dma_start3A_152 = tpu.memref_slice %arg4[%mul3A_143, %dma_start3A_151] : memref<80000x16xf32, #tpu.memory_space<hbm>> -> memref<100x16xf32, #tpu.memory_space<hbm>>
      %dma_start3A_153 = arith.constant 0 : i32
      %dma_start3A_154 = arith.constant 0 : i32
      %dma_start3A_155 = tpu.memref_slice %arg6[%dma_start3A_144, %dma_start3A_153, %dma_start3A_154] : memref<5x100x16xf32, #tpu.memory_space<vmem>> -> memref<1x100x16xf32, #tpu.memory_space<vmem>>
      %dma_start3A_156 = tpu.memref_squeeze %dma_start3A_155 : memref<1x100x16xf32, #tpu.memory_space<vmem>> -> memref<100x16xf32, #tpu.memory_space<vmem>>
      tpu.enqueue_dma source(%dma_start3A_156 : memref<100x16xf32, #tpu.memory_space<vmem>>) target(%dma_start3A_152 : memref<100x16xf32, #tpu.memory_space<hbm>>) target_semaphore(%arg8 : memref<!tpu.dma_semaphore, #tpu.memory_space<semaphore_mem>>)
      %mul3A_157 = arith.constant 25 : i32
      %mul3A_158 = arith.muli %add3A, %mul3A_157 : i32
      %mul3A_159 = arith.constant 5 : i32
      %mul3A_160 = arith.muli %scan3A_6, %mul3A_159 : i32
      %add3A_161 = arith.addi %mul3A_158, %mul3A_160 : i32
      %add3A_162 = arith.constant 1 : i32
      %add3A_163 = arith.addi %add3A_161, %add3A_162 : i32
      %mul3A_164 = arith.constant 100 : i32
      %mul3A_165 = arith.muli %add3A_163, %mul3A_164 : i32
      %dma_start3A_166 = arith.constant 1 : i32
      %dma_start3A_167 = arith.constant 0 : i32
      %dma_start3A_168 = arith.constant 0 : i32
      %dma_start3A_169 = tpu.memref_slice %arg6[%dma_start3A_166, %dma_start3A_167, %dma_start3A_168] : memref<5x100x16xf32, #tpu.memory_space<vmem>> -> memref<1x100x16xf32, #tpu.memory_space<vmem>>
      %dma_start3A_170 = tpu.memref_squeeze %dma_start3A_169 : memref<1x100x16xf32, #tpu.memory_space<vmem>> -> memref<100x16xf32, #tpu.memory_space<vmem>>
      %dma_start3A_171 = arith.constant 0 : i32
      %dma_start3A_172 = tpu.memref_slice %arg4[%mul3A_165, %dma_start3A_171] : memref<80000x16xf32, #tpu.memory_space<hbm>> -> memref<100x16xf32, #tpu.memory_space<hbm>>
      %dma_start3A_173 = arith.constant 0 : i32
      %dma_start3A_174 = tpu.memref_slice %arg4[%mul3A_165, %dma_start3A_173] : memref<80000x16xf32, #tpu.memory_space<hbm>> -> memref<100x16xf32, #tpu.memory_space<hbm>>
      %dma_start3A_175 = arith.constant 0 : i32
      %dma_start3A_176 = arith.constant 0 : i32
      %dma_start3A_177 = tpu.memref_slice %arg6[%dma_start3A_166, %dma_start3A_175, %dma_start3A_176] : memref<5x100x16xf32, #tpu.memory_space<vmem>> -> memref<1x100x16xf32, #tpu.memory_space<vmem>>
      %dma_start3A_178 = tpu.memref_squeeze %dma_start3A_177 : memref<1x100x16xf32, #tpu.memory_space<vmem>> -> memref<100x16xf32, #tpu.memory_space<vmem>>
      tpu.enqueue_dma source(%dma_start3A_178 : memref<100x16xf32, #tpu.memory_space<vmem>>) target(%dma_start3A_174 : memref<100x16xf32, #tpu.memory_space<hbm>>) target_semaphore(%arg8 : memref<!tpu.dma_semaphore, #tpu.memory_space<semaphore_mem>>)
      %mul3A_179 = arith.constant 25 : i32
      %mul3A_180 = arith.muli %add3A, %mul3A_179 : i32
      %mul3A_181 = arith.constant 5 : i32
      %mul3A_182 = arith.muli %scan3A_6, %mul3A_181 : i32
      %add3A_183 = arith.addi %mul3A_180, %mul3A_182 : i32
      %add3A_184 = arith.constant 2 : i32
      %add3A_185 = arith.addi %add3A_183, %add3A_184 : i32
      %mul3A_186 = arith.constant 100 : i32
      %mul3A_187 = arith.muli %add3A_185, %mul3A_186 : i32
      %dma_start3A_188 = arith.constant 2 : i32
      %dma_start3A_189 = arith.constant 0 : i32
      %dma_start3A_190 = arith.constant 0 : i32
      %dma_start3A_191 = tpu.memref_slice %arg6[%dma_start3A_188, %dma_start3A_189, %dma_start3A_190] : memref<5x100x16xf32, #tpu.memory_space<vmem>> -> memref<1x100x16xf32, #tpu.memory_space<vmem>>
      %dma_start3A_192 = tpu.memref_squeeze %dma_start3A_191 : memref<1x100x16xf32, #tpu.memory_space<vmem>> -> memref<100x16xf32, #tpu.memory_space<vmem>>
      %dma_start3A_193 = arith.constant 0 : i32
      %dma_start3A_194 = tpu.memref_slice %arg4[%mul3A_187, %dma_start3A_193] : memref<80000x16xf32, #tpu.memory_space<hbm>> -> memref<100x16xf32, #tpu.memory_space<hbm>>
      %dma_start3A_195 = arith.constant 0 : i32
      %dma_start3A_196 = tpu.memref_slice %arg4[%mul3A_187, %dma_start3A_195] : memref<80000x16xf32, #tpu.memory_space<hbm>> -> memref<100x16xf32, #tpu.memory_space<hbm>>
      %dma_start3A_197 = arith.constant 0 : i32
      %dma_start3A_198 = arith.constant 0 : i32
      %dma_start3A_199 = tpu.memref_slice %arg6[%dma_start3A_188, %dma_start3A_197, %dma_start3A_198] : memref<5x100x16xf32, #tpu.memory_space<vmem>> -> memref<1x100x16xf32, #tpu.memory_space<vmem>>
      %dma_start3A_200 = tpu.memref_squeeze %dma_start3A_199 : memref<1x100x16xf32, #tpu.memory_space<vmem>> -> memref<100x16xf32, #tpu.memory_space<vmem>>
      tpu.enqueue_dma source(%dma_start3A_200 : memref<100x16xf32, #tpu.memory_space<vmem>>) target(%dma_start3A_196 : memref<100x16xf32, #tpu.memory_space<hbm>>) target_semaphore(%arg8 : memref<!tpu.dma_semaphore, #tpu.memory_space<semaphore_mem>>)
      %mul3A_201 = arith.constant 25 : i32
      %mul3A_202 = arith.muli %add3A, %mul3A_201 : i32
      %mul3A_203 = arith.constant 5 : i32
      %mul3A_204 = arith.muli %scan3A_6, %mul3A_203 : i32
      %add3A_205 = arith.addi %mul3A_202, %mul3A_204 : i32
      %add3A_206 = arith.constant 3 : i32
      %add3A_207 = arith.addi %add3A_205, %add3A_206 : i32
      %mul3A_208 = arith.constant 100 : i32
      %mul3A_209 = arith.muli %add3A_207, %mul3A_208 : i32
      %dma_start3A_210 = arith.constant 3 : i32
      %dma_start3A_211 = arith.constant 0 : i32
      %dma_start3A_212 = arith.constant 0 : i32
      %dma_start3A_213 = tpu.memref_slice %arg6[%dma_start3A_210, %dma_start3A_211, %dma_start3A_212] : memref<5x100x16xf32, #tpu.memory_space<vmem>> -> memref<1x100x16xf32, #tpu.memory_space<vmem>>
      %dma_start3A_214 = tpu.memref_squeeze %dma_start3A_213 : memref<1x100x16xf32, #tpu.memory_space<vmem>> -> memref<100x16xf32, #tpu.memory_space<vmem>>
      %dma_start3A_215 = arith.constant 0 : i32
      %dma_start3A_216 = tpu.memref_slice %arg4[%mul3A_209, %dma_start3A_215] : memref<80000x16xf32, #tpu.memory_space<hbm>> -> memref<100x16xf32, #tpu.memory_space<hbm>>
      %dma_start3A_217 = arith.constant 0 : i32
      %dma_start3A_218 = tpu.memref_slice %arg4[%mul3A_209, %dma_start3A_217] : memref<80000x16xf32, #tpu.memory_space<hbm>> -> memref<100x16xf32, #tpu.memory_space<hbm>>
      %dma_start3A_219 = arith.constant 0 : i32
      %dma_start3A_220 = arith.constant 0 : i32
      %dma_start3A_221 = tpu.memref_slice %arg6[%dma_start3A_210, %dma_start3A_219, %dma_start3A_220] : memref<5x100x16xf32, #tpu.memory_space<vmem>> -> memref<1x100x16xf32, #tpu.memory_space<vmem>>
      %dma_start3A_222 = tpu.memref_squeeze %dma_start3A_221 : memref<1x100x16xf32, #tpu.memory_space<vmem>> -> memref<100x16xf32, #tpu.memory_space<vmem>>
      tpu.enqueue_dma source(%dma_start3A_222 : memref<100x16xf32, #tpu.memory_space<vmem>>) target(%dma_start3A_218 : memref<100x16xf32, #tpu.memory_space<hbm>>) target_semaphore(%arg8 : memref<!tpu.dma_semaphore, #tpu.memory_space<semaphore_mem>>)
      %mul3A_223 = arith.constant 25 : i32
      %mul3A_224 = arith.muli %add3A, %mul3A_223 : i32
      %mul3A_225 = arith.constant 5 : i32
      %mul3A_226 = arith.muli %scan3A_6, %mul3A_225 : i32
      %add3A_227 = arith.addi %mul3A_224, %mul3A_226 : i32
      %add3A_228 = arith.constant 4 : i32
      %add3A_229 = arith.addi %add3A_227, %add3A_228 : i32
      %mul3A_230 = arith.constant 100 : i32
      %mul3A_231 = arith.muli %add3A_229, %mul3A_230 : i32
      %dma_start3A_232 = arith.constant 4 : i32
      %dma_start3A_233 = arith.constant 0 : i32
      %dma_start3A_234 = arith.constant 0 : i32
      %dma_start3A_235 = tpu.memref_slice %arg6[%dma_start3A_232, %dma_start3A_233, %dma_start3A_234] : memref<5x100x16xf32, #tpu.memory_space<vmem>> -> memref<1x100x16xf32, #tpu.memory_space<vmem>>
      %dma_start3A_236 = tpu.memref_squeeze %dma_start3A_235 : memref<1x100x16xf32, #tpu.memory_space<vmem>> -> memref<100x16xf32, #tpu.memory_space<vmem>>
      %dma_start3A_237 = arith.constant 0 : i32
      %dma_start3A_238 = tpu.memref_slice %arg4[%mul3A_231, %dma_start3A_237] : memref<80000x16xf32, #tpu.memory_space<hbm>> -> memref<100x16xf32, #tpu.memory_space<hbm>>
      %dma_start3A_239 = arith.constant 0 : i32
      %dma_start3A_240 = tpu.memref_slice %arg4[%mul3A_231, %dma_start3A_239] : memref<80000x16xf32, #tpu.memory_space<hbm>> -> memref<100x16xf32, #tpu.memory_space<hbm>>
      %dma_start3A_241 = arith.constant 0 : i32
      %dma_start3A_242 = arith.constant 0 : i32
      %dma_start3A_243 = tpu.memref_slice %arg6[%dma_start3A_232, %dma_start3A_241, %dma_start3A_242] : memref<5x100x16xf32, #tpu.memory_space<vmem>> -> memref<1x100x16xf32, #tpu.memory_space<vmem>>
      %dma_start3A_244 = tpu.memref_squeeze %dma_start3A_243 : memref<1x100x16xf32, #tpu.memory_space<vmem>> -> memref<100x16xf32, #tpu.memory_space<vmem>>
      tpu.enqueue_dma source(%dma_start3A_244 : memref<100x16xf32, #tpu.memory_space<vmem>>) target(%dma_start3A_240 : memref<100x16xf32, #tpu.memory_space<hbm>>) target_semaphore(%arg8 : memref<!tpu.dma_semaphore, #tpu.memory_space<semaphore_mem>>)
      %dma_wait3A_245 = arith.constant 0 : i32
      %dma_wait3A_246 = arith.constant 0 : i32
      %dma_wait3A_247 = arith.constant 0 : i32
      %dma_wait3A_248 = tpu.memref_slice %arg6[%dma_wait3A_245, %dma_wait3A_246, %dma_wait3A_247] : memref<5x100x16xf32, #tpu.memory_space<vmem>> -> memref<1x100x16xf32, #tpu.memory_space<vmem>>
      %dma_wait3A_249 = tpu.memref_squeeze %dma_wait3A_248 : memref<1x100x16xf32, #tpu.memory_space<vmem>> -> memref<100x16xf32, #tpu.memory_space<vmem>>
      %dma_wait3A_250 = arith.constant 0 : i32
      %dma_wait3A_251 = tpu.memref_slice %arg4[%mul3A_143, %dma_wait3A_250] : memref<80000x16xf32, #tpu.memory_space<hbm>> -> memref<100x16xf32, #tpu.memory_space<hbm>>
      %dma_wait3A_252 = arith.constant 0 : i32
      %dma_wait3A_253 = tpu.memref_slice %arg4[%mul3A_143, %dma_wait3A_252] : memref<80000x16xf32, #tpu.memory_space<hbm>> -> memref<100x16xf32, #tpu.memory_space<hbm>>
      %dma_wait3A_254 = arith.constant 0 : i32
      %dma_wait3A_255 = arith.constant 0 : i32
      %dma_wait3A_256 = tpu.memref_slice %arg6[%dma_wait3A_245, %dma_wait3A_254, %dma_wait3A_255] : memref<5x100x16xf32, #tpu.memory_space<vmem>> -> memref<1x100x16xf32, #tpu.memory_space<vmem>>
      %dma_wait3A_257 = tpu.memref_squeeze %dma_wait3A_256 : memref<1x100x16xf32, #tpu.memory_space<vmem>> -> memref<100x16xf32, #tpu.memory_space<vmem>>
      tpu.wait_dma2 semaphore(%arg8 : memref<!tpu.dma_semaphore, #tpu.memory_space<semaphore_mem>>) src(%dma_wait3A_257 : memref<100x16xf32, #tpu.memory_space<vmem>>) dst(%dma_wait3A_253 : memref<100x16xf32, #tpu.memory_space<hbm>>)
      %dma_wait3A_258 = arith.constant 1 : i32
      %dma_wait3A_259 = arith.constant 0 : i32
      %dma_wait3A_260 = arith.constant 0 : i32
      %dma_wait3A_261 = tpu.memref_slice %arg6[%dma_wait3A_258, %dma_wait3A_259, %dma_wait3A_260] : memref<5x100x16xf32, #tpu.memory_space<vmem>> -> memref<1x100x16xf32, #tpu.memory_space<vmem>>
      %dma_wait3A_262 = tpu.memref_squeeze %dma_wait3A_261 : memref<1x100x16xf32, #tpu.memory_space<vmem>> -> memref<100x16xf32, #tpu.memory_space<vmem>>
      %dma_wait3A_263 = arith.constant 0 : i32
      %dma_wait3A_264 = tpu.memref_slice %arg4[%mul3A_165, %dma_wait3A_263] : memref<80000x16xf32, #tpu.memory_space<hbm>> -> memref<100x16xf32, #tpu.memory_space<hbm>>
      %dma_wait3A_265 = arith.constant 0 : i32
      %dma_wait3A_266 = tpu.memref_slice %arg4[%mul3A_165, %dma_wait3A_265] : memref<80000x16xf32, #tpu.memory_space<hbm>> -> memref<100x16xf32, #tpu.memory_space<hbm>>
      %dma_wait3A_267 = arith.constant 0 : i32
      %dma_wait3A_268 = arith.constant 0 : i32
      %dma_wait3A_269 = tpu.memref_slice %arg6[%dma_wait3A_258, %dma_wait3A_267, %dma_wait3A_268] : memref<5x100x16xf32, #tpu.memory_space<vmem>> -> memref<1x100x16xf32, #tpu.memory_space<vmem>>
      %dma_wait3A_270 = tpu.memref_squeeze %dma_wait3A_269 : memref<1x100x16xf32, #tpu.memory_space<vmem>> -> memref<100x16xf32, #tpu.memory_space<vmem>>
      tpu.wait_dma2 semaphore(%arg8 : memref<!tpu.dma_semaphore, #tpu.memory_space<semaphore_mem>>) src(%dma_wait3A_270 : memref<100x16xf32, #tpu.memory_space<vmem>>) dst(%dma_wait3A_266 : memref<100x16xf32, #tpu.memory_space<hbm>>)
      %dma_wait3A_271 = arith.constant 2 : i32
      %dma_wait3A_272 = arith.constant 0 : i32
      %dma_wait3A_273 = arith.constant 0 : i32
      %dma_wait3A_274 = tpu.memref_slice %arg6[%dma_wait3A_271, %dma_wait3A_272, %dma_wait3A_273] : memref<5x100x16xf32, #tpu.memory_space<vmem>> -> memref<1x100x16xf32, #tpu.memory_space<vmem>>
      %dma_wait3A_275 = tpu.memref_squeeze %dma_wait3A_274 : memref<1x100x16xf32, #tpu.memory_space<vmem>> -> memref<100x16xf32, #tpu.memory_space<vmem>>
      %dma_wait3A_276 = arith.constant 0 : i32
      %dma_wait3A_277 = tpu.memref_slice %arg4[%mul3A_187, %dma_wait3A_276] : memref<80000x16xf32, #tpu.memory_space<hbm>> -> memref<100x16xf32, #tpu.memory_space<hbm>>
      %dma_wait3A_278 = arith.constant 0 : i32
      %dma_wait3A_279 = tpu.memref_slice %arg4[%mul3A_187, %dma_wait3A_278] : memref<80000x16xf32, #tpu.memory_space<hbm>> -> memref<100x16xf32, #tpu.memory_space<hbm>>
      %dma_wait3A_280 = arith.constant 0 : i32
      %dma_wait3A_281 = arith.constant 0 : i32
      %dma_wait3A_282 = tpu.memref_slice %arg6[%dma_wait3A_271, %dma_wait3A_280, %dma_wait3A_281] : memref<5x100x16xf32, #tpu.memory_space<vmem>> -> memref<1x100x16xf32, #tpu.memory_space<vmem>>
      %dma_wait3A_283 = tpu.memref_squeeze %dma_wait3A_282 : memref<1x100x16xf32, #tpu.memory_space<vmem>> -> memref<100x16xf32, #tpu.memory_space<vmem>>
      tpu.wait_dma2 semaphore(%arg8 : memref<!tpu.dma_semaphore, #tpu.memory_space<semaphore_mem>>) src(%dma_wait3A_283 : memref<100x16xf32, #tpu.memory_space<vmem>>) dst(%dma_wait3A_279 : memref<100x16xf32, #tpu.memory_space<hbm>>)
      %dma_wait3A_284 = arith.constant 3 : i32
      %dma_wait3A_285 = arith.constant 0 : i32
      %dma_wait3A_286 = arith.constant 0 : i32
      %dma_wait3A_287 = tpu.memref_slice %arg6[%dma_wait3A_284, %dma_wait3A_285, %dma_wait3A_286] : memref<5x100x16xf32, #tpu.memory_space<vmem>> -> memref<1x100x16xf32, #tpu.memory_space<vmem>>
      %dma_wait3A_288 = tpu.memref_squeeze %dma_wait3A_287 : memref<1x100x16xf32, #tpu.memory_space<vmem>> -> memref<100x16xf32, #tpu.memory_space<vmem>>
      %dma_wait3A_289 = arith.constant 0 : i32
      %dma_wait3A_290 = tpu.memref_slice %arg4[%mul3A_209, %dma_wait3A_289] : memref<80000x16xf32, #tpu.memory_space<hbm>> -> memref<100x16xf32, #tpu.memory_space<hbm>>
      %dma_wait3A_291 = arith.constant 0 : i32
      %dma_wait3A_292 = tpu.memref_slice %arg4[%mul3A_209, %dma_wait3A_291] : memref<80000x16xf32, #tpu.memory_space<hbm>> -> memref<100x16xf32, #tpu.memory_space<hbm>>
      %dma_wait3A_293 = arith.constant 0 : i32
      %dma_wait3A_294 = arith.constant 0 : i32
      %dma_wait3A_295 = tpu.memref_slice %arg6[%dma_wait3A_284, %dma_wait3A_293, %dma_wait3A_294] : memref<5x100x16xf32, #tpu.memory_space<vmem>> -> memref<1x100x16xf32, #tpu.memory_space<vmem>>
      %dma_wait3A_296 = tpu.memref_squeeze %dma_wait3A_295 : memref<1x100x16xf32, #tpu.memory_space<vmem>> -> memref<100x16xf32, #tpu.memory_space<vmem>>
      tpu.wait_dma2 semaphore(%arg8 : memref<!tpu.dma_semaphore, #tpu.memory_space<semaphore_mem>>) src(%dma_wait3A_296 : memref<100x16xf32, #tpu.memory_space<vmem>>) dst(%dma_wait3A_292 : memref<100x16xf32, #tpu.memory_space<hbm>>)
      %dma_wait3A_297 = arith.constant 4 : i32
      %dma_wait3A_298 = arith.constant 0 : i32
      %dma_wait3A_299 = arith.constant 0 : i32
      %dma_wait3A_300 = tpu.memref_slice %arg6[%dma_wait3A_297, %dma_wait3A_298, %dma_wait3A_299] : memref<5x100x16xf32, #tpu.memory_space<vmem>> -> memref<1x100x16xf32, #tpu.memory_space<vmem>>
      %dma_wait3A_301 = tpu.memref_squeeze %dma_wait3A_300 : memref<1x100x16xf32, #tpu.memory_space<vmem>> -> memref<100x16xf32, #tpu.memory_space<vmem>>
      %dma_wait3A_302 = arith.constant 0 : i32
      %dma_wait3A_303 = tpu.memref_slice %arg4[%mul3A_231, %dma_wait3A_302] : memref<80000x16xf32, #tpu.memory_space<hbm>> -> memref<100x16xf32, #tpu.memory_space<hbm>>
      %dma_wait3A_304 = arith.constant 0 : i32
      %dma_wait3A_305 = tpu.memref_slice %arg4[%mul3A_231, %dma_wait3A_304] : memref<80000x16xf32, #tpu.memory_space<hbm>> -> memref<100x16xf32, #tpu.memory_space<hbm>>
      %dma_wait3A_306 = arith.constant 0 : i32
      %dma_wait3A_307 = arith.constant 0 : i32
      %dma_wait3A_308 = tpu.memref_slice %arg6[%dma_wait3A_297, %dma_wait3A_306, %dma_wait3A_307] : memref<5x100x16xf32, #tpu.memory_space<vmem>> -> memref<1x100x16xf32, #tpu.memory_space<vmem>>
      %dma_wait3A_309 = tpu.memref_squeeze %dma_wait3A_308 : memref<1x100x16xf32, #tpu.memory_space<vmem>> -> memref<100x16xf32, #tpu.memory_space<vmem>>
      tpu.wait_dma2 semaphore(%arg8 : memref<!tpu.dma_semaphore, #tpu.memory_space<semaphore_mem>>) src(%dma_wait3A_309 : memref<100x16xf32, #tpu.memory_space<vmem>>) dst(%dma_wait3A_305 : memref<100x16xf32, #tpu.memory_space<hbm>>)
    }
    %scan3A_5 = arith.constant 5 : i32
    return
  }
}

#map = affine_map<(d0, d1) -> (0, 0)>
#map1 = affine_map<(d0, d1) -> (0, 0, 0)>
module attributes {stable_mosaic.version = 14 : i64} {
  func.func @scatter(%arg0: i32, %arg1: i32, %arg2: memref<160000x32xf32, #tpu.memory_space<hbm>>, %arg3: memref<32x50x100xi32, #tpu.memory_space<hbm>>, %arg4: memref<5000x32xf32, #tpu.memory_space<hbm>>, %arg5: memref<2x5000x32xf32, #tpu.memory_space<hbm>>, %arg6: memref<50x100xi32, #tpu.memory_space<vmem>>, %arg7: memref<1000x32xf32, #tpu.memory_space<vmem>>, %arg8: memref<5000x32xf32, #tpu.memory_space<vmem_shared>>, %arg9: memref<!tpu.dma_semaphore, #tpu.memory_space<semaphore_mem>>) attributes {dimension_semantics = [#tpu.dimension_semantics<core_parallel>, #tpu.dimension_semantics<subcore_parallel>], iteration_bounds = array<i64: 2, 16>, scalar_prefetch = 0 : i64, scratch_operands = 4 : i64, tpu.core_type = #tpu.core_type<sc_vector_subcore>, window_params = [{transform_indices = #map}, {transform_indices = #map1}, {transform_indices = #map}, {transform_indices = #map1}]} {
    %mul3A = arith.constant 2 : i32
    %mul3A_0 = arith.muli %arg1, %mul3A : i32
    %add3A = arith.addi %mul3A_0, %arg0 : i32
    %eq3A = arith.constant 0 : i32
    %eq3A_1 = arith.cmpi eq, %arg1, %eq3A : i32
    %convert_element_type3A = arith.extui %eq3A_1 : i1 to i32
    %cond3A = arith.constant 0 : i32
    %cond3A_2 = arith.cmpi ne, %convert_element_type3A, %cond3A : i32
    scf.if %cond3A_2 {
      "tpu.region"() ({
        %run_scoped3A = tpu.sem_alloc : memref<!tpu.dma_semaphore, #tpu.memory_space<semaphore_mem>>
        tpu.enqueue_dma source(%arg4 : memref<5000x32xf32, #tpu.memory_space<hbm>>) target(%arg8 : memref<5000x32xf32, #tpu.memory_space<vmem_shared>>) target_semaphore(%run_scoped3A : memref<!tpu.dma_semaphore, #tpu.memory_space<semaphore_mem>>)
        tpu.wait_dma2 semaphore(%run_scoped3A : memref<!tpu.dma_semaphore, #tpu.memory_space<semaphore_mem>>) src(%arg4 : memref<5000x32xf32, #tpu.memory_space<hbm>>) dst(%arg8 : memref<5000x32xf32, #tpu.memory_space<vmem_shared>>)
        tpu.yield
      }) : () -> ()
    } else {
    }
    %barrier3A = arith.constant 0 : index
    tpu.barrier barrier_id(%barrier3A)
    "tpu.region"() ({
      %run_scoped3A = tpu.sem_alloc : memref<!tpu.dma_semaphore, #tpu.memory_space<semaphore_mem>>
      %dma_start3A = arith.constant 0 : i32
      %dma_start3A_14 = arith.constant 0 : i32
      %dma_start3A_15 = tpu.memref_slice %arg3[%add3A, %dma_start3A, %dma_start3A_14] : memref<32x50x100xi32, #tpu.memory_space<hbm>> -> memref<1x50x100xi32, #tpu.memory_space<hbm>>
      %dma_start3A_16 = tpu.memref_squeeze %dma_start3A_15 : memref<1x50x100xi32, #tpu.memory_space<hbm>> -> memref<50x100xi32, #tpu.memory_space<hbm>>
      %dma_start3A_17 = arith.constant 0 : i32
      %dma_start3A_18 = arith.constant 0 : i32
      %dma_start3A_19 = tpu.memref_slice %arg3[%add3A, %dma_start3A_17, %dma_start3A_18] : memref<32x50x100xi32, #tpu.memory_space<hbm>> -> memref<1x50x100xi32, #tpu.memory_space<hbm>>
      %dma_start3A_20 = tpu.memref_squeeze %dma_start3A_19 : memref<1x50x100xi32, #tpu.memory_space<hbm>> -> memref<50x100xi32, #tpu.memory_space<hbm>>
      tpu.enqueue_dma source(%dma_start3A_20 : memref<50x100xi32, #tpu.memory_space<hbm>>) target(%arg6 : memref<50x100xi32, #tpu.memory_space<vmem>>) target_semaphore(%run_scoped3A : memref<!tpu.dma_semaphore, #tpu.memory_space<semaphore_mem>>)
      %dma_wait3A = arith.constant 0 : i32
      %dma_wait3A_21 = arith.constant 0 : i32
      %dma_wait3A_22 = tpu.memref_slice %arg3[%add3A, %dma_wait3A, %dma_wait3A_21] : memref<32x50x100xi32, #tpu.memory_space<hbm>> -> memref<1x50x100xi32, #tpu.memory_space<hbm>>
      %dma_wait3A_23 = tpu.memref_squeeze %dma_wait3A_22 : memref<1x50x100xi32, #tpu.memory_space<hbm>> -> memref<50x100xi32, #tpu.memory_space<hbm>>
      %dma_wait3A_24 = arith.constant 0 : i32
      %dma_wait3A_25 = arith.constant 0 : i32
      %dma_wait3A_26 = tpu.memref_slice %arg3[%add3A, %dma_wait3A_24, %dma_wait3A_25] : memref<32x50x100xi32, #tpu.memory_space<hbm>> -> memref<1x50x100xi32, #tpu.memory_space<hbm>>
      %dma_wait3A_27 = tpu.memref_squeeze %dma_wait3A_26 : memref<1x50x100xi32, #tpu.memory_space<hbm>> -> memref<50x100xi32, #tpu.memory_space<hbm>>
      tpu.wait_dma2 semaphore(%run_scoped3A : memref<!tpu.dma_semaphore, #tpu.memory_space<semaphore_mem>>) src(%dma_wait3A_27 : memref<50x100xi32, #tpu.memory_space<hbm>>) dst(%arg6 : memref<50x100xi32, #tpu.memory_space<vmem>>)
      tpu.yield
    }) : () -> ()
    %scan3A = arith.constant 0 : i32
    %scan3A_3 = arith.constant 0 : i32
    %scan3A_4 = arith.constant 5 : i32
    %scan3A_5 = arith.addi %scan3A_3, %scan3A_4 : i32
    %scan3A_6 = arith.constant 1 : i32
    scf.for %scan3A_14 = %scan3A_3 to %scan3A_5 step %scan3A_6  : i32 {
      %mul3A_15 = arith.constant 5000 : i32
      %mul3A_16 = arith.muli %add3A, %mul3A_15 : i32
      %mul3A_17 = arith.constant 1000 : i32
      %mul3A_18 = arith.muli %scan3A_14, %mul3A_17 : i32
      %add3A_19 = arith.addi %mul3A_16, %mul3A_18 : i32
      "tpu.region"() ({
        %run_scoped3A = tpu.sem_alloc : memref<!tpu.dma_semaphore, #tpu.memory_space<semaphore_mem>>
        %dma_start3A_238 = arith.constant 0 : i32
        %dma_start3A_239 = tpu.memref_slice %arg2[%add3A_19, %dma_start3A_238] : memref<160000x32xf32, #tpu.memory_space<hbm>> -> memref<1000x32xf32, #tpu.memory_space<hbm>>
        %dma_start3A_240 = arith.constant 0 : i32
        %dma_start3A_241 = tpu.memref_slice %arg2[%add3A_19, %dma_start3A_240] : memref<160000x32xf32, #tpu.memory_space<hbm>> -> memref<1000x32xf32, #tpu.memory_space<hbm>>
        tpu.enqueue_dma source(%dma_start3A_241 : memref<1000x32xf32, #tpu.memory_space<hbm>>) target(%arg7 : memref<1000x32xf32, #tpu.memory_space<vmem>>) target_semaphore(%run_scoped3A : memref<!tpu.dma_semaphore, #tpu.memory_space<semaphore_mem>>)
        %dma_wait3A_242 = arith.constant 0 : i32
        %dma_wait3A_243 = tpu.memref_slice %arg2[%add3A_19, %dma_wait3A_242] : memref<160000x32xf32, #tpu.memory_space<hbm>> -> memref<1000x32xf32, #tpu.memory_space<hbm>>
        %dma_wait3A_244 = arith.constant 0 : i32
        %dma_wait3A_245 = tpu.memref_slice %arg2[%add3A_19, %dma_wait3A_244] : memref<160000x32xf32, #tpu.memory_space<hbm>> -> memref<1000x32xf32, #tpu.memory_space<hbm>>
        tpu.wait_dma2 semaphore(%run_scoped3A : memref<!tpu.dma_semaphore, #tpu.memory_space<semaphore_mem>>) src(%dma_wait3A_245 : memref<1000x32xf32, #tpu.memory_space<hbm>>) dst(%arg7 : memref<1000x32xf32, #tpu.memory_space<vmem>>)
        tpu.yield
      }) : () -> ()
      %mul3A_20 = arith.constant 10 : i32
      %mul3A_21 = arith.muli %scan3A_14, %mul3A_20 : i32
      %add3A_22 = arith.constant 0 : i32
      %add3A_23 = arith.addi %mul3A_21, %add3A_22 : i32
      %dma_start3A = arith.constant 0 : i32
      %dma_start3A_24 = arith.constant 0 : i32
      %dma_start3A_25 = tpu.memref_slice %arg7[%dma_start3A, %dma_start3A_24] : memref<1000x32xf32, #tpu.memory_space<vmem>> -> memref<100x32xf32, #tpu.memory_space<vmem>>
      %dma_start3A_26 = arith.constant 0 : i32
      %dma_start3A_27 = tpu.memref_slice %arg6[%add3A_23, %dma_start3A_26] : memref<50x100xi32, #tpu.memory_space<vmem>> -> memref<1x100xi32, #tpu.memory_space<vmem>>
      %dma_start3A_28 = tpu.memref_squeeze %dma_start3A_27 : memref<1x100xi32, #tpu.memory_space<vmem>> -> memref<100xi32, #tpu.memory_space<vmem>>
      %dma_start3A_29 = arith.constant 0 : i32
      %dma_start3A_30 = arith.constant 0 : i32
      %dma_start3A_31 = tpu.memref_slice %arg8[%dma_start3A_29, %dma_start3A_30] : memref<5000x32xf32, #tpu.memory_space<vmem_shared>> -> memref<5000x32xf32, #tpu.memory_space<vmem_shared>>
      tpu.enqueue_indirect_dma source(%dma_start3A_25 : memref<100x32xf32, #tpu.memory_space<vmem>>) target(%dma_start3A_31 : memref<5000x32xf32, #tpu.memory_space<vmem_shared>>) offsets(%dma_start3A_28 : memref<100xi32, #tpu.memory_space<vmem>>) semaphore(%arg9 : memref<!tpu.dma_semaphore, #tpu.memory_space<semaphore_mem>>) {add = true}
      %mul3A_32 = arith.constant 10 : i32
      %mul3A_33 = arith.muli %scan3A_14, %mul3A_32 : i32
      %add3A_34 = arith.constant 1 : i32
      %add3A_35 = arith.addi %mul3A_33, %add3A_34 : i32
      %dma_start3A_36 = arith.constant 100 : i32
      %dma_start3A_37 = arith.constant 0 : i32
      %dma_start3A_38 = tpu.memref_slice %arg7[%dma_start3A_36, %dma_start3A_37] : memref<1000x32xf32, #tpu.memory_space<vmem>> -> memref<100x32xf32, #tpu.memory_space<vmem>>
      %dma_start3A_39 = arith.constant 0 : i32
      %dma_start3A_40 = tpu.memref_slice %arg6[%add3A_35, %dma_start3A_39] : memref<50x100xi32, #tpu.memory_space<vmem>> -> memref<1x100xi32, #tpu.memory_space<vmem>>
      %dma_start3A_41 = tpu.memref_squeeze %dma_start3A_40 : memref<1x100xi32, #tpu.memory_space<vmem>> -> memref<100xi32, #tpu.memory_space<vmem>>
      %dma_start3A_42 = arith.constant 0 : i32
      %dma_start3A_43 = arith.constant 0 : i32
      %dma_start3A_44 = tpu.memref_slice %arg8[%dma_start3A_42, %dma_start3A_43] : memref<5000x32xf32, #tpu.memory_space<vmem_shared>> -> memref<5000x32xf32, #tpu.memory_space<vmem_shared>>
      tpu.enqueue_indirect_dma source(%dma_start3A_38 : memref<100x32xf32, #tpu.memory_space<vmem>>) target(%dma_start3A_44 : memref<5000x32xf32, #tpu.memory_space<vmem_shared>>) offsets(%dma_start3A_41 : memref<100xi32, #tpu.memory_space<vmem>>) semaphore(%arg9 : memref<!tpu.dma_semaphore, #tpu.memory_space<semaphore_mem>>) {add = true}
      %mul3A_45 = arith.constant 10 : i32
      %mul3A_46 = arith.muli %scan3A_14, %mul3A_45 : i32
      %add3A_47 = arith.constant 2 : i32
      %add3A_48 = arith.addi %mul3A_46, %add3A_47 : i32
      %dma_start3A_49 = arith.constant 200 : i32
      %dma_start3A_50 = arith.constant 0 : i32
      %dma_start3A_51 = tpu.memref_slice %arg7[%dma_start3A_49, %dma_start3A_50] : memref<1000x32xf32, #tpu.memory_space<vmem>> -> memref<100x32xf32, #tpu.memory_space<vmem>>
      %dma_start3A_52 = arith.constant 0 : i32
      %dma_start3A_53 = tpu.memref_slice %arg6[%add3A_48, %dma_start3A_52] : memref<50x100xi32, #tpu.memory_space<vmem>> -> memref<1x100xi32, #tpu.memory_space<vmem>>
      %dma_start3A_54 = tpu.memref_squeeze %dma_start3A_53 : memref<1x100xi32, #tpu.memory_space<vmem>> -> memref<100xi32, #tpu.memory_space<vmem>>
      %dma_start3A_55 = arith.constant 0 : i32
      %dma_start3A_56 = arith.constant 0 : i32
      %dma_start3A_57 = tpu.memref_slice %arg8[%dma_start3A_55, %dma_start3A_56] : memref<5000x32xf32, #tpu.memory_space<vmem_shared>> -> memref<5000x32xf32, #tpu.memory_space<vmem_shared>>
      tpu.enqueue_indirect_dma source(%dma_start3A_51 : memref<100x32xf32, #tpu.memory_space<vmem>>) target(%dma_start3A_57 : memref<5000x32xf32, #tpu.memory_space<vmem_shared>>) offsets(%dma_start3A_54 : memref<100xi32, #tpu.memory_space<vmem>>) semaphore(%arg9 : memref<!tpu.dma_semaphore, #tpu.memory_space<semaphore_mem>>) {add = true}
      %mul3A_58 = arith.constant 10 : i32
      %mul3A_59 = arith.muli %scan3A_14, %mul3A_58 : i32
      %add3A_60 = arith.constant 3 : i32
      %add3A_61 = arith.addi %mul3A_59, %add3A_60 : i32
      %dma_start3A_62 = arith.constant 300 : i32
      %dma_start3A_63 = arith.constant 0 : i32
      %dma_start3A_64 = tpu.memref_slice %arg7[%dma_start3A_62, %dma_start3A_63] : memref<1000x32xf32, #tpu.memory_space<vmem>> -> memref<100x32xf32, #tpu.memory_space<vmem>>
      %dma_start3A_65 = arith.constant 0 : i32
      %dma_start3A_66 = tpu.memref_slice %arg6[%add3A_61, %dma_start3A_65] : memref<50x100xi32, #tpu.memory_space<vmem>> -> memref<1x100xi32, #tpu.memory_space<vmem>>
      %dma_start3A_67 = tpu.memref_squeeze %dma_start3A_66 : memref<1x100xi32, #tpu.memory_space<vmem>> -> memref<100xi32, #tpu.memory_space<vmem>>
      %dma_start3A_68 = arith.constant 0 : i32
      %dma_start3A_69 = arith.constant 0 : i32
      %dma_start3A_70 = tpu.memref_slice %arg8[%dma_start3A_68, %dma_start3A_69] : memref<5000x32xf32, #tpu.memory_space<vmem_shared>> -> memref<5000x32xf32, #tpu.memory_space<vmem_shared>>
      tpu.enqueue_indirect_dma source(%dma_start3A_64 : memref<100x32xf32, #tpu.memory_space<vmem>>) target(%dma_start3A_70 : memref<5000x32xf32, #tpu.memory_space<vmem_shared>>) offsets(%dma_start3A_67 : memref<100xi32, #tpu.memory_space<vmem>>) semaphore(%arg9 : memref<!tpu.dma_semaphore, #tpu.memory_space<semaphore_mem>>) {add = true}
      %mul3A_71 = arith.constant 10 : i32
      %mul3A_72 = arith.muli %scan3A_14, %mul3A_71 : i32
      %add3A_73 = arith.constant 4 : i32
      %add3A_74 = arith.addi %mul3A_72, %add3A_73 : i32
      %dma_start3A_75 = arith.constant 400 : i32
      %dma_start3A_76 = arith.constant 0 : i32
      %dma_start3A_77 = tpu.memref_slice %arg7[%dma_start3A_75, %dma_start3A_76] : memref<1000x32xf32, #tpu.memory_space<vmem>> -> memref<100x32xf32, #tpu.memory_space<vmem>>
      %dma_start3A_78 = arith.constant 0 : i32
      %dma_start3A_79 = tpu.memref_slice %arg6[%add3A_74, %dma_start3A_78] : memref<50x100xi32, #tpu.memory_space<vmem>> -> memref<1x100xi32, #tpu.memory_space<vmem>>
      %dma_start3A_80 = tpu.memref_squeeze %dma_start3A_79 : memref<1x100xi32, #tpu.memory_space<vmem>> -> memref<100xi32, #tpu.memory_space<vmem>>
      %dma_start3A_81 = arith.constant 0 : i32
      %dma_start3A_82 = arith.constant 0 : i32
      %dma_start3A_83 = tpu.memref_slice %arg8[%dma_start3A_81, %dma_start3A_82] : memref<5000x32xf32, #tpu.memory_space<vmem_shared>> -> memref<5000x32xf32, #tpu.memory_space<vmem_shared>>
      tpu.enqueue_indirect_dma source(%dma_start3A_77 : memref<100x32xf32, #tpu.memory_space<vmem>>) target(%dma_start3A_83 : memref<5000x32xf32, #tpu.memory_space<vmem_shared>>) offsets(%dma_start3A_80 : memref<100xi32, #tpu.memory_space<vmem>>) semaphore(%arg9 : memref<!tpu.dma_semaphore, #tpu.memory_space<semaphore_mem>>) {add = true}
      %mul3A_84 = arith.constant 10 : i32
      %mul3A_85 = arith.muli %scan3A_14, %mul3A_84 : i32
      %add3A_86 = arith.constant 5 : i32
      %add3A_87 = arith.addi %mul3A_85, %add3A_86 : i32
      %dma_start3A_88 = arith.constant 500 : i32
      %dma_start3A_89 = arith.constant 0 : i32
      %dma_start3A_90 = tpu.memref_slice %arg7[%dma_start3A_88, %dma_start3A_89] : memref<1000x32xf32, #tpu.memory_space<vmem>> -> memref<100x32xf32, #tpu.memory_space<vmem>>
      %dma_start3A_91 = arith.constant 0 : i32
      %dma_start3A_92 = tpu.memref_slice %arg6[%add3A_87, %dma_start3A_91] : memref<50x100xi32, #tpu.memory_space<vmem>> -> memref<1x100xi32, #tpu.memory_space<vmem>>
      %dma_start3A_93 = tpu.memref_squeeze %dma_start3A_92 : memref<1x100xi32, #tpu.memory_space<vmem>> -> memref<100xi32, #tpu.memory_space<vmem>>
      %dma_start3A_94 = arith.constant 0 : i32
      %dma_start3A_95 = arith.constant 0 : i32
      %dma_start3A_96 = tpu.memref_slice %arg8[%dma_start3A_94, %dma_start3A_95] : memref<5000x32xf32, #tpu.memory_space<vmem_shared>> -> memref<5000x32xf32, #tpu.memory_space<vmem_shared>>
      tpu.enqueue_indirect_dma source(%dma_start3A_90 : memref<100x32xf32, #tpu.memory_space<vmem>>) target(%dma_start3A_96 : memref<5000x32xf32, #tpu.memory_space<vmem_shared>>) offsets(%dma_start3A_93 : memref<100xi32, #tpu.memory_space<vmem>>) semaphore(%arg9 : memref<!tpu.dma_semaphore, #tpu.memory_space<semaphore_mem>>) {add = true}
      %mul3A_97 = arith.constant 10 : i32
      %mul3A_98 = arith.muli %scan3A_14, %mul3A_97 : i32
      %add3A_99 = arith.constant 6 : i32
      %add3A_100 = arith.addi %mul3A_98, %add3A_99 : i32
      %dma_start3A_101 = arith.constant 600 : i32
      %dma_start3A_102 = arith.constant 0 : i32
      %dma_start3A_103 = tpu.memref_slice %arg7[%dma_start3A_101, %dma_start3A_102] : memref<1000x32xf32, #tpu.memory_space<vmem>> -> memref<100x32xf32, #tpu.memory_space<vmem>>
      %dma_start3A_104 = arith.constant 0 : i32
      %dma_start3A_105 = tpu.memref_slice %arg6[%add3A_100, %dma_start3A_104] : memref<50x100xi32, #tpu.memory_space<vmem>> -> memref<1x100xi32, #tpu.memory_space<vmem>>
      %dma_start3A_106 = tpu.memref_squeeze %dma_start3A_105 : memref<1x100xi32, #tpu.memory_space<vmem>> -> memref<100xi32, #tpu.memory_space<vmem>>
      %dma_start3A_107 = arith.constant 0 : i32
      %dma_start3A_108 = arith.constant 0 : i32
      %dma_start3A_109 = tpu.memref_slice %arg8[%dma_start3A_107, %dma_start3A_108] : memref<5000x32xf32, #tpu.memory_space<vmem_shared>> -> memref<5000x32xf32, #tpu.memory_space<vmem_shared>>
      tpu.enqueue_indirect_dma source(%dma_start3A_103 : memref<100x32xf32, #tpu.memory_space<vmem>>) target(%dma_start3A_109 : memref<5000x32xf32, #tpu.memory_space<vmem_shared>>) offsets(%dma_start3A_106 : memref<100xi32, #tpu.memory_space<vmem>>) semaphore(%arg9 : memref<!tpu.dma_semaphore, #tpu.memory_space<semaphore_mem>>) {add = true}
      %mul3A_110 = arith.constant 10 : i32
      %mul3A_111 = arith.muli %scan3A_14, %mul3A_110 : i32
      %add3A_112 = arith.constant 7 : i32
      %add3A_113 = arith.addi %mul3A_111, %add3A_112 : i32
      %dma_start3A_114 = arith.constant 700 : i32
      %dma_start3A_115 = arith.constant 0 : i32
      %dma_start3A_116 = tpu.memref_slice %arg7[%dma_start3A_114, %dma_start3A_115] : memref<1000x32xf32, #tpu.memory_space<vmem>> -> memref<100x32xf32, #tpu.memory_space<vmem>>
      %dma_start3A_117 = arith.constant 0 : i32
      %dma_start3A_118 = tpu.memref_slice %arg6[%add3A_113, %dma_start3A_117] : memref<50x100xi32, #tpu.memory_space<vmem>> -> memref<1x100xi32, #tpu.memory_space<vmem>>
      %dma_start3A_119 = tpu.memref_squeeze %dma_start3A_118 : memref<1x100xi32, #tpu.memory_space<vmem>> -> memref<100xi32, #tpu.memory_space<vmem>>
      %dma_start3A_120 = arith.constant 0 : i32
      %dma_start3A_121 = arith.constant 0 : i32
      %dma_start3A_122 = tpu.memref_slice %arg8[%dma_start3A_120, %dma_start3A_121] : memref<5000x32xf32, #tpu.memory_space<vmem_shared>> -> memref<5000x32xf32, #tpu.memory_space<vmem_shared>>
      tpu.enqueue_indirect_dma source(%dma_start3A_116 : memref<100x32xf32, #tpu.memory_space<vmem>>) target(%dma_start3A_122 : memref<5000x32xf32, #tpu.memory_space<vmem_shared>>) offsets(%dma_start3A_119 : memref<100xi32, #tpu.memory_space<vmem>>) semaphore(%arg9 : memref<!tpu.dma_semaphore, #tpu.memory_space<semaphore_mem>>) {add = true}
      %mul3A_123 = arith.constant 10 : i32
      %mul3A_124 = arith.muli %scan3A_14, %mul3A_123 : i32
      %add3A_125 = arith.constant 8 : i32
      %add3A_126 = arith.addi %mul3A_124, %add3A_125 : i32
      %dma_start3A_127 = arith.constant 800 : i32
      %dma_start3A_128 = arith.constant 0 : i32
      %dma_start3A_129 = tpu.memref_slice %arg7[%dma_start3A_127, %dma_start3A_128] : memref<1000x32xf32, #tpu.memory_space<vmem>> -> memref<100x32xf32, #tpu.memory_space<vmem>>
      %dma_start3A_130 = arith.constant 0 : i32
      %dma_start3A_131 = tpu.memref_slice %arg6[%add3A_126, %dma_start3A_130] : memref<50x100xi32, #tpu.memory_space<vmem>> -> memref<1x100xi32, #tpu.memory_space<vmem>>
      %dma_start3A_132 = tpu.memref_squeeze %dma_start3A_131 : memref<1x100xi32, #tpu.memory_space<vmem>> -> memref<100xi32, #tpu.memory_space<vmem>>
      %dma_start3A_133 = arith.constant 0 : i32
      %dma_start3A_134 = arith.constant 0 : i32
      %dma_start3A_135 = tpu.memref_slice %arg8[%dma_start3A_133, %dma_start3A_134] : memref<5000x32xf32, #tpu.memory_space<vmem_shared>> -> memref<5000x32xf32, #tpu.memory_space<vmem_shared>>
      tpu.enqueue_indirect_dma source(%dma_start3A_129 : memref<100x32xf32, #tpu.memory_space<vmem>>) target(%dma_start3A_135 : memref<5000x32xf32, #tpu.memory_space<vmem_shared>>) offsets(%dma_start3A_132 : memref<100xi32, #tpu.memory_space<vmem>>) semaphore(%arg9 : memref<!tpu.dma_semaphore, #tpu.memory_space<semaphore_mem>>) {add = true}
      %mul3A_136 = arith.constant 10 : i32
      %mul3A_137 = arith.muli %scan3A_14, %mul3A_136 : i32
      %add3A_138 = arith.constant 9 : i32
      %add3A_139 = arith.addi %mul3A_137, %add3A_138 : i32
      %dma_start3A_140 = arith.constant 900 : i32
      %dma_start3A_141 = arith.constant 0 : i32
      %dma_start3A_142 = tpu.memref_slice %arg7[%dma_start3A_140, %dma_start3A_141] : memref<1000x32xf32, #tpu.memory_space<vmem>> -> memref<100x32xf32, #tpu.memory_space<vmem>>
      %dma_start3A_143 = arith.constant 0 : i32
      %dma_start3A_144 = tpu.memref_slice %arg6[%add3A_139, %dma_start3A_143] : memref<50x100xi32, #tpu.memory_space<vmem>> -> memref<1x100xi32, #tpu.memory_space<vmem>>
      %dma_start3A_145 = tpu.memref_squeeze %dma_start3A_144 : memref<1x100xi32, #tpu.memory_space<vmem>> -> memref<100xi32, #tpu.memory_space<vmem>>
      %dma_start3A_146 = arith.constant 0 : i32
      %dma_start3A_147 = arith.constant 0 : i32
      %dma_start3A_148 = tpu.memref_slice %arg8[%dma_start3A_146, %dma_start3A_147] : memref<5000x32xf32, #tpu.memory_space<vmem_shared>> -> memref<5000x32xf32, #tpu.memory_space<vmem_shared>>
      tpu.enqueue_indirect_dma source(%dma_start3A_142 : memref<100x32xf32, #tpu.memory_space<vmem>>) target(%dma_start3A_148 : memref<5000x32xf32, #tpu.memory_space<vmem_shared>>) offsets(%dma_start3A_145 : memref<100xi32, #tpu.memory_space<vmem>>) semaphore(%arg9 : memref<!tpu.dma_semaphore, #tpu.memory_space<semaphore_mem>>) {add = true}
      %dma_wait3A = arith.constant 0 : i32
      %dma_wait3A_149 = arith.constant 0 : i32
      %dma_wait3A_150 = tpu.memref_slice %arg7[%dma_wait3A, %dma_wait3A_149] : memref<1000x32xf32, #tpu.memory_space<vmem>> -> memref<100x32xf32, #tpu.memory_space<vmem>>
      %dma_wait3A_151 = arith.constant 0 : i32
      %dma_wait3A_152 = tpu.memref_slice %arg6[%add3A_23, %dma_wait3A_151] : memref<50x100xi32, #tpu.memory_space<vmem>> -> memref<1x100xi32, #tpu.memory_space<vmem>>
      %dma_wait3A_153 = tpu.memref_squeeze %dma_wait3A_152 : memref<1x100xi32, #tpu.memory_space<vmem>> -> memref<100xi32, #tpu.memory_space<vmem>>
      %dma_wait3A_154 = arith.constant 0 : i32
      %dma_wait3A_155 = arith.constant 0 : i32
      %dma_wait3A_156 = tpu.memref_slice %arg8[%dma_wait3A_154, %dma_wait3A_155] : memref<5000x32xf32, #tpu.memory_space<vmem_shared>> -> memref<5000x32xf32, #tpu.memory_space<vmem_shared>>
      tpu.wait_indirect_dma semaphore(%arg9 : memref<!tpu.dma_semaphore, #tpu.memory_space<semaphore_mem>>) src(%dma_wait3A_150 : memref<100x32xf32, #tpu.memory_space<vmem>>) dst(%dma_wait3A_156 : memref<5000x32xf32, #tpu.memory_space<vmem_shared>>)
      %dma_wait3A_157 = arith.constant 100 : i32
      %dma_wait3A_158 = arith.constant 0 : i32
      %dma_wait3A_159 = tpu.memref_slice %arg7[%dma_wait3A_157, %dma_wait3A_158] : memref<1000x32xf32, #tpu.memory_space<vmem>> -> memref<100x32xf32, #tpu.memory_space<vmem>>
      %dma_wait3A_160 = arith.constant 0 : i32
      %dma_wait3A_161 = tpu.memref_slice %arg6[%add3A_35, %dma_wait3A_160] : memref<50x100xi32, #tpu.memory_space<vmem>> -> memref<1x100xi32, #tpu.memory_space<vmem>>
      %dma_wait3A_162 = tpu.memref_squeeze %dma_wait3A_161 : memref<1x100xi32, #tpu.memory_space<vmem>> -> memref<100xi32, #tpu.memory_space<vmem>>
      %dma_wait3A_163 = arith.constant 0 : i32
      %dma_wait3A_164 = arith.constant 0 : i32
      %dma_wait3A_165 = tpu.memref_slice %arg8[%dma_wait3A_163, %dma_wait3A_164] : memref<5000x32xf32, #tpu.memory_space<vmem_shared>> -> memref<5000x32xf32, #tpu.memory_space<vmem_shared>>
      tpu.wait_indirect_dma semaphore(%arg9 : memref<!tpu.dma_semaphore, #tpu.memory_space<semaphore_mem>>) src(%dma_wait3A_159 : memref<100x32xf32, #tpu.memory_space<vmem>>) dst(%dma_wait3A_165 : memref<5000x32xf32, #tpu.memory_space<vmem_shared>>)
      %dma_wait3A_166 = arith.constant 200 : i32
      %dma_wait3A_167 = arith.constant 0 : i32
      %dma_wait3A_168 = tpu.memref_slice %arg7[%dma_wait3A_166, %dma_wait3A_167] : memref<1000x32xf32, #tpu.memory_space<vmem>> -> memref<100x32xf32, #tpu.memory_space<vmem>>
      %dma_wait3A_169 = arith.constant 0 : i32
      %dma_wait3A_170 = tpu.memref_slice %arg6[%add3A_48, %dma_wait3A_169] : memref<50x100xi32, #tpu.memory_space<vmem>> -> memref<1x100xi32, #tpu.memory_space<vmem>>
      %dma_wait3A_171 = tpu.memref_squeeze %dma_wait3A_170 : memref<1x100xi32, #tpu.memory_space<vmem>> -> memref<100xi32, #tpu.memory_space<vmem>>
      %dma_wait3A_172 = arith.constant 0 : i32
      %dma_wait3A_173 = arith.constant 0 : i32
      %dma_wait3A_174 = tpu.memref_slice %arg8[%dma_wait3A_172, %dma_wait3A_173] : memref<5000x32xf32, #tpu.memory_space<vmem_shared>> -> memref<5000x32xf32, #tpu.memory_space<vmem_shared>>
      tpu.wait_indirect_dma semaphore(%arg9 : memref<!tpu.dma_semaphore, #tpu.memory_space<semaphore_mem>>) src(%dma_wait3A_168 : memref<100x32xf32, #tpu.memory_space<vmem>>) dst(%dma_wait3A_174 : memref<5000x32xf32, #tpu.memory_space<vmem_shared>>)
      %dma_wait3A_175 = arith.constant 300 : i32
      %dma_wait3A_176 = arith.constant 0 : i32
      %dma_wait3A_177 = tpu.memref_slice %arg7[%dma_wait3A_175, %dma_wait3A_176] : memref<1000x32xf32, #tpu.memory_space<vmem>> -> memref<100x32xf32, #tpu.memory_space<vmem>>
      %dma_wait3A_178 = arith.constant 0 : i32
      %dma_wait3A_179 = tpu.memref_slice %arg6[%add3A_61, %dma_wait3A_178] : memref<50x100xi32, #tpu.memory_space<vmem>> -> memref<1x100xi32, #tpu.memory_space<vmem>>
      %dma_wait3A_180 = tpu.memref_squeeze %dma_wait3A_179 : memref<1x100xi32, #tpu.memory_space<vmem>> -> memref<100xi32, #tpu.memory_space<vmem>>
      %dma_wait3A_181 = arith.constant 0 : i32
      %dma_wait3A_182 = arith.constant 0 : i32
      %dma_wait3A_183 = tpu.memref_slice %arg8[%dma_wait3A_181, %dma_wait3A_182] : memref<5000x32xf32, #tpu.memory_space<vmem_shared>> -> memref<5000x32xf32, #tpu.memory_space<vmem_shared>>
      tpu.wait_indirect_dma semaphore(%arg9 : memref<!tpu.dma_semaphore, #tpu.memory_space<semaphore_mem>>) src(%dma_wait3A_177 : memref<100x32xf32, #tpu.memory_space<vmem>>) dst(%dma_wait3A_183 : memref<5000x32xf32, #tpu.memory_space<vmem_shared>>)
      %dma_wait3A_184 = arith.constant 400 : i32
      %dma_wait3A_185 = arith.constant 0 : i32
      %dma_wait3A_186 = tpu.memref_slice %arg7[%dma_wait3A_184, %dma_wait3A_185] : memref<1000x32xf32, #tpu.memory_space<vmem>> -> memref<100x32xf32, #tpu.memory_space<vmem>>
      %dma_wait3A_187 = arith.constant 0 : i32
      %dma_wait3A_188 = tpu.memref_slice %arg6[%add3A_74, %dma_wait3A_187] : memref<50x100xi32, #tpu.memory_space<vmem>> -> memref<1x100xi32, #tpu.memory_space<vmem>>
      %dma_wait3A_189 = tpu.memref_squeeze %dma_wait3A_188 : memref<1x100xi32, #tpu.memory_space<vmem>> -> memref<100xi32, #tpu.memory_space<vmem>>
      %dma_wait3A_190 = arith.constant 0 : i32
      %dma_wait3A_191 = arith.constant 0 : i32
      %dma_wait3A_192 = tpu.memref_slice %arg8[%dma_wait3A_190, %dma_wait3A_191] : memref<5000x32xf32, #tpu.memory_space<vmem_shared>> -> memref<5000x32xf32, #tpu.memory_space<vmem_shared>>
      tpu.wait_indirect_dma semaphore(%arg9 : memref<!tpu.dma_semaphore, #tpu.memory_space<semaphore_mem>>) src(%dma_wait3A_186 : memref<100x32xf32, #tpu.memory_space<vmem>>) dst(%dma_wait3A_192 : memref<5000x32xf32, #tpu.memory_space<vmem_shared>>)
      %dma_wait3A_193 = arith.constant 500 : i32
      %dma_wait3A_194 = arith.constant 0 : i32
      %dma_wait3A_195 = tpu.memref_slice %arg7[%dma_wait3A_193, %dma_wait3A_194] : memref<1000x32xf32, #tpu.memory_space<vmem>> -> memref<100x32xf32, #tpu.memory_space<vmem>>
      %dma_wait3A_196 = arith.constant 0 : i32
      %dma_wait3A_197 = tpu.memref_slice %arg6[%add3A_87, %dma_wait3A_196] : memref<50x100xi32, #tpu.memory_space<vmem>> -> memref<1x100xi32, #tpu.memory_space<vmem>>
      %dma_wait3A_198 = tpu.memref_squeeze %dma_wait3A_197 : memref<1x100xi32, #tpu.memory_space<vmem>> -> memref<100xi32, #tpu.memory_space<vmem>>
      %dma_wait3A_199 = arith.constant 0 : i32
      %dma_wait3A_200 = arith.constant 0 : i32
      %dma_wait3A_201 = tpu.memref_slice %arg8[%dma_wait3A_199, %dma_wait3A_200] : memref<5000x32xf32, #tpu.memory_space<vmem_shared>> -> memref<5000x32xf32, #tpu.memory_space<vmem_shared>>
      tpu.wait_indirect_dma semaphore(%arg9 : memref<!tpu.dma_semaphore, #tpu.memory_space<semaphore_mem>>) src(%dma_wait3A_195 : memref<100x32xf32, #tpu.memory_space<vmem>>) dst(%dma_wait3A_201 : memref<5000x32xf32, #tpu.memory_space<vmem_shared>>)
      %dma_wait3A_202 = arith.constant 600 : i32
      %dma_wait3A_203 = arith.constant 0 : i32
      %dma_wait3A_204 = tpu.memref_slice %arg7[%dma_wait3A_202, %dma_wait3A_203] : memref<1000x32xf32, #tpu.memory_space<vmem>> -> memref<100x32xf32, #tpu.memory_space<vmem>>
      %dma_wait3A_205 = arith.constant 0 : i32
      %dma_wait3A_206 = tpu.memref_slice %arg6[%add3A_100, %dma_wait3A_205] : memref<50x100xi32, #tpu.memory_space<vmem>> -> memref<1x100xi32, #tpu.memory_space<vmem>>
      %dma_wait3A_207 = tpu.memref_squeeze %dma_wait3A_206 : memref<1x100xi32, #tpu.memory_space<vmem>> -> memref<100xi32, #tpu.memory_space<vmem>>
      %dma_wait3A_208 = arith.constant 0 : i32
      %dma_wait3A_209 = arith.constant 0 : i32
      %dma_wait3A_210 = tpu.memref_slice %arg8[%dma_wait3A_208, %dma_wait3A_209] : memref<5000x32xf32, #tpu.memory_space<vmem_shared>> -> memref<5000x32xf32, #tpu.memory_space<vmem_shared>>
      tpu.wait_indirect_dma semaphore(%arg9 : memref<!tpu.dma_semaphore, #tpu.memory_space<semaphore_mem>>) src(%dma_wait3A_204 : memref<100x32xf32, #tpu.memory_space<vmem>>) dst(%dma_wait3A_210 : memref<5000x32xf32, #tpu.memory_space<vmem_shared>>)
      %dma_wait3A_211 = arith.constant 700 : i32
      %dma_wait3A_212 = arith.constant 0 : i32
      %dma_wait3A_213 = tpu.memref_slice %arg7[%dma_wait3A_211, %dma_wait3A_212] : memref<1000x32xf32, #tpu.memory_space<vmem>> -> memref<100x32xf32, #tpu.memory_space<vmem>>
      %dma_wait3A_214 = arith.constant 0 : i32
      %dma_wait3A_215 = tpu.memref_slice %arg6[%add3A_113, %dma_wait3A_214] : memref<50x100xi32, #tpu.memory_space<vmem>> -> memref<1x100xi32, #tpu.memory_space<vmem>>
      %dma_wait3A_216 = tpu.memref_squeeze %dma_wait3A_215 : memref<1x100xi32, #tpu.memory_space<vmem>> -> memref<100xi32, #tpu.memory_space<vmem>>
      %dma_wait3A_217 = arith.constant 0 : i32
      %dma_wait3A_218 = arith.constant 0 : i32
      %dma_wait3A_219 = tpu.memref_slice %arg8[%dma_wait3A_217, %dma_wait3A_218] : memref<5000x32xf32, #tpu.memory_space<vmem_shared>> -> memref<5000x32xf32, #tpu.memory_space<vmem_shared>>
      tpu.wait_indirect_dma semaphore(%arg9 : memref<!tpu.dma_semaphore, #tpu.memory_space<semaphore_mem>>) src(%dma_wait3A_213 : memref<100x32xf32, #tpu.memory_space<vmem>>) dst(%dma_wait3A_219 : memref<5000x32xf32, #tpu.memory_space<vmem_shared>>)
      %dma_wait3A_220 = arith.constant 800 : i32
      %dma_wait3A_221 = arith.constant 0 : i32
      %dma_wait3A_222 = tpu.memref_slice %arg7[%dma_wait3A_220, %dma_wait3A_221] : memref<1000x32xf32, #tpu.memory_space<vmem>> -> memref<100x32xf32, #tpu.memory_space<vmem>>
      %dma_wait3A_223 = arith.constant 0 : i32
      %dma_wait3A_224 = tpu.memref_slice %arg6[%add3A_126, %dma_wait3A_223] : memref<50x100xi32, #tpu.memory_space<vmem>> -> memref<1x100xi32, #tpu.memory_space<vmem>>
      %dma_wait3A_225 = tpu.memref_squeeze %dma_wait3A_224 : memref<1x100xi32, #tpu.memory_space<vmem>> -> memref<100xi32, #tpu.memory_space<vmem>>
      %dma_wait3A_226 = arith.constant 0 : i32
      %dma_wait3A_227 = arith.constant 0 : i32
      %dma_wait3A_228 = tpu.memref_slice %arg8[%dma_wait3A_226, %dma_wait3A_227] : memref<5000x32xf32, #tpu.memory_space<vmem_shared>> -> memref<5000x32xf32, #tpu.memory_space<vmem_shared>>
      tpu.wait_indirect_dma semaphore(%arg9 : memref<!tpu.dma_semaphore, #tpu.memory_space<semaphore_mem>>) src(%dma_wait3A_222 : memref<100x32xf32, #tpu.memory_space<vmem>>) dst(%dma_wait3A_228 : memref<5000x32xf32, #tpu.memory_space<vmem_shared>>)
      %dma_wait3A_229 = arith.constant 900 : i32
      %dma_wait3A_230 = arith.constant 0 : i32
      %dma_wait3A_231 = tpu.memref_slice %arg7[%dma_wait3A_229, %dma_wait3A_230] : memref<1000x32xf32, #tpu.memory_space<vmem>> -> memref<100x32xf32, #tpu.memory_space<vmem>>
      %dma_wait3A_232 = arith.constant 0 : i32
      %dma_wait3A_233 = tpu.memref_slice %arg6[%add3A_139, %dma_wait3A_232] : memref<50x100xi32, #tpu.memory_space<vmem>> -> memref<1x100xi32, #tpu.memory_space<vmem>>
      %dma_wait3A_234 = tpu.memref_squeeze %dma_wait3A_233 : memref<1x100xi32, #tpu.memory_space<vmem>> -> memref<100xi32, #tpu.memory_space<vmem>>
      %dma_wait3A_235 = arith.constant 0 : i32
      %dma_wait3A_236 = arith.constant 0 : i32
      %dma_wait3A_237 = tpu.memref_slice %arg8[%dma_wait3A_235, %dma_wait3A_236] : memref<5000x32xf32, #tpu.memory_space<vmem_shared>> -> memref<5000x32xf32, #tpu.memory_space<vmem_shared>>
      tpu.wait_indirect_dma semaphore(%arg9 : memref<!tpu.dma_semaphore, #tpu.memory_space<semaphore_mem>>) src(%dma_wait3A_231 : memref<100x32xf32, #tpu.memory_space<vmem>>) dst(%dma_wait3A_237 : memref<5000x32xf32, #tpu.memory_space<vmem_shared>>)
    }
    %scan3A_7 = arith.constant 5 : i32
    %barrier3A_8 = arith.constant 0 : index
    tpu.barrier barrier_id(%barrier3A_8)
    %eq3A_9 = arith.constant 0 : i32
    %eq3A_10 = arith.cmpi eq, %arg1, %eq3A_9 : i32
    %convert_element_type3A_11 = arith.extui %eq3A_10 : i1 to i32
    %cond3A_12 = arith.constant 0 : i32
    %cond3A_13 = arith.cmpi ne, %convert_element_type3A_11, %cond3A_12 : i32
    scf.if %cond3A_13 {
      "tpu.region"() ({
        %run_scoped3A = tpu.sem_alloc : memref<!tpu.dma_semaphore, #tpu.memory_space<semaphore_mem>>
        %dma_start3A = arith.constant 0 : i32
        %dma_start3A_14 = arith.constant 0 : i32
        %dma_start3A_15 = tpu.memref_slice %arg5[%arg0, %dma_start3A, %dma_start3A_14] : memref<2x5000x32xf32, #tpu.memory_space<hbm>> -> memref<1x5000x32xf32, #tpu.memory_space<hbm>>
        %dma_start3A_16 = tpu.memref_squeeze %dma_start3A_15 : memref<1x5000x32xf32, #tpu.memory_space<hbm>> -> memref<5000x32xf32, #tpu.memory_space<hbm>>
        tpu.enqueue_dma source(%arg8 : memref<5000x32xf32, #tpu.memory_space<vmem_shared>>) target(%dma_start3A_16 : memref<5000x32xf32, #tpu.memory_space<hbm>>) target_semaphore(%run_scoped3A : memref<!tpu.dma_semaphore, #tpu.memory_space<semaphore_mem>>)
        %dma_wait3A = arith.constant 0 : i32
        %dma_wait3A_17 = arith.constant 0 : i32
        %dma_wait3A_18 = tpu.memref_slice %arg5[%arg0, %dma_wait3A, %dma_wait3A_17] : memref<2x5000x32xf32, #tpu.memory_space<hbm>> -> memref<1x5000x32xf32, #tpu.memory_space<hbm>>
        %dma_wait3A_19 = tpu.memref_squeeze %dma_wait3A_18 : memref<1x5000x32xf32, #tpu.memory_space<hbm>> -> memref<5000x32xf32, #tpu.memory_space<hbm>>
        tpu.wait_dma2 semaphore(%run_scoped3A : memref<!tpu.dma_semaphore, #tpu.memory_space<semaphore_mem>>) src(%arg8 : memref<5000x32xf32, #tpu.memory_space<vmem_shared>>) dst(%dma_wait3A_19 : memref<5000x32xf32, #tpu.memory_space<hbm>>)
        tpu.yield
      }) : () -> ()
    } else {
    }
    return
  }
}

module attributes {stable_mosaic.version = 14 : i64} {
  func.func @_embed_body(%arg0: i32, %arg1: memref<1000x128xf32, #tpu.memory_space<vmem>>, %arg2: memref<2x128x64xf32, #tpu.memory_space<vmem>>, %arg3: memref<2x64xf32, #tpu.memory_space<vmem>>, %arg4: memref<2x64x64xf32, #tpu.memory_space<vmem>>, %arg5: memref<2x64xf32, #tpu.memory_space<vmem>>, %arg6: memref<2x64x16xf32, #tpu.memory_space<vmem>>, %arg7: memref<2x16xf32, #tpu.memory_space<vmem>>, %arg8: memref<1000x16xf32, #tpu.memory_space<vmem>>) attributes {dimension_semantics = [#tpu.dimension_semantics<arbitrary>], iteration_bounds = array<i64: 10>, scalar_prefetch = 0 : i64, scratch_operands = 0 : i64, tpu.core_type = #tpu.core_type<tc>, window_params = [{transform_indices = @transform_0, window_bounds = array<i64: 1000, 128>}, {pipeline_mode = #tpu.pipeline_mode<synchronous>, transform_indices = @transform_1, window_bounds = array<i64: 2, 128, 64>}, {pipeline_mode = #tpu.pipeline_mode<synchronous>, transform_indices = @transform_2, window_bounds = array<i64: 2, 64>}, {pipeline_mode = #tpu.pipeline_mode<synchronous>, transform_indices = @transform_3, window_bounds = array<i64: 2, 64, 64>}, {pipeline_mode = #tpu.pipeline_mode<synchronous>, transform_indices = @transform_4, window_bounds = array<i64: 2, 64>}, {pipeline_mode = #tpu.pipeline_mode<synchronous>, transform_indices = @transform_5, window_bounds = array<i64: 2, 64, 16>}, {pipeline_mode = #tpu.pipeline_mode<synchronous>, transform_indices = @transform_6, window_bounds = array<i64: 2, 16>}, {transform_indices = @transform_7, window_bounds = array<i64: 1000, 16>}]} {
    %lt3A = arith.constant 2 : i32
    %lt3A_0 = arith.cmpi slt, %arg0, %lt3A : i32
    %get3A = arith.constant 0 : index
    %get3A_1 = arith.constant 0 : index
    %get3A_2 = arith.constant 0 : index
    %get3A_3 = vector.load %arg2[%get3A, %get3A_1, %get3A_2] : memref<2x128x64xf32, #tpu.memory_space<vmem>>, vector<1x128x64xf32>
    %get3A_4 = vector.shape_cast %get3A_3 : vector<1x128x64xf32> to vector<128x64xf32>
    %get3A_5 = arith.constant 1 : index
    %get3A_6 = arith.constant 0 : index
    %get3A_7 = arith.constant 0 : index
    %get3A_8 = vector.load %arg2[%get3A_5, %get3A_6, %get3A_7] : memref<2x128x64xf32, #tpu.memory_space<vmem>>, vector<1x128x64xf32>
    %get3A_9 = vector.shape_cast %get3A_8 : vector<1x128x64xf32> to vector<128x64xf32>
    %select_n3A = arith.select %lt3A_0, %get3A_4, %get3A_9 : vector<128x64xf32>
    %get3A_10 = arith.constant 0 : index
    %get3A_11 = arith.constant 0 : index
    %get3A_12 = vector.load %arg3[%get3A_10, %get3A_11] : memref<2x64xf32, #tpu.memory_space<vmem>>, vector<1x64xf32>
    %get3A_13 = vector.shape_cast %get3A_12 : vector<1x64xf32> to vector<64xf32>
    %get3A_14 = arith.constant 1 : index
    %get3A_15 = arith.constant 0 : index
    %get3A_16 = vector.load %arg3[%get3A_14, %get3A_15] : memref<2x64xf32, #tpu.memory_space<vmem>>, vector<1x64xf32>
    %get3A_17 = vector.shape_cast %get3A_16 : vector<1x64xf32> to vector<64xf32>
    %select_n3A_18 = arith.select %lt3A_0, %get3A_13, %get3A_17 : vector<64xf32>
    %get3A_19 = arith.constant 0 : index
    %get3A_20 = arith.constant 0 : index
    %get3A_21 = arith.constant 0 : index
    %get3A_22 = vector.load %arg4[%get3A_19, %get3A_20, %get3A_21] : memref<2x64x64xf32, #tpu.memory_space<vmem>>, vector<1x64x64xf32>
    %get3A_23 = vector.shape_cast %get3A_22 : vector<1x64x64xf32> to vector<64x64xf32>
    %get3A_24 = arith.constant 1 : index
    %get3A_25 = arith.constant 0 : index
    %get3A_26 = arith.constant 0 : index
    %get3A_27 = vector.load %arg4[%get3A_24, %get3A_25, %get3A_26] : memref<2x64x64xf32, #tpu.memory_space<vmem>>, vector<1x64x64xf32>
    %get3A_28 = vector.shape_cast %get3A_27 : vector<1x64x64xf32> to vector<64x64xf32>
    %select_n3A_29 = arith.select %lt3A_0, %get3A_23, %get3A_28 : vector<64x64xf32>
    %get3A_30 = arith.constant 0 : index
    %get3A_31 = arith.constant 0 : index
    %get3A_32 = vector.load %arg5[%get3A_30, %get3A_31] : memref<2x64xf32, #tpu.memory_space<vmem>>, vector<1x64xf32>
    %get3A_33 = vector.shape_cast %get3A_32 : vector<1x64xf32> to vector<64xf32>
    %get3A_34 = arith.constant 1 : index
    %get3A_35 = arith.constant 0 : index
    %get3A_36 = vector.load %arg5[%get3A_34, %get3A_35] : memref<2x64xf32, #tpu.memory_space<vmem>>, vector<1x64xf32>
    %get3A_37 = vector.shape_cast %get3A_36 : vector<1x64xf32> to vector<64xf32>
    %select_n3A_38 = arith.select %lt3A_0, %get3A_33, %get3A_37 : vector<64xf32>
    %get3A_39 = arith.constant 0 : index
    %get3A_40 = arith.constant 0 : index
    %get3A_41 = arith.constant 0 : index
    %get3A_42 = vector.load %arg6[%get3A_39, %get3A_40, %get3A_41] : memref<2x64x16xf32, #tpu.memory_space<vmem>>, vector<1x64x16xf32>
    %get3A_43 = vector.shape_cast %get3A_42 : vector<1x64x16xf32> to vector<64x16xf32>
    %get3A_44 = arith.constant 1 : index
    %get3A_45 = arith.constant 0 : index
    %get3A_46 = arith.constant 0 : index
    %get3A_47 = vector.load %arg6[%get3A_44, %get3A_45, %get3A_46] : memref<2x64x16xf32, #tpu.memory_space<vmem>>, vector<1x64x16xf32>
    %get3A_48 = vector.shape_cast %get3A_47 : vector<1x64x16xf32> to vector<64x16xf32>
    %select_n3A_49 = arith.select %lt3A_0, %get3A_43, %get3A_48 : vector<64x16xf32>
    %get3A_50 = arith.constant 0 : index
    %get3A_51 = arith.constant 0 : index
    %get3A_52 = vector.load %arg7[%get3A_50, %get3A_51] : memref<2x16xf32, #tpu.memory_space<vmem>>, vector<1x16xf32>
    %get3A_53 = vector.shape_cast %get3A_52 : vector<1x16xf32> to vector<16xf32>
    %get3A_54 = arith.constant 1 : index
    %get3A_55 = arith.constant 0 : index
    %get3A_56 = vector.load %arg7[%get3A_54, %get3A_55] : memref<2x16xf32, #tpu.memory_space<vmem>>, vector<1x16xf32>
    %get3A_57 = vector.shape_cast %get3A_56 : vector<1x16xf32> to vector<16xf32>
    %select_n3A_58 = arith.select %lt3A_0, %get3A_53, %get3A_57 : vector<16xf32>
    %get3A_59 = arith.constant 0 : index
    %get3A_60 = arith.constant 0 : index
    %get3A_61 = vector.load %arg1[%get3A_59, %get3A_60] : memref<1000x128xf32, #tpu.memory_space<vmem>>, vector<1000x128xf32>
    %dot_general3A = arith.constant dense<0.000000e+00> : vector<1000x64xf32>
    %dot_general3A_62 = tpu.matmul %get3A_61, %select_n3A, %dot_general3A {dimension_numbers = #tpu.dot_dimension_numbers<[1], [0], [0], [1], [0, 0, 1, 1], [], []>, transpose_lhs_hint = false} : vector<1000x128xf32>, vector<128x64xf32>, vector<1000x64xf32> -> vector<1000x64xf32>
    %broadcast_in_dim3A = vector.shape_cast %select_n3A_18 : vector<64xf32> to vector<1x64xf32>
    %add3A = vector.broadcast %broadcast_in_dim3A : vector<1x64xf32> to vector<1000x64xf32>
    %add3A_63 = arith.addf %dot_general3A_62, %add3A : vector<1000x64xf32>
    %ge3A = arith.constant 0.000000e+00 : f32
    %ge3A_64 = vector.broadcast %ge3A : f32 to vector<1000x64xf32>
    %ge3A_65 = arith.cmpf oge, %add3A_63, %ge3A_64 : vector<1000x64xf32>
    %mul3A = arith.constant 0.00999999977 : f32
    %mul3A_66 = vector.broadcast %mul3A : f32 to vector<1000x64xf32>
    %mul3A_67 = arith.mulf %mul3A_66, %add3A_63 : vector<1000x64xf32>
    %select_n3A_68 = arith.select %ge3A_65, %add3A_63, %mul3A_67 : vector<1000x64xi1>, vector<1000x64xf32>
    %dot_general3A_69 = arith.constant dense<0.000000e+00> : vector<1000x64xf32>
    %dot_general3A_70 = tpu.matmul %select_n3A_68, %select_n3A_29, %dot_general3A_69 {dimension_numbers = #tpu.dot_dimension_numbers<[1], [0], [0], [1], [0, 0, 1, 1], [], []>, transpose_lhs_hint = false} : vector<1000x64xf32>, vector<64x64xf32>, vector<1000x64xf32> -> vector<1000x64xf32>
    %broadcast_in_dim3A_71 = vector.shape_cast %select_n3A_38 : vector<64xf32> to vector<1x64xf32>
    %add3A_72 = vector.broadcast %broadcast_in_dim3A_71 : vector<1x64xf32> to vector<1000x64xf32>
    %add3A_73 = arith.addf %dot_general3A_70, %add3A_72 : vector<1000x64xf32>
    %ge3A_74 = arith.constant 0.000000e+00 : f32
    %ge3A_75 = vector.broadcast %ge3A_74 : f32 to vector<1000x64xf32>
    %ge3A_76 = arith.cmpf oge, %add3A_73, %ge3A_75 : vector<1000x64xf32>
    %mul3A_77 = arith.constant 0.00999999977 : f32
    %mul3A_78 = vector.broadcast %mul3A_77 : f32 to vector<1000x64xf32>
    %mul3A_79 = arith.mulf %mul3A_78, %add3A_73 : vector<1000x64xf32>
    %select_n3A_80 = arith.select %ge3A_76, %add3A_73, %mul3A_79 : vector<1000x64xi1>, vector<1000x64xf32>
    %dot_general3A_81 = arith.constant dense<0.000000e+00> : vector<1000x16xf32>
    %dot_general3A_82 = tpu.matmul %select_n3A_80, %select_n3A_49, %dot_general3A_81 {dimension_numbers = #tpu.dot_dimension_numbers<[1], [0], [0], [1], [0, 0, 1, 1], [], []>, transpose_lhs_hint = false} : vector<1000x64xf32>, vector<64x16xf32>, vector<1000x16xf32> -> vector<1000x16xf32>
    %broadcast_in_dim3A_83 = vector.shape_cast %select_n3A_58 : vector<16xf32> to vector<1x16xf32>
    %add3A_84 = vector.broadcast %broadcast_in_dim3A_83 : vector<1x16xf32> to vector<1000x16xf32>
    %add3A_85 = arith.addf %dot_general3A_82, %add3A_84 : vector<1000x16xf32>
    %swap3A = arith.constant 0 : index
    %swap3A_86 = arith.constant 0 : index
    %swap3A_87 = vector.load %arg8[%swap3A, %swap3A_86] : memref<1000x16xf32, #tpu.memory_space<vmem>>, vector<1000x16xf32>
    tpu.vector_store %arg8[%swap3A, %swap3A_86], %add3A_85 {strides = array<i32>} : memref<1000x16xf32, #tpu.memory_space<vmem>>, vector<1000x16xf32>,
    return
  }
  func.func @transform_0(%arg0: i32) -> (i32, i32) {
    %c0_i32 = arith.constant 0 : i32
    %c0_i32_0 = arith.constant 0 : i32
    return %arg0, %c0_i32 : i32, i32
  }
  func.func @transform_1(%arg0: i32) -> (i32, i32, i32) {
    %c0_i32 = arith.constant 0 : i32
    %c0_i32_0 = arith.constant 0 : i32
    %c0_i32_1 = arith.constant 0 : i32
    %c0_i32_2 = arith.constant 0 : i32
    return %c0_i32, %c0_i32_0, %c0_i32_1 : i32, i32, i32
  }
  func.func @transform_2(%arg0: i32) -> (i32, i32) {
    %c0_i32 = arith.constant 0 : i32
    %c0_i32_0 = arith.constant 0 : i32
    %c0_i32_1 = arith.constant 0 : i32
    return %c0_i32, %c0_i32_0 : i32, i32
  }
  func.func @transform_3(%arg0: i32) -> (i32, i32, i32) {
    %c0_i32 = arith.constant 0 : i32
    %c0_i32_0 = arith.constant 0 : i32
    %c0_i32_1 = arith.constant 0 : i32
    %c0_i32_2 = arith.constant 0 : i32
    return %c0_i32, %c0_i32_0, %c0_i32_1 : i32, i32, i32
  }
  func.func @transform_4(%arg0: i32) -> (i32, i32) {
    %c0_i32 = arith.constant 0 : i32
    %c0_i32_0 = arith.constant 0 : i32
    %c0_i32_1 = arith.constant 0 : i32
    return %c0_i32, %c0_i32_0 : i32, i32
  }
  func.func @transform_5(%arg0: i32) -> (i32, i32, i32) {
    %c0_i32 = arith.constant 0 : i32
    %c0_i32_0 = arith.constant 0 : i32
    %c0_i32_1 = arith.constant 0 : i32
    %c0_i32_2 = arith.constant 0 : i32
    return %c0_i32, %c0_i32_0, %c0_i32_1 : i32, i32, i32
  }
  func.func @transform_6(%arg0: i32) -> (i32, i32) {
    %c0_i32 = arith.constant 0 : i32
    %c0_i32_0 = arith.constant 0 : i32
    %c0_i32_1 = arith.constant 0 : i32
    return %c0_i32, %c0_i32_0 : i32, i32
  }
  func.func @transform_7(%arg0: i32) -> (i32, i32) {
    %c0_i32 = arith.constant 0 : i32
    %c0_i32_0 = arith.constant 0 : i32
    return %arg0, %c0_i32 : i32, i32
  }
}

module attributes {stable_mosaic.version = 14 : i64} {
  func.func @_msg_body(%arg0: i32, %arg1: memref<16x3200xf32, #tpu.memory_space<vmem>>, %arg2: memref<400x128xf32, #tpu.memory_space<vmem>>, %arg3: memref<16x16xf32, #tpu.memory_space<vmem>>, %arg4: memref<16x1xf32, #tpu.memory_space<vmem>>, %arg5: memref<16x16xf32, #tpu.memory_space<vmem>>, %arg6: memref<16x1xf32, #tpu.memory_space<vmem>>, %arg7: memref<16x256xf32, #tpu.memory_space<vmem>>, %arg8: memref<16x256xf32, #tpu.memory_space<vmem>>, %arg9: memref<16x16xf32, #tpu.memory_space<vmem>>, %arg10: memref<800x128xf32, #tpu.memory_space<vmem>>) attributes {dimension_semantics = [#tpu.dimension_semantics<arbitrary>], iteration_bounds = array<i64: 50>, scalar_prefetch = 0 : i64, scratch_operands = 0 : i64, tpu.core_type = #tpu.core_type<tc>, window_params = [{transform_indices = @transform_0, window_bounds = array<i64: 16, 3200>}, {transform_indices = @transform_1, window_bounds = array<i64: 400, 128>}, {pipeline_mode = #tpu.pipeline_mode<synchronous>, transform_indices = @transform_2, window_bounds = array<i64: 16, 16>}, {pipeline_mode = #tpu.pipeline_mode<synchronous>, transform_indices = @transform_3, window_bounds = array<i64: 16, 1>}, {pipeline_mode = #tpu.pipeline_mode<synchronous>, transform_indices = @transform_4, window_bounds = array<i64: 16, 16>}, {pipeline_mode = #tpu.pipeline_mode<synchronous>, transform_indices = @transform_5, window_bounds = array<i64: 16, 1>}, {pipeline_mode = #tpu.pipeline_mode<synchronous>, transform_indices = @transform_6, window_bounds = array<i64: 16, 256>}, {pipeline_mode = #tpu.pipeline_mode<synchronous>, transform_indices = @transform_7, window_bounds = array<i64: 16, 256>}, {pipeline_mode = #tpu.pipeline_mode<synchronous>, transform_indices = @transform_8, window_bounds = array<i64: 16, 16>}, {transform_indices = @transform_9, window_bounds = array<i64: 800, 128>}]} {
    %get3A = arith.constant 0 : index
    %get3A_0 = arith.constant 0 : index
    %get3A_1 = vector.load %arg1[%get3A, %get3A_0] : memref<16x3200xf32, #tpu.memory_space<vmem>>, vector<16x3200xf32>
    %get3A_2 = arith.constant 0 : index
    %get3A_3 = arith.constant 0 : index
    %get3A_4 = vector.load %arg2[%get3A_2, %get3A_3] : memref<400x128xf32, #tpu.memory_space<vmem>>, vector<400x128xf32>
    %transpose3A = tpu.transpose %get3A_4, [1, 0] : vector<400x128xf32> -> vector<128x400xf32>
    %get3A_5 = arith.constant 0 : index
    %get3A_6 = arith.constant 0 : index
    %get3A_7 = vector.load %arg3[%get3A_5, %get3A_6] : memref<16x16xf32, #tpu.memory_space<vmem>>, vector<16x16xf32>
    %dot_general3A = arith.constant dense<0.000000e+00> : vector<16x3200xf32>
    %dot_general3A_8 = tpu.matmul %get3A_7, %get3A_1, %dot_general3A {dimension_numbers = #tpu.dot_dimension_numbers<[1], [0], [0], [1], [0, 0, 1, 1], [], []>, transpose_lhs_hint = false} : vector<16x16xf32>, vector<16x3200xf32>, vector<16x3200xf32> -> vector<16x3200xf32>
    %get3A_9 = arith.constant 0 : index
    %get3A_10 = arith.constant 0 : index
    %get3A_11 = vector.load %arg4[%get3A_9, %get3A_10] : memref<16x1xf32, #tpu.memory_space<vmem>>, vector<16x1xf32>
    %add3A = vector.broadcast %get3A_11 : vector<16x1xf32> to vector<16x3200xf32>
    %add3A_12 = arith.addf %dot_general3A_8, %add3A : vector<16x3200xf32>
    %ge3A = arith.constant 0.000000e+00 : f32
    %ge3A_13 = vector.broadcast %ge3A : f32 to vector<16x3200xf32>
    %ge3A_14 = arith.cmpf oge, %add3A_12, %ge3A_13 : vector<16x3200xf32>
    %mul3A = arith.constant 0.00999999977 : f32
    %mul3A_15 = vector.broadcast %mul3A : f32 to vector<16x3200xf32>
    %mul3A_16 = arith.mulf %mul3A_15, %add3A_12 : vector<16x3200xf32>
    %select_n3A = arith.select %ge3A_14, %add3A_12, %mul3A_16 : vector<16x3200xi1>, vector<16x3200xf32>
    %get3A_17 = arith.constant 0 : index
    %get3A_18 = arith.constant 0 : index
    %get3A_19 = vector.load %arg5[%get3A_17, %get3A_18] : memref<16x16xf32, #tpu.memory_space<vmem>>, vector<16x16xf32>
    %dot_general3A_20 = arith.constant dense<0.000000e+00> : vector<16x3200xf32>
    %dot_general3A_21 = tpu.matmul %get3A_19, %select_n3A, %dot_general3A_20 {dimension_numbers = #tpu.dot_dimension_numbers<[1], [0], [0], [1], [0, 0, 1, 1], [], []>, transpose_lhs_hint = false} : vector<16x16xf32>, vector<16x3200xf32>, vector<16x3200xf32> -> vector<16x3200xf32>
    %get3A_22 = arith.constant 0 : index
    %get3A_23 = arith.constant 0 : index
    %get3A_24 = vector.load %arg6[%get3A_22, %get3A_23] : memref<16x1xf32, #tpu.memory_space<vmem>>, vector<16x1xf32>
    %add3A_25 = vector.broadcast %get3A_24 : vector<16x1xf32> to vector<16x3200xf32>
    %add3A_26 = arith.addf %dot_general3A_21, %add3A_25 : vector<16x3200xf32>
    %ge3A_27 = arith.constant 0.000000e+00 : f32
    %ge3A_28 = vector.broadcast %ge3A_27 : f32 to vector<16x3200xf32>
    %ge3A_29 = arith.cmpf oge, %add3A_26, %ge3A_28 : vector<16x3200xf32>
    %mul3A_30 = arith.constant 0.00999999977 : f32
    %mul3A_31 = vector.broadcast %mul3A_30 : f32 to vector<16x3200xf32>
    %mul3A_32 = arith.mulf %mul3A_31, %add3A_26 : vector<16x3200xf32>
    %select_n3A_33 = arith.select %ge3A_29, %add3A_26, %mul3A_32 : vector<16x3200xi1>, vector<16x3200xf32>
    %slice3A = vector.extract_strided_slice %transpose3A {offsets = [0, 0], sizes = [16, 400], strides = [1, 1]} : vector<128x400xf32> to vector<16x400xf32>
    %slice3A_34 = vector.extract_strided_slice %select_n3A_33 {offsets = [0, 0], sizes = [16, 400], strides = [1, 1]} : vector<16x3200xf32> to vector<16x400xf32>
    %slice3A_35 = vector.extract_strided_slice %slice3A {offsets = [0, 0], sizes = [1, 400], strides = [1, 1]} : vector<16x400xf32> to vector<1x400xf32>
    %mul3A_36 = vector.broadcast %slice3A_35 : vector<1x400xf32> to vector<16x400xf32>
    %mul3A_37 = arith.mulf %mul3A_36, %slice3A_34 : vector<16x400xf32>
    %slice3A_38 = vector.extract_strided_slice %slice3A {offsets = [1, 0], sizes = [1, 400], strides = [1, 1]} : vector<16x400xf32> to vector<1x400xf32>
    %mul3A_39 = vector.broadcast %slice3A_38 : vector<1x400xf32> to vector<16x400xf32>
    %mul3A_40 = arith.mulf %mul3A_39, %slice3A_34 : vector<16x400xf32>
    %slice3A_41 = vector.extract_strided_slice %slice3A {offsets = [2, 0], sizes = [1, 400], strides = [1, 1]} : vector<16x400xf32> to vector<1x400xf32>
    %mul3A_42 = vector.broadcast %slice3A_41 : vector<1x400xf32> to vector<16x400xf32>
    %mul3A_43 = arith.mulf %mul3A_42, %slice3A_34 : vector<16x400xf32>
    %slice3A_44 = vector.extract_strided_slice %slice3A {offsets = [3, 0], sizes = [1, 400], strides = [1, 1]} : vector<16x400xf32> to vector<1x400xf32>
    %mul3A_45 = vector.broadcast %slice3A_44 : vector<1x400xf32> to vector<16x400xf32>
    %mul3A_46 = arith.mulf %mul3A_45, %slice3A_34 : vector<16x400xf32>
    %slice3A_47 = vector.extract_strided_slice %slice3A {offsets = [4, 0], sizes = [1, 400], strides = [1, 1]} : vector<16x400xf32> to vector<1x400xf32>
    %mul3A_48 = vector.broadcast %slice3A_47 : vector<1x400xf32> to vector<16x400xf32>
    %mul3A_49 = arith.mulf %mul3A_48, %slice3A_34 : vector<16x400xf32>
    %slice3A_50 = vector.extract_strided_slice %slice3A {offsets = [5, 0], sizes = [1, 400], strides = [1, 1]} : vector<16x400xf32> to vector<1x400xf32>
    %mul3A_51 = vector.broadcast %slice3A_50 : vector<1x400xf32> to vector<16x400xf32>
    %mul3A_52 = arith.mulf %mul3A_51, %slice3A_34 : vector<16x400xf32>
    %slice3A_53 = vector.extract_strided_slice %slice3A {offsets = [6, 0], sizes = [1, 400], strides = [1, 1]} : vector<16x400xf32> to vector<1x400xf32>
    %mul3A_54 = vector.broadcast %slice3A_53 : vector<1x400xf32> to vector<16x400xf32>
    %mul3A_55 = arith.mulf %mul3A_54, %slice3A_34 : vector<16x400xf32>
    %slice3A_56 = vector.extract_strided_slice %slice3A {offsets = [7, 0], sizes = [1, 400], strides = [1, 1]} : vector<16x400xf32> to vector<1x400xf32>
    %mul3A_57 = vector.broadcast %slice3A_56 : vector<1x400xf32> to vector<16x400xf32>
    %mul3A_58 = arith.mulf %mul3A_57, %slice3A_34 : vector<16x400xf32>
    %slice3A_59 = vector.extract_strided_slice %slice3A {offsets = [8, 0], sizes = [1, 400], strides = [1, 1]} : vector<16x400xf32> to vector<1x400xf32>
    %mul3A_60 = vector.broadcast %slice3A_59 : vector<1x400xf32> to vector<16x400xf32>
    %mul3A_61 = arith.mulf %mul3A_60, %slice3A_34 : vector<16x400xf32>
    %slice3A_62 = vector.extract_strided_slice %slice3A {offsets = [9, 0], sizes = [1, 400], strides = [1, 1]} : vector<16x400xf32> to vector<1x400xf32>
    %mul3A_63 = vector.broadcast %slice3A_62 : vector<1x400xf32> to vector<16x400xf32>
    %mul3A_64 = arith.mulf %mul3A_63, %slice3A_34 : vector<16x400xf32>
    %slice3A_65 = vector.extract_strided_slice %slice3A {offsets = [10, 0], sizes = [1, 400], strides = [1, 1]} : vector<16x400xf32> to vector<1x400xf32>
    %mul3A_66 = vector.broadcast %slice3A_65 : vector<1x400xf32> to vector<16x400xf32>
    %mul3A_67 = arith.mulf %mul3A_66, %slice3A_34 : vector<16x400xf32>
    %slice3A_68 = vector.extract_strided_slice %slice3A {offsets = [11, 0], sizes = [1, 400], strides = [1, 1]} : vector<16x400xf32> to vector<1x400xf32>
    %mul3A_69 = vector.broadcast %slice3A_68 : vector<1x400xf32> to vector<16x400xf32>
    %mul3A_70 = arith.mulf %mul3A_69, %slice3A_34 : vector<16x400xf32>
    %slice3A_71 = vector.extract_strided_slice %slice3A {offsets = [12, 0], sizes = [1, 400], strides = [1, 1]} : vector<16x400xf32> to vector<1x400xf32>
    %mul3A_72 = vector.broadcast %slice3A_71 : vector<1x400xf32> to vector<16x400xf32>
    %mul3A_73 = arith.mulf %mul3A_72, %slice3A_34 : vector<16x400xf32>
    %slice3A_74 = vector.extract_strided_slice %slice3A {offsets = [13, 0], sizes = [1, 400], strides = [1, 1]} : vector<16x400xf32> to vector<1x400xf32>
    %mul3A_75 = vector.broadcast %slice3A_74 : vector<1x400xf32> to vector<16x400xf32>
    %mul3A_76 = arith.mulf %mul3A_75, %slice3A_34 : vector<16x400xf32>
    %slice3A_77 = vector.extract_strided_slice %slice3A {offsets = [14, 0], sizes = [1, 400], strides = [1, 1]} : vector<16x400xf32> to vector<1x400xf32>
    %mul3A_78 = vector.broadcast %slice3A_77 : vector<1x400xf32> to vector<16x400xf32>
    %mul3A_79 = arith.mulf %mul3A_78, %slice3A_34 : vector<16x400xf32>
    %slice3A_80 = vector.extract_strided_slice %slice3A {offsets = [15, 0], sizes = [1, 400], strides = [1, 1]} : vector<16x400xf32> to vector<1x400xf32>
    %mul3A_81 = vector.broadcast %slice3A_80 : vector<1x400xf32> to vector<16x400xf32>
    %mul3A_82 = arith.mulf %mul3A_81, %slice3A_34 : vector<16x400xf32>
    %concatenate3A = tpu.concatenate %mul3A_37, %mul3A_40, %mul3A_43, %mul3A_46, %mul3A_49, %mul3A_52, %mul3A_55, %mul3A_58, %mul3A_61, %mul3A_64, %mul3A_67, %mul3A_70, %mul3A_73, %mul3A_76, %mul3A_79, %mul3A_82 in 0 : vector<16x400xf32>, vector<16x400xf32>, vector<16x400xf32>, vector<16x400xf32>, vector<16x400xf32>, vector<16x400xf32>, vector<16x400xf32>, vector<16x400xf32>, vector<16x400xf32>, vector<16x400xf32>, vector<16x400xf32>, vector<16x400xf32>, vector<16x400xf32>, vector<16x400xf32>, vector<16x400xf32>, vector<16x400xf32> -> vector<256x400xf32>
    %convert_element_type3A = arith.truncf %concatenate3A : vector<256x400xf32> to vector<256x400xbf16>
    %convert_element_type3A_83 = arith.extf %convert_element_type3A : vector<256x400xbf16> to vector<256x400xf32>
    %sub3A = arith.subf %concatenate3A, %convert_element_type3A_83 : vector<256x400xf32>
    %get3A_84 = arith.constant 0 : index
    %get3A_85 = arith.constant 0 : index
    %get3A_86 = vector.load %arg7[%get3A_84, %get3A_85] : memref<16x256xf32, #tpu.memory_space<vmem>>, vector<16x256xf32>
    %dot_general3A_87 = arith.constant dense<0.000000e+00> : vector<16x400xf32>
    %dot_general3A_88 = tpu.matmul %get3A_86, %convert_element_type3A_83, %dot_general3A_87 {dimension_numbers = #tpu.dot_dimension_numbers<[1], [0], [0], [1], [0, 0, 1, 1], [], []>, transpose_lhs_hint = false} : vector<16x256xf32>, vector<256x400xf32>, vector<16x400xf32> -> vector<16x400xf32>
    %get3A_89 = arith.constant 0 : index
    %get3A_90 = arith.constant 0 : index
    %get3A_91 = vector.load %arg7[%get3A_89, %get3A_90] : memref<16x256xf32, #tpu.memory_space<vmem>>, vector<16x256xf32>
    %dot_general3A_92 = arith.constant dense<0.000000e+00> : vector<16x400xf32>
    %dot_general3A_93 = tpu.matmul %get3A_91, %sub3A, %dot_general3A_92 {dimension_numbers = #tpu.dot_dimension_numbers<[1], [0], [0], [1], [0, 0, 1, 1], [], []>, transpose_lhs_hint = false} : vector<16x256xf32>, vector<256x400xf32>, vector<16x400xf32> -> vector<16x400xf32>
    %add3A_94 = arith.addf %dot_general3A_88, %dot_general3A_93 : vector<16x400xf32>
    %get3A_95 = arith.constant 0 : index
    %get3A_96 = arith.constant 0 : index
    %get3A_97 = vector.load %arg8[%get3A_95, %get3A_96] : memref<16x256xf32, #tpu.memory_space<vmem>>, vector<16x256xf32>
    %dot_general3A_98 = arith.constant dense<0.000000e+00> : vector<16x400xf32>
    %dot_general3A_99 = tpu.matmul %get3A_97, %convert_element_type3A_83, %dot_general3A_98 {dimension_numbers = #tpu.dot_dimension_numbers<[1], [0], [0], [1], [0, 0, 1, 1], [], []>, transpose_lhs_hint = false} : vector<16x256xf32>, vector<256x400xf32>, vector<16x400xf32> -> vector<16x400xf32>
    %add3A_100 = arith.addf %add3A_94, %dot_general3A_99 : vector<16x400xf32>
    %get3A_101 = arith.constant 0 : index
    %get3A_102 = arith.constant 0 : index
    %get3A_103 = vector.load %arg9[%get3A_101, %get3A_102] : memref<16x16xf32, #tpu.memory_space<vmem>>, vector<16x16xf32>
    %dot_general3A_104 = arith.constant dense<0.000000e+00> : vector<16x400xf32>
    %dot_general3A_105 = tpu.matmul %get3A_103, %slice3A, %dot_general3A_104 {dimension_numbers = #tpu.dot_dimension_numbers<[1], [0], [0], [1], [0, 0, 1, 1], [], []>, transpose_lhs_hint = false} : vector<16x16xf32>, vector<16x400xf32>, vector<16x400xf32> -> vector<16x400xf32>
    %add3A_106 = arith.addf %add3A_100, %dot_general3A_105 : vector<16x400xf32>
    %slice3A_107 = vector.extract_strided_slice %transpose3A {offsets = [16, 0], sizes = [16, 400], strides = [1, 1]} : vector<128x400xf32> to vector<16x400xf32>
    %slice3A_108 = vector.extract_strided_slice %select_n3A_33 {offsets = [0, 400], sizes = [16, 400], strides = [1, 1]} : vector<16x3200xf32> to vector<16x400xf32>
    %slice3A_109 = vector.extract_strided_slice %slice3A_107 {offsets = [0, 0], sizes = [1, 400], strides = [1, 1]} : vector<16x400xf32> to vector<1x400xf32>
    %mul3A_110 = vector.broadcast %slice3A_109 : vector<1x400xf32> to vector<16x400xf32>
    %mul3A_111 = arith.mulf %mul3A_110, %slice3A_108 : vector<16x400xf32>
    %slice3A_112 = vector.extract_strided_slice %slice3A_107 {offsets = [1, 0], sizes = [1, 400], strides = [1, 1]} : vector<16x400xf32> to vector<1x400xf32>
    %mul3A_113 = vector.broadcast %slice3A_112 : vector<1x400xf32> to vector<16x400xf32>
    %mul3A_114 = arith.mulf %mul3A_113, %slice3A_108 : vector<16x400xf32>
    %slice3A_115 = vector.extract_strided_slice %slice3A_107 {offsets = [2, 0], sizes = [1, 400], strides = [1, 1]} : vector<16x400xf32> to vector<1x400xf32>
    %mul3A_116 = vector.broadcast %slice3A_115 : vector<1x400xf32> to vector<16x400xf32>
    %mul3A_117 = arith.mulf %mul3A_116, %slice3A_108 : vector<16x400xf32>
    %slice3A_118 = vector.extract_strided_slice %slice3A_107 {offsets = [3, 0], sizes = [1, 400], strides = [1, 1]} : vector<16x400xf32> to vector<1x400xf32>
    %mul3A_119 = vector.broadcast %slice3A_118 : vector<1x400xf32> to vector<16x400xf32>
    %mul3A_120 = arith.mulf %mul3A_119, %slice3A_108 : vector<16x400xf32>
    %slice3A_121 = vector.extract_strided_slice %slice3A_107 {offsets = [4, 0], sizes = [1, 400], strides = [1, 1]} : vector<16x400xf32> to vector<1x400xf32>
    %mul3A_122 = vector.broadcast %slice3A_121 : vector<1x400xf32> to vector<16x400xf32>
    %mul3A_123 = arith.mulf %mul3A_122, %slice3A_108 : vector<16x400xf32>
    %slice3A_124 = vector.extract_strided_slice %slice3A_107 {offsets = [5, 0], sizes = [1, 400], strides = [1, 1]} : vector<16x400xf32> to vector<1x400xf32>
    %mul3A_125 = vector.broadcast %slice3A_124 : vector<1x400xf32> to vector<16x400xf32>
    %mul3A_126 = arith.mulf %mul3A_125, %slice3A_108 : vector<16x400xf32>
    %slice3A_127 = vector.extract_strided_slice %slice3A_107 {offsets = [6, 0], sizes = [1, 400], strides = [1, 1]} : vector<16x400xf32> to vector<1x400xf32>
    %mul3A_128 = vector.broadcast %slice3A_127 : vector<1x400xf32> to vector<16x400xf32>
    %mul3A_129 = arith.mulf %mul3A_128, %slice3A_108 : vector<16x400xf32>
    %slice3A_130 = vector.extract_strided_slice %slice3A_107 {offsets = [7, 0], sizes = [1, 400], strides = [1, 1]} : vector<16x400xf32> to vector<1x400xf32>
    %mul3A_131 = vector.broadcast %slice3A_130 : vector<1x400xf32> to vector<16x400xf32>
    %mul3A_132 = arith.mulf %mul3A_131, %slice3A_108 : vector<16x400xf32>
    %slice3A_133 = vector.extract_strided_slice %slice3A_107 {offsets = [8, 0], sizes = [1, 400], strides = [1, 1]} : vector<16x400xf32> to vector<1x400xf32>
    %mul3A_134 = vector.broadcast %slice3A_133 : vector<1x400xf32> to vector<16x400xf32>
    %mul3A_135 = arith.mulf %mul3A_134, %slice3A_108 : vector<16x400xf32>
    %slice3A_136 = vector.extract_strided_slice %slice3A_107 {offsets = [9, 0], sizes = [1, 400], strides = [1, 1]} : vector<16x400xf32> to vector<1x400xf32>
    %mul3A_137 = vector.broadcast %slice3A_136 : vector<1x400xf32> to vector<16x400xf32>
    %mul3A_138 = arith.mulf %mul3A_137, %slice3A_108 : vector<16x400xf32>
    %slice3A_139 = vector.extract_strided_slice %slice3A_107 {offsets = [10, 0], sizes = [1, 400], strides = [1, 1]} : vector<16x400xf32> to vector<1x400xf32>
    %mul3A_140 = vector.broadcast %slice3A_139 : vector<1x400xf32> to vector<16x400xf32>
    %mul3A_141 = arith.mulf %mul3A_140, %slice3A_108 : vector<16x400xf32>
    %slice3A_142 = vector.extract_strided_slice %slice3A_107 {offsets = [11, 0], sizes = [1, 400], strides = [1, 1]} : vector<16x400xf32> to vector<1x400xf32>
    %mul3A_143 = vector.broadcast %slice3A_142 : vector<1x400xf32> to vector<16x400xf32>
    %mul3A_144 = arith.mulf %mul3A_143, %slice3A_108 : vector<16x400xf32>
    %slice3A_145 = vector.extract_strided_slice %slice3A_107 {offsets = [12, 0], sizes = [1, 400], strides = [1, 1]} : vector<16x400xf32> to vector<1x400xf32>
    %mul3A_146 = vector.broadcast %slice3A_145 : vector<1x400xf32> to vector<16x400xf32>
    %mul3A_147 = arith.mulf %mul3A_146, %slice3A_108 : vector<16x400xf32>
    %slice3A_148 = vector.extract_strided_slice %slice3A_107 {offsets = [13, 0], sizes = [1, 400], strides = [1, 1]} : vector<16x400xf32> to vector<1x400xf32>
    %mul3A_149 = vector.broadcast %slice3A_148 : vector<1x400xf32> to vector<16x400xf32>
    %mul3A_150 = arith.mulf %mul3A_149, %slice3A_108 : vector<16x400xf32>
    %slice3A_151 = vector.extract_strided_slice %slice3A_107 {offsets = [14, 0], sizes = [1, 400], strides = [1, 1]} : vector<16x400xf32> to vector<1x400xf32>
    %mul3A_152 = vector.broadcast %slice3A_151 : vector<1x400xf32> to vector<16x400xf32>
    %mul3A_153 = arith.mulf %mul3A_152, %slice3A_108 : vector<16x400xf32>
    %slice3A_154 = vector.extract_strided_slice %slice3A_107 {offsets = [15, 0], sizes = [1, 400], strides = [1, 1]} : vector<16x400xf32> to vector<1x400xf32>
    %mul3A_155 = vector.broadcast %slice3A_154 : vector<1x400xf32> to vector<16x400xf32>
    %mul3A_156 = arith.mulf %mul3A_155, %slice3A_108 : vector<16x400xf32>
    %concatenate3A_157 = tpu.concatenate %mul3A_111, %mul3A_114, %mul3A_117, %mul3A_120, %mul3A_123, %mul3A_126, %mul3A_129, %mul3A_132, %mul3A_135, %mul3A_138, %mul3A_141, %mul3A_144, %mul3A_147, %mul3A_150, %mul3A_153, %mul3A_156 in 0 : vector<16x400xf32>, vector<16x400xf32>, vector<16x400xf32>, vector<16x400xf32>, vector<16x400xf32>, vector<16x400xf32>, vector<16x400xf32>, vector<16x400xf32>, vector<16x400xf32>, vector<16x400xf32>, vector<16x400xf32>, vector<16x400xf32>, vector<16x400xf32>, vector<16x400xf32>, vector<16x400xf32>, vector<16x400xf32> -> vector<256x400xf32>
    %convert_element_type3A_158 = arith.truncf %concatenate3A_157 : vector<256x400xf32> to vector<256x400xbf16>
    %convert_element_type3A_159 = arith.extf %convert_element_type3A_158 : vector<256x400xbf16> to vector<256x400xf32>
    %sub3A_160 = arith.subf %concatenate3A_157, %convert_element_type3A_159 : vector<256x400xf32>
    %get3A_161 = arith.constant 0 : index
    %get3A_162 = arith.constant 0 : index
    %get3A_163 = vector.load %arg7[%get3A_161, %get3A_162] : memref<16x256xf32, #tpu.memory_space<vmem>>, vector<16x256xf32>
    %dot_general3A_164 = arith.constant dense<0.000000e+00> : vector<16x400xf32>
    %dot_general3A_165 = tpu.matmul %get3A_163, %convert_element_type3A_159, %dot_general3A_164 {dimension_numbers = #tpu.dot_dimension_numbers<[1], [0], [0], [1], [0, 0, 1, 1], [], []>, transpose_lhs_hint = false} : vector<16x256xf32>, vector<256x400xf32>, vector<16x400xf32> -> vector<16x400xf32>
    %get3A_166 = arith.constant 0 : index
    %get3A_167 = arith.constant 0 : index
    %get3A_168 = vector.load %arg7[%get3A_166, %get3A_167] : memref<16x256xf32, #tpu.memory_space<vmem>>, vector<16x256xf32>
    %dot_general3A_169 = arith.constant dense<0.000000e+00> : vector<16x400xf32>
    %dot_general3A_170 = tpu.matmul %get3A_168, %sub3A_160, %dot_general3A_169 {dimension_numbers = #tpu.dot_dimension_numbers<[1], [0], [0], [1], [0, 0, 1, 1], [], []>, transpose_lhs_hint = false} : vector<16x256xf32>, vector<256x400xf32>, vector<16x400xf32> -> vector<16x400xf32>
    %add3A_171 = arith.addf %dot_general3A_165, %dot_general3A_170 : vector<16x400xf32>
    %get3A_172 = arith.constant 0 : index
    %get3A_173 = arith.constant 0 : index
    %get3A_174 = vector.load %arg8[%get3A_172, %get3A_173] : memref<16x256xf32, #tpu.memory_space<vmem>>, vector<16x256xf32>
    %dot_general3A_175 = arith.constant dense<0.000000e+00> : vector<16x400xf32>
    %dot_general3A_176 = tpu.matmul %get3A_174, %convert_element_type3A_159, %dot_general3A_175 {dimension_numbers = #tpu.dot_dimension_numbers<[1], [0], [0], [1], [0, 0, 1, 1], [], []>, transpose_lhs_hint = false} : vector<16x256xf32>, vector<256x400xf32>, vector<16x400xf32> -> vector<16x400xf32>
    %add3A_177 = arith.addf %add3A_171, %dot_general3A_176 : vector<16x400xf32>
    %get3A_178 = arith.constant 0 : index
    %get3A_179 = arith.constant 0 : index
    %get3A_180 = vector.load %arg9[%get3A_178, %get3A_179] : memref<16x16xf32, #tpu.memory_space<vmem>>, vector<16x16xf32>
    %dot_general3A_181 = arith.constant dense<0.000000e+00> : vector<16x400xf32>
    %dot_general3A_182 = tpu.matmul %get3A_180, %slice3A_107, %dot_general3A_181 {dimension_numbers = #tpu.dot_dimension_numbers<[1], [0], [0], [1], [0, 0, 1, 1], [], []>, transpose_lhs_hint = false} : vector<16x16xf32>, vector<16x400xf32>, vector<16x400xf32> -> vector<16x400xf32>
    %add3A_183 = arith.addf %add3A_177, %dot_general3A_182 : vector<16x400xf32>
    %slice3A_184 = vector.extract_strided_slice %transpose3A {offsets = [32, 0], sizes = [16, 400], strides = [1, 1]} : vector<128x400xf32> to vector<16x400xf32>
    %slice3A_185 = vector.extract_strided_slice %select_n3A_33 {offsets = [0, 800], sizes = [16, 400], strides = [1, 1]} : vector<16x3200xf32> to vector<16x400xf32>
    %slice3A_186 = vector.extract_strided_slice %slice3A_184 {offsets = [0, 0], sizes = [1, 400], strides = [1, 1]} : vector<16x400xf32> to vector<1x400xf32>
    %mul3A_187 = vector.broadcast %slice3A_186 : vector<1x400xf32> to vector<16x400xf32>
    %mul3A_188 = arith.mulf %mul3A_187, %slice3A_185 : vector<16x400xf32>
    %slice3A_189 = vector.extract_strided_slice %slice3A_184 {offsets = [1, 0], sizes = [1, 400], strides = [1, 1]} : vector<16x400xf32> to vector<1x400xf32>
    %mul3A_190 = vector.broadcast %slice3A_189 : vector<1x400xf32> to vector<16x400xf32>
    %mul3A_191 = arith.mulf %mul3A_190, %slice3A_185 : vector<16x400xf32>
    %slice3A_192 = vector.extract_strided_slice %slice3A_184 {offsets = [2, 0], sizes = [1, 400], strides = [1, 1]} : vector<16x400xf32> to vector<1x400xf32>
    %mul3A_193 = vector.broadcast %slice3A_192 : vector<1x400xf32> to vector<16x400xf32>
    %mul3A_194 = arith.mulf %mul3A_193, %slice3A_185 : vector<16x400xf32>
    %slice3A_195 = vector.extract_strided_slice %slice3A_184 {offsets = [3, 0], sizes = [1, 400], strides = [1, 1]} : vector<16x400xf32> to vector<1x400xf32>
    %mul3A_196 = vector.broadcast %slice3A_195 : vector<1x400xf32> to vector<16x400xf32>
    %mul3A_197 = arith.mulf %mul3A_196, %slice3A_185 : vector<16x400xf32>
    %slice3A_198 = vector.extract_strided_slice %slice3A_184 {offsets = [4, 0], sizes = [1, 400], strides = [1, 1]} : vector<16x400xf32> to vector<1x400xf32>
    %mul3A_199 = vector.broadcast %slice3A_198 : vector<1x400xf32> to vector<16x400xf32>
    %mul3A_200 = arith.mulf %mul3A_199, %slice3A_185 : vector<16x400xf32>
    %slice3A_201 = vector.extract_strided_slice %slice3A_184 {offsets = [5, 0], sizes = [1, 400], strides = [1, 1]} : vector<16x400xf32> to vector<1x400xf32>
    %mul3A_202 = vector.broadcast %slice3A_201 : vector<1x400xf32> to vector<16x400xf32>
    %mul3A_203 = arith.mulf %mul3A_202, %slice3A_185 : vector<16x400xf32>
    %slice3A_204 = vector.extract_strided_slice %slice3A_184 {offsets = [6, 0], sizes = [1, 400], strides = [1, 1]} : vector<16x400xf32> to vector<1x400xf32>
    %mul3A_205 = vector.broadcast %slice3A_204 : vector<1x400xf32> to vector<16x400xf32>
    %mul3A_206 = arith.mulf %mul3A_205, %slice3A_185 : vector<16x400xf32>
    %slice3A_207 = vector.extract_strided_slice %slice3A_184 {offsets = [7, 0], sizes = [1, 400], strides = [1, 1]} : vector<16x400xf32> to vector<1x400xf32>
    %mul3A_208 = vector.broadcast %slice3A_207 : vector<1x400xf32> to vector<16x400xf32>
    %mul3A_209 = arith.mulf %mul3A_208, %slice3A_185 : vector<16x400xf32>
    %slice3A_210 = vector.extract_strided_slice %slice3A_184 {offsets = [8, 0], sizes = [1, 400], strides = [1, 1]} : vector<16x400xf32> to vector<1x400xf32>
    %mul3A_211 = vector.broadcast %slice3A_210 : vector<1x400xf32> to vector<16x400xf32>
    %mul3A_212 = arith.mulf %mul3A_211, %slice3A_185 : vector<16x400xf32>
    %slice3A_213 = vector.extract_strided_slice %slice3A_184 {offsets = [9, 0], sizes = [1, 400], strides = [1, 1]} : vector<16x400xf32> to vector<1x400xf32>
    %mul3A_214 = vector.broadcast %slice3A_213 : vector<1x400xf32> to vector<16x400xf32>
    %mul3A_215 = arith.mulf %mul3A_214, %slice3A_185 : vector<16x400xf32>
    %slice3A_216 = vector.extract_strided_slice %slice3A_184 {offsets = [10, 0], sizes = [1, 400], strides = [1, 1]} : vector<16x400xf32> to vector<1x400xf32>
    %mul3A_217 = vector.broadcast %slice3A_216 : vector<1x400xf32> to vector<16x400xf32>
    %mul3A_218 = arith.mulf %mul3A_217, %slice3A_185 : vector<16x400xf32>
    %slice3A_219 = vector.extract_strided_slice %slice3A_184 {offsets = [11, 0], sizes = [1, 400], strides = [1, 1]} : vector<16x400xf32> to vector<1x400xf32>
    %mul3A_220 = vector.broadcast %slice3A_219 : vector<1x400xf32> to vector<16x400xf32>
    %mul3A_221 = arith.mulf %mul3A_220, %slice3A_185 : vector<16x400xf32>
    %slice3A_222 = vector.extract_strided_slice %slice3A_184 {offsets = [12, 0], sizes = [1, 400], strides = [1, 1]} : vector<16x400xf32> to vector<1x400xf32>
    %mul3A_223 = vector.broadcast %slice3A_222 : vector<1x400xf32> to vector<16x400xf32>
    %mul3A_224 = arith.mulf %mul3A_223, %slice3A_185 : vector<16x400xf32>
    %slice3A_225 = vector.extract_strided_slice %slice3A_184 {offsets = [13, 0], sizes = [1, 400], strides = [1, 1]} : vector<16x400xf32> to vector<1x400xf32>
    %mul3A_226 = vector.broadcast %slice3A_225 : vector<1x400xf32> to vector<16x400xf32>
    %mul3A_227 = arith.mulf %mul3A_226, %slice3A_185 : vector<16x400xf32>
    %slice3A_228 = vector.extract_strided_slice %slice3A_184 {offsets = [14, 0], sizes = [1, 400], strides = [1, 1]} : vector<16x400xf32> to vector<1x400xf32>
    %mul3A_229 = vector.broadcast %slice3A_228 : vector<1x400xf32> to vector<16x400xf32>
    %mul3A_230 = arith.mulf %mul3A_229, %slice3A_185 : vector<16x400xf32>
    %slice3A_231 = vector.extract_strided_slice %slice3A_184 {offsets = [15, 0], sizes = [1, 400], strides = [1, 1]} : vector<16x400xf32> to vector<1x400xf32>
    %mul3A_232 = vector.broadcast %slice3A_231 : vector<1x400xf32> to vector<16x400xf32>
    %mul3A_233 = arith.mulf %mul3A_232, %slice3A_185 : vector<16x400xf32>
    %concatenate3A_234 = tpu.concatenate %mul3A_188, %mul3A_191, %mul3A_194, %mul3A_197, %mul3A_200, %mul3A_203, %mul3A_206, %mul3A_209, %mul3A_212, %mul3A_215, %mul3A_218, %mul3A_221, %mul3A_224, %mul3A_227, %mul3A_230, %mul3A_233 in 0 : vector<16x400xf32>, vector<16x400xf32>, vector<16x400xf32>, vector<16x400xf32>, vector<16x400xf32>, vector<16x400xf32>, vector<16x400xf32>, vector<16x400xf32>, vector<16x400xf32>, vector<16x400xf32>, vector<16x400xf32>, vector<16x400xf32>, vector<16x400xf32>, vector<16x400xf32>, vector<16x400xf32>, vector<16x400xf32> -> vector<256x400xf32>
    %convert_element_type3A_235 = arith.truncf %concatenate3A_234 : vector<256x400xf32> to vector<256x400xbf16>
    %convert_element_type3A_236 = arith.extf %convert_element_type3A_235 : vector<256x400xbf16> to vector<256x400xf32>
    %sub3A_237 = arith.subf %concatenate3A_234, %convert_element_type3A_236 : vector<256x400xf32>
    %get3A_238 = arith.constant 0 : index
    %get3A_239 = arith.constant 0 : index
    %get3A_240 = vector.load %arg7[%get3A_238, %get3A_239] : memref<16x256xf32, #tpu.memory_space<vmem>>, vector<16x256xf32>
    %dot_general3A_241 = arith.constant dense<0.000000e+00> : vector<16x400xf32>
    %dot_general3A_242 = tpu.matmul %get3A_240, %convert_element_type3A_236, %dot_general3A_241 {dimension_numbers = #tpu.dot_dimension_numbers<[1], [0], [0], [1], [0, 0, 1, 1], [], []>, transpose_lhs_hint = false} : vector<16x256xf32>, vector<256x400xf32>, vector<16x400xf32> -> vector<16x400xf32>
    %get3A_243 = arith.constant 0 : index
    %get3A_244 = arith.constant 0 : index
    %get3A_245 = vector.load %arg7[%get3A_243, %get3A_244] : memref<16x256xf32, #tpu.memory_space<vmem>>, vector<16x256xf32>
    %dot_general3A_246 = arith.constant dense<0.000000e+00> : vector<16x400xf32>
    %dot_general3A_247 = tpu.matmul %get3A_245, %sub3A_237, %dot_general3A_246 {dimension_numbers = #tpu.dot_dimension_numbers<[1], [0], [0], [1], [0, 0, 1, 1], [], []>, transpose_lhs_hint = false} : vector<16x256xf32>, vector<256x400xf32>, vector<16x400xf32> -> vector<16x400xf32>
    %add3A_248 = arith.addf %dot_general3A_242, %dot_general3A_247 : vector<16x400xf32>
    %get3A_249 = arith.constant 0 : index
    %get3A_250 = arith.constant 0 : index
    %get3A_251 = vector.load %arg8[%get3A_249, %get3A_250] : memref<16x256xf32, #tpu.memory_space<vmem>>, vector<16x256xf32>
    %dot_general3A_252 = arith.constant dense<0.000000e+00> : vector<16x400xf32>
    %dot_general3A_253 = tpu.matmul %get3A_251, %convert_element_type3A_236, %dot_general3A_252 {dimension_numbers = #tpu.dot_dimension_numbers<[1], [0], [0], [1], [0, 0, 1, 1], [], []>, transpose_lhs_hint = false} : vector<16x256xf32>, vector<256x400xf32>, vector<16x400xf32> -> vector<16x400xf32>
    %add3A_254 = arith.addf %add3A_248, %dot_general3A_253 : vector<16x400xf32>
    %get3A_255 = arith.constant 0 : index
    %get3A_256 = arith.constant 0 : index
    %get3A_257 = vector.load %arg9[%get3A_255, %get3A_256] : memref<16x16xf32, #tpu.memory_space<vmem>>, vector<16x16xf32>
    %dot_general3A_258 = arith.constant dense<0.000000e+00> : vector<16x400xf32>
    %dot_general3A_259 = tpu.matmul %get3A_257, %slice3A_184, %dot_general3A_258 {dimension_numbers = #tpu.dot_dimension_numbers<[1], [0], [0], [1], [0, 0, 1, 1], [], []>, transpose_lhs_hint = false} : vector<16x16xf32>, vector<16x400xf32>, vector<16x400xf32> -> vector<16x400xf32>
    %add3A_260 = arith.addf %add3A_254, %dot_general3A_259 : vector<16x400xf32>
    %slice3A_261 = vector.extract_strided_slice %transpose3A {offsets = [48, 0], sizes = [16, 400], strides = [1, 1]} : vector<128x400xf32> to vector<16x400xf32>
    %slice3A_262 = vector.extract_strided_slice %select_n3A_33 {offsets = [0, 1200], sizes = [16, 400], strides = [1, 1]} : vector<16x3200xf32> to vector<16x400xf32>
    %slice3A_263 = vector.extract_strided_slice %slice3A_261 {offsets = [0, 0], sizes = [1, 400], strides = [1, 1]} : vector<16x400xf32> to vector<1x400xf32>
    %mul3A_264 = vector.broadcast %slice3A_263 : vector<1x400xf32> to vector<16x400xf32>
    %mul3A_265 = arith.mulf %mul3A_264, %slice3A_262 : vector<16x400xf32>
    %slice3A_266 = vector.extract_strided_slice %slice3A_261 {offsets = [1, 0], sizes = [1, 400], strides = [1, 1]} : vector<16x400xf32> to vector<1x400xf32>
    %mul3A_267 = vector.broadcast %slice3A_266 : vector<1x400xf32> to vector<16x400xf32>
    %mul3A_268 = arith.mulf %mul3A_267, %slice3A_262 : vector<16x400xf32>
    %slice3A_269 = vector.extract_strided_slice %slice3A_261 {offsets = [2, 0], sizes = [1, 400], strides = [1, 1]} : vector<16x400xf32> to vector<1x400xf32>
    %mul3A_270 = vector.broadcast %slice3A_269 : vector<1x400xf32> to vector<16x400xf32>
    %mul3A_271 = arith.mulf %mul3A_270, %slice3A_262 : vector<16x400xf32>
    %slice3A_272 = vector.extract_strided_slice %slice3A_261 {offsets = [3, 0], sizes = [1, 400], strides = [1, 1]} : vector<16x400xf32> to vector<1x400xf32>
    %mul3A_273 = vector.broadcast %slice3A_272 : vector<1x400xf32> to vector<16x400xf32>
    %mul3A_274 = arith.mulf %mul3A_273, %slice3A_262 : vector<16x400xf32>
    %slice3A_275 = vector.extract_strided_slice %slice3A_261 {offsets = [4, 0], sizes = [1, 400], strides = [1, 1]} : vector<16x400xf32> to vector<1x400xf32>
    %mul3A_276 = vector.broadcast %slice3A_275 : vector<1x400xf32> to vector<16x400xf32>
    %mul3A_277 = arith.mulf %mul3A_276, %slice3A_262 : vector<16x400xf32>
    %slice3A_278 = vector.extract_strided_slice %slice3A_261 {offsets = [5, 0], sizes = [1, 400], strides = [1, 1]} : vector<16x400xf32> to vector<1x400xf32>
    %mul3A_279 = vector.broadcast %slice3A_278 : vector<1x400xf32> to vector<16x400xf32>
    %mul3A_280 = arith.mulf %mul3A_279, %slice3A_262 : vector<16x400xf32>
    %slice3A_281 = vector.extract_strided_slice %slice3A_261 {offsets = [6, 0], sizes = [1, 400], strides = [1, 1]} : vector<16x400xf32> to vector<1x400xf32>
    %mul3A_282 = vector.broadcast %slice3A_281 : vector<1x400xf32> to vector<16x400xf32>
    %mul3A_283 = arith.mulf %mul3A_282, %slice3A_262 : vector<16x400xf32>
    %slice3A_284 = vector.extract_strided_slice %slice3A_261 {offsets = [7, 0], sizes = [1, 400], strides = [1, 1]} : vector<16x400xf32> to vector<1x400xf32>
    %mul3A_285 = vector.broadcast %slice3A_284 : vector<1x400xf32> to vector<16x400xf32>
    %mul3A_286 = arith.mulf %mul3A_285, %slice3A_262 : vector<16x400xf32>
    %slice3A_287 = vector.extract_strided_slice %slice3A_261 {offsets = [8, 0], sizes = [1, 400], strides = [1, 1]} : vector<16x400xf32> to vector<1x400xf32>
    %mul3A_288 = vector.broadcast %slice3A_287 : vector<1x400xf32> to vector<16x400xf32>
    %mul3A_289 = arith.mulf %mul3A_288, %slice3A_262 : vector<16x400xf32>
    %slice3A_290 = vector.extract_strided_slice %slice3A_261 {offsets = [9, 0], sizes = [1, 400], strides = [1, 1]} : vector<16x400xf32> to vector<1x400xf32>
    %mul3A_291 = vector.broadcast %slice3A_290 : vector<1x400xf32> to vector<16x400xf32>
    %mul3A_292 = arith.mulf %mul3A_291, %slice3A_262 : vector<16x400xf32>
    %slice3A_293 = vector.extract_strided_slice %slice3A_261 {offsets = [10, 0], sizes = [1, 400], strides = [1, 1]} : vector<16x400xf32> to vector<1x400xf32>
    %mul3A_294 = vector.broadcast %slice3A_293 : vector<1x400xf32> to vector<16x400xf32>
    %mul3A_295 = arith.mulf %mul3A_294, %slice3A_262 : vector<16x400xf32>
    %slice3A_296 = vector.extract_strided_slice %slice3A_261 {offsets = [11, 0], sizes = [1, 400], strides = [1, 1]} : vector<16x400xf32> to vector<1x400xf32>
    %mul3A_297 = vector.broadcast %slice3A_296 : vector<1x400xf32> to vector<16x400xf32>
    %mul3A_298 = arith.mulf %mul3A_297, %slice3A_262 : vector<16x400xf32>
    %slice3A_299 = vector.extract_strided_slice %slice3A_261 {offsets = [12, 0], sizes = [1, 400], strides = [1, 1]} : vector<16x400xf32> to vector<1x400xf32>
    %mul3A_300 = vector.broadcast %slice3A_299 : vector<1x400xf32> to vector<16x400xf32>
    %mul3A_301 = arith.mulf %mul3A_300, %slice3A_262 : vector<16x400xf32>
    %slice3A_302 = vector.extract_strided_slice %slice3A_261 {offsets = [13, 0], sizes = [1, 400], strides = [1, 1]} : vector<16x400xf32> to vector<1x400xf32>
    %mul3A_303 = vector.broadcast %slice3A_302 : vector<1x400xf32> to vector<16x400xf32>
    %mul3A_304 = arith.mulf %mul3A_303, %slice3A_262 : vector<16x400xf32>
    %slice3A_305 = vector.extract_strided_slice %slice3A_261 {offsets = [14, 0], sizes = [1, 400], strides = [1, 1]} : vector<16x400xf32> to vector<1x400xf32>
    %mul3A_306 = vector.broadcast %slice3A_305 : vector<1x400xf32> to vector<16x400xf32>
    %mul3A_307 = arith.mulf %mul3A_306, %slice3A_262 : vector<16x400xf32>
    %slice3A_308 = vector.extract_strided_slice %slice3A_261 {offsets = [15, 0], sizes = [1, 400], strides = [1, 1]} : vector<16x400xf32> to vector<1x400xf32>
    %mul3A_309 = vector.broadcast %slice3A_308 : vector<1x400xf32> to vector<16x400xf32>
    %mul3A_310 = arith.mulf %mul3A_309, %slice3A_262 : vector<16x400xf32>
    %concatenate3A_311 = tpu.concatenate %mul3A_265, %mul3A_268, %mul3A_271, %mul3A_274, %mul3A_277, %mul3A_280, %mul3A_283, %mul3A_286, %mul3A_289, %mul3A_292, %mul3A_295, %mul3A_298, %mul3A_301, %mul3A_304, %mul3A_307, %mul3A_310 in 0 : vector<16x400xf32>, vector<16x400xf32>, vector<16x400xf32>, vector<16x400xf32>, vector<16x400xf32>, vector<16x400xf32>, vector<16x400xf32>, vector<16x400xf32>, vector<16x400xf32>, vector<16x400xf32>, vector<16x400xf32>, vector<16x400xf32>, vector<16x400xf32>, vector<16x400xf32>, vector<16x400xf32>, vector<16x400xf32> -> vector<256x400xf32>
    %convert_element_type3A_312 = arith.truncf %concatenate3A_311 : vector<256x400xf32> to vector<256x400xbf16>
    %convert_element_type3A_313 = arith.extf %convert_element_type3A_312 : vector<256x400xbf16> to vector<256x400xf32>
    %sub3A_314 = arith.subf %concatenate3A_311, %convert_element_type3A_313 : vector<256x400xf32>
    %get3A_315 = arith.constant 0 : index
    %get3A_316 = arith.constant 0 : index
    %get3A_317 = vector.load %arg7[%get3A_315, %get3A_316] : memref<16x256xf32, #tpu.memory_space<vmem>>, vector<16x256xf32>
    %dot_general3A_318 = arith.constant dense<0.000000e+00> : vector<16x400xf32>
    %dot_general3A_319 = tpu.matmul %get3A_317, %convert_element_type3A_313, %dot_general3A_318 {dimension_numbers = #tpu.dot_dimension_numbers<[1], [0], [0], [1], [0, 0, 1, 1], [], []>, transpose_lhs_hint = false} : vector<16x256xf32>, vector<256x400xf32>, vector<16x400xf32> -> vector<16x400xf32>
    %get3A_320 = arith.constant 0 : index
    %get3A_321 = arith.constant 0 : index
    %get3A_322 = vector.load %arg7[%get3A_320, %get3A_321] : memref<16x256xf32, #tpu.memory_space<vmem>>, vector<16x256xf32>
    %dot_general3A_323 = arith.constant dense<0.000000e+00> : vector<16x400xf32>
    %dot_general3A_324 = tpu.matmul %get3A_322, %sub3A_314, %dot_general3A_323 {dimension_numbers = #tpu.dot_dimension_numbers<[1], [0], [0], [1], [0, 0, 1, 1], [], []>, transpose_lhs_hint = false} : vector<16x256xf32>, vector<256x400xf32>, vector<16x400xf32> -> vector<16x400xf32>
    %add3A_325 = arith.addf %dot_general3A_319, %dot_general3A_324 : vector<16x400xf32>
    %get3A_326 = arith.constant 0 : index
    %get3A_327 = arith.constant 0 : index
    %get3A_328 = vector.load %arg8[%get3A_326, %get3A_327] : memref<16x256xf32, #tpu.memory_space<vmem>>, vector<16x256xf32>
    %dot_general3A_329 = arith.constant dense<0.000000e+00> : vector<16x400xf32>
    %dot_general3A_330 = tpu.matmul %get3A_328, %convert_element_type3A_313, %dot_general3A_329 {dimension_numbers = #tpu.dot_dimension_numbers<[1], [0], [0], [1], [0, 0, 1, 1], [], []>, transpose_lhs_hint = false} : vector<16x256xf32>, vector<256x400xf32>, vector<16x400xf32> -> vector<16x400xf32>
    %add3A_331 = arith.addf %add3A_325, %dot_general3A_330 : vector<16x400xf32>
    %get3A_332 = arith.constant 0 : index
    %get3A_333 = arith.constant 0 : index
    %get3A_334 = vector.load %arg9[%get3A_332, %get3A_333] : memref<16x16xf32, #tpu.memory_space<vmem>>, vector<16x16xf32>
    %dot_general3A_335 = arith.constant dense<0.000000e+00> : vector<16x400xf32>
    %dot_general3A_336 = tpu.matmul %get3A_334, %slice3A_261, %dot_general3A_335 {dimension_numbers = #tpu.dot_dimension_numbers<[1], [0], [0], [1], [0, 0, 1, 1], [], []>, transpose_lhs_hint = false} : vector<16x16xf32>, vector<16x400xf32>, vector<16x400xf32> -> vector<16x400xf32>
    %add3A_337 = arith.addf %add3A_331, %dot_general3A_336 : vector<16x400xf32>
    %slice3A_338 = vector.extract_strided_slice %transpose3A {offsets = [64, 0], sizes = [16, 400], strides = [1, 1]} : vector<128x400xf32> to vector<16x400xf32>
    %slice3A_339 = vector.extract_strided_slice %select_n3A_33 {offsets = [0, 1600], sizes = [16, 400], strides = [1, 1]} : vector<16x3200xf32> to vector<16x400xf32>
    %slice3A_340 = vector.extract_strided_slice %slice3A_338 {offsets = [0, 0], sizes = [1, 400], strides = [1, 1]} : vector<16x400xf32> to vector<1x400xf32>
    %mul3A_341 = vector.broadcast %slice3A_340 : vector<1x400xf32> to vector<16x400xf32>
    %mul3A_342 = arith.mulf %mul3A_341, %slice3A_339 : vector<16x400xf32>
    %slice3A_343 = vector.extract_strided_slice %slice3A_338 {offsets = [1, 0], sizes = [1, 400], strides = [1, 1]} : vector<16x400xf32> to vector<1x400xf32>
    %mul3A_344 = vector.broadcast %slice3A_343 : vector<1x400xf32> to vector<16x400xf32>
    %mul3A_345 = arith.mulf %mul3A_344, %slice3A_339 : vector<16x400xf32>
    %slice3A_346 = vector.extract_strided_slice %slice3A_338 {offsets = [2, 0], sizes = [1, 400], strides = [1, 1]} : vector<16x400xf32> to vector<1x400xf32>
    %mul3A_347 = vector.broadcast %slice3A_346 : vector<1x400xf32> to vector<16x400xf32>
    %mul3A_348 = arith.mulf %mul3A_347, %slice3A_339 : vector<16x400xf32>
    %slice3A_349 = vector.extract_strided_slice %slice3A_338 {offsets = [3, 0], sizes = [1, 400], strides = [1, 1]} : vector<16x400xf32> to vector<1x400xf32>
    %mul3A_350 = vector.broadcast %slice3A_349 : vector<1x400xf32> to vector<16x400xf32>
    %mul3A_351 = arith.mulf %mul3A_350, %slice3A_339 : vector<16x400xf32>
    %slice3A_352 = vector.extract_strided_slice %slice3A_338 {offsets = [4, 0], sizes = [1, 400], strides = [1, 1]} : vector<16x400xf32> to vector<1x400xf32>
    %mul3A_353 = vector.broadcast %slice3A_352 : vector<1x400xf32> to vector<16x400xf32>
    %mul3A_354 = arith.mulf %mul3A_353, %slice3A_339 : vector<16x400xf32>
    %slice3A_355 = vector.extract_strided_slice %slice3A_338 {offsets = [5, 0], sizes = [1, 400], strides = [1, 1]} : vector<16x400xf32> to vector<1x400xf32>
    %mul3A_356 = vector.broadcast %slice3A_355 : vector<1x400xf32> to vector<16x400xf32>
    %mul3A_357 = arith.mulf %mul3A_356, %slice3A_339 : vector<16x400xf32>
    %slice3A_358 = vector.extract_strided_slice %slice3A_338 {offsets = [6, 0], sizes = [1, 400], strides = [1, 1]} : vector<16x400xf32> to vector<1x400xf32>
    %mul3A_359 = vector.broadcast %slice3A_358 : vector<1x400xf32> to vector<16x400xf32>
    %mul3A_360 = arith.mulf %mul3A_359, %slice3A_339 : vector<16x400xf32>
    %slice3A_361 = vector.extract_strided_slice %slice3A_338 {offsets = [7, 0], sizes = [1, 400], strides = [1, 1]} : vector<16x400xf32> to vector<1x400xf32>
    %mul3A_362 = vector.broadcast %slice3A_361 : vector<1x400xf32> to vector<16x400xf32>
    %mul3A_363 = arith.mulf %mul3A_362, %slice3A_339 : vector<16x400xf32>
    %slice3A_364 = vector.extract_strided_slice %slice3A_338 {offsets = [8, 0], sizes = [1, 400], strides = [1, 1]} : vector<16x400xf32> to vector<1x400xf32>
    %mul3A_365 = vector.broadcast %slice3A_364 : vector<1x400xf32> to vector<16x400xf32>
    %mul3A_366 = arith.mulf %mul3A_365, %slice3A_339 : vector<16x400xf32>
    %slice3A_367 = vector.extract_strided_slice %slice3A_338 {offsets = [9, 0], sizes = [1, 400], strides = [1, 1]} : vector<16x400xf32> to vector<1x400xf32>
    %mul3A_368 = vector.broadcast %slice3A_367 : vector<1x400xf32> to vector<16x400xf32>
    %mul3A_369 = arith.mulf %mul3A_368, %slice3A_339 : vector<16x400xf32>
    %slice3A_370 = vector.extract_strided_slice %slice3A_338 {offsets = [10, 0], sizes = [1, 400], strides = [1, 1]} : vector<16x400xf32> to vector<1x400xf32>
    %mul3A_371 = vector.broadcast %slice3A_370 : vector<1x400xf32> to vector<16x400xf32>
    %mul3A_372 = arith.mulf %mul3A_371, %slice3A_339 : vector<16x400xf32>
    %slice3A_373 = vector.extract_strided_slice %slice3A_338 {offsets = [11, 0], sizes = [1, 400], strides = [1, 1]} : vector<16x400xf32> to vector<1x400xf32>
    %mul3A_374 = vector.broadcast %slice3A_373 : vector<1x400xf32> to vector<16x400xf32>
    %mul3A_375 = arith.mulf %mul3A_374, %slice3A_339 : vector<16x400xf32>
    %slice3A_376 = vector.extract_strided_slice %slice3A_338 {offsets = [12, 0], sizes = [1, 400], strides = [1, 1]} : vector<16x400xf32> to vector<1x400xf32>
    %mul3A_377 = vector.broadcast %slice3A_376 : vector<1x400xf32> to vector<16x400xf32>
    %mul3A_378 = arith.mulf %mul3A_377, %slice3A_339 : vector<16x400xf32>
    %slice3A_379 = vector.extract_strided_slice %slice3A_338 {offsets = [13, 0], sizes = [1, 400], strides = [1, 1]} : vector<16x400xf32> to vector<1x400xf32>
    %mul3A_380 = vector.broadcast %slice3A_379 : vector<1x400xf32> to vector<16x400xf32>
    %mul3A_381 = arith.mulf %mul3A_380, %slice3A_339 : vector<16x400xf32>
    %slice3A_382 = vector.extract_strided_slice %slice3A_338 {offsets = [14, 0], sizes = [1, 400], strides = [1, 1]} : vector<16x400xf32> to vector<1x400xf32>
    %mul3A_383 = vector.broadcast %slice3A_382 : vector<1x400xf32> to vector<16x400xf32>
    %mul3A_384 = arith.mulf %mul3A_383, %slice3A_339 : vector<16x400xf32>
    %slice3A_385 = vector.extract_strided_slice %slice3A_338 {offsets = [15, 0], sizes = [1, 400], strides = [1, 1]} : vector<16x400xf32> to vector<1x400xf32>
    %mul3A_386 = vector.broadcast %slice3A_385 : vector<1x400xf32> to vector<16x400xf32>
    %mul3A_387 = arith.mulf %mul3A_386, %slice3A_339 : vector<16x400xf32>
    %concatenate3A_388 = tpu.concatenate %mul3A_342, %mul3A_345, %mul3A_348, %mul3A_351, %mul3A_354, %mul3A_357, %mul3A_360, %mul3A_363, %mul3A_366, %mul3A_369, %mul3A_372, %mul3A_375, %mul3A_378, %mul3A_381, %mul3A_384, %mul3A_387 in 0 : vector<16x400xf32>, vector<16x400xf32>, vector<16x400xf32>, vector<16x400xf32>, vector<16x400xf32>, vector<16x400xf32>, vector<16x400xf32>, vector<16x400xf32>, vector<16x400xf32>, vector<16x400xf32>, vector<16x400xf32>, vector<16x400xf32>, vector<16x400xf32>, vector<16x400xf32>, vector<16x400xf32>, vector<16x400xf32> -> vector<256x400xf32>
    %convert_element_type3A_389 = arith.truncf %concatenate3A_388 : vector<256x400xf32> to vector<256x400xbf16>
    %convert_element_type3A_390 = arith.extf %convert_element_type3A_389 : vector<256x400xbf16> to vector<256x400xf32>
    %sub3A_391 = arith.subf %concatenate3A_388, %convert_element_type3A_390 : vector<256x400xf32>
    %get3A_392 = arith.constant 0 : index
    %get3A_393 = arith.constant 0 : index
    %get3A_394 = vector.load %arg7[%get3A_392, %get3A_393] : memref<16x256xf32, #tpu.memory_space<vmem>>, vector<16x256xf32>
    %dot_general3A_395 = arith.constant dense<0.000000e+00> : vector<16x400xf32>
    %dot_general3A_396 = tpu.matmul %get3A_394, %convert_element_type3A_390, %dot_general3A_395 {dimension_numbers = #tpu.dot_dimension_numbers<[1], [0], [0], [1], [0, 0, 1, 1], [], []>, transpose_lhs_hint = false} : vector<16x256xf32>, vector<256x400xf32>, vector<16x400xf32> -> vector<16x400xf32>
    %get3A_397 = arith.constant 0 : index
    %get3A_398 = arith.constant 0 : index
    %get3A_399 = vector.load %arg7[%get3A_397, %get3A_398] : memref<16x256xf32, #tpu.memory_space<vmem>>, vector<16x256xf32>
    %dot_general3A_400 = arith.constant dense<0.000000e+00> : vector<16x400xf32>
    %dot_general3A_401 = tpu.matmul %get3A_399, %sub3A_391, %dot_general3A_400 {dimension_numbers = #tpu.dot_dimension_numbers<[1], [0], [0], [1], [0, 0, 1, 1], [], []>, transpose_lhs_hint = false} : vector<16x256xf32>, vector<256x400xf32>, vector<16x400xf32> -> vector<16x400xf32>
    %add3A_402 = arith.addf %dot_general3A_396, %dot_general3A_401 : vector<16x400xf32>
    %get3A_403 = arith.constant 0 : index
    %get3A_404 = arith.constant 0 : index
    %get3A_405 = vector.load %arg8[%get3A_403, %get3A_404] : memref<16x256xf32, #tpu.memory_space<vmem>>, vector<16x256xf32>
    %dot_general3A_406 = arith.constant dense<0.000000e+00> : vector<16x400xf32>
    %dot_general3A_407 = tpu.matmul %get3A_405, %convert_element_type3A_390, %dot_general3A_406 {dimension_numbers = #tpu.dot_dimension_numbers<[1], [0], [0], [1], [0, 0, 1, 1], [], []>, transpose_lhs_hint = false} : vector<16x256xf32>, vector<256x400xf32>, vector<16x400xf32> -> vector<16x400xf32>
    %add3A_408 = arith.addf %add3A_402, %dot_general3A_407 : vector<16x400xf32>
    %get3A_409 = arith.constant 0 : index
    %get3A_410 = arith.constant 0 : index
    %get3A_411 = vector.load %arg9[%get3A_409, %get3A_410] : memref<16x16xf32, #tpu.memory_space<vmem>>, vector<16x16xf32>
    %dot_general3A_412 = arith.constant dense<0.000000e+00> : vector<16x400xf32>
    %dot_general3A_413 = tpu.matmul %get3A_411, %slice3A_338, %dot_general3A_412 {dimension_numbers = #tpu.dot_dimension_numbers<[1], [0], [0], [1], [0, 0, 1, 1], [], []>, transpose_lhs_hint = false} : vector<16x16xf32>, vector<16x400xf32>, vector<16x400xf32> -> vector<16x400xf32>
    %add3A_414 = arith.addf %add3A_408, %dot_general3A_413 : vector<16x400xf32>
    %slice3A_415 = vector.extract_strided_slice %transpose3A {offsets = [80, 0], sizes = [16, 400], strides = [1, 1]} : vector<128x400xf32> to vector<16x400xf32>
    %slice3A_416 = vector.extract_strided_slice %select_n3A_33 {offsets = [0, 2000], sizes = [16, 400], strides = [1, 1]} : vector<16x3200xf32> to vector<16x400xf32>
    %slice3A_417 = vector.extract_strided_slice %slice3A_415 {offsets = [0, 0], sizes = [1, 400], strides = [1, 1]} : vector<16x400xf32> to vector<1x400xf32>
    %mul3A_418 = vector.broadcast %slice3A_417 : vector<1x400xf32> to vector<16x400xf32>
    %mul3A_419 = arith.mulf %mul3A_418, %slice3A_416 : vector<16x400xf32>
    %slice3A_420 = vector.extract_strided_slice %slice3A_415 {offsets = [1, 0], sizes = [1, 400], strides = [1, 1]} : vector<16x400xf32> to vector<1x400xf32>
    %mul3A_421 = vector.broadcast %slice3A_420 : vector<1x400xf32> to vector<16x400xf32>
    %mul3A_422 = arith.mulf %mul3A_421, %slice3A_416 : vector<16x400xf32>
    %slice3A_423 = vector.extract_strided_slice %slice3A_415 {offsets = [2, 0], sizes = [1, 400], strides = [1, 1]} : vector<16x400xf32> to vector<1x400xf32>
    %mul3A_424 = vector.broadcast %slice3A_423 : vector<1x400xf32> to vector<16x400xf32>
    %mul3A_425 = arith.mulf %mul3A_424, %slice3A_416 : vector<16x400xf32>
    %slice3A_426 = vector.extract_strided_slice %slice3A_415 {offsets = [3, 0], sizes = [1, 400], strides = [1, 1]} : vector<16x400xf32> to vector<1x400xf32>
    %mul3A_427 = vector.broadcast %slice3A_426 : vector<1x400xf32> to vector<16x400xf32>
    %mul3A_428 = arith.mulf %mul3A_427, %slice3A_416 : vector<16x400xf32>
    %slice3A_429 = vector.extract_strided_slice %slice3A_415 {offsets = [4, 0], sizes = [1, 400], strides = [1, 1]} : vector<16x400xf32> to vector<1x400xf32>
    %mul3A_430 = vector.broadcast %slice3A_429 : vector<1x400xf32> to vector<16x400xf32>
    %mul3A_431 = arith.mulf %mul3A_430, %slice3A_416 : vector<16x400xf32>
    %slice3A_432 = vector.extract_strided_slice %slice3A_415 {offsets = [5, 0], sizes = [1, 400], strides = [1, 1]} : vector<16x400xf32> to vector<1x400xf32>
    %mul3A_433 = vector.broadcast %slice3A_432 : vector<1x400xf32> to vector<16x400xf32>
    %mul3A_434 = arith.mulf %mul3A_433, %slice3A_416 : vector<16x400xf32>
    %slice3A_435 = vector.extract_strided_slice %slice3A_415 {offsets = [6, 0], sizes = [1, 400], strides = [1, 1]} : vector<16x400xf32> to vector<1x400xf32>
    %mul3A_436 = vector.broadcast %slice3A_435 : vector<1x400xf32> to vector<16x400xf32>
    %mul3A_437 = arith.mulf %mul3A_436, %slice3A_416 : vector<16x400xf32>
    %slice3A_438 = vector.extract_strided_slice %slice3A_415 {offsets = [7, 0], sizes = [1, 400], strides = [1, 1]} : vector<16x400xf32> to vector<1x400xf32>
    %mul3A_439 = vector.broadcast %slice3A_438 : vector<1x400xf32> to vector<16x400xf32>
    %mul3A_440 = arith.mulf %mul3A_439, %slice3A_416 : vector<16x400xf32>
    %slice3A_441 = vector.extract_strided_slice %slice3A_415 {offsets = [8, 0], sizes = [1, 400], strides = [1, 1]} : vector<16x400xf32> to vector<1x400xf32>
    %mul3A_442 = vector.broadcast %slice3A_441 : vector<1x400xf32> to vector<16x400xf32>
    %mul3A_443 = arith.mulf %mul3A_442, %slice3A_416 : vector<16x400xf32>
    %slice3A_444 = vector.extract_strided_slice %slice3A_415 {offsets = [9, 0], sizes = [1, 400], strides = [1, 1]} : vector<16x400xf32> to vector<1x400xf32>
    %mul3A_445 = vector.broadcast %slice3A_444 : vector<1x400xf32> to vector<16x400xf32>
    %mul3A_446 = arith.mulf %mul3A_445, %slice3A_416 : vector<16x400xf32>
    %slice3A_447 = vector.extract_strided_slice %slice3A_415 {offsets = [10, 0], sizes = [1, 400], strides = [1, 1]} : vector<16x400xf32> to vector<1x400xf32>
    %mul3A_448 = vector.broadcast %slice3A_447 : vector<1x400xf32> to vector<16x400xf32>
    %mul3A_449 = arith.mulf %mul3A_448, %slice3A_416 : vector<16x400xf32>
    %slice3A_450 = vector.extract_strided_slice %slice3A_415 {offsets = [11, 0], sizes = [1, 400], strides = [1, 1]} : vector<16x400xf32> to vector<1x400xf32>
    %mul3A_451 = vector.broadcast %slice3A_450 : vector<1x400xf32> to vector<16x400xf32>
    %mul3A_452 = arith.mulf %mul3A_451, %slice3A_416 : vector<16x400xf32>
    %slice3A_453 = vector.extract_strided_slice %slice3A_415 {offsets = [12, 0], sizes = [1, 400], strides = [1, 1]} : vector<16x400xf32> to vector<1x400xf32>
    %mul3A_454 = vector.broadcast %slice3A_453 : vector<1x400xf32> to vector<16x400xf32>
    %mul3A_455 = arith.mulf %mul3A_454, %slice3A_416 : vector<16x400xf32>
    %slice3A_456 = vector.extract_strided_slice %slice3A_415 {offsets = [13, 0], sizes = [1, 400], strides = [1, 1]} : vector<16x400xf32> to vector<1x400xf32>
    %mul3A_457 = vector.broadcast %slice3A_456 : vector<1x400xf32> to vector<16x400xf32>
    %mul3A_458 = arith.mulf %mul3A_457, %slice3A_416 : vector<16x400xf32>
    %slice3A_459 = vector.extract_strided_slice %slice3A_415 {offsets = [14, 0], sizes = [1, 400], strides = [1, 1]} : vector<16x400xf32> to vector<1x400xf32>
    %mul3A_460 = vector.broadcast %slice3A_459 : vector<1x400xf32> to vector<16x400xf32>
    %mul3A_461 = arith.mulf %mul3A_460, %slice3A_416 : vector<16x400xf32>
    %slice3A_462 = vector.extract_strided_slice %slice3A_415 {offsets = [15, 0], sizes = [1, 400], strides = [1, 1]} : vector<16x400xf32> to vector<1x400xf32>
    %mul3A_463 = vector.broadcast %slice3A_462 : vector<1x400xf32> to vector<16x400xf32>
    %mul3A_464 = arith.mulf %mul3A_463, %slice3A_416 : vector<16x400xf32>
    %concatenate3A_465 = tpu.concatenate %mul3A_419, %mul3A_422, %mul3A_425, %mul3A_428, %mul3A_431, %mul3A_434, %mul3A_437, %mul3A_440, %mul3A_443, %mul3A_446, %mul3A_449, %mul3A_452, %mul3A_455, %mul3A_458, %mul3A_461, %mul3A_464 in 0 : vector<16x400xf32>, vector<16x400xf32>, vector<16x400xf32>, vector<16x400xf32>, vector<16x400xf32>, vector<16x400xf32>, vector<16x400xf32>, vector<16x400xf32>, vector<16x400xf32>, vector<16x400xf32>, vector<16x400xf32>, vector<16x400xf32>, vector<16x400xf32>, vector<16x400xf32>, vector<16x400xf32>, vector<16x400xf32> -> vector<256x400xf32>
    %convert_element_type3A_466 = arith.truncf %concatenate3A_465 : vector<256x400xf32> to vector<256x400xbf16>
    %convert_element_type3A_467 = arith.extf %convert_element_type3A_466 : vector<256x400xbf16> to vector<256x400xf32>
    %sub3A_468 = arith.subf %concatenate3A_465, %convert_element_type3A_467 : vector<256x400xf32>
    %get3A_469 = arith.constant 0 : index
    %get3A_470 = arith.constant 0 : index
    %get3A_471 = vector.load %arg7[%get3A_469, %get3A_470] : memref<16x256xf32, #tpu.memory_space<vmem>>, vector<16x256xf32>
    %dot_general3A_472 = arith.constant dense<0.000000e+00> : vector<16x400xf32>
    %dot_general3A_473 = tpu.matmul %get3A_471, %convert_element_type3A_467, %dot_general3A_472 {dimension_numbers = #tpu.dot_dimension_numbers<[1], [0], [0], [1], [0, 0, 1, 1], [], []>, transpose_lhs_hint = false} : vector<16x256xf32>, vector<256x400xf32>, vector<16x400xf32> -> vector<16x400xf32>
    %get3A_474 = arith.constant 0 : index
    %get3A_475 = arith.constant 0 : index
    %get3A_476 = vector.load %arg7[%get3A_474, %get3A_475] : memref<16x256xf32, #tpu.memory_space<vmem>>, vector<16x256xf32>
    %dot_general3A_477 = arith.constant dense<0.000000e+00> : vector<16x400xf32>
    %dot_general3A_478 = tpu.matmul %get3A_476, %sub3A_468, %dot_general3A_477 {dimension_numbers = #tpu.dot_dimension_numbers<[1], [0], [0], [1], [0, 0, 1, 1], [], []>, transpose_lhs_hint = false} : vector<16x256xf32>, vector<256x400xf32>, vector<16x400xf32> -> vector<16x400xf32>
    %add3A_479 = arith.addf %dot_general3A_473, %dot_general3A_478 : vector<16x400xf32>
    %get3A_480 = arith.constant 0 : index
    %get3A_481 = arith.constant 0 : index
    %get3A_482 = vector.load %arg8[%get3A_480, %get3A_481] : memref<16x256xf32, #tpu.memory_space<vmem>>, vector<16x256xf32>
    %dot_general3A_483 = arith.constant dense<0.000000e+00> : vector<16x400xf32>
    %dot_general3A_484 = tpu.matmul %get3A_482, %convert_element_type3A_467, %dot_general3A_483 {dimension_numbers = #tpu.dot_dimension_numbers<[1], [0], [0], [1], [0, 0, 1, 1], [], []>, transpose_lhs_hint = false} : vector<16x256xf32>, vector<256x400xf32>, vector<16x400xf32> -> vector<16x400xf32>
    %add3A_485 = arith.addf %add3A_479, %dot_general3A_484 : vector<16x400xf32>
    %get3A_486 = arith.constant 0 : index
    %get3A_487 = arith.constant 0 : index
    %get3A_488 = vector.load %arg9[%get3A_486, %get3A_487] : memref<16x16xf32, #tpu.memory_space<vmem>>, vector<16x16xf32>
    %dot_general3A_489 = arith.constant dense<0.000000e+00> : vector<16x400xf32>
    %dot_general3A_490 = tpu.matmul %get3A_488, %slice3A_415, %dot_general3A_489 {dimension_numbers = #tpu.dot_dimension_numbers<[1], [0], [0], [1], [0, 0, 1, 1], [], []>, transpose_lhs_hint = false} : vector<16x16xf32>, vector<16x400xf32>, vector<16x400xf32> -> vector<16x400xf32>
    %add3A_491 = arith.addf %add3A_485, %dot_general3A_490 : vector<16x400xf32>
    %slice3A_492 = vector.extract_strided_slice %transpose3A {offsets = [96, 0], sizes = [16, 400], strides = [1, 1]} : vector<128x400xf32> to vector<16x400xf32>
    %slice3A_493 = vector.extract_strided_slice %select_n3A_33 {offsets = [0, 2400], sizes = [16, 400], strides = [1, 1]} : vector<16x3200xf32> to vector<16x400xf32>
    %slice3A_494 = vector.extract_strided_slice %slice3A_492 {offsets = [0, 0], sizes = [1, 400], strides = [1, 1]} : vector<16x400xf32> to vector<1x400xf32>
    %mul3A_495 = vector.broadcast %slice3A_494 : vector<1x400xf32> to vector<16x400xf32>
    %mul3A_496 = arith.mulf %mul3A_495, %slice3A_493 : vector<16x400xf32>
    %slice3A_497 = vector.extract_strided_slice %slice3A_492 {offsets = [1, 0], sizes = [1, 400], strides = [1, 1]} : vector<16x400xf32> to vector<1x400xf32>
    %mul3A_498 = vector.broadcast %slice3A_497 : vector<1x400xf32> to vector<16x400xf32>
    %mul3A_499 = arith.mulf %mul3A_498, %slice3A_493 : vector<16x400xf32>
    %slice3A_500 = vector.extract_strided_slice %slice3A_492 {offsets = [2, 0], sizes = [1, 400], strides = [1, 1]} : vector<16x400xf32> to vector<1x400xf32>
    %mul3A_501 = vector.broadcast %slice3A_500 : vector<1x400xf32> to vector<16x400xf32>
    %mul3A_502 = arith.mulf %mul3A_501, %slice3A_493 : vector<16x400xf32>
    %slice3A_503 = vector.extract_strided_slice %slice3A_492 {offsets = [3, 0], sizes = [1, 400], strides = [1, 1]} : vector<16x400xf32> to vector<1x400xf32>
    %mul3A_504 = vector.broadcast %slice3A_503 : vector<1x400xf32> to vector<16x400xf32>
    %mul3A_505 = arith.mulf %mul3A_504, %slice3A_493 : vector<16x400xf32>
    %slice3A_506 = vector.extract_strided_slice %slice3A_492 {offsets = [4, 0], sizes = [1, 400], strides = [1, 1]} : vector<16x400xf32> to vector<1x400xf32>
    %mul3A_507 = vector.broadcast %slice3A_506 : vector<1x400xf32> to vector<16x400xf32>
    %mul3A_508 = arith.mulf %mul3A_507, %slice3A_493 : vector<16x400xf32>
    %slice3A_509 = vector.extract_strided_slice %slice3A_492 {offsets = [5, 0], sizes = [1, 400], strides = [1, 1]} : vector<16x400xf32> to vector<1x400xf32>
    %mul3A_510 = vector.broadcast %slice3A_509 : vector<1x400xf32> to vector<16x400xf32>
    %mul3A_511 = arith.mulf %mul3A_510, %slice3A_493 : vector<16x400xf32>
    %slice3A_512 = vector.extract_strided_slice %slice3A_492 {offsets = [6, 0], sizes = [1, 400], strides = [1, 1]} : vector<16x400xf32> to vector<1x400xf32>
    %mul3A_513 = vector.broadcast %slice3A_512 : vector<1x400xf32> to vector<16x400xf32>
    %mul3A_514 = arith.mulf %mul3A_513, %slice3A_493 : vector<16x400xf32>
    %slice3A_515 = vector.extract_strided_slice %slice3A_492 {offsets = [7, 0], sizes = [1, 400], strides = [1, 1]} : vector<16x400xf32> to vector<1x400xf32>
    %mul3A_516 = vector.broadcast %slice3A_515 : vector<1x400xf32> to vector<16x400xf32>
    %mul3A_517 = arith.mulf %mul3A_516, %slice3A_493 : vector<16x400xf32>
    %slice3A_518 = vector.extract_strided_slice %slice3A_492 {offsets = [8, 0], sizes = [1, 400], strides = [1, 1]} : vector<16x400xf32> to vector<1x400xf32>
    %mul3A_519 = vector.broadcast %slice3A_518 : vector<1x400xf32> to vector<16x400xf32>
    %mul3A_520 = arith.mulf %mul3A_519, %slice3A_493 : vector<16x400xf32>
    %slice3A_521 = vector.extract_strided_slice %slice3A_492 {offsets = [9, 0], sizes = [1, 400], strides = [1, 1]} : vector<16x400xf32> to vector<1x400xf32>
    %mul3A_522 = vector.broadcast %slice3A_521 : vector<1x400xf32> to vector<16x400xf32>
    %mul3A_523 = arith.mulf %mul3A_522, %slice3A_493 : vector<16x400xf32>
    %slice3A_524 = vector.extract_strided_slice %slice3A_492 {offsets = [10, 0], sizes = [1, 400], strides = [1, 1]} : vector<16x400xf32> to vector<1x400xf32>
    %mul3A_525 = vector.broadcast %slice3A_524 : vector<1x400xf32> to vector<16x400xf32>
    %mul3A_526 = arith.mulf %mul3A_525, %slice3A_493 : vector<16x400xf32>
    %slice3A_527 = vector.extract_strided_slice %slice3A_492 {offsets = [11, 0], sizes = [1, 400], strides = [1, 1]} : vector<16x400xf32> to vector<1x400xf32>
    %mul3A_528 = vector.broadcast %slice3A_527 : vector<1x400xf32> to vector<16x400xf32>
    %mul3A_529 = arith.mulf %mul3A_528, %slice3A_493 : vector<16x400xf32>
    %slice3A_530 = vector.extract_strided_slice %slice3A_492 {offsets = [12, 0], sizes = [1, 400], strides = [1, 1]} : vector<16x400xf32> to vector<1x400xf32>
    %mul3A_531 = vector.broadcast %slice3A_530 : vector<1x400xf32> to vector<16x400xf32>
    %mul3A_532 = arith.mulf %mul3A_531, %slice3A_493 : vector<16x400xf32>
    %slice3A_533 = vector.extract_strided_slice %slice3A_492 {offsets = [13, 0], sizes = [1, 400], strides = [1, 1]} : vector<16x400xf32> to vector<1x400xf32>
    %mul3A_534 = vector.broadcast %slice3A_533 : vector<1x400xf32> to vector<16x400xf32>
    %mul3A_535 = arith.mulf %mul3A_534, %slice3A_493 : vector<16x400xf32>
    %slice3A_536 = vector.extract_strided_slice %slice3A_492 {offsets = [14, 0], sizes = [1, 400], strides = [1, 1]} : vector<16x400xf32> to vector<1x400xf32>
    %mul3A_537 = vector.broadcast %slice3A_536 : vector<1x400xf32> to vector<16x400xf32>
    %mul3A_538 = arith.mulf %mul3A_537, %slice3A_493 : vector<16x400xf32>
    %slice3A_539 = vector.extract_strided_slice %slice3A_492 {offsets = [15, 0], sizes = [1, 400], strides = [1, 1]} : vector<16x400xf32> to vector<1x400xf32>
    %mul3A_540 = vector.broadcast %slice3A_539 : vector<1x400xf32> to vector<16x400xf32>
    %mul3A_541 = arith.mulf %mul3A_540, %slice3A_493 : vector<16x400xf32>
    %concatenate3A_542 = tpu.concatenate %mul3A_496, %mul3A_499, %mul3A_502, %mul3A_505, %mul3A_508, %mul3A_511, %mul3A_514, %mul3A_517, %mul3A_520, %mul3A_523, %mul3A_526, %mul3A_529, %mul3A_532, %mul3A_535, %mul3A_538, %mul3A_541 in 0 : vector<16x400xf32>, vector<16x400xf32>, vector<16x400xf32>, vector<16x400xf32>, vector<16x400xf32>, vector<16x400xf32>, vector<16x400xf32>, vector<16x400xf32>, vector<16x400xf32>, vector<16x400xf32>, vector<16x400xf32>, vector<16x400xf32>, vector<16x400xf32>, vector<16x400xf32>, vector<16x400xf32>, vector<16x400xf32> -> vector<256x400xf32>
    %convert_element_type3A_543 = arith.truncf %concatenate3A_542 : vector<256x400xf32> to vector<256x400xbf16>
    %convert_element_type3A_544 = arith.extf %convert_element_type3A_543 : vector<256x400xbf16> to vector<256x400xf32>
    %sub3A_545 = arith.subf %concatenate3A_542, %convert_element_type3A_544 : vector<256x400xf32>
    %get3A_546 = arith.constant 0 : index
    %get3A_547 = arith.constant 0 : index
    %get3A_548 = vector.load %arg7[%get3A_546, %get3A_547] : memref<16x256xf32, #tpu.memory_space<vmem>>, vector<16x256xf32>
    %dot_general3A_549 = arith.constant dense<0.000000e+00> : vector<16x400xf32>
    %dot_general3A_550 = tpu.matmul %get3A_548, %convert_element_type3A_544, %dot_general3A_549 {dimension_numbers = #tpu.dot_dimension_numbers<[1], [0], [0], [1], [0, 0, 1, 1], [], []>, transpose_lhs_hint = false} : vector<16x256xf32>, vector<256x400xf32>, vector<16x400xf32> -> vector<16x400xf32>
    %get3A_551 = arith.constant 0 : index
    %get3A_552 = arith.constant 0 : index
    %get3A_553 = vector.load %arg7[%get3A_551, %get3A_552] : memref<16x256xf32, #tpu.memory_space<vmem>>, vector<16x256xf32>
    %dot_general3A_554 = arith.constant dense<0.000000e+00> : vector<16x400xf32>
    %dot_general3A_555 = tpu.matmul %get3A_553, %sub3A_545, %dot_general3A_554 {dimension_numbers = #tpu.dot_dimension_numbers<[1], [0], [0], [1], [0, 0, 1, 1], [], []>, transpose_lhs_hint = false} : vector<16x256xf32>, vector<256x400xf32>, vector<16x400xf32> -> vector<16x400xf32>
    %add3A_556 = arith.addf %dot_general3A_550, %dot_general3A_555 : vector<16x400xf32>
    %get3A_557 = arith.constant 0 : index
    %get3A_558 = arith.constant 0 : index
    %get3A_559 = vector.load %arg8[%get3A_557, %get3A_558] : memref<16x256xf32, #tpu.memory_space<vmem>>, vector<16x256xf32>
    %dot_general3A_560 = arith.constant dense<0.000000e+00> : vector<16x400xf32>
    %dot_general3A_561 = tpu.matmul %get3A_559, %convert_element_type3A_544, %dot_general3A_560 {dimension_numbers = #tpu.dot_dimension_numbers<[1], [0], [0], [1], [0, 0, 1, 1], [], []>, transpose_lhs_hint = false} : vector<16x256xf32>, vector<256x400xf32>, vector<16x400xf32> -> vector<16x400xf32>
    %add3A_562 = arith.addf %add3A_556, %dot_general3A_561 : vector<16x400xf32>
    %get3A_563 = arith.constant 0 : index
    %get3A_564 = arith.constant 0 : index
    %get3A_565 = vector.load %arg9[%get3A_563, %get3A_564] : memref<16x16xf32, #tpu.memory_space<vmem>>, vector<16x16xf32>
    %dot_general3A_566 = arith.constant dense<0.000000e+00> : vector<16x400xf32>
    %dot_general3A_567 = tpu.matmul %get3A_565, %slice3A_492, %dot_general3A_566 {dimension_numbers = #tpu.dot_dimension_numbers<[1], [0], [0], [1], [0, 0, 1, 1], [], []>, transpose_lhs_hint = false} : vector<16x16xf32>, vector<16x400xf32>, vector<16x400xf32> -> vector<16x400xf32>
    %add3A_568 = arith.addf %add3A_562, %dot_general3A_567 : vector<16x400xf32>
    %slice3A_569 = vector.extract_strided_slice %transpose3A {offsets = [112, 0], sizes = [16, 400], strides = [1, 1]} : vector<128x400xf32> to vector<16x400xf32>
    %slice3A_570 = vector.extract_strided_slice %select_n3A_33 {offsets = [0, 2800], sizes = [16, 400], strides = [1, 1]} : vector<16x3200xf32> to vector<16x400xf32>
    %slice3A_571 = vector.extract_strided_slice %slice3A_569 {offsets = [0, 0], sizes = [1, 400], strides = [1, 1]} : vector<16x400xf32> to vector<1x400xf32>
    %mul3A_572 = vector.broadcast %slice3A_571 : vector<1x400xf32> to vector<16x400xf32>
    %mul3A_573 = arith.mulf %mul3A_572, %slice3A_570 : vector<16x400xf32>
    %slice3A_574 = vector.extract_strided_slice %slice3A_569 {offsets = [1, 0], sizes = [1, 400], strides = [1, 1]} : vector<16x400xf32> to vector<1x400xf32>
    %mul3A_575 = vector.broadcast %slice3A_574 : vector<1x400xf32> to vector<16x400xf32>
    %mul3A_576 = arith.mulf %mul3A_575, %slice3A_570 : vector<16x400xf32>
    %slice3A_577 = vector.extract_strided_slice %slice3A_569 {offsets = [2, 0], sizes = [1, 400], strides = [1, 1]} : vector<16x400xf32> to vector<1x400xf32>
    %mul3A_578 = vector.broadcast %slice3A_577 : vector<1x400xf32> to vector<16x400xf32>
    %mul3A_579 = arith.mulf %mul3A_578, %slice3A_570 : vector<16x400xf32>
    %slice3A_580 = vector.extract_strided_slice %slice3A_569 {offsets = [3, 0], sizes = [1, 400], strides = [1, 1]} : vector<16x400xf32> to vector<1x400xf32>
    %mul3A_581 = vector.broadcast %slice3A_580 : vector<1x400xf32> to vector<16x400xf32>
    %mul3A_582 = arith.mulf %mul3A_581, %slice3A_570 : vector<16x400xf32>
    %slice3A_583 = vector.extract_strided_slice %slice3A_569 {offsets = [4, 0], sizes = [1, 400], strides = [1, 1]} : vector<16x400xf32> to vector<1x400xf32>
    %mul3A_584 = vector.broadcast %slice3A_583 : vector<1x400xf32> to vector<16x400xf32>
    %mul3A_585 = arith.mulf %mul3A_584, %slice3A_570 : vector<16x400xf32>
    %slice3A_586 = vector.extract_strided_slice %slice3A_569 {offsets = [5, 0], sizes = [1, 400], strides = [1, 1]} : vector<16x400xf32> to vector<1x400xf32>
    %mul3A_587 = vector.broadcast %slice3A_586 : vector<1x400xf32> to vector<16x400xf32>
    %mul3A_588 = arith.mulf %mul3A_587, %slice3A_570 : vector<16x400xf32>
    %slice3A_589 = vector.extract_strided_slice %slice3A_569 {offsets = [6, 0], sizes = [1, 400], strides = [1, 1]} : vector<16x400xf32> to vector<1x400xf32>
    %mul3A_590 = vector.broadcast %slice3A_589 : vector<1x400xf32> to vector<16x400xf32>
    %mul3A_591 = arith.mulf %mul3A_590, %slice3A_570 : vector<16x400xf32>
    %slice3A_592 = vector.extract_strided_slice %slice3A_569 {offsets = [7, 0], sizes = [1, 400], strides = [1, 1]} : vector<16x400xf32> to vector<1x400xf32>
    %mul3A_593 = vector.broadcast %slice3A_592 : vector<1x400xf32> to vector<16x400xf32>
    %mul3A_594 = arith.mulf %mul3A_593, %slice3A_570 : vector<16x400xf32>
    %slice3A_595 = vector.extract_strided_slice %slice3A_569 {offsets = [8, 0], sizes = [1, 400], strides = [1, 1]} : vector<16x400xf32> to vector<1x400xf32>
    %mul3A_596 = vector.broadcast %slice3A_595 : vector<1x400xf32> to vector<16x400xf32>
    %mul3A_597 = arith.mulf %mul3A_596, %slice3A_570 : vector<16x400xf32>
    %slice3A_598 = vector.extract_strided_slice %slice3A_569 {offsets = [9, 0], sizes = [1, 400], strides = [1, 1]} : vector<16x400xf32> to vector<1x400xf32>
    %mul3A_599 = vector.broadcast %slice3A_598 : vector<1x400xf32> to vector<16x400xf32>
    %mul3A_600 = arith.mulf %mul3A_599, %slice3A_570 : vector<16x400xf32>
    %slice3A_601 = vector.extract_strided_slice %slice3A_569 {offsets = [10, 0], sizes = [1, 400], strides = [1, 1]} : vector<16x400xf32> to vector<1x400xf32>
    %mul3A_602 = vector.broadcast %slice3A_601 : vector<1x400xf32> to vector<16x400xf32>
    %mul3A_603 = arith.mulf %mul3A_602, %slice3A_570 : vector<16x400xf32>
    %slice3A_604 = vector.extract_strided_slice %slice3A_569 {offsets = [11, 0], sizes = [1, 400], strides = [1, 1]} : vector<16x400xf32> to vector<1x400xf32>
    %mul3A_605 = vector.broadcast %slice3A_604 : vector<1x400xf32> to vector<16x400xf32>
    %mul3A_606 = arith.mulf %mul3A_605, %slice3A_570 : vector<16x400xf32>
    %slice3A_607 = vector.extract_strided_slice %slice3A_569 {offsets = [12, 0], sizes = [1, 400], strides = [1, 1]} : vector<16x400xf32> to vector<1x400xf32>
    %mul3A_608 = vector.broadcast %slice3A_607 : vector<1x400xf32> to vector<16x400xf32>
    %mul3A_609 = arith.mulf %mul3A_608, %slice3A_570 : vector<16x400xf32>
    %slice3A_610 = vector.extract_strided_slice %slice3A_569 {offsets = [13, 0], sizes = [1, 400], strides = [1, 1]} : vector<16x400xf32> to vector<1x400xf32>
    %mul3A_611 = vector.broadcast %slice3A_610 : vector<1x400xf32> to vector<16x400xf32>
    %mul3A_612 = arith.mulf %mul3A_611, %slice3A_570 : vector<16x400xf32>
    %slice3A_613 = vector.extract_strided_slice %slice3A_569 {offsets = [14, 0], sizes = [1, 400], strides = [1, 1]} : vector<16x400xf32> to vector<1x400xf32>
    %mul3A_614 = vector.broadcast %slice3A_613 : vector<1x400xf32> to vector<16x400xf32>
    %mul3A_615 = arith.mulf %mul3A_614, %slice3A_570 : vector<16x400xf32>
    %slice3A_616 = vector.extract_strided_slice %slice3A_569 {offsets = [15, 0], sizes = [1, 400], strides = [1, 1]} : vector<16x400xf32> to vector<1x400xf32>
    %mul3A_617 = vector.broadcast %slice3A_616 : vector<1x400xf32> to vector<16x400xf32>
    %mul3A_618 = arith.mulf %mul3A_617, %slice3A_570 : vector<16x400xf32>
    %concatenate3A_619 = tpu.concatenate %mul3A_573, %mul3A_576, %mul3A_579, %mul3A_582, %mul3A_585, %mul3A_588, %mul3A_591, %mul3A_594, %mul3A_597, %mul3A_600, %mul3A_603, %mul3A_606, %mul3A_609, %mul3A_612, %mul3A_615, %mul3A_618 in 0 : vector<16x400xf32>, vector<16x400xf32>, vector<16x400xf32>, vector<16x400xf32>, vector<16x400xf32>, vector<16x400xf32>, vector<16x400xf32>, vector<16x400xf32>, vector<16x400xf32>, vector<16x400xf32>, vector<16x400xf32>, vector<16x400xf32>, vector<16x400xf32>, vector<16x400xf32>, vector<16x400xf32>, vector<16x400xf32> -> vector<256x400xf32>
    %convert_element_type3A_620 = arith.truncf %concatenate3A_619 : vector<256x400xf32> to vector<256x400xbf16>
    %convert_element_type3A_621 = arith.extf %convert_element_type3A_620 : vector<256x400xbf16> to vector<256x400xf32>
    %sub3A_622 = arith.subf %concatenate3A_619, %convert_element_type3A_621 : vector<256x400xf32>
    %get3A_623 = arith.constant 0 : index
    %get3A_624 = arith.constant 0 : index
    %get3A_625 = vector.load %arg7[%get3A_623, %get3A_624] : memref<16x256xf32, #tpu.memory_space<vmem>>, vector<16x256xf32>
    %dot_general3A_626 = arith.constant dense<0.000000e+00> : vector<16x400xf32>
    %dot_general3A_627 = tpu.matmul %get3A_625, %convert_element_type3A_621, %dot_general3A_626 {dimension_numbers = #tpu.dot_dimension_numbers<[1], [0], [0], [1], [0, 0, 1, 1], [], []>, transpose_lhs_hint = false} : vector<16x256xf32>, vector<256x400xf32>, vector<16x400xf32> -> vector<16x400xf32>
    %get3A_628 = arith.constant 0 : index
    %get3A_629 = arith.constant 0 : index
    %get3A_630 = vector.load %arg7[%get3A_628, %get3A_629] : memref<16x256xf32, #tpu.memory_space<vmem>>, vector<16x256xf32>
    %dot_general3A_631 = arith.constant dense<0.000000e+00> : vector<16x400xf32>
    %dot_general3A_632 = tpu.matmul %get3A_630, %sub3A_622, %dot_general3A_631 {dimension_numbers = #tpu.dot_dimension_numbers<[1], [0], [0], [1], [0, 0, 1, 1], [], []>, transpose_lhs_hint = false} : vector<16x256xf32>, vector<256x400xf32>, vector<16x400xf32> -> vector<16x400xf32>
    %add3A_633 = arith.addf %dot_general3A_627, %dot_general3A_632 : vector<16x400xf32>
    %get3A_634 = arith.constant 0 : index
    %get3A_635 = arith.constant 0 : index
    %get3A_636 = vector.load %arg8[%get3A_634, %get3A_635] : memref<16x256xf32, #tpu.memory_space<vmem>>, vector<16x256xf32>
    %dot_general3A_637 = arith.constant dense<0.000000e+00> : vector<16x400xf32>
    %dot_general3A_638 = tpu.matmul %get3A_636, %convert_element_type3A_621, %dot_general3A_637 {dimension_numbers = #tpu.dot_dimension_numbers<[1], [0], [0], [1], [0, 0, 1, 1], [], []>, transpose_lhs_hint = false} : vector<16x256xf32>, vector<256x400xf32>, vector<16x400xf32> -> vector<16x400xf32>
    %add3A_639 = arith.addf %add3A_633, %dot_general3A_638 : vector<16x400xf32>
    %get3A_640 = arith.constant 0 : index
    %get3A_641 = arith.constant 0 : index
    %get3A_642 = vector.load %arg9[%get3A_640, %get3A_641] : memref<16x16xf32, #tpu.memory_space<vmem>>, vector<16x16xf32>
    %dot_general3A_643 = arith.constant dense<0.000000e+00> : vector<16x400xf32>
    %dot_general3A_644 = tpu.matmul %get3A_642, %slice3A_569, %dot_general3A_643 {dimension_numbers = #tpu.dot_dimension_numbers<[1], [0], [0], [1], [0, 0, 1, 1], [], []>, transpose_lhs_hint = false} : vector<16x16xf32>, vector<16x400xf32>, vector<16x400xf32> -> vector<16x400xf32>
    %add3A_645 = arith.addf %add3A_639, %dot_general3A_644 : vector<16x400xf32>
    %broadcast_in_dim3A = arith.constant 1.000000e+00 : f32
    %broadcast_in_dim3A_646 = vector.broadcast %broadcast_in_dim3A : f32 to vector<1x400xf32>
    %broadcast_in_dim3A_647 = arith.constant 0.000000e+00 : f32
    %broadcast_in_dim3A_648 = vector.broadcast %broadcast_in_dim3A_647 : f32 to vector<15x400xf32>
    %concatenate3A_649 = tpu.concatenate %broadcast_in_dim3A_646, %broadcast_in_dim3A_648 in 0 : vector<1x400xf32>, vector<15x400xf32> -> vector<16x400xf32>
    %concatenate3A_650 = tpu.concatenate %add3A_106, %concatenate3A_649, %add3A_260, %concatenate3A_649, %add3A_414, %concatenate3A_649, %add3A_568, %concatenate3A_649 in 0 : vector<16x400xf32>, vector<16x400xf32>, vector<16x400xf32>, vector<16x400xf32>, vector<16x400xf32>, vector<16x400xf32>, vector<16x400xf32>, vector<16x400xf32> -> vector<128x400xf32>
    %concatenate3A_651 = tpu.concatenate %add3A_183, %concatenate3A_649, %add3A_337, %concatenate3A_649, %add3A_491, %concatenate3A_649, %add3A_645, %concatenate3A_649 in 0 : vector<16x400xf32>, vector<16x400xf32>, vector<16x400xf32>, vector<16x400xf32>, vector<16x400xf32>, vector<16x400xf32>, vector<16x400xf32>, vector<16x400xf32> -> vector<128x400xf32>
    %concatenate3A_652 = tpu.concatenate %concatenate3A_650, %concatenate3A_651 in 1 : vector<128x400xf32>, vector<128x400xf32> -> vector<128x800xf32>
    %transpose3A_653 = tpu.transpose %concatenate3A_652, [1, 0] : vector<128x800xf32> -> vector<800x128xf32>
    %swap3A = arith.constant 0 : index
    %swap3A_654 = arith.constant 0 : index
    %swap3A_655 = vector.load %arg10[%swap3A, %swap3A_654] : memref<800x128xf32, #tpu.memory_space<vmem>>, vector<800x128xf32>
    tpu.vector_store %arg10[%swap3A, %swap3A_654], %transpose3A_653 {strides = array<i32>} : memref<800x128xf32, #tpu.memory_space<vmem>>, vector<800x128xf32>,
    return
  }
  func.func @transform_0(%arg0: i32) -> (i32, i32) {
    %c0_i32 = arith.constant 0 : i32
    %c0_i32_0 = arith.constant 0 : i32
    return %c0_i32, %arg0 : i32, i32
  }
  func.func @transform_1(%arg0: i32) -> (i32, i32) {
    %c0_i32 = arith.constant 0 : i32
    %c0_i32_0 = arith.constant 0 : i32
    return %arg0, %c0_i32 : i32, i32
  }
  func.func @transform_2(%arg0: i32) -> (i32, i32) {
    %c0_i32 = arith.constant 0 : i32
    %c0_i32_0 = arith.constant 0 : i32
    %c0_i32_1 = arith.constant 0 : i32
    return %c0_i32, %c0_i32_0 : i32, i32
  }
  func.func @transform_3(%arg0: i32) -> (i32, i32) {
    %c0_i32 = arith.constant 0 : i32
    %c0_i32_0 = arith.constant 0 : i32
    %c0_i32_1 = arith.constant 0 : i32
    return %c0_i32, %c0_i32_0 : i32, i32
  }
  func.func @transform_4(%arg0: i32) -> (i32, i32) {
    %c0_i32 = arith.constant 0 : i32
    %c0_i32_0 = arith.constant 0 : i32
    %c0_i32_1 = arith.constant 0 : i32
    return %c0_i32, %c0_i32_0 : i32, i32
  }
  func.func @transform_5(%arg0: i32) -> (i32, i32) {
    %c0_i32 = arith.constant 0 : i32
    %c0_i32_0 = arith.constant 0 : i32
    %c0_i32_1 = arith.constant 0 : i32
    return %c0_i32, %c0_i32_0 : i32, i32
  }
  func.func @transform_6(%arg0: i32) -> (i32, i32) {
    %c0_i32 = arith.constant 0 : i32
    %c0_i32_0 = arith.constant 0 : i32
    %c0_i32_1 = arith.constant 0 : i32
    return %c0_i32, %c0_i32_0 : i32, i32
  }
  func.func @transform_7(%arg0: i32) -> (i32, i32) {
    %c0_i32 = arith.constant 0 : i32
    %c0_i32_0 = arith.constant 0 : i32
    %c0_i32_1 = arith.constant 0 : i32
    return %c0_i32, %c0_i32_0 : i32, i32
  }
  func.func @transform_8(%arg0: i32) -> (i32, i32) {
    %c0_i32 = arith.constant 0 : i32
    %c0_i32_0 = arith.constant 0 : i32
    %c0_i32_1 = arith.constant 0 : i32
    return %c0_i32, %c0_i32_0 : i32, i32
  }
  func.func @transform_9(%arg0: i32) -> (i32, i32) {
    %c0_i32 = arith.constant 0 : i32
    %c0_i32_0 = arith.constant 0 : i32
    return %arg0, %c0_i32 : i32, i32
  }
}

module attributes {stable_mosaic.version = 14 : i64} {
  func.func @_combine_body(%arg0: i32, %arg1: memref<2x5000x32xf32, #tpu.memory_space<vmem>>, %arg2: memref<5000x16xf32, #tpu.memory_space<vmem>>, %arg3: memref<16x16xf32, #tpu.memory_space<vmem>>, %arg4: memref<1x16xf32, #tpu.memory_space<vmem>>, %arg5: memref<16x1xf32, #tpu.memory_space<vmem>>, %arg6: memref<1x1xf32, #tpu.memory_space<vmem>>, %arg7: memref<5000x16xf32, #tpu.memory_space<vmem>>) attributes {dimension_semantics = [#tpu.dimension_semantics<arbitrary>], iteration_bounds = array<i64: 1>, scalar_prefetch = 0 : i64, scratch_operands = 0 : i64, tpu.core_type = #tpu.core_type<tc>, window_params = [{pipeline_mode = #tpu.pipeline_mode<synchronous>, transform_indices = @transform_0, window_bounds = array<i64: 2, 5000, 32>}, {pipeline_mode = #tpu.pipeline_mode<synchronous>, transform_indices = @transform_1, window_bounds = array<i64: 5000, 16>}, {pipeline_mode = #tpu.pipeline_mode<synchronous>, transform_indices = @transform_2, window_bounds = array<i64: 16, 16>}, {pipeline_mode = #tpu.pipeline_mode<synchronous>, transform_indices = @transform_3, window_bounds = array<i64: 1, 16>}, {pipeline_mode = #tpu.pipeline_mode<synchronous>, transform_indices = @transform_4, window_bounds = array<i64: 16, 1>}, {pipeline_mode = #tpu.pipeline_mode<synchronous>, transform_indices = @transform_5, window_bounds = array<i64: 1, 1>}, {pipeline_mode = #tpu.pipeline_mode<synchronous>, transform_indices = @transform_6, window_bounds = array<i64: 5000, 16>}]} {
    %get3A = arith.constant 0 : index
    %get3A_0 = arith.constant 0 : index
    %get3A_1 = arith.constant 0 : index
    %get3A_2 = vector.load %arg1[%get3A, %get3A_0, %get3A_1] : memref<2x5000x32xf32, #tpu.memory_space<vmem>>, vector<2x5000x32xf32>
    %slice3A = vector.extract_strided_slice %get3A_2 {offsets = [0, 0, 0], sizes = [1, 5000, 32], strides = [1, 1, 1]} : vector<2x5000x32xf32> to vector<1x5000x32xf32>
    %squeeze3A = vector.shape_cast %slice3A : vector<1x5000x32xf32> to vector<5000x32xf32>
    %slice3A_3 = vector.extract_strided_slice %get3A_2 {offsets = [1, 0, 0], sizes = [1, 5000, 32], strides = [1, 1, 1]} : vector<2x5000x32xf32> to vector<1x5000x32xf32>
    %squeeze3A_4 = vector.shape_cast %slice3A_3 : vector<1x5000x32xf32> to vector<5000x32xf32>
    %add3A = arith.addf %squeeze3A, %squeeze3A_4 : vector<5000x32xf32>
    %slice3A_5 = vector.extract_strided_slice %add3A {offsets = [0, 0], sizes = [5000, 16], strides = [1, 1]} : vector<5000x32xf32> to vector<5000x16xf32>
    %slice3A_6 = vector.extract_strided_slice %add3A {offsets = [0, 16], sizes = [5000, 1], strides = [1, 1]} : vector<5000x32xf32> to vector<5000x1xf32>
    %max3A = arith.constant 1.000000e+00 : f32
    %max3A_7 = vector.broadcast %max3A : f32 to vector<5000x1xf32>
    %max3A_8 = arith.maximumf %slice3A_6, %max3A_7 : vector<5000x1xf32>
    %div3A = vector.broadcast %max3A_8 : vector<5000x1xf32> to vector<5000x16xf32>
    %div3A_9 = arith.divf %slice3A_5, %div3A : vector<5000x16xf32>
    %get3A_10 = arith.constant 0 : index
    %get3A_11 = arith.constant 0 : index
    %get3A_12 = vector.load %arg2[%get3A_10, %get3A_11] : memref<5000x16xf32, #tpu.memory_space<vmem>>, vector<5000x16xf32>
    %get3A_13 = arith.constant 0 : index
    %get3A_14 = arith.constant 0 : index
    %get3A_15 = vector.load %arg3[%get3A_13, %get3A_14] : memref<16x16xf32, #tpu.memory_space<vmem>>, vector<16x16xf32>
    %dot_general3A = arith.constant dense<0.000000e+00> : vector<5000x16xf32>
    %dot_general3A_16 = tpu.matmul %get3A_12, %get3A_15, %dot_general3A {dimension_numbers = #tpu.dot_dimension_numbers<[1], [0], [0], [1], [0, 0, 1, 1], [], []>, transpose_lhs_hint = false} : vector<5000x16xf32>, vector<16x16xf32>, vector<5000x16xf32> -> vector<5000x16xf32>
    %add3A_17 = arith.addf %div3A_9, %dot_general3A_16 : vector<5000x16xf32>
    %get3A_18 = arith.constant 0 : index
    %get3A_19 = arith.constant 0 : index
    %get3A_20 = vector.load %arg4[%get3A_18, %get3A_19] : memref<1x16xf32, #tpu.memory_space<vmem>>, vector<1x16xf32>
    %add3A_21 = vector.broadcast %get3A_20 : vector<1x16xf32> to vector<5000x16xf32>
    %add3A_22 = arith.addf %add3A_17, %add3A_21 : vector<5000x16xf32>
    %ge3A = arith.constant 0.000000e+00 : f32
    %ge3A_23 = vector.broadcast %ge3A : f32 to vector<5000x16xf32>
    %ge3A_24 = arith.cmpf oge, %add3A_22, %ge3A_23 : vector<5000x16xf32>
    %mul3A = arith.constant 0.00999999977 : f32
    %mul3A_25 = vector.broadcast %mul3A : f32 to vector<5000x16xf32>
    %mul3A_26 = arith.mulf %mul3A_25, %add3A_22 : vector<5000x16xf32>
    %select_n3A = arith.select %ge3A_24, %add3A_22, %mul3A_26 : vector<5000x16xi1>, vector<5000x16xf32>
    %swap3A = arith.constant 0 : index
    %swap3A_27 = arith.constant 0 : index
    %swap3A_28 = vector.load %arg7[%swap3A, %swap3A_27] : memref<5000x16xf32, #tpu.memory_space<vmem>>, vector<5000x16xf32>
    tpu.vector_store %arg7[%swap3A, %swap3A_27], %select_n3A {strides = array<i32>} : memref<5000x16xf32, #tpu.memory_space<vmem>>, vector<5000x16xf32>,
    return
  }
  func.func @transform_0(%arg0: i32) -> (i32, i32, i32) {
    %c0_i32 = arith.constant 0 : i32
    %c0_i32_0 = arith.constant 0 : i32
    %c0_i32_1 = arith.constant 0 : i32
    %c0_i32_2 = arith.constant 0 : i32
    return %c0_i32, %c0_i32_0, %c0_i32_1 : i32, i32, i32
  }
  func.func @transform_1(%arg0: i32) -> (i32, i32) {
    %c0_i32 = arith.constant 0 : i32
    %c0_i32_0 = arith.constant 0 : i32
    %c0_i32_1 = arith.constant 0 : i32
    return %c0_i32, %c0_i32_0 : i32, i32
  }
  func.func @transform_2(%arg0: i32) -> (i32, i32) {
    %c0_i32 = arith.constant 0 : i32
    %c0_i32_0 = arith.constant 0 : i32
    %c0_i32_1 = arith.constant 0 : i32
    return %c0_i32, %c0_i32_0 : i32, i32
  }
  func.func @transform_3(%arg0: i32) -> (i32, i32) {
    %c0_i32 = arith.constant 0 : i32
    %c0_i32_0 = arith.constant 0 : i32
    %c0_i32_1 = arith.constant 0 : i32
    return %c0_i32, %c0_i32_0 : i32, i32
  }
  func.func @transform_4(%arg0: i32) -> (i32, i32) {
    %c0_i32 = arith.constant 0 : i32
    %c0_i32_0 = arith.constant 0 : i32
    %c0_i32_1 = arith.constant 0 : i32
    return %c0_i32, %c0_i32_0 : i32, i32
  }
  func.func @transform_5(%arg0: i32) -> (i32, i32) {
    %c0_i32 = arith.constant 0 : i32
    %c0_i32_0 = arith.constant 0 : i32
    %c0_i32_1 = arith.constant 0 : i32
    return %c0_i32, %c0_i32_0 : i32, i32
  }
  func.func @transform_6(%arg0: i32) -> (i32, i32) {
    %c0_i32 = arith.constant 0 : i32
    %c0_i32_0 = arith.constant 0 : i32
    %c0_i32_1 = arith.constant 0 : i32
    return %c0_i32, %c0_i32_0 : i32, i32
  }
}

module attributes {stable_mosaic.version = 14 : i64} {
  func.func @_msg_body(%arg0: i32, %arg1: memref<16x3200xf32, #tpu.memory_space<vmem>>, %arg2: memref<400x128xf32, #tpu.memory_space<vmem>>, %arg3: memref<16x16xf32, #tpu.memory_space<vmem>>, %arg4: memref<16x1xf32, #tpu.memory_space<vmem>>, %arg5: memref<16x16xf32, #tpu.memory_space<vmem>>, %arg6: memref<16x1xf32, #tpu.memory_space<vmem>>, %arg7: memref<16x256xf32, #tpu.memory_space<vmem>>, %arg8: memref<16x256xf32, #tpu.memory_space<vmem>>, %arg9: memref<16x16xf32, #tpu.memory_space<vmem>>, %arg10: memref<800x128xf32, #tpu.memory_space<vmem>>) attributes {dimension_semantics = [#tpu.dimension_semantics<arbitrary>], iteration_bounds = array<i64: 25>, scalar_prefetch = 0 : i64, scratch_operands = 0 : i64, tpu.core_type = #tpu.core_type<tc>, window_params = [{transform_indices = @transform_0, window_bounds = array<i64: 16, 3200>}, {transform_indices = @transform_1, window_bounds = array<i64: 400, 128>}, {pipeline_mode = #tpu.pipeline_mode<synchronous>, transform_indices = @transform_2, window_bounds = array<i64: 16, 16>}, {pipeline_mode = #tpu.pipeline_mode<synchronous>, transform_indices = @transform_3, window_bounds = array<i64: 16, 1>}, {pipeline_mode = #tpu.pipeline_mode<synchronous>, transform_indices = @transform_4, window_bounds = array<i64: 16, 16>}, {pipeline_mode = #tpu.pipeline_mode<synchronous>, transform_indices = @transform_5, window_bounds = array<i64: 16, 1>}, {pipeline_mode = #tpu.pipeline_mode<synchronous>, transform_indices = @transform_6, window_bounds = array<i64: 16, 256>}, {pipeline_mode = #tpu.pipeline_mode<synchronous>, transform_indices = @transform_7, window_bounds = array<i64: 16, 256>}, {pipeline_mode = #tpu.pipeline_mode<synchronous>, transform_indices = @transform_8, window_bounds = array<i64: 16, 16>}, {transform_indices = @transform_9, window_bounds = array<i64: 800, 128>}]} {
    %get3A = arith.constant 0 : index
    %get3A_0 = arith.constant 0 : index
    %get3A_1 = vector.load %arg1[%get3A, %get3A_0] : memref<16x3200xf32, #tpu.memory_space<vmem>>, vector<16x3200xf32>
    %get3A_2 = arith.constant 0 : index
    %get3A_3 = arith.constant 0 : index
    %get3A_4 = vector.load %arg2[%get3A_2, %get3A_3] : memref<400x128xf32, #tpu.memory_space<vmem>>, vector<400x128xf32>
    %transpose3A = tpu.transpose %get3A_4, [1, 0] : vector<400x128xf32> -> vector<128x400xf32>
    %get3A_5 = arith.constant 0 : index
    %get3A_6 = arith.constant 0 : index
    %get3A_7 = vector.load %arg3[%get3A_5, %get3A_6] : memref<16x16xf32, #tpu.memory_space<vmem>>, vector<16x16xf32>
    %dot_general3A = arith.constant dense<0.000000e+00> : vector<16x3200xf32>
    %dot_general3A_8 = tpu.matmul %get3A_7, %get3A_1, %dot_general3A {dimension_numbers = #tpu.dot_dimension_numbers<[1], [0], [0], [1], [0, 0, 1, 1], [], []>, transpose_lhs_hint = false} : vector<16x16xf32>, vector<16x3200xf32>, vector<16x3200xf32> -> vector<16x3200xf32>
    %get3A_9 = arith.constant 0 : index
    %get3A_10 = arith.constant 0 : index
    %get3A_11 = vector.load %arg4[%get3A_9, %get3A_10] : memref<16x1xf32, #tpu.memory_space<vmem>>, vector<16x1xf32>
    %add3A = vector.broadcast %get3A_11 : vector<16x1xf32> to vector<16x3200xf32>
    %add3A_12 = arith.addf %dot_general3A_8, %add3A : vector<16x3200xf32>
    %ge3A = arith.constant 0.000000e+00 : f32
    %ge3A_13 = vector.broadcast %ge3A : f32 to vector<16x3200xf32>
    %ge3A_14 = arith.cmpf oge, %add3A_12, %ge3A_13 : vector<16x3200xf32>
    %mul3A = arith.constant 0.00999999977 : f32
    %mul3A_15 = vector.broadcast %mul3A : f32 to vector<16x3200xf32>
    %mul3A_16 = arith.mulf %mul3A_15, %add3A_12 : vector<16x3200xf32>
    %select_n3A = arith.select %ge3A_14, %add3A_12, %mul3A_16 : vector<16x3200xi1>, vector<16x3200xf32>
    %get3A_17 = arith.constant 0 : index
    %get3A_18 = arith.constant 0 : index
    %get3A_19 = vector.load %arg5[%get3A_17, %get3A_18] : memref<16x16xf32, #tpu.memory_space<vmem>>, vector<16x16xf32>
    %dot_general3A_20 = arith.constant dense<0.000000e+00> : vector<16x3200xf32>
    %dot_general3A_21 = tpu.matmul %get3A_19, %select_n3A, %dot_general3A_20 {dimension_numbers = #tpu.dot_dimension_numbers<[1], [0], [0], [1], [0, 0, 1, 1], [], []>, transpose_lhs_hint = false} : vector<16x16xf32>, vector<16x3200xf32>, vector<16x3200xf32> -> vector<16x3200xf32>
    %get3A_22 = arith.constant 0 : index
    %get3A_23 = arith.constant 0 : index
    %get3A_24 = vector.load %arg6[%get3A_22, %get3A_23] : memref<16x1xf32, #tpu.memory_space<vmem>>, vector<16x1xf32>
    %add3A_25 = vector.broadcast %get3A_24 : vector<16x1xf32> to vector<16x3200xf32>
    %add3A_26 = arith.addf %dot_general3A_21, %add3A_25 : vector<16x3200xf32>
    %ge3A_27 = arith.constant 0.000000e+00 : f32
    %ge3A_28 = vector.broadcast %ge3A_27 : f32 to vector<16x3200xf32>
    %ge3A_29 = arith.cmpf oge, %add3A_26, %ge3A_28 : vector<16x3200xf32>
    %mul3A_30 = arith.constant 0.00999999977 : f32
    %mul3A_31 = vector.broadcast %mul3A_30 : f32 to vector<16x3200xf32>
    %mul3A_32 = arith.mulf %mul3A_31, %add3A_26 : vector<16x3200xf32>
    %select_n3A_33 = arith.select %ge3A_29, %add3A_26, %mul3A_32 : vector<16x3200xi1>, vector<16x3200xf32>
    %slice3A = vector.extract_strided_slice %transpose3A {offsets = [0, 0], sizes = [16, 400], strides = [1, 1]} : vector<128x400xf32> to vector<16x400xf32>
    %slice3A_34 = vector.extract_strided_slice %select_n3A_33 {offsets = [0, 0], sizes = [16, 400], strides = [1, 1]} : vector<16x3200xf32> to vector<16x400xf32>
    %slice3A_35 = vector.extract_strided_slice %slice3A {offsets = [0, 0], sizes = [1, 400], strides = [1, 1]} : vector<16x400xf32> to vector<1x400xf32>
    %mul3A_36 = vector.broadcast %slice3A_35 : vector<1x400xf32> to vector<16x400xf32>
    %mul3A_37 = arith.mulf %mul3A_36, %slice3A_34 : vector<16x400xf32>
    %slice3A_38 = vector.extract_strided_slice %slice3A {offsets = [1, 0], sizes = [1, 400], strides = [1, 1]} : vector<16x400xf32> to vector<1x400xf32>
    %mul3A_39 = vector.broadcast %slice3A_38 : vector<1x400xf32> to vector<16x400xf32>
    %mul3A_40 = arith.mulf %mul3A_39, %slice3A_34 : vector<16x400xf32>
    %slice3A_41 = vector.extract_strided_slice %slice3A {offsets = [2, 0], sizes = [1, 400], strides = [1, 1]} : vector<16x400xf32> to vector<1x400xf32>
    %mul3A_42 = vector.broadcast %slice3A_41 : vector<1x400xf32> to vector<16x400xf32>
    %mul3A_43 = arith.mulf %mul3A_42, %slice3A_34 : vector<16x400xf32>
    %slice3A_44 = vector.extract_strided_slice %slice3A {offsets = [3, 0], sizes = [1, 400], strides = [1, 1]} : vector<16x400xf32> to vector<1x400xf32>
    %mul3A_45 = vector.broadcast %slice3A_44 : vector<1x400xf32> to vector<16x400xf32>
    %mul3A_46 = arith.mulf %mul3A_45, %slice3A_34 : vector<16x400xf32>
    %slice3A_47 = vector.extract_strided_slice %slice3A {offsets = [4, 0], sizes = [1, 400], strides = [1, 1]} : vector<16x400xf32> to vector<1x400xf32>
    %mul3A_48 = vector.broadcast %slice3A_47 : vector<1x400xf32> to vector<16x400xf32>
    %mul3A_49 = arith.mulf %mul3A_48, %slice3A_34 : vector<16x400xf32>
    %slice3A_50 = vector.extract_strided_slice %slice3A {offsets = [5, 0], sizes = [1, 400], strides = [1, 1]} : vector<16x400xf32> to vector<1x400xf32>
    %mul3A_51 = vector.broadcast %slice3A_50 : vector<1x400xf32> to vector<16x400xf32>
    %mul3A_52 = arith.mulf %mul3A_51, %slice3A_34 : vector<16x400xf32>
    %slice3A_53 = vector.extract_strided_slice %slice3A {offsets = [6, 0], sizes = [1, 400], strides = [1, 1]} : vector<16x400xf32> to vector<1x400xf32>
    %mul3A_54 = vector.broadcast %slice3A_53 : vector<1x400xf32> to vector<16x400xf32>
    %mul3A_55 = arith.mulf %mul3A_54, %slice3A_34 : vector<16x400xf32>
    %slice3A_56 = vector.extract_strided_slice %slice3A {offsets = [7, 0], sizes = [1, 400], strides = [1, 1]} : vector<16x400xf32> to vector<1x400xf32>
    %mul3A_57 = vector.broadcast %slice3A_56 : vector<1x400xf32> to vector<16x400xf32>
    %mul3A_58 = arith.mulf %mul3A_57, %slice3A_34 : vector<16x400xf32>
    %slice3A_59 = vector.extract_strided_slice %slice3A {offsets = [8, 0], sizes = [1, 400], strides = [1, 1]} : vector<16x400xf32> to vector<1x400xf32>
    %mul3A_60 = vector.broadcast %slice3A_59 : vector<1x400xf32> to vector<16x400xf32>
    %mul3A_61 = arith.mulf %mul3A_60, %slice3A_34 : vector<16x400xf32>
    %slice3A_62 = vector.extract_strided_slice %slice3A {offsets = [9, 0], sizes = [1, 400], strides = [1, 1]} : vector<16x400xf32> to vector<1x400xf32>
    %mul3A_63 = vector.broadcast %slice3A_62 : vector<1x400xf32> to vector<16x400xf32>
    %mul3A_64 = arith.mulf %mul3A_63, %slice3A_34 : vector<16x400xf32>
    %slice3A_65 = vector.extract_strided_slice %slice3A {offsets = [10, 0], sizes = [1, 400], strides = [1, 1]} : vector<16x400xf32> to vector<1x400xf32>
    %mul3A_66 = vector.broadcast %slice3A_65 : vector<1x400xf32> to vector<16x400xf32>
    %mul3A_67 = arith.mulf %mul3A_66, %slice3A_34 : vector<16x400xf32>
    %slice3A_68 = vector.extract_strided_slice %slice3A {offsets = [11, 0], sizes = [1, 400], strides = [1, 1]} : vector<16x400xf32> to vector<1x400xf32>
    %mul3A_69 = vector.broadcast %slice3A_68 : vector<1x400xf32> to vector<16x400xf32>
    %mul3A_70 = arith.mulf %mul3A_69, %slice3A_34 : vector<16x400xf32>
    %slice3A_71 = vector.extract_strided_slice %slice3A {offsets = [12, 0], sizes = [1, 400], strides = [1, 1]} : vector<16x400xf32> to vector<1x400xf32>
    %mul3A_72 = vector.broadcast %slice3A_71 : vector<1x400xf32> to vector<16x400xf32>
    %mul3A_73 = arith.mulf %mul3A_72, %slice3A_34 : vector<16x400xf32>
    %slice3A_74 = vector.extract_strided_slice %slice3A {offsets = [13, 0], sizes = [1, 400], strides = [1, 1]} : vector<16x400xf32> to vector<1x400xf32>
    %mul3A_75 = vector.broadcast %slice3A_74 : vector<1x400xf32> to vector<16x400xf32>
    %mul3A_76 = arith.mulf %mul3A_75, %slice3A_34 : vector<16x400xf32>
    %slice3A_77 = vector.extract_strided_slice %slice3A {offsets = [14, 0], sizes = [1, 400], strides = [1, 1]} : vector<16x400xf32> to vector<1x400xf32>
    %mul3A_78 = vector.broadcast %slice3A_77 : vector<1x400xf32> to vector<16x400xf32>
    %mul3A_79 = arith.mulf %mul3A_78, %slice3A_34 : vector<16x400xf32>
    %slice3A_80 = vector.extract_strided_slice %slice3A {offsets = [15, 0], sizes = [1, 400], strides = [1, 1]} : vector<16x400xf32> to vector<1x400xf32>
    %mul3A_81 = vector.broadcast %slice3A_80 : vector<1x400xf32> to vector<16x400xf32>
    %mul3A_82 = arith.mulf %mul3A_81, %slice3A_34 : vector<16x400xf32>
    %concatenate3A = tpu.concatenate %mul3A_37, %mul3A_40, %mul3A_43, %mul3A_46, %mul3A_49, %mul3A_52, %mul3A_55, %mul3A_58, %mul3A_61, %mul3A_64, %mul3A_67, %mul3A_70, %mul3A_73, %mul3A_76, %mul3A_79, %mul3A_82 in 0 : vector<16x400xf32>, vector<16x400xf32>, vector<16x400xf32>, vector<16x400xf32>, vector<16x400xf32>, vector<16x400xf32>, vector<16x400xf32>, vector<16x400xf32>, vector<16x400xf32>, vector<16x400xf32>, vector<16x400xf32>, vector<16x400xf32>, vector<16x400xf32>, vector<16x400xf32>, vector<16x400xf32>, vector<16x400xf32> -> vector<256x400xf32>
    %convert_element_type3A = arith.truncf %concatenate3A : vector<256x400xf32> to vector<256x400xbf16>
    %convert_element_type3A_83 = arith.extf %convert_element_type3A : vector<256x400xbf16> to vector<256x400xf32>
    %sub3A = arith.subf %concatenate3A, %convert_element_type3A_83 : vector<256x400xf32>
    %get3A_84 = arith.constant 0 : index
    %get3A_85 = arith.constant 0 : index
    %get3A_86 = vector.load %arg7[%get3A_84, %get3A_85] : memref<16x256xf32, #tpu.memory_space<vmem>>, vector<16x256xf32>
    %dot_general3A_87 = arith.constant dense<0.000000e+00> : vector<16x400xf32>
    %dot_general3A_88 = tpu.matmul %get3A_86, %convert_element_type3A_83, %dot_general3A_87 {dimension_numbers = #tpu.dot_dimension_numbers<[1], [0], [0], [1], [0, 0, 1, 1], [], []>, transpose_lhs_hint = false} : vector<16x256xf32>, vector<256x400xf32>, vector<16x400xf32> -> vector<16x400xf32>
    %get3A_89 = arith.constant 0 : index
    %get3A_90 = arith.constant 0 : index
    %get3A_91 = vector.load %arg7[%get3A_89, %get3A_90] : memref<16x256xf32, #tpu.memory_space<vmem>>, vector<16x256xf32>
    %dot_general3A_92 = arith.constant dense<0.000000e+00> : vector<16x400xf32>
    %dot_general3A_93 = tpu.matmul %get3A_91, %sub3A, %dot_general3A_92 {dimension_numbers = #tpu.dot_dimension_numbers<[1], [0], [0], [1], [0, 0, 1, 1], [], []>, transpose_lhs_hint = false} : vector<16x256xf32>, vector<256x400xf32>, vector<16x400xf32> -> vector<16x400xf32>
    %add3A_94 = arith.addf %dot_general3A_88, %dot_general3A_93 : vector<16x400xf32>
    %get3A_95 = arith.constant 0 : index
    %get3A_96 = arith.constant 0 : index
    %get3A_97 = vector.load %arg8[%get3A_95, %get3A_96] : memref<16x256xf32, #tpu.memory_space<vmem>>, vector<16x256xf32>
    %dot_general3A_98 = arith.constant dense<0.000000e+00> : vector<16x400xf32>
    %dot_general3A_99 = tpu.matmul %get3A_97, %convert_element_type3A_83, %dot_general3A_98 {dimension_numbers = #tpu.dot_dimension_numbers<[1], [0], [0], [1], [0, 0, 1, 1], [], []>, transpose_lhs_hint = false} : vector<16x256xf32>, vector<256x400xf32>, vector<16x400xf32> -> vector<16x400xf32>
    %add3A_100 = arith.addf %add3A_94, %dot_general3A_99 : vector<16x400xf32>
    %get3A_101 = arith.constant 0 : index
    %get3A_102 = arith.constant 0 : index
    %get3A_103 = vector.load %arg9[%get3A_101, %get3A_102] : memref<16x16xf32, #tpu.memory_space<vmem>>, vector<16x16xf32>
    %dot_general3A_104 = arith.constant dense<0.000000e+00> : vector<16x400xf32>
    %dot_general3A_105 = tpu.matmul %get3A_103, %slice3A, %dot_general3A_104 {dimension_numbers = #tpu.dot_dimension_numbers<[1], [0], [0], [1], [0, 0, 1, 1], [], []>, transpose_lhs_hint = false} : vector<16x16xf32>, vector<16x400xf32>, vector<16x400xf32> -> vector<16x400xf32>
    %add3A_106 = arith.addf %add3A_100, %dot_general3A_105 : vector<16x400xf32>
    %slice3A_107 = vector.extract_strided_slice %transpose3A {offsets = [16, 0], sizes = [16, 400], strides = [1, 1]} : vector<128x400xf32> to vector<16x400xf32>
    %slice3A_108 = vector.extract_strided_slice %select_n3A_33 {offsets = [0, 400], sizes = [16, 400], strides = [1, 1]} : vector<16x3200xf32> to vector<16x400xf32>
    %slice3A_109 = vector.extract_strided_slice %slice3A_107 {offsets = [0, 0], sizes = [1, 400], strides = [1, 1]} : vector<16x400xf32> to vector<1x400xf32>
    %mul3A_110 = vector.broadcast %slice3A_109 : vector<1x400xf32> to vector<16x400xf32>
    %mul3A_111 = arith.mulf %mul3A_110, %slice3A_108 : vector<16x400xf32>
    %slice3A_112 = vector.extract_strided_slice %slice3A_107 {offsets = [1, 0], sizes = [1, 400], strides = [1, 1]} : vector<16x400xf32> to vector<1x400xf32>
    %mul3A_113 = vector.broadcast %slice3A_112 : vector<1x400xf32> to vector<16x400xf32>
    %mul3A_114 = arith.mulf %mul3A_113, %slice3A_108 : vector<16x400xf32>
    %slice3A_115 = vector.extract_strided_slice %slice3A_107 {offsets = [2, 0], sizes = [1, 400], strides = [1, 1]} : vector<16x400xf32> to vector<1x400xf32>
    %mul3A_116 = vector.broadcast %slice3A_115 : vector<1x400xf32> to vector<16x400xf32>
    %mul3A_117 = arith.mulf %mul3A_116, %slice3A_108 : vector<16x400xf32>
    %slice3A_118 = vector.extract_strided_slice %slice3A_107 {offsets = [3, 0], sizes = [1, 400], strides = [1, 1]} : vector<16x400xf32> to vector<1x400xf32>
    %mul3A_119 = vector.broadcast %slice3A_118 : vector<1x400xf32> to vector<16x400xf32>
    %mul3A_120 = arith.mulf %mul3A_119, %slice3A_108 : vector<16x400xf32>
    %slice3A_121 = vector.extract_strided_slice %slice3A_107 {offsets = [4, 0], sizes = [1, 400], strides = [1, 1]} : vector<16x400xf32> to vector<1x400xf32>
    %mul3A_122 = vector.broadcast %slice3A_121 : vector<1x400xf32> to vector<16x400xf32>
    %mul3A_123 = arith.mulf %mul3A_122, %slice3A_108 : vector<16x400xf32>
    %slice3A_124 = vector.extract_strided_slice %slice3A_107 {offsets = [5, 0], sizes = [1, 400], strides = [1, 1]} : vector<16x400xf32> to vector<1x400xf32>
    %mul3A_125 = vector.broadcast %slice3A_124 : vector<1x400xf32> to vector<16x400xf32>
    %mul3A_126 = arith.mulf %mul3A_125, %slice3A_108 : vector<16x400xf32>
    %slice3A_127 = vector.extract_strided_slice %slice3A_107 {offsets = [6, 0], sizes = [1, 400], strides = [1, 1]} : vector<16x400xf32> to vector<1x400xf32>
    %mul3A_128 = vector.broadcast %slice3A_127 : vector<1x400xf32> to vector<16x400xf32>
    %mul3A_129 = arith.mulf %mul3A_128, %slice3A_108 : vector<16x400xf32>
    %slice3A_130 = vector.extract_strided_slice %slice3A_107 {offsets = [7, 0], sizes = [1, 400], strides = [1, 1]} : vector<16x400xf32> to vector<1x400xf32>
    %mul3A_131 = vector.broadcast %slice3A_130 : vector<1x400xf32> to vector<16x400xf32>
    %mul3A_132 = arith.mulf %mul3A_131, %slice3A_108 : vector<16x400xf32>
    %slice3A_133 = vector.extract_strided_slice %slice3A_107 {offsets = [8, 0], sizes = [1, 400], strides = [1, 1]} : vector<16x400xf32> to vector<1x400xf32>
    %mul3A_134 = vector.broadcast %slice3A_133 : vector<1x400xf32> to vector<16x400xf32>
    %mul3A_135 = arith.mulf %mul3A_134, %slice3A_108 : vector<16x400xf32>
    %slice3A_136 = vector.extract_strided_slice %slice3A_107 {offsets = [9, 0], sizes = [1, 400], strides = [1, 1]} : vector<16x400xf32> to vector<1x400xf32>
    %mul3A_137 = vector.broadcast %slice3A_136 : vector<1x400xf32> to vector<16x400xf32>
    %mul3A_138 = arith.mulf %mul3A_137, %slice3A_108 : vector<16x400xf32>
    %slice3A_139 = vector.extract_strided_slice %slice3A_107 {offsets = [10, 0], sizes = [1, 400], strides = [1, 1]} : vector<16x400xf32> to vector<1x400xf32>
    %mul3A_140 = vector.broadcast %slice3A_139 : vector<1x400xf32> to vector<16x400xf32>
    %mul3A_141 = arith.mulf %mul3A_140, %slice3A_108 : vector<16x400xf32>
    %slice3A_142 = vector.extract_strided_slice %slice3A_107 {offsets = [11, 0], sizes = [1, 400], strides = [1, 1]} : vector<16x400xf32> to vector<1x400xf32>
    %mul3A_143 = vector.broadcast %slice3A_142 : vector<1x400xf32> to vector<16x400xf32>
    %mul3A_144 = arith.mulf %mul3A_143, %slice3A_108 : vector<16x400xf32>
    %slice3A_145 = vector.extract_strided_slice %slice3A_107 {offsets = [12, 0], sizes = [1, 400], strides = [1, 1]} : vector<16x400xf32> to vector<1x400xf32>
    %mul3A_146 = vector.broadcast %slice3A_145 : vector<1x400xf32> to vector<16x400xf32>
    %mul3A_147 = arith.mulf %mul3A_146, %slice3A_108 : vector<16x400xf32>
    %slice3A_148 = vector.extract_strided_slice %slice3A_107 {offsets = [13, 0], sizes = [1, 400], strides = [1, 1]} : vector<16x400xf32> to vector<1x400xf32>
    %mul3A_149 = vector.broadcast %slice3A_148 : vector<1x400xf32> to vector<16x400xf32>
    %mul3A_150 = arith.mulf %mul3A_149, %slice3A_108 : vector<16x400xf32>
    %slice3A_151 = vector.extract_strided_slice %slice3A_107 {offsets = [14, 0], sizes = [1, 400], strides = [1, 1]} : vector<16x400xf32> to vector<1x400xf32>
    %mul3A_152 = vector.broadcast %slice3A_151 : vector<1x400xf32> to vector<16x400xf32>
    %mul3A_153 = arith.mulf %mul3A_152, %slice3A_108 : vector<16x400xf32>
    %slice3A_154 = vector.extract_strided_slice %slice3A_107 {offsets = [15, 0], sizes = [1, 400], strides = [1, 1]} : vector<16x400xf32> to vector<1x400xf32>
    %mul3A_155 = vector.broadcast %slice3A_154 : vector<1x400xf32> to vector<16x400xf32>
    %mul3A_156 = arith.mulf %mul3A_155, %slice3A_108 : vector<16x400xf32>
    %concatenate3A_157 = tpu.concatenate %mul3A_111, %mul3A_114, %mul3A_117, %mul3A_120, %mul3A_123, %mul3A_126, %mul3A_129, %mul3A_132, %mul3A_135, %mul3A_138, %mul3A_141, %mul3A_144, %mul3A_147, %mul3A_150, %mul3A_153, %mul3A_156 in 0 : vector<16x400xf32>, vector<16x400xf32>, vector<16x400xf32>, vector<16x400xf32>, vector<16x400xf32>, vector<16x400xf32>, vector<16x400xf32>, vector<16x400xf32>, vector<16x400xf32>, vector<16x400xf32>, vector<16x400xf32>, vector<16x400xf32>, vector<16x400xf32>, vector<16x400xf32>, vector<16x400xf32>, vector<16x400xf32> -> vector<256x400xf32>
    %convert_element_type3A_158 = arith.truncf %concatenate3A_157 : vector<256x400xf32> to vector<256x400xbf16>
    %convert_element_type3A_159 = arith.extf %convert_element_type3A_158 : vector<256x400xbf16> to vector<256x400xf32>
    %sub3A_160 = arith.subf %concatenate3A_157, %convert_element_type3A_159 : vector<256x400xf32>
    %get3A_161 = arith.constant 0 : index
    %get3A_162 = arith.constant 0 : index
    %get3A_163 = vector.load %arg7[%get3A_161, %get3A_162] : memref<16x256xf32, #tpu.memory_space<vmem>>, vector<16x256xf32>
    %dot_general3A_164 = arith.constant dense<0.000000e+00> : vector<16x400xf32>
    %dot_general3A_165 = tpu.matmul %get3A_163, %convert_element_type3A_159, %dot_general3A_164 {dimension_numbers = #tpu.dot_dimension_numbers<[1], [0], [0], [1], [0, 0, 1, 1], [], []>, transpose_lhs_hint = false} : vector<16x256xf32>, vector<256x400xf32>, vector<16x400xf32> -> vector<16x400xf32>
    %get3A_166 = arith.constant 0 : index
    %get3A_167 = arith.constant 0 : index
    %get3A_168 = vector.load %arg7[%get3A_166, %get3A_167] : memref<16x256xf32, #tpu.memory_space<vmem>>, vector<16x256xf32>
    %dot_general3A_169 = arith.constant dense<0.000000e+00> : vector<16x400xf32>
    %dot_general3A_170 = tpu.matmul %get3A_168, %sub3A_160, %dot_general3A_169 {dimension_numbers = #tpu.dot_dimension_numbers<[1], [0], [0], [1], [0, 0, 1, 1], [], []>, transpose_lhs_hint = false} : vector<16x256xf32>, vector<256x400xf32>, vector<16x400xf32> -> vector<16x400xf32>
    %add3A_171 = arith.addf %dot_general3A_165, %dot_general3A_170 : vector<16x400xf32>
    %get3A_172 = arith.constant 0 : index
    %get3A_173 = arith.constant 0 : index
    %get3A_174 = vector.load %arg8[%get3A_172, %get3A_173] : memref<16x256xf32, #tpu.memory_space<vmem>>, vector<16x256xf32>
    %dot_general3A_175 = arith.constant dense<0.000000e+00> : vector<16x400xf32>
    %dot_general3A_176 = tpu.matmul %get3A_174, %convert_element_type3A_159, %dot_general3A_175 {dimension_numbers = #tpu.dot_dimension_numbers<[1], [0], [0], [1], [0, 0, 1, 1], [], []>, transpose_lhs_hint = false} : vector<16x256xf32>, vector<256x400xf32>, vector<16x400xf32> -> vector<16x400xf32>
    %add3A_177 = arith.addf %add3A_171, %dot_general3A_176 : vector<16x400xf32>
    %get3A_178 = arith.constant 0 : index
    %get3A_179 = arith.constant 0 : index
    %get3A_180 = vector.load %arg9[%get3A_178, %get3A_179] : memref<16x16xf32, #tpu.memory_space<vmem>>, vector<16x16xf32>
    %dot_general3A_181 = arith.constant dense<0.000000e+00> : vector<16x400xf32>
    %dot_general3A_182 = tpu.matmul %get3A_180, %slice3A_107, %dot_general3A_181 {dimension_numbers = #tpu.dot_dimension_numbers<[1], [0], [0], [1], [0, 0, 1, 1], [], []>, transpose_lhs_hint = false} : vector<16x16xf32>, vector<16x400xf32>, vector<16x400xf32> -> vector<16x400xf32>
    %add3A_183 = arith.addf %add3A_177, %dot_general3A_182 : vector<16x400xf32>
    %slice3A_184 = vector.extract_strided_slice %transpose3A {offsets = [32, 0], sizes = [16, 400], strides = [1, 1]} : vector<128x400xf32> to vector<16x400xf32>
    %slice3A_185 = vector.extract_strided_slice %select_n3A_33 {offsets = [0, 800], sizes = [16, 400], strides = [1, 1]} : vector<16x3200xf32> to vector<16x400xf32>
    %slice3A_186 = vector.extract_strided_slice %slice3A_184 {offsets = [0, 0], sizes = [1, 400], strides = [1, 1]} : vector<16x400xf32> to vector<1x400xf32>
    %mul3A_187 = vector.broadcast %slice3A_186 : vector<1x400xf32> to vector<16x400xf32>
    %mul3A_188 = arith.mulf %mul3A_187, %slice3A_185 : vector<16x400xf32>
    %slice3A_189 = vector.extract_strided_slice %slice3A_184 {offsets = [1, 0], sizes = [1, 400], strides = [1, 1]} : vector<16x400xf32> to vector<1x400xf32>
    %mul3A_190 = vector.broadcast %slice3A_189 : vector<1x400xf32> to vector<16x400xf32>
    %mul3A_191 = arith.mulf %mul3A_190, %slice3A_185 : vector<16x400xf32>
    %slice3A_192 = vector.extract_strided_slice %slice3A_184 {offsets = [2, 0], sizes = [1, 400], strides = [1, 1]} : vector<16x400xf32> to vector<1x400xf32>
    %mul3A_193 = vector.broadcast %slice3A_192 : vector<1x400xf32> to vector<16x400xf32>
    %mul3A_194 = arith.mulf %mul3A_193, %slice3A_185 : vector<16x400xf32>
    %slice3A_195 = vector.extract_strided_slice %slice3A_184 {offsets = [3, 0], sizes = [1, 400], strides = [1, 1]} : vector<16x400xf32> to vector<1x400xf32>
    %mul3A_196 = vector.broadcast %slice3A_195 : vector<1x400xf32> to vector<16x400xf32>
    %mul3A_197 = arith.mulf %mul3A_196, %slice3A_185 : vector<16x400xf32>
    %slice3A_198 = vector.extract_strided_slice %slice3A_184 {offsets = [4, 0], sizes = [1, 400], strides = [1, 1]} : vector<16x400xf32> to vector<1x400xf32>
    %mul3A_199 = vector.broadcast %slice3A_198 : vector<1x400xf32> to vector<16x400xf32>
    %mul3A_200 = arith.mulf %mul3A_199, %slice3A_185 : vector<16x400xf32>
    %slice3A_201 = vector.extract_strided_slice %slice3A_184 {offsets = [5, 0], sizes = [1, 400], strides = [1, 1]} : vector<16x400xf32> to vector<1x400xf32>
    %mul3A_202 = vector.broadcast %slice3A_201 : vector<1x400xf32> to vector<16x400xf32>
    %mul3A_203 = arith.mulf %mul3A_202, %slice3A_185 : vector<16x400xf32>
    %slice3A_204 = vector.extract_strided_slice %slice3A_184 {offsets = [6, 0], sizes = [1, 400], strides = [1, 1]} : vector<16x400xf32> to vector<1x400xf32>
    %mul3A_205 = vector.broadcast %slice3A_204 : vector<1x400xf32> to vector<16x400xf32>
    %mul3A_206 = arith.mulf %mul3A_205, %slice3A_185 : vector<16x400xf32>
    %slice3A_207 = vector.extract_strided_slice %slice3A_184 {offsets = [7, 0], sizes = [1, 400], strides = [1, 1]} : vector<16x400xf32> to vector<1x400xf32>
    %mul3A_208 = vector.broadcast %slice3A_207 : vector<1x400xf32> to vector<16x400xf32>
    %mul3A_209 = arith.mulf %mul3A_208, %slice3A_185 : vector<16x400xf32>
    %slice3A_210 = vector.extract_strided_slice %slice3A_184 {offsets = [8, 0], sizes = [1, 400], strides = [1, 1]} : vector<16x400xf32> to vector<1x400xf32>
    %mul3A_211 = vector.broadcast %slice3A_210 : vector<1x400xf32> to vector<16x400xf32>
    %mul3A_212 = arith.mulf %mul3A_211, %slice3A_185 : vector<16x400xf32>
    %slice3A_213 = vector.extract_strided_slice %slice3A_184 {offsets = [9, 0], sizes = [1, 400], strides = [1, 1]} : vector<16x400xf32> to vector<1x400xf32>
    %mul3A_214 = vector.broadcast %slice3A_213 : vector<1x400xf32> to vector<16x400xf32>
    %mul3A_215 = arith.mulf %mul3A_214, %slice3A_185 : vector<16x400xf32>
    %slice3A_216 = vector.extract_strided_slice %slice3A_184 {offsets = [10, 0], sizes = [1, 400], strides = [1, 1]} : vector<16x400xf32> to vector<1x400xf32>
    %mul3A_217 = vector.broadcast %slice3A_216 : vector<1x400xf32> to vector<16x400xf32>
    %mul3A_218 = arith.mulf %mul3A_217, %slice3A_185 : vector<16x400xf32>
    %slice3A_219 = vector.extract_strided_slice %slice3A_184 {offsets = [11, 0], sizes = [1, 400], strides = [1, 1]} : vector<16x400xf32> to vector<1x400xf32>
    %mul3A_220 = vector.broadcast %slice3A_219 : vector<1x400xf32> to vector<16x400xf32>
    %mul3A_221 = arith.mulf %mul3A_220, %slice3A_185 : vector<16x400xf32>
    %slice3A_222 = vector.extract_strided_slice %slice3A_184 {offsets = [12, 0], sizes = [1, 400], strides = [1, 1]} : vector<16x400xf32> to vector<1x400xf32>
    %mul3A_223 = vector.broadcast %slice3A_222 : vector<1x400xf32> to vector<16x400xf32>
    %mul3A_224 = arith.mulf %mul3A_223, %slice3A_185 : vector<16x400xf32>
    %slice3A_225 = vector.extract_strided_slice %slice3A_184 {offsets = [13, 0], sizes = [1, 400], strides = [1, 1]} : vector<16x400xf32> to vector<1x400xf32>
    %mul3A_226 = vector.broadcast %slice3A_225 : vector<1x400xf32> to vector<16x400xf32>
    %mul3A_227 = arith.mulf %mul3A_226, %slice3A_185 : vector<16x400xf32>
    %slice3A_228 = vector.extract_strided_slice %slice3A_184 {offsets = [14, 0], sizes = [1, 400], strides = [1, 1]} : vector<16x400xf32> to vector<1x400xf32>
    %mul3A_229 = vector.broadcast %slice3A_228 : vector<1x400xf32> to vector<16x400xf32>
    %mul3A_230 = arith.mulf %mul3A_229, %slice3A_185 : vector<16x400xf32>
    %slice3A_231 = vector.extract_strided_slice %slice3A_184 {offsets = [15, 0], sizes = [1, 400], strides = [1, 1]} : vector<16x400xf32> to vector<1x400xf32>
    %mul3A_232 = vector.broadcast %slice3A_231 : vector<1x400xf32> to vector<16x400xf32>
    %mul3A_233 = arith.mulf %mul3A_232, %slice3A_185 : vector<16x400xf32>
    %concatenate3A_234 = tpu.concatenate %mul3A_188, %mul3A_191, %mul3A_194, %mul3A_197, %mul3A_200, %mul3A_203, %mul3A_206, %mul3A_209, %mul3A_212, %mul3A_215, %mul3A_218, %mul3A_221, %mul3A_224, %mul3A_227, %mul3A_230, %mul3A_233 in 0 : vector<16x400xf32>, vector<16x400xf32>, vector<16x400xf32>, vector<16x400xf32>, vector<16x400xf32>, vector<16x400xf32>, vector<16x400xf32>, vector<16x400xf32>, vector<16x400xf32>, vector<16x400xf32>, vector<16x400xf32>, vector<16x400xf32>, vector<16x400xf32>, vector<16x400xf32>, vector<16x400xf32>, vector<16x400xf32> -> vector<256x400xf32>
    %convert_element_type3A_235 = arith.truncf %concatenate3A_234 : vector<256x400xf32> to vector<256x400xbf16>
    %convert_element_type3A_236 = arith.extf %convert_element_type3A_235 : vector<256x400xbf16> to vector<256x400xf32>
    %sub3A_237 = arith.subf %concatenate3A_234, %convert_element_type3A_236 : vector<256x400xf32>
    %get3A_238 = arith.constant 0 : index
    %get3A_239 = arith.constant 0 : index
    %get3A_240 = vector.load %arg7[%get3A_238, %get3A_239] : memref<16x256xf32, #tpu.memory_space<vmem>>, vector<16x256xf32>
    %dot_general3A_241 = arith.constant dense<0.000000e+00> : vector<16x400xf32>
    %dot_general3A_242 = tpu.matmul %get3A_240, %convert_element_type3A_236, %dot_general3A_241 {dimension_numbers = #tpu.dot_dimension_numbers<[1], [0], [0], [1], [0, 0, 1, 1], [], []>, transpose_lhs_hint = false} : vector<16x256xf32>, vector<256x400xf32>, vector<16x400xf32> -> vector<16x400xf32>
    %get3A_243 = arith.constant 0 : index
    %get3A_244 = arith.constant 0 : index
    %get3A_245 = vector.load %arg7[%get3A_243, %get3A_244] : memref<16x256xf32, #tpu.memory_space<vmem>>, vector<16x256xf32>
    %dot_general3A_246 = arith.constant dense<0.000000e+00> : vector<16x400xf32>
    %dot_general3A_247 = tpu.matmul %get3A_245, %sub3A_237, %dot_general3A_246 {dimension_numbers = #tpu.dot_dimension_numbers<[1], [0], [0], [1], [0, 0, 1, 1], [], []>, transpose_lhs_hint = false} : vector<16x256xf32>, vector<256x400xf32>, vector<16x400xf32> -> vector<16x400xf32>
    %add3A_248 = arith.addf %dot_general3A_242, %dot_general3A_247 : vector<16x400xf32>
    %get3A_249 = arith.constant 0 : index
    %get3A_250 = arith.constant 0 : index
    %get3A_251 = vector.load %arg8[%get3A_249, %get3A_250] : memref<16x256xf32, #tpu.memory_space<vmem>>, vector<16x256xf32>
    %dot_general3A_252 = arith.constant dense<0.000000e+00> : vector<16x400xf32>
    %dot_general3A_253 = tpu.matmul %get3A_251, %convert_element_type3A_236, %dot_general3A_252 {dimension_numbers = #tpu.dot_dimension_numbers<[1], [0], [0], [1], [0, 0, 1, 1], [], []>, transpose_lhs_hint = false} : vector<16x256xf32>, vector<256x400xf32>, vector<16x400xf32> -> vector<16x400xf32>
    %add3A_254 = arith.addf %add3A_248, %dot_general3A_253 : vector<16x400xf32>
    %get3A_255 = arith.constant 0 : index
    %get3A_256 = arith.constant 0 : index
    %get3A_257 = vector.load %arg9[%get3A_255, %get3A_256] : memref<16x16xf32, #tpu.memory_space<vmem>>, vector<16x16xf32>
    %dot_general3A_258 = arith.constant dense<0.000000e+00> : vector<16x400xf32>
    %dot_general3A_259 = tpu.matmul %get3A_257, %slice3A_184, %dot_general3A_258 {dimension_numbers = #tpu.dot_dimension_numbers<[1], [0], [0], [1], [0, 0, 1, 1], [], []>, transpose_lhs_hint = false} : vector<16x16xf32>, vector<16x400xf32>, vector<16x400xf32> -> vector<16x400xf32>
    %add3A_260 = arith.addf %add3A_254, %dot_general3A_259 : vector<16x400xf32>
    %slice3A_261 = vector.extract_strided_slice %transpose3A {offsets = [48, 0], sizes = [16, 400], strides = [1, 1]} : vector<128x400xf32> to vector<16x400xf32>
    %slice3A_262 = vector.extract_strided_slice %select_n3A_33 {offsets = [0, 1200], sizes = [16, 400], strides = [1, 1]} : vector<16x3200xf32> to vector<16x400xf32>
    %slice3A_263 = vector.extract_strided_slice %slice3A_261 {offsets = [0, 0], sizes = [1, 400], strides = [1, 1]} : vector<16x400xf32> to vector<1x400xf32>
    %mul3A_264 = vector.broadcast %slice3A_263 : vector<1x400xf32> to vector<16x400xf32>
    %mul3A_265 = arith.mulf %mul3A_264, %slice3A_262 : vector<16x400xf32>
    %slice3A_266 = vector.extract_strided_slice %slice3A_261 {offsets = [1, 0], sizes = [1, 400], strides = [1, 1]} : vector<16x400xf32> to vector<1x400xf32>
    %mul3A_267 = vector.broadcast %slice3A_266 : vector<1x400xf32> to vector<16x400xf32>
    %mul3A_268 = arith.mulf %mul3A_267, %slice3A_262 : vector<16x400xf32>
    %slice3A_269 = vector.extract_strided_slice %slice3A_261 {offsets = [2, 0], sizes = [1, 400], strides = [1, 1]} : vector<16x400xf32> to vector<1x400xf32>
    %mul3A_270 = vector.broadcast %slice3A_269 : vector<1x400xf32> to vector<16x400xf32>
    %mul3A_271 = arith.mulf %mul3A_270, %slice3A_262 : vector<16x400xf32>
    %slice3A_272 = vector.extract_strided_slice %slice3A_261 {offsets = [3, 0], sizes = [1, 400], strides = [1, 1]} : vector<16x400xf32> to vector<1x400xf32>
    %mul3A_273 = vector.broadcast %slice3A_272 : vector<1x400xf32> to vector<16x400xf32>
    %mul3A_274 = arith.mulf %mul3A_273, %slice3A_262 : vector<16x400xf32>
    %slice3A_275 = vector.extract_strided_slice %slice3A_261 {offsets = [4, 0], sizes = [1, 400], strides = [1, 1]} : vector<16x400xf32> to vector<1x400xf32>
    %mul3A_276 = vector.broadcast %slice3A_275 : vector<1x400xf32> to vector<16x400xf32>
    %mul3A_277 = arith.mulf %mul3A_276, %slice3A_262 : vector<16x400xf32>
    %slice3A_278 = vector.extract_strided_slice %slice3A_261 {offsets = [5, 0], sizes = [1, 400], strides = [1, 1]} : vector<16x400xf32> to vector<1x400xf32>
    %mul3A_279 = vector.broadcast %slice3A_278 : vector<1x400xf32> to vector<16x400xf32>
    %mul3A_280 = arith.mulf %mul3A_279, %slice3A_262 : vector<16x400xf32>
    %slice3A_281 = vector.extract_strided_slice %slice3A_261 {offsets = [6, 0], sizes = [1, 400], strides = [1, 1]} : vector<16x400xf32> to vector<1x400xf32>
    %mul3A_282 = vector.broadcast %slice3A_281 : vector<1x400xf32> to vector<16x400xf32>
    %mul3A_283 = arith.mulf %mul3A_282, %slice3A_262 : vector<16x400xf32>
    %slice3A_284 = vector.extract_strided_slice %slice3A_261 {offsets = [7, 0], sizes = [1, 400], strides = [1, 1]} : vector<16x400xf32> to vector<1x400xf32>
    %mul3A_285 = vector.broadcast %slice3A_284 : vector<1x400xf32> to vector<16x400xf32>
    %mul3A_286 = arith.mulf %mul3A_285, %slice3A_262 : vector<16x400xf32>
    %slice3A_287 = vector.extract_strided_slice %slice3A_261 {offsets = [8, 0], sizes = [1, 400], strides = [1, 1]} : vector<16x400xf32> to vector<1x400xf32>
    %mul3A_288 = vector.broadcast %slice3A_287 : vector<1x400xf32> to vector<16x400xf32>
    %mul3A_289 = arith.mulf %mul3A_288, %slice3A_262 : vector<16x400xf32>
    %slice3A_290 = vector.extract_strided_slice %slice3A_261 {offsets = [9, 0], sizes = [1, 400], strides = [1, 1]} : vector<16x400xf32> to vector<1x400xf32>
    %mul3A_291 = vector.broadcast %slice3A_290 : vector<1x400xf32> to vector<16x400xf32>
    %mul3A_292 = arith.mulf %mul3A_291, %slice3A_262 : vector<16x400xf32>
    %slice3A_293 = vector.extract_strided_slice %slice3A_261 {offsets = [10, 0], sizes = [1, 400], strides = [1, 1]} : vector<16x400xf32> to vector<1x400xf32>
    %mul3A_294 = vector.broadcast %slice3A_293 : vector<1x400xf32> to vector<16x400xf32>
    %mul3A_295 = arith.mulf %mul3A_294, %slice3A_262 : vector<16x400xf32>
    %slice3A_296 = vector.extract_strided_slice %slice3A_261 {offsets = [11, 0], sizes = [1, 400], strides = [1, 1]} : vector<16x400xf32> to vector<1x400xf32>
    %mul3A_297 = vector.broadcast %slice3A_296 : vector<1x400xf32> to vector<16x400xf32>
    %mul3A_298 = arith.mulf %mul3A_297, %slice3A_262 : vector<16x400xf32>
    %slice3A_299 = vector.extract_strided_slice %slice3A_261 {offsets = [12, 0], sizes = [1, 400], strides = [1, 1]} : vector<16x400xf32> to vector<1x400xf32>
    %mul3A_300 = vector.broadcast %slice3A_299 : vector<1x400xf32> to vector<16x400xf32>
    %mul3A_301 = arith.mulf %mul3A_300, %slice3A_262 : vector<16x400xf32>
    %slice3A_302 = vector.extract_strided_slice %slice3A_261 {offsets = [13, 0], sizes = [1, 400], strides = [1, 1]} : vector<16x400xf32> to vector<1x400xf32>
    %mul3A_303 = vector.broadcast %slice3A_302 : vector<1x400xf32> to vector<16x400xf32>
    %mul3A_304 = arith.mulf %mul3A_303, %slice3A_262 : vector<16x400xf32>
    %slice3A_305 = vector.extract_strided_slice %slice3A_261 {offsets = [14, 0], sizes = [1, 400], strides = [1, 1]} : vector<16x400xf32> to vector<1x400xf32>
    %mul3A_306 = vector.broadcast %slice3A_305 : vector<1x400xf32> to vector<16x400xf32>
    %mul3A_307 = arith.mulf %mul3A_306, %slice3A_262 : vector<16x400xf32>
    %slice3A_308 = vector.extract_strided_slice %slice3A_261 {offsets = [15, 0], sizes = [1, 400], strides = [1, 1]} : vector<16x400xf32> to vector<1x400xf32>
    %mul3A_309 = vector.broadcast %slice3A_308 : vector<1x400xf32> to vector<16x400xf32>
    %mul3A_310 = arith.mulf %mul3A_309, %slice3A_262 : vector<16x400xf32>
    %concatenate3A_311 = tpu.concatenate %mul3A_265, %mul3A_268, %mul3A_271, %mul3A_274, %mul3A_277, %mul3A_280, %mul3A_283, %mul3A_286, %mul3A_289, %mul3A_292, %mul3A_295, %mul3A_298, %mul3A_301, %mul3A_304, %mul3A_307, %mul3A_310 in 0 : vector<16x400xf32>, vector<16x400xf32>, vector<16x400xf32>, vector<16x400xf32>, vector<16x400xf32>, vector<16x400xf32>, vector<16x400xf32>, vector<16x400xf32>, vector<16x400xf32>, vector<16x400xf32>, vector<16x400xf32>, vector<16x400xf32>, vector<16x400xf32>, vector<16x400xf32>, vector<16x400xf32>, vector<16x400xf32> -> vector<256x400xf32>
    %convert_element_type3A_312 = arith.truncf %concatenate3A_311 : vector<256x400xf32> to vector<256x400xbf16>
    %convert_element_type3A_313 = arith.extf %convert_element_type3A_312 : vector<256x400xbf16> to vector<256x400xf32>
    %sub3A_314 = arith.subf %concatenate3A_311, %convert_element_type3A_313 : vector<256x400xf32>
    %get3A_315 = arith.constant 0 : index
    %get3A_316 = arith.constant 0 : index
    %get3A_317 = vector.load %arg7[%get3A_315, %get3A_316] : memref<16x256xf32, #tpu.memory_space<vmem>>, vector<16x256xf32>
    %dot_general3A_318 = arith.constant dense<0.000000e+00> : vector<16x400xf32>
    %dot_general3A_319 = tpu.matmul %get3A_317, %convert_element_type3A_313, %dot_general3A_318 {dimension_numbers = #tpu.dot_dimension_numbers<[1], [0], [0], [1], [0, 0, 1, 1], [], []>, transpose_lhs_hint = false} : vector<16x256xf32>, vector<256x400xf32>, vector<16x400xf32> -> vector<16x400xf32>
    %get3A_320 = arith.constant 0 : index
    %get3A_321 = arith.constant 0 : index
    %get3A_322 = vector.load %arg7[%get3A_320, %get3A_321] : memref<16x256xf32, #tpu.memory_space<vmem>>, vector<16x256xf32>
    %dot_general3A_323 = arith.constant dense<0.000000e+00> : vector<16x400xf32>
    %dot_general3A_324 = tpu.matmul %get3A_322, %sub3A_314, %dot_general3A_323 {dimension_numbers = #tpu.dot_dimension_numbers<[1], [0], [0], [1], [0, 0, 1, 1], [], []>, transpose_lhs_hint = false} : vector<16x256xf32>, vector<256x400xf32>, vector<16x400xf32> -> vector<16x400xf32>
    %add3A_325 = arith.addf %dot_general3A_319, %dot_general3A_324 : vector<16x400xf32>
    %get3A_326 = arith.constant 0 : index
    %get3A_327 = arith.constant 0 : index
    %get3A_328 = vector.load %arg8[%get3A_326, %get3A_327] : memref<16x256xf32, #tpu.memory_space<vmem>>, vector<16x256xf32>
    %dot_general3A_329 = arith.constant dense<0.000000e+00> : vector<16x400xf32>
    %dot_general3A_330 = tpu.matmul %get3A_328, %convert_element_type3A_313, %dot_general3A_329 {dimension_numbers = #tpu.dot_dimension_numbers<[1], [0], [0], [1], [0, 0, 1, 1], [], []>, transpose_lhs_hint = false} : vector<16x256xf32>, vector<256x400xf32>, vector<16x400xf32> -> vector<16x400xf32>
    %add3A_331 = arith.addf %add3A_325, %dot_general3A_330 : vector<16x400xf32>
    %get3A_332 = arith.constant 0 : index
    %get3A_333 = arith.constant 0 : index
    %get3A_334 = vector.load %arg9[%get3A_332, %get3A_333] : memref<16x16xf32, #tpu.memory_space<vmem>>, vector<16x16xf32>
    %dot_general3A_335 = arith.constant dense<0.000000e+00> : vector<16x400xf32>
    %dot_general3A_336 = tpu.matmul %get3A_334, %slice3A_261, %dot_general3A_335 {dimension_numbers = #tpu.dot_dimension_numbers<[1], [0], [0], [1], [0, 0, 1, 1], [], []>, transpose_lhs_hint = false} : vector<16x16xf32>, vector<16x400xf32>, vector<16x400xf32> -> vector<16x400xf32>
    %add3A_337 = arith.addf %add3A_331, %dot_general3A_336 : vector<16x400xf32>
    %slice3A_338 = vector.extract_strided_slice %transpose3A {offsets = [64, 0], sizes = [16, 400], strides = [1, 1]} : vector<128x400xf32> to vector<16x400xf32>
    %slice3A_339 = vector.extract_strided_slice %select_n3A_33 {offsets = [0, 1600], sizes = [16, 400], strides = [1, 1]} : vector<16x3200xf32> to vector<16x400xf32>
    %slice3A_340 = vector.extract_strided_slice %slice3A_338 {offsets = [0, 0], sizes = [1, 400], strides = [1, 1]} : vector<16x400xf32> to vector<1x400xf32>
    %mul3A_341 = vector.broadcast %slice3A_340 : vector<1x400xf32> to vector<16x400xf32>
    %mul3A_342 = arith.mulf %mul3A_341, %slice3A_339 : vector<16x400xf32>
    %slice3A_343 = vector.extract_strided_slice %slice3A_338 {offsets = [1, 0], sizes = [1, 400], strides = [1, 1]} : vector<16x400xf32> to vector<1x400xf32>
    %mul3A_344 = vector.broadcast %slice3A_343 : vector<1x400xf32> to vector<16x400xf32>
    %mul3A_345 = arith.mulf %mul3A_344, %slice3A_339 : vector<16x400xf32>
    %slice3A_346 = vector.extract_strided_slice %slice3A_338 {offsets = [2, 0], sizes = [1, 400], strides = [1, 1]} : vector<16x400xf32> to vector<1x400xf32>
    %mul3A_347 = vector.broadcast %slice3A_346 : vector<1x400xf32> to vector<16x400xf32>
    %mul3A_348 = arith.mulf %mul3A_347, %slice3A_339 : vector<16x400xf32>
    %slice3A_349 = vector.extract_strided_slice %slice3A_338 {offsets = [3, 0], sizes = [1, 400], strides = [1, 1]} : vector<16x400xf32> to vector<1x400xf32>
    %mul3A_350 = vector.broadcast %slice3A_349 : vector<1x400xf32> to vector<16x400xf32>
    %mul3A_351 = arith.mulf %mul3A_350, %slice3A_339 : vector<16x400xf32>
    %slice3A_352 = vector.extract_strided_slice %slice3A_338 {offsets = [4, 0], sizes = [1, 400], strides = [1, 1]} : vector<16x400xf32> to vector<1x400xf32>
    %mul3A_353 = vector.broadcast %slice3A_352 : vector<1x400xf32> to vector<16x400xf32>
    %mul3A_354 = arith.mulf %mul3A_353, %slice3A_339 : vector<16x400xf32>
    %slice3A_355 = vector.extract_strided_slice %slice3A_338 {offsets = [5, 0], sizes = [1, 400], strides = [1, 1]} : vector<16x400xf32> to vector<1x400xf32>
    %mul3A_356 = vector.broadcast %slice3A_355 : vector<1x400xf32> to vector<16x400xf32>
    %mul3A_357 = arith.mulf %mul3A_356, %slice3A_339 : vector<16x400xf32>
    %slice3A_358 = vector.extract_strided_slice %slice3A_338 {offsets = [6, 0], sizes = [1, 400], strides = [1, 1]} : vector<16x400xf32> to vector<1x400xf32>
    %mul3A_359 = vector.broadcast %slice3A_358 : vector<1x400xf32> to vector<16x400xf32>
    %mul3A_360 = arith.mulf %mul3A_359, %slice3A_339 : vector<16x400xf32>
    %slice3A_361 = vector.extract_strided_slice %slice3A_338 {offsets = [7, 0], sizes = [1, 400], strides = [1, 1]} : vector<16x400xf32> to vector<1x400xf32>
    %mul3A_362 = vector.broadcast %slice3A_361 : vector<1x400xf32> to vector<16x400xf32>
    %mul3A_363 = arith.mulf %mul3A_362, %slice3A_339 : vector<16x400xf32>
    %slice3A_364 = vector.extract_strided_slice %slice3A_338 {offsets = [8, 0], sizes = [1, 400], strides = [1, 1]} : vector<16x400xf32> to vector<1x400xf32>
    %mul3A_365 = vector.broadcast %slice3A_364 : vector<1x400xf32> to vector<16x400xf32>
    %mul3A_366 = arith.mulf %mul3A_365, %slice3A_339 : vector<16x400xf32>
    %slice3A_367 = vector.extract_strided_slice %slice3A_338 {offsets = [9, 0], sizes = [1, 400], strides = [1, 1]} : vector<16x400xf32> to vector<1x400xf32>
    %mul3A_368 = vector.broadcast %slice3A_367 : vector<1x400xf32> to vector<16x400xf32>
    %mul3A_369 = arith.mulf %mul3A_368, %slice3A_339 : vector<16x400xf32>
    %slice3A_370 = vector.extract_strided_slice %slice3A_338 {offsets = [10, 0], sizes = [1, 400], strides = [1, 1]} : vector<16x400xf32> to vector<1x400xf32>
    %mul3A_371 = vector.broadcast %slice3A_370 : vector<1x400xf32> to vector<16x400xf32>
    %mul3A_372 = arith.mulf %mul3A_371, %slice3A_339 : vector<16x400xf32>
    %slice3A_373 = vector.extract_strided_slice %slice3A_338 {offsets = [11, 0], sizes = [1, 400], strides = [1, 1]} : vector<16x400xf32> to vector<1x400xf32>
    %mul3A_374 = vector.broadcast %slice3A_373 : vector<1x400xf32> to vector<16x400xf32>
    %mul3A_375 = arith.mulf %mul3A_374, %slice3A_339 : vector<16x400xf32>
    %slice3A_376 = vector.extract_strided_slice %slice3A_338 {offsets = [12, 0], sizes = [1, 400], strides = [1, 1]} : vector<16x400xf32> to vector<1x400xf32>
    %mul3A_377 = vector.broadcast %slice3A_376 : vector<1x400xf32> to vector<16x400xf32>
    %mul3A_378 = arith.mulf %mul3A_377, %slice3A_339 : vector<16x400xf32>
    %slice3A_379 = vector.extract_strided_slice %slice3A_338 {offsets = [13, 0], sizes = [1, 400], strides = [1, 1]} : vector<16x400xf32> to vector<1x400xf32>
    %mul3A_380 = vector.broadcast %slice3A_379 : vector<1x400xf32> to vector<16x400xf32>
    %mul3A_381 = arith.mulf %mul3A_380, %slice3A_339 : vector<16x400xf32>
    %slice3A_382 = vector.extract_strided_slice %slice3A_338 {offsets = [14, 0], sizes = [1, 400], strides = [1, 1]} : vector<16x400xf32> to vector<1x400xf32>
    %mul3A_383 = vector.broadcast %slice3A_382 : vector<1x400xf32> to vector<16x400xf32>
    %mul3A_384 = arith.mulf %mul3A_383, %slice3A_339 : vector<16x400xf32>
    %slice3A_385 = vector.extract_strided_slice %slice3A_338 {offsets = [15, 0], sizes = [1, 400], strides = [1, 1]} : vector<16x400xf32> to vector<1x400xf32>
    %mul3A_386 = vector.broadcast %slice3A_385 : vector<1x400xf32> to vector<16x400xf32>
    %mul3A_387 = arith.mulf %mul3A_386, %slice3A_339 : vector<16x400xf32>
    %concatenate3A_388 = tpu.concatenate %mul3A_342, %mul3A_345, %mul3A_348, %mul3A_351, %mul3A_354, %mul3A_357, %mul3A_360, %mul3A_363, %mul3A_366, %mul3A_369, %mul3A_372, %mul3A_375, %mul3A_378, %mul3A_381, %mul3A_384, %mul3A_387 in 0 : vector<16x400xf32>, vector<16x400xf32>, vector<16x400xf32>, vector<16x400xf32>, vector<16x400xf32>, vector<16x400xf32>, vector<16x400xf32>, vector<16x400xf32>, vector<16x400xf32>, vector<16x400xf32>, vector<16x400xf32>, vector<16x400xf32>, vector<16x400xf32>, vector<16x400xf32>, vector<16x400xf32>, vector<16x400xf32> -> vector<256x400xf32>
    %convert_element_type3A_389 = arith.truncf %concatenate3A_388 : vector<256x400xf32> to vector<256x400xbf16>
    %convert_element_type3A_390 = arith.extf %convert_element_type3A_389 : vector<256x400xbf16> to vector<256x400xf32>
    %sub3A_391 = arith.subf %concatenate3A_388, %convert_element_type3A_390 : vector<256x400xf32>
    %get3A_392 = arith.constant 0 : index
    %get3A_393 = arith.constant 0 : index
    %get3A_394 = vector.load %arg7[%get3A_392, %get3A_393] : memref<16x256xf32, #tpu.memory_space<vmem>>, vector<16x256xf32>
    %dot_general3A_395 = arith.constant dense<0.000000e+00> : vector<16x400xf32>
    %dot_general3A_396 = tpu.matmul %get3A_394, %convert_element_type3A_390, %dot_general3A_395 {dimension_numbers = #tpu.dot_dimension_numbers<[1], [0], [0], [1], [0, 0, 1, 1], [], []>, transpose_lhs_hint = false} : vector<16x256xf32>, vector<256x400xf32>, vector<16x400xf32> -> vector<16x400xf32>
    %get3A_397 = arith.constant 0 : index
    %get3A_398 = arith.constant 0 : index
    %get3A_399 = vector.load %arg7[%get3A_397, %get3A_398] : memref<16x256xf32, #tpu.memory_space<vmem>>, vector<16x256xf32>
    %dot_general3A_400 = arith.constant dense<0.000000e+00> : vector<16x400xf32>
    %dot_general3A_401 = tpu.matmul %get3A_399, %sub3A_391, %dot_general3A_400 {dimension_numbers = #tpu.dot_dimension_numbers<[1], [0], [0], [1], [0, 0, 1, 1], [], []>, transpose_lhs_hint = false} : vector<16x256xf32>, vector<256x400xf32>, vector<16x400xf32> -> vector<16x400xf32>
    %add3A_402 = arith.addf %dot_general3A_396, %dot_general3A_401 : vector<16x400xf32>
    %get3A_403 = arith.constant 0 : index
    %get3A_404 = arith.constant 0 : index
    %get3A_405 = vector.load %arg8[%get3A_403, %get3A_404] : memref<16x256xf32, #tpu.memory_space<vmem>>, vector<16x256xf32>
    %dot_general3A_406 = arith.constant dense<0.000000e+00> : vector<16x400xf32>
    %dot_general3A_407 = tpu.matmul %get3A_405, %convert_element_type3A_390, %dot_general3A_406 {dimension_numbers = #tpu.dot_dimension_numbers<[1], [0], [0], [1], [0, 0, 1, 1], [], []>, transpose_lhs_hint = false} : vector<16x256xf32>, vector<256x400xf32>, vector<16x400xf32> -> vector<16x400xf32>
    %add3A_408 = arith.addf %add3A_402, %dot_general3A_407 : vector<16x400xf32>
    %get3A_409 = arith.constant 0 : index
    %get3A_410 = arith.constant 0 : index
    %get3A_411 = vector.load %arg9[%get3A_409, %get3A_410] : memref<16x16xf32, #tpu.memory_space<vmem>>, vector<16x16xf32>
    %dot_general3A_412 = arith.constant dense<0.000000e+00> : vector<16x400xf32>
    %dot_general3A_413 = tpu.matmul %get3A_411, %slice3A_338, %dot_general3A_412 {dimension_numbers = #tpu.dot_dimension_numbers<[1], [0], [0], [1], [0, 0, 1, 1], [], []>, transpose_lhs_hint = false} : vector<16x16xf32>, vector<16x400xf32>, vector<16x400xf32> -> vector<16x400xf32>
    %add3A_414 = arith.addf %add3A_408, %dot_general3A_413 : vector<16x400xf32>
    %slice3A_415 = vector.extract_strided_slice %transpose3A {offsets = [80, 0], sizes = [16, 400], strides = [1, 1]} : vector<128x400xf32> to vector<16x400xf32>
    %slice3A_416 = vector.extract_strided_slice %select_n3A_33 {offsets = [0, 2000], sizes = [16, 400], strides = [1, 1]} : vector<16x3200xf32> to vector<16x400xf32>
    %slice3A_417 = vector.extract_strided_slice %slice3A_415 {offsets = [0, 0], sizes = [1, 400], strides = [1, 1]} : vector<16x400xf32> to vector<1x400xf32>
    %mul3A_418 = vector.broadcast %slice3A_417 : vector<1x400xf32> to vector<16x400xf32>
    %mul3A_419 = arith.mulf %mul3A_418, %slice3A_416 : vector<16x400xf32>
    %slice3A_420 = vector.extract_strided_slice %slice3A_415 {offsets = [1, 0], sizes = [1, 400], strides = [1, 1]} : vector<16x400xf32> to vector<1x400xf32>
    %mul3A_421 = vector.broadcast %slice3A_420 : vector<1x400xf32> to vector<16x400xf32>
    %mul3A_422 = arith.mulf %mul3A_421, %slice3A_416 : vector<16x400xf32>
    %slice3A_423 = vector.extract_strided_slice %slice3A_415 {offsets = [2, 0], sizes = [1, 400], strides = [1, 1]} : vector<16x400xf32> to vector<1x400xf32>
    %mul3A_424 = vector.broadcast %slice3A_423 : vector<1x400xf32> to vector<16x400xf32>
    %mul3A_425 = arith.mulf %mul3A_424, %slice3A_416 : vector<16x400xf32>
    %slice3A_426 = vector.extract_strided_slice %slice3A_415 {offsets = [3, 0], sizes = [1, 400], strides = [1, 1]} : vector<16x400xf32> to vector<1x400xf32>
    %mul3A_427 = vector.broadcast %slice3A_426 : vector<1x400xf32> to vector<16x400xf32>
    %mul3A_428 = arith.mulf %mul3A_427, %slice3A_416 : vector<16x400xf32>
    %slice3A_429 = vector.extract_strided_slice %slice3A_415 {offsets = [4, 0], sizes = [1, 400], strides = [1, 1]} : vector<16x400xf32> to vector<1x400xf32>
    %mul3A_430 = vector.broadcast %slice3A_429 : vector<1x400xf32> to vector<16x400xf32>
    %mul3A_431 = arith.mulf %mul3A_430, %slice3A_416 : vector<16x400xf32>
    %slice3A_432 = vector.extract_strided_slice %slice3A_415 {offsets = [5, 0], sizes = [1, 400], strides = [1, 1]} : vector<16x400xf32> to vector<1x400xf32>
    %mul3A_433 = vector.broadcast %slice3A_432 : vector<1x400xf32> to vector<16x400xf32>
    %mul3A_434 = arith.mulf %mul3A_433, %slice3A_416 : vector<16x400xf32>
    %slice3A_435 = vector.extract_strided_slice %slice3A_415 {offsets = [6, 0], sizes = [1, 400], strides = [1, 1]} : vector<16x400xf32> to vector<1x400xf32>
    %mul3A_436 = vector.broadcast %slice3A_435 : vector<1x400xf32> to vector<16x400xf32>
    %mul3A_437 = arith.mulf %mul3A_436, %slice3A_416 : vector<16x400xf32>
    %slice3A_438 = vector.extract_strided_slice %slice3A_415 {offsets = [7, 0], sizes = [1, 400], strides = [1, 1]} : vector<16x400xf32> to vector<1x400xf32>
    %mul3A_439 = vector.broadcast %slice3A_438 : vector<1x400xf32> to vector<16x400xf32>
    %mul3A_440 = arith.mulf %mul3A_439, %slice3A_416 : vector<16x400xf32>
    %slice3A_441 = vector.extract_strided_slice %slice3A_415 {offsets = [8, 0], sizes = [1, 400], strides = [1, 1]} : vector<16x400xf32> to vector<1x400xf32>
    %mul3A_442 = vector.broadcast %slice3A_441 : vector<1x400xf32> to vector<16x400xf32>
    %mul3A_443 = arith.mulf %mul3A_442, %slice3A_416 : vector<16x400xf32>
    %slice3A_444 = vector.extract_strided_slice %slice3A_415 {offsets = [9, 0], sizes = [1, 400], strides = [1, 1]} : vector<16x400xf32> to vector<1x400xf32>
    %mul3A_445 = vector.broadcast %slice3A_444 : vector<1x400xf32> to vector<16x400xf32>
    %mul3A_446 = arith.mulf %mul3A_445, %slice3A_416 : vector<16x400xf32>
    %slice3A_447 = vector.extract_strided_slice %slice3A_415 {offsets = [10, 0], sizes = [1, 400], strides = [1, 1]} : vector<16x400xf32> to vector<1x400xf32>
    %mul3A_448 = vector.broadcast %slice3A_447 : vector<1x400xf32> to vector<16x400xf32>
    %mul3A_449 = arith.mulf %mul3A_448, %slice3A_416 : vector<16x400xf32>
    %slice3A_450 = vector.extract_strided_slice %slice3A_415 {offsets = [11, 0], sizes = [1, 400], strides = [1, 1]} : vector<16x400xf32> to vector<1x400xf32>
    %mul3A_451 = vector.broadcast %slice3A_450 : vector<1x400xf32> to vector<16x400xf32>
    %mul3A_452 = arith.mulf %mul3A_451, %slice3A_416 : vector<16x400xf32>
    %slice3A_453 = vector.extract_strided_slice %slice3A_415 {offsets = [12, 0], sizes = [1, 400], strides = [1, 1]} : vector<16x400xf32> to vector<1x400xf32>
    %mul3A_454 = vector.broadcast %slice3A_453 : vector<1x400xf32> to vector<16x400xf32>
    %mul3A_455 = arith.mulf %mul3A_454, %slice3A_416 : vector<16x400xf32>
    %slice3A_456 = vector.extract_strided_slice %slice3A_415 {offsets = [13, 0], sizes = [1, 400], strides = [1, 1]} : vector<16x400xf32> to vector<1x400xf32>
    %mul3A_457 = vector.broadcast %slice3A_456 : vector<1x400xf32> to vector<16x400xf32>
    %mul3A_458 = arith.mulf %mul3A_457, %slice3A_416 : vector<16x400xf32>
    %slice3A_459 = vector.extract_strided_slice %slice3A_415 {offsets = [14, 0], sizes = [1, 400], strides = [1, 1]} : vector<16x400xf32> to vector<1x400xf32>
    %mul3A_460 = vector.broadcast %slice3A_459 : vector<1x400xf32> to vector<16x400xf32>
    %mul3A_461 = arith.mulf %mul3A_460, %slice3A_416 : vector<16x400xf32>
    %slice3A_462 = vector.extract_strided_slice %slice3A_415 {offsets = [15, 0], sizes = [1, 400], strides = [1, 1]} : vector<16x400xf32> to vector<1x400xf32>
    %mul3A_463 = vector.broadcast %slice3A_462 : vector<1x400xf32> to vector<16x400xf32>
    %mul3A_464 = arith.mulf %mul3A_463, %slice3A_416 : vector<16x400xf32>
    %concatenate3A_465 = tpu.concatenate %mul3A_419, %mul3A_422, %mul3A_425, %mul3A_428, %mul3A_431, %mul3A_434, %mul3A_437, %mul3A_440, %mul3A_443, %mul3A_446, %mul3A_449, %mul3A_452, %mul3A_455, %mul3A_458, %mul3A_461, %mul3A_464 in 0 : vector<16x400xf32>, vector<16x400xf32>, vector<16x400xf32>, vector<16x400xf32>, vector<16x400xf32>, vector<16x400xf32>, vector<16x400xf32>, vector<16x400xf32>, vector<16x400xf32>, vector<16x400xf32>, vector<16x400xf32>, vector<16x400xf32>, vector<16x400xf32>, vector<16x400xf32>, vector<16x400xf32>, vector<16x400xf32> -> vector<256x400xf32>
    %convert_element_type3A_466 = arith.truncf %concatenate3A_465 : vector<256x400xf32> to vector<256x400xbf16>
    %convert_element_type3A_467 = arith.extf %convert_element_type3A_466 : vector<256x400xbf16> to vector<256x400xf32>
    %sub3A_468 = arith.subf %concatenate3A_465, %convert_element_type3A_467 : vector<256x400xf32>
    %get3A_469 = arith.constant 0 : index
    %get3A_470 = arith.constant 0 : index
    %get3A_471 = vector.load %arg7[%get3A_469, %get3A_470] : memref<16x256xf32, #tpu.memory_space<vmem>>, vector<16x256xf32>
    %dot_general3A_472 = arith.constant dense<0.000000e+00> : vector<16x400xf32>
    %dot_general3A_473 = tpu.matmul %get3A_471, %convert_element_type3A_467, %dot_general3A_472 {dimension_numbers = #tpu.dot_dimension_numbers<[1], [0], [0], [1], [0, 0, 1, 1], [], []>, transpose_lhs_hint = false} : vector<16x256xf32>, vector<256x400xf32>, vector<16x400xf32> -> vector<16x400xf32>
    %get3A_474 = arith.constant 0 : index
    %get3A_475 = arith.constant 0 : index
    %get3A_476 = vector.load %arg7[%get3A_474, %get3A_475] : memref<16x256xf32, #tpu.memory_space<vmem>>, vector<16x256xf32>
    %dot_general3A_477 = arith.constant dense<0.000000e+00> : vector<16x400xf32>
    %dot_general3A_478 = tpu.matmul %get3A_476, %sub3A_468, %dot_general3A_477 {dimension_numbers = #tpu.dot_dimension_numbers<[1], [0], [0], [1], [0, 0, 1, 1], [], []>, transpose_lhs_hint = false} : vector<16x256xf32>, vector<256x400xf32>, vector<16x400xf32> -> vector<16x400xf32>
    %add3A_479 = arith.addf %dot_general3A_473, %dot_general3A_478 : vector<16x400xf32>
    %get3A_480 = arith.constant 0 : index
    %get3A_481 = arith.constant 0 : index
    %get3A_482 = vector.load %arg8[%get3A_480, %get3A_481] : memref<16x256xf32, #tpu.memory_space<vmem>>, vector<16x256xf32>
    %dot_general3A_483 = arith.constant dense<0.000000e+00> : vector<16x400xf32>
    %dot_general3A_484 = tpu.matmul %get3A_482, %convert_element_type3A_467, %dot_general3A_483 {dimension_numbers = #tpu.dot_dimension_numbers<[1], [0], [0], [1], [0, 0, 1, 1], [], []>, transpose_lhs_hint = false} : vector<16x256xf32>, vector<256x400xf32>, vector<16x400xf32> -> vector<16x400xf32>
    %add3A_485 = arith.addf %add3A_479, %dot_general3A_484 : vector<16x400xf32>
    %get3A_486 = arith.constant 0 : index
    %get3A_487 = arith.constant 0 : index
    %get3A_488 = vector.load %arg9[%get3A_486, %get3A_487] : memref<16x16xf32, #tpu.memory_space<vmem>>, vector<16x16xf32>
    %dot_general3A_489 = arith.constant dense<0.000000e+00> : vector<16x400xf32>
    %dot_general3A_490 = tpu.matmul %get3A_488, %slice3A_415, %dot_general3A_489 {dimension_numbers = #tpu.dot_dimension_numbers<[1], [0], [0], [1], [0, 0, 1, 1], [], []>, transpose_lhs_hint = false} : vector<16x16xf32>, vector<16x400xf32>, vector<16x400xf32> -> vector<16x400xf32>
    %add3A_491 = arith.addf %add3A_485, %dot_general3A_490 : vector<16x400xf32>
    %slice3A_492 = vector.extract_strided_slice %transpose3A {offsets = [96, 0], sizes = [16, 400], strides = [1, 1]} : vector<128x400xf32> to vector<16x400xf32>
    %slice3A_493 = vector.extract_strided_slice %select_n3A_33 {offsets = [0, 2400], sizes = [16, 400], strides = [1, 1]} : vector<16x3200xf32> to vector<16x400xf32>
    %slice3A_494 = vector.extract_strided_slice %slice3A_492 {offsets = [0, 0], sizes = [1, 400], strides = [1, 1]} : vector<16x400xf32> to vector<1x400xf32>
    %mul3A_495 = vector.broadcast %slice3A_494 : vector<1x400xf32> to vector<16x400xf32>
    %mul3A_496 = arith.mulf %mul3A_495, %slice3A_493 : vector<16x400xf32>
    %slice3A_497 = vector.extract_strided_slice %slice3A_492 {offsets = [1, 0], sizes = [1, 400], strides = [1, 1]} : vector<16x400xf32> to vector<1x400xf32>
    %mul3A_498 = vector.broadcast %slice3A_497 : vector<1x400xf32> to vector<16x400xf32>
    %mul3A_499 = arith.mulf %mul3A_498, %slice3A_493 : vector<16x400xf32>
    %slice3A_500 = vector.extract_strided_slice %slice3A_492 {offsets = [2, 0], sizes = [1, 400], strides = [1, 1]} : vector<16x400xf32> to vector<1x400xf32>
    %mul3A_501 = vector.broadcast %slice3A_500 : vector<1x400xf32> to vector<16x400xf32>
    %mul3A_502 = arith.mulf %mul3A_501, %slice3A_493 : vector<16x400xf32>
    %slice3A_503 = vector.extract_strided_slice %slice3A_492 {offsets = [3, 0], sizes = [1, 400], strides = [1, 1]} : vector<16x400xf32> to vector<1x400xf32>
    %mul3A_504 = vector.broadcast %slice3A_503 : vector<1x400xf32> to vector<16x400xf32>
    %mul3A_505 = arith.mulf %mul3A_504, %slice3A_493 : vector<16x400xf32>
    %slice3A_506 = vector.extract_strided_slice %slice3A_492 {offsets = [4, 0], sizes = [1, 400], strides = [1, 1]} : vector<16x400xf32> to vector<1x400xf32>
    %mul3A_507 = vector.broadcast %slice3A_506 : vector<1x400xf32> to vector<16x400xf32>
    %mul3A_508 = arith.mulf %mul3A_507, %slice3A_493 : vector<16x400xf32>
    %slice3A_509 = vector.extract_strided_slice %slice3A_492 {offsets = [5, 0], sizes = [1, 400], strides = [1, 1]} : vector<16x400xf32> to vector<1x400xf32>
    %mul3A_510 = vector.broadcast %slice3A_509 : vector<1x400xf32> to vector<16x400xf32>
    %mul3A_511 = arith.mulf %mul3A_510, %slice3A_493 : vector<16x400xf32>
    %slice3A_512 = vector.extract_strided_slice %slice3A_492 {offsets = [6, 0], sizes = [1, 400], strides = [1, 1]} : vector<16x400xf32> to vector<1x400xf32>
    %mul3A_513 = vector.broadcast %slice3A_512 : vector<1x400xf32> to vector<16x400xf32>
    %mul3A_514 = arith.mulf %mul3A_513, %slice3A_493 : vector<16x400xf32>
    %slice3A_515 = vector.extract_strided_slice %slice3A_492 {offsets = [7, 0], sizes = [1, 400], strides = [1, 1]} : vector<16x400xf32> to vector<1x400xf32>
    %mul3A_516 = vector.broadcast %slice3A_515 : vector<1x400xf32> to vector<16x400xf32>
    %mul3A_517 = arith.mulf %mul3A_516, %slice3A_493 : vector<16x400xf32>
    %slice3A_518 = vector.extract_strided_slice %slice3A_492 {offsets = [8, 0], sizes = [1, 400], strides = [1, 1]} : vector<16x400xf32> to vector<1x400xf32>
    %mul3A_519 = vector.broadcast %slice3A_518 : vector<1x400xf32> to vector<16x400xf32>
    %mul3A_520 = arith.mulf %mul3A_519, %slice3A_493 : vector<16x400xf32>
    %slice3A_521 = vector.extract_strided_slice %slice3A_492 {offsets = [9, 0], sizes = [1, 400], strides = [1, 1]} : vector<16x400xf32> to vector<1x400xf32>
    %mul3A_522 = vector.broadcast %slice3A_521 : vector<1x400xf32> to vector<16x400xf32>
    %mul3A_523 = arith.mulf %mul3A_522, %slice3A_493 : vector<16x400xf32>
    %slice3A_524 = vector.extract_strided_slice %slice3A_492 {offsets = [10, 0], sizes = [1, 400], strides = [1, 1]} : vector<16x400xf32> to vector<1x400xf32>
    %mul3A_525 = vector.broadcast %slice3A_524 : vector<1x400xf32> to vector<16x400xf32>
    %mul3A_526 = arith.mulf %mul3A_525, %slice3A_493 : vector<16x400xf32>
    %slice3A_527 = vector.extract_strided_slice %slice3A_492 {offsets = [11, 0], sizes = [1, 400], strides = [1, 1]} : vector<16x400xf32> to vector<1x400xf32>
    %mul3A_528 = vector.broadcast %slice3A_527 : vector<1x400xf32> to vector<16x400xf32>
    %mul3A_529 = arith.mulf %mul3A_528, %slice3A_493 : vector<16x400xf32>
    %slice3A_530 = vector.extract_strided_slice %slice3A_492 {offsets = [12, 0], sizes = [1, 400], strides = [1, 1]} : vector<16x400xf32> to vector<1x400xf32>
    %mul3A_531 = vector.broadcast %slice3A_530 : vector<1x400xf32> to vector<16x400xf32>
    %mul3A_532 = arith.mulf %mul3A_531, %slice3A_493 : vector<16x400xf32>
    %slice3A_533 = vector.extract_strided_slice %slice3A_492 {offsets = [13, 0], sizes = [1, 400], strides = [1, 1]} : vector<16x400xf32> to vector<1x400xf32>
    %mul3A_534 = vector.broadcast %slice3A_533 : vector<1x400xf32> to vector<16x400xf32>
    %mul3A_535 = arith.mulf %mul3A_534, %slice3A_493 : vector<16x400xf32>
    %slice3A_536 = vector.extract_strided_slice %slice3A_492 {offsets = [14, 0], sizes = [1, 400], strides = [1, 1]} : vector<16x400xf32> to vector<1x400xf32>
    %mul3A_537 = vector.broadcast %slice3A_536 : vector<1x400xf32> to vector<16x400xf32>
    %mul3A_538 = arith.mulf %mul3A_537, %slice3A_493 : vector<16x400xf32>
    %slice3A_539 = vector.extract_strided_slice %slice3A_492 {offsets = [15, 0], sizes = [1, 400], strides = [1, 1]} : vector<16x400xf32> to vector<1x400xf32>
    %mul3A_540 = vector.broadcast %slice3A_539 : vector<1x400xf32> to vector<16x400xf32>
    %mul3A_541 = arith.mulf %mul3A_540, %slice3A_493 : vector<16x400xf32>
    %concatenate3A_542 = tpu.concatenate %mul3A_496, %mul3A_499, %mul3A_502, %mul3A_505, %mul3A_508, %mul3A_511, %mul3A_514, %mul3A_517, %mul3A_520, %mul3A_523, %mul3A_526, %mul3A_529, %mul3A_532, %mul3A_535, %mul3A_538, %mul3A_541 in 0 : vector<16x400xf32>, vector<16x400xf32>, vector<16x400xf32>, vector<16x400xf32>, vector<16x400xf32>, vector<16x400xf32>, vector<16x400xf32>, vector<16x400xf32>, vector<16x400xf32>, vector<16x400xf32>, vector<16x400xf32>, vector<16x400xf32>, vector<16x400xf32>, vector<16x400xf32>, vector<16x400xf32>, vector<16x400xf32> -> vector<256x400xf32>
    %convert_element_type3A_543 = arith.truncf %concatenate3A_542 : vector<256x400xf32> to vector<256x400xbf16>
    %convert_element_type3A_544 = arith.extf %convert_element_type3A_543 : vector<256x400xbf16> to vector<256x400xf32>
    %sub3A_545 = arith.subf %concatenate3A_542, %convert_element_type3A_544 : vector<256x400xf32>
    %get3A_546 = arith.constant 0 : index
    %get3A_547 = arith.constant 0 : index
    %get3A_548 = vector.load %arg7[%get3A_546, %get3A_547] : memref<16x256xf32, #tpu.memory_space<vmem>>, vector<16x256xf32>
    %dot_general3A_549 = arith.constant dense<0.000000e+00> : vector<16x400xf32>
    %dot_general3A_550 = tpu.matmul %get3A_548, %convert_element_type3A_544, %dot_general3A_549 {dimension_numbers = #tpu.dot_dimension_numbers<[1], [0], [0], [1], [0, 0, 1, 1], [], []>, transpose_lhs_hint = false} : vector<16x256xf32>, vector<256x400xf32>, vector<16x400xf32> -> vector<16x400xf32>
    %get3A_551 = arith.constant 0 : index
    %get3A_552 = arith.constant 0 : index
    %get3A_553 = vector.load %arg7[%get3A_551, %get3A_552] : memref<16x256xf32, #tpu.memory_space<vmem>>, vector<16x256xf32>
    %dot_general3A_554 = arith.constant dense<0.000000e+00> : vector<16x400xf32>
    %dot_general3A_555 = tpu.matmul %get3A_553, %sub3A_545, %dot_general3A_554 {dimension_numbers = #tpu.dot_dimension_numbers<[1], [0], [0], [1], [0, 0, 1, 1], [], []>, transpose_lhs_hint = false} : vector<16x256xf32>, vector<256x400xf32>, vector<16x400xf32> -> vector<16x400xf32>
    %add3A_556 = arith.addf %dot_general3A_550, %dot_general3A_555 : vector<16x400xf32>
    %get3A_557 = arith.constant 0 : index
    %get3A_558 = arith.constant 0 : index
    %get3A_559 = vector.load %arg8[%get3A_557, %get3A_558] : memref<16x256xf32, #tpu.memory_space<vmem>>, vector<16x256xf32>
    %dot_general3A_560 = arith.constant dense<0.000000e+00> : vector<16x400xf32>
    %dot_general3A_561 = tpu.matmul %get3A_559, %convert_element_type3A_544, %dot_general3A_560 {dimension_numbers = #tpu.dot_dimension_numbers<[1], [0], [0], [1], [0, 0, 1, 1], [], []>, transpose_lhs_hint = false} : vector<16x256xf32>, vector<256x400xf32>, vector<16x400xf32> -> vector<16x400xf32>
    %add3A_562 = arith.addf %add3A_556, %dot_general3A_561 : vector<16x400xf32>
    %get3A_563 = arith.constant 0 : index
    %get3A_564 = arith.constant 0 : index
    %get3A_565 = vector.load %arg9[%get3A_563, %get3A_564] : memref<16x16xf32, #tpu.memory_space<vmem>>, vector<16x16xf32>
    %dot_general3A_566 = arith.constant dense<0.000000e+00> : vector<16x400xf32>
    %dot_general3A_567 = tpu.matmul %get3A_565, %slice3A_492, %dot_general3A_566 {dimension_numbers = #tpu.dot_dimension_numbers<[1], [0], [0], [1], [0, 0, 1, 1], [], []>, transpose_lhs_hint = false} : vector<16x16xf32>, vector<16x400xf32>, vector<16x400xf32> -> vector<16x400xf32>
    %add3A_568 = arith.addf %add3A_562, %dot_general3A_567 : vector<16x400xf32>
    %slice3A_569 = vector.extract_strided_slice %transpose3A {offsets = [112, 0], sizes = [16, 400], strides = [1, 1]} : vector<128x400xf32> to vector<16x400xf32>
    %slice3A_570 = vector.extract_strided_slice %select_n3A_33 {offsets = [0, 2800], sizes = [16, 400], strides = [1, 1]} : vector<16x3200xf32> to vector<16x400xf32>
    %slice3A_571 = vector.extract_strided_slice %slice3A_569 {offsets = [0, 0], sizes = [1, 400], strides = [1, 1]} : vector<16x400xf32> to vector<1x400xf32>
    %mul3A_572 = vector.broadcast %slice3A_571 : vector<1x400xf32> to vector<16x400xf32>
    %mul3A_573 = arith.mulf %mul3A_572, %slice3A_570 : vector<16x400xf32>
    %slice3A_574 = vector.extract_strided_slice %slice3A_569 {offsets = [1, 0], sizes = [1, 400], strides = [1, 1]} : vector<16x400xf32> to vector<1x400xf32>
    %mul3A_575 = vector.broadcast %slice3A_574 : vector<1x400xf32> to vector<16x400xf32>
    %mul3A_576 = arith.mulf %mul3A_575, %slice3A_570 : vector<16x400xf32>
    %slice3A_577 = vector.extract_strided_slice %slice3A_569 {offsets = [2, 0], sizes = [1, 400], strides = [1, 1]} : vector<16x400xf32> to vector<1x400xf32>
    %mul3A_578 = vector.broadcast %slice3A_577 : vector<1x400xf32> to vector<16x400xf32>
    %mul3A_579 = arith.mulf %mul3A_578, %slice3A_570 : vector<16x400xf32>
    %slice3A_580 = vector.extract_strided_slice %slice3A_569 {offsets = [3, 0], sizes = [1, 400], strides = [1, 1]} : vector<16x400xf32> to vector<1x400xf32>
    %mul3A_581 = vector.broadcast %slice3A_580 : vector<1x400xf32> to vector<16x400xf32>
    %mul3A_582 = arith.mulf %mul3A_581, %slice3A_570 : vector<16x400xf32>
    %slice3A_583 = vector.extract_strided_slice %slice3A_569 {offsets = [4, 0], sizes = [1, 400], strides = [1, 1]} : vector<16x400xf32> to vector<1x400xf32>
    %mul3A_584 = vector.broadcast %slice3A_583 : vector<1x400xf32> to vector<16x400xf32>
    %mul3A_585 = arith.mulf %mul3A_584, %slice3A_570 : vector<16x400xf32>
    %slice3A_586 = vector.extract_strided_slice %slice3A_569 {offsets = [5, 0], sizes = [1, 400], strides = [1, 1]} : vector<16x400xf32> to vector<1x400xf32>
    %mul3A_587 = vector.broadcast %slice3A_586 : vector<1x400xf32> to vector<16x400xf32>
    %mul3A_588 = arith.mulf %mul3A_587, %slice3A_570 : vector<16x400xf32>
    %slice3A_589 = vector.extract_strided_slice %slice3A_569 {offsets = [6, 0], sizes = [1, 400], strides = [1, 1]} : vector<16x400xf32> to vector<1x400xf32>
    %mul3A_590 = vector.broadcast %slice3A_589 : vector<1x400xf32> to vector<16x400xf32>
    %mul3A_591 = arith.mulf %mul3A_590, %slice3A_570 : vector<16x400xf32>
    %slice3A_592 = vector.extract_strided_slice %slice3A_569 {offsets = [7, 0], sizes = [1, 400], strides = [1, 1]} : vector<16x400xf32> to vector<1x400xf32>
    %mul3A_593 = vector.broadcast %slice3A_592 : vector<1x400xf32> to vector<16x400xf32>
    %mul3A_594 = arith.mulf %mul3A_593, %slice3A_570 : vector<16x400xf32>
    %slice3A_595 = vector.extract_strided_slice %slice3A_569 {offsets = [8, 0], sizes = [1, 400], strides = [1, 1]} : vector<16x400xf32> to vector<1x400xf32>
    %mul3A_596 = vector.broadcast %slice3A_595 : vector<1x400xf32> to vector<16x400xf32>
    %mul3A_597 = arith.mulf %mul3A_596, %slice3A_570 : vector<16x400xf32>
    %slice3A_598 = vector.extract_strided_slice %slice3A_569 {offsets = [9, 0], sizes = [1, 400], strides = [1, 1]} : vector<16x400xf32> to vector<1x400xf32>
    %mul3A_599 = vector.broadcast %slice3A_598 : vector<1x400xf32> to vector<16x400xf32>
    %mul3A_600 = arith.mulf %mul3A_599, %slice3A_570 : vector<16x400xf32>
    %slice3A_601 = vector.extract_strided_slice %slice3A_569 {offsets = [10, 0], sizes = [1, 400], strides = [1, 1]} : vector<16x400xf32> to vector<1x400xf32>
    %mul3A_602 = vector.broadcast %slice3A_601 : vector<1x400xf32> to vector<16x400xf32>
    %mul3A_603 = arith.mulf %mul3A_602, %slice3A_570 : vector<16x400xf32>
    %slice3A_604 = vector.extract_strided_slice %slice3A_569 {offsets = [11, 0], sizes = [1, 400], strides = [1, 1]} : vector<16x400xf32> to vector<1x400xf32>
    %mul3A_605 = vector.broadcast %slice3A_604 : vector<1x400xf32> to vector<16x400xf32>
    %mul3A_606 = arith.mulf %mul3A_605, %slice3A_570 : vector<16x400xf32>
    %slice3A_607 = vector.extract_strided_slice %slice3A_569 {offsets = [12, 0], sizes = [1, 400], strides = [1, 1]} : vector<16x400xf32> to vector<1x400xf32>
    %mul3A_608 = vector.broadcast %slice3A_607 : vector<1x400xf32> to vector<16x400xf32>
    %mul3A_609 = arith.mulf %mul3A_608, %slice3A_570 : vector<16x400xf32>
    %slice3A_610 = vector.extract_strided_slice %slice3A_569 {offsets = [13, 0], sizes = [1, 400], strides = [1, 1]} : vector<16x400xf32> to vector<1x400xf32>
    %mul3A_611 = vector.broadcast %slice3A_610 : vector<1x400xf32> to vector<16x400xf32>
    %mul3A_612 = arith.mulf %mul3A_611, %slice3A_570 : vector<16x400xf32>
    %slice3A_613 = vector.extract_strided_slice %slice3A_569 {offsets = [14, 0], sizes = [1, 400], strides = [1, 1]} : vector<16x400xf32> to vector<1x400xf32>
    %mul3A_614 = vector.broadcast %slice3A_613 : vector<1x400xf32> to vector<16x400xf32>
    %mul3A_615 = arith.mulf %mul3A_614, %slice3A_570 : vector<16x400xf32>
    %slice3A_616 = vector.extract_strided_slice %slice3A_569 {offsets = [15, 0], sizes = [1, 400], strides = [1, 1]} : vector<16x400xf32> to vector<1x400xf32>
    %mul3A_617 = vector.broadcast %slice3A_616 : vector<1x400xf32> to vector<16x400xf32>
    %mul3A_618 = arith.mulf %mul3A_617, %slice3A_570 : vector<16x400xf32>
    %concatenate3A_619 = tpu.concatenate %mul3A_573, %mul3A_576, %mul3A_579, %mul3A_582, %mul3A_585, %mul3A_588, %mul3A_591, %mul3A_594, %mul3A_597, %mul3A_600, %mul3A_603, %mul3A_606, %mul3A_609, %mul3A_612, %mul3A_615, %mul3A_618 in 0 : vector<16x400xf32>, vector<16x400xf32>, vector<16x400xf32>, vector<16x400xf32>, vector<16x400xf32>, vector<16x400xf32>, vector<16x400xf32>, vector<16x400xf32>, vector<16x400xf32>, vector<16x400xf32>, vector<16x400xf32>, vector<16x400xf32>, vector<16x400xf32>, vector<16x400xf32>, vector<16x400xf32>, vector<16x400xf32> -> vector<256x400xf32>
    %convert_element_type3A_620 = arith.truncf %concatenate3A_619 : vector<256x400xf32> to vector<256x400xbf16>
    %convert_element_type3A_621 = arith.extf %convert_element_type3A_620 : vector<256x400xbf16> to vector<256x400xf32>
    %sub3A_622 = arith.subf %concatenate3A_619, %convert_element_type3A_621 : vector<256x400xf32>
    %get3A_623 = arith.constant 0 : index
    %get3A_624 = arith.constant 0 : index
    %get3A_625 = vector.load %arg7[%get3A_623, %get3A_624] : memref<16x256xf32, #tpu.memory_space<vmem>>, vector<16x256xf32>
    %dot_general3A_626 = arith.constant dense<0.000000e+00> : vector<16x400xf32>
    %dot_general3A_627 = tpu.matmul %get3A_625, %convert_element_type3A_621, %dot_general3A_626 {dimension_numbers = #tpu.dot_dimension_numbers<[1], [0], [0], [1], [0, 0, 1, 1], [], []>, transpose_lhs_hint = false} : vector<16x256xf32>, vector<256x400xf32>, vector<16x400xf32> -> vector<16x400xf32>
    %get3A_628 = arith.constant 0 : index
    %get3A_629 = arith.constant 0 : index
    %get3A_630 = vector.load %arg7[%get3A_628, %get3A_629] : memref<16x256xf32, #tpu.memory_space<vmem>>, vector<16x256xf32>
    %dot_general3A_631 = arith.constant dense<0.000000e+00> : vector<16x400xf32>
    %dot_general3A_632 = tpu.matmul %get3A_630, %sub3A_622, %dot_general3A_631 {dimension_numbers = #tpu.dot_dimension_numbers<[1], [0], [0], [1], [0, 0, 1, 1], [], []>, transpose_lhs_hint = false} : vector<16x256xf32>, vector<256x400xf32>, vector<16x400xf32> -> vector<16x400xf32>
    %add3A_633 = arith.addf %dot_general3A_627, %dot_general3A_632 : vector<16x400xf32>
    %get3A_634 = arith.constant 0 : index
    %get3A_635 = arith.constant 0 : index
    %get3A_636 = vector.load %arg8[%get3A_634, %get3A_635] : memref<16x256xf32, #tpu.memory_space<vmem>>, vector<16x256xf32>
    %dot_general3A_637 = arith.constant dense<0.000000e+00> : vector<16x400xf32>
    %dot_general3A_638 = tpu.matmul %get3A_636, %convert_element_type3A_621, %dot_general3A_637 {dimension_numbers = #tpu.dot_dimension_numbers<[1], [0], [0], [1], [0, 0, 1, 1], [], []>, transpose_lhs_hint = false} : vector<16x256xf32>, vector<256x400xf32>, vector<16x400xf32> -> vector<16x400xf32>
    %add3A_639 = arith.addf %add3A_633, %dot_general3A_638 : vector<16x400xf32>
    %get3A_640 = arith.constant 0 : index
    %get3A_641 = arith.constant 0 : index
    %get3A_642 = vector.load %arg9[%get3A_640, %get3A_641] : memref<16x16xf32, #tpu.memory_space<vmem>>, vector<16x16xf32>
    %dot_general3A_643 = arith.constant dense<0.000000e+00> : vector<16x400xf32>
    %dot_general3A_644 = tpu.matmul %get3A_642, %slice3A_569, %dot_general3A_643 {dimension_numbers = #tpu.dot_dimension_numbers<[1], [0], [0], [1], [0, 0, 1, 1], [], []>, transpose_lhs_hint = false} : vector<16x16xf32>, vector<16x400xf32>, vector<16x400xf32> -> vector<16x400xf32>
    %add3A_645 = arith.addf %add3A_639, %dot_general3A_644 : vector<16x400xf32>
    %broadcast_in_dim3A = arith.constant 1.000000e+00 : f32
    %broadcast_in_dim3A_646 = vector.broadcast %broadcast_in_dim3A : f32 to vector<1x400xf32>
    %broadcast_in_dim3A_647 = arith.constant 0.000000e+00 : f32
    %broadcast_in_dim3A_648 = vector.broadcast %broadcast_in_dim3A_647 : f32 to vector<15x400xf32>
    %concatenate3A_649 = tpu.concatenate %broadcast_in_dim3A_646, %broadcast_in_dim3A_648 in 0 : vector<1x400xf32>, vector<15x400xf32> -> vector<16x400xf32>
    %concatenate3A_650 = tpu.concatenate %add3A_106, %concatenate3A_649, %add3A_260, %concatenate3A_649, %add3A_414, %concatenate3A_649, %add3A_568, %concatenate3A_649 in 0 : vector<16x400xf32>, vector<16x400xf32>, vector<16x400xf32>, vector<16x400xf32>, vector<16x400xf32>, vector<16x400xf32>, vector<16x400xf32>, vector<16x400xf32> -> vector<128x400xf32>
    %concatenate3A_651 = tpu.concatenate %add3A_183, %concatenate3A_649, %add3A_337, %concatenate3A_649, %add3A_491, %concatenate3A_649, %add3A_645, %concatenate3A_649 in 0 : vector<16x400xf32>, vector<16x400xf32>, vector<16x400xf32>, vector<16x400xf32>, vector<16x400xf32>, vector<16x400xf32>, vector<16x400xf32>, vector<16x400xf32> -> vector<128x400xf32>
    %concatenate3A_652 = tpu.concatenate %concatenate3A_650, %concatenate3A_651 in 1 : vector<128x400xf32>, vector<128x400xf32> -> vector<128x800xf32>
    %transpose3A_653 = tpu.transpose %concatenate3A_652, [1, 0] : vector<128x800xf32> -> vector<800x128xf32>
    %swap3A = arith.constant 0 : index
    %swap3A_654 = arith.constant 0 : index
    %swap3A_655 = vector.load %arg10[%swap3A, %swap3A_654] : memref<800x128xf32, #tpu.memory_space<vmem>>, vector<800x128xf32>
    tpu.vector_store %arg10[%swap3A, %swap3A_654], %transpose3A_653 {strides = array<i32>} : memref<800x128xf32, #tpu.memory_space<vmem>>, vector<800x128xf32>,
    return
  }
  func.func @transform_0(%arg0: i32) -> (i32, i32) {
    %c0_i32 = arith.constant 0 : i32
    %c0_i32_0 = arith.constant 0 : i32
    return %c0_i32, %arg0 : i32, i32
  }
  func.func @transform_1(%arg0: i32) -> (i32, i32) {
    %c0_i32 = arith.constant 0 : i32
    %c0_i32_0 = arith.constant 0 : i32
    return %arg0, %c0_i32 : i32, i32
  }
  func.func @transform_2(%arg0: i32) -> (i32, i32) {
    %c0_i32 = arith.constant 0 : i32
    %c0_i32_0 = arith.constant 0 : i32
    %c0_i32_1 = arith.constant 0 : i32
    return %c0_i32, %c0_i32_0 : i32, i32
  }
  func.func @transform_3(%arg0: i32) -> (i32, i32) {
    %c0_i32 = arith.constant 0 : i32
    %c0_i32_0 = arith.constant 0 : i32
    %c0_i32_1 = arith.constant 0 : i32
    return %c0_i32, %c0_i32_0 : i32, i32
  }
  func.func @transform_4(%arg0: i32) -> (i32, i32) {
    %c0_i32 = arith.constant 0 : i32
    %c0_i32_0 = arith.constant 0 : i32
    %c0_i32_1 = arith.constant 0 : i32
    return %c0_i32, %c0_i32_0 : i32, i32
  }
  func.func @transform_5(%arg0: i32) -> (i32, i32) {
    %c0_i32 = arith.constant 0 : i32
    %c0_i32_0 = arith.constant 0 : i32
    %c0_i32_1 = arith.constant 0 : i32
    return %c0_i32, %c0_i32_0 : i32, i32
  }
  func.func @transform_6(%arg0: i32) -> (i32, i32) {
    %c0_i32 = arith.constant 0 : i32
    %c0_i32_0 = arith.constant 0 : i32
    %c0_i32_1 = arith.constant 0 : i32
    return %c0_i32, %c0_i32_0 : i32, i32
  }
  func.func @transform_7(%arg0: i32) -> (i32, i32) {
    %c0_i32 = arith.constant 0 : i32
    %c0_i32_0 = arith.constant 0 : i32
    %c0_i32_1 = arith.constant 0 : i32
    return %c0_i32, %c0_i32_0 : i32, i32
  }
  func.func @transform_8(%arg0: i32) -> (i32, i32) {
    %c0_i32 = arith.constant 0 : i32
    %c0_i32_0 = arith.constant 0 : i32
    %c0_i32_1 = arith.constant 0 : i32
    return %c0_i32, %c0_i32_0 : i32, i32
  }
  func.func @transform_9(%arg0: i32) -> (i32, i32) {
    %c0_i32 = arith.constant 0 : i32
    %c0_i32_0 = arith.constant 0 : i32
    return %arg0, %c0_i32 : i32, i32
  }
}

module attributes {stable_mosaic.version = 14 : i64} {
  func.func @_combine_body(%arg0: i32, %arg1: memref<2x2000x32xf32, #tpu.memory_space<vmem>>, %arg2: memref<2000x16xf32, #tpu.memory_space<vmem>>, %arg3: memref<16x16xf32, #tpu.memory_space<vmem>>, %arg4: memref<1x16xf32, #tpu.memory_space<vmem>>, %arg5: memref<16x1xf32, #tpu.memory_space<vmem>>, %arg6: memref<1x1xf32, #tpu.memory_space<vmem>>, %arg7: memref<2000x1xf32, #tpu.memory_space<vmem>>) attributes {dimension_semantics = [#tpu.dimension_semantics<arbitrary>], iteration_bounds = array<i64: 1>, scalar_prefetch = 0 : i64, scratch_operands = 0 : i64, tpu.core_type = #tpu.core_type<tc>, window_params = [{pipeline_mode = #tpu.pipeline_mode<synchronous>, transform_indices = @transform_0, window_bounds = array<i64: 2, 2000, 32>}, {pipeline_mode = #tpu.pipeline_mode<synchronous>, transform_indices = @transform_1, window_bounds = array<i64: 2000, 16>}, {pipeline_mode = #tpu.pipeline_mode<synchronous>, transform_indices = @transform_2, window_bounds = array<i64: 16, 16>}, {pipeline_mode = #tpu.pipeline_mode<synchronous>, transform_indices = @transform_3, window_bounds = array<i64: 1, 16>}, {pipeline_mode = #tpu.pipeline_mode<synchronous>, transform_indices = @transform_4, window_bounds = array<i64: 16, 1>}, {pipeline_mode = #tpu.pipeline_mode<synchronous>, transform_indices = @transform_5, window_bounds = array<i64: 1, 1>}, {pipeline_mode = #tpu.pipeline_mode<synchronous>, transform_indices = @transform_6, window_bounds = array<i64: 2000, 1>}]} {
    %get3A = arith.constant 0 : index
    %get3A_0 = arith.constant 0 : index
    %get3A_1 = arith.constant 0 : index
    %get3A_2 = vector.load %arg1[%get3A, %get3A_0, %get3A_1] : memref<2x2000x32xf32, #tpu.memory_space<vmem>>, vector<2x2000x32xf32>
    %slice3A = vector.extract_strided_slice %get3A_2 {offsets = [0, 0, 0], sizes = [1, 2000, 32], strides = [1, 1, 1]} : vector<2x2000x32xf32> to vector<1x2000x32xf32>
    %squeeze3A = vector.shape_cast %slice3A : vector<1x2000x32xf32> to vector<2000x32xf32>
    %slice3A_3 = vector.extract_strided_slice %get3A_2 {offsets = [1, 0, 0], sizes = [1, 2000, 32], strides = [1, 1, 1]} : vector<2x2000x32xf32> to vector<1x2000x32xf32>
    %squeeze3A_4 = vector.shape_cast %slice3A_3 : vector<1x2000x32xf32> to vector<2000x32xf32>
    %add3A = arith.addf %squeeze3A, %squeeze3A_4 : vector<2000x32xf32>
    %slice3A_5 = vector.extract_strided_slice %add3A {offsets = [0, 0], sizes = [2000, 16], strides = [1, 1]} : vector<2000x32xf32> to vector<2000x16xf32>
    %slice3A_6 = vector.extract_strided_slice %add3A {offsets = [0, 16], sizes = [2000, 1], strides = [1, 1]} : vector<2000x32xf32> to vector<2000x1xf32>
    %max3A = arith.constant 1.000000e+00 : f32
    %max3A_7 = vector.broadcast %max3A : f32 to vector<2000x1xf32>
    %max3A_8 = arith.maximumf %slice3A_6, %max3A_7 : vector<2000x1xf32>
    %div3A = vector.broadcast %max3A_8 : vector<2000x1xf32> to vector<2000x16xf32>
    %div3A_9 = arith.divf %slice3A_5, %div3A : vector<2000x16xf32>
    %get3A_10 = arith.constant 0 : index
    %get3A_11 = arith.constant 0 : index
    %get3A_12 = vector.load %arg2[%get3A_10, %get3A_11] : memref<2000x16xf32, #tpu.memory_space<vmem>>, vector<2000x16xf32>
    %get3A_13 = arith.constant 0 : index
    %get3A_14 = arith.constant 0 : index
    %get3A_15 = vector.load %arg3[%get3A_13, %get3A_14] : memref<16x16xf32, #tpu.memory_space<vmem>>, vector<16x16xf32>
    %dot_general3A = arith.constant dense<0.000000e+00> : vector<2000x16xf32>
    %dot_general3A_16 = tpu.matmul %get3A_12, %get3A_15, %dot_general3A {dimension_numbers = #tpu.dot_dimension_numbers<[1], [0], [0], [1], [0, 0, 1, 1], [], []>, transpose_lhs_hint = false} : vector<2000x16xf32>, vector<16x16xf32>, vector<2000x16xf32> -> vector<2000x16xf32>
    %add3A_17 = arith.addf %div3A_9, %dot_general3A_16 : vector<2000x16xf32>
    %get3A_18 = arith.constant 0 : index
    %get3A_19 = arith.constant 0 : index
    %get3A_20 = vector.load %arg4[%get3A_18, %get3A_19] : memref<1x16xf32, #tpu.memory_space<vmem>>, vector<1x16xf32>
    %add3A_21 = vector.broadcast %get3A_20 : vector<1x16xf32> to vector<2000x16xf32>
    %add3A_22 = arith.addf %add3A_17, %add3A_21 : vector<2000x16xf32>
    %ge3A = arith.constant 0.000000e+00 : f32
    %ge3A_23 = vector.broadcast %ge3A : f32 to vector<2000x16xf32>
    %ge3A_24 = arith.cmpf oge, %add3A_22, %ge3A_23 : vector<2000x16xf32>
    %mul3A = arith.constant 0.00999999977 : f32
    %mul3A_25 = vector.broadcast %mul3A : f32 to vector<2000x16xf32>
    %mul3A_26 = arith.mulf %mul3A_25, %add3A_22 : vector<2000x16xf32>
    %select_n3A = arith.select %ge3A_24, %add3A_22, %mul3A_26 : vector<2000x16xi1>, vector<2000x16xf32>
    %get3A_27 = arith.constant 0 : index
    %get3A_28 = arith.constant 0 : index
    %get3A_29 = vector.load %arg5[%get3A_27, %get3A_28] : memref<16x1xf32, #tpu.memory_space<vmem>>, vector<16x1xf32>
    %dot_general3A_30 = arith.constant dense<0.000000e+00> : vector<2000x1xf32>
    %dot_general3A_31 = tpu.matmul %select_n3A, %get3A_29, %dot_general3A_30 {dimension_numbers = #tpu.dot_dimension_numbers<[1], [0], [0], [1], [0, 0, 1, 1], [], []>, transpose_lhs_hint = false} : vector<2000x16xf32>, vector<16x1xf32>, vector<2000x1xf32> -> vector<2000x1xf32>
    %get3A_32 = arith.constant 0 : index
    %get3A_33 = arith.constant 0 : index
    %get3A_34 = vector.load %arg6[%get3A_32, %get3A_33] : memref<1x1xf32, #tpu.memory_space<vmem>>, vector<1x1xf32>
    %add3A_35 = vector.broadcast %get3A_34 : vector<1x1xf32> to vector<2000x1xf32>
    %add3A_36 = arith.addf %dot_general3A_31, %add3A_35 : vector<2000x1xf32>
    %ge3A_37 = arith.constant 0.000000e+00 : f32
    %ge3A_38 = vector.broadcast %ge3A_37 : f32 to vector<2000x1xf32>
    %ge3A_39 = arith.cmpf oge, %add3A_36, %ge3A_38 : vector<2000x1xf32>
    %mul3A_40 = arith.constant 0.00999999977 : f32
    %mul3A_41 = vector.broadcast %mul3A_40 : f32 to vector<2000x1xf32>
    %mul3A_42 = arith.mulf %mul3A_41, %add3A_36 : vector<2000x1xf32>
    %select_n3A_43 = arith.select %ge3A_39, %add3A_36, %mul3A_42 : vector<2000x1xi1>, vector<2000x1xf32>
    %swap3A = arith.constant 0 : index
    %swap3A_44 = arith.constant 0 : index
    %swap3A_45 = vector.load %arg7[%swap3A, %swap3A_44] : memref<2000x1xf32, #tpu.memory_space<vmem>>, vector<2000x1xf32>
    tpu.vector_store %arg7[%swap3A, %swap3A_44], %select_n3A_43 {strides = array<i32>} : memref<2000x1xf32, #tpu.memory_space<vmem>>, vector<2000x1xf32>,
    return
  }
  func.func @transform_0(%arg0: i32) -> (i32, i32, i32) {
    %c0_i32 = arith.constant 0 : i32
    %c0_i32_0 = arith.constant 0 : i32
    %c0_i32_1 = arith.constant 0 : i32
    %c0_i32_2 = arith.constant 0 : i32
    return %c0_i32, %c0_i32_0, %c0_i32_1 : i32, i32, i32
  }
  func.func @transform_1(%arg0: i32) -> (i32, i32) {
    %c0_i32 = arith.constant 0 : i32
    %c0_i32_0 = arith.constant 0 : i32
    %c0_i32_1 = arith.constant 0 : i32
    return %c0_i32, %c0_i32_0 : i32, i32
  }
  func.func @transform_2(%arg0: i32) -> (i32, i32) {
    %c0_i32 = arith.constant 0 : i32
    %c0_i32_0 = arith.constant 0 : i32
    %c0_i32_1 = arith.constant 0 : i32
    return %c0_i32, %c0_i32_0 : i32, i32
  }
  func.func @transform_3(%arg0: i32) -> (i32, i32) {
    %c0_i32 = arith.constant 0 : i32
    %c0_i32_0 = arith.constant 0 : i32
    %c0_i32_1 = arith.constant 0 : i32
    return %c0_i32, %c0_i32_0 : i32, i32
  }
  func.func @transform_4(%arg0: i32) -> (i32, i32) {
    %c0_i32 = arith.constant 0 : i32
    %c0_i32_0 = arith.constant 0 : i32
    %c0_i32_1 = arith.constant 0 : i32
    return %c0_i32, %c0_i32_0 : i32, i32
  }
  func.func @transform_5(%arg0: i32) -> (i32, i32) {
    %c0_i32 = arith.constant 0 : i32
    %c0_i32_0 = arith.constant 0 : i32
    %c0_i32_1 = arith.constant 0 : i32
    return %c0_i32, %c0_i32_0 : i32, i32
  }
  func.func @transform_6(%arg0: i32) -> (i32, i32) {
    %c0_i32 = arith.constant 0 : i32
    %c0_i32_0 = arith.constant 0 : i32
    %c0_i32_1 = arith.constant 0 : i32
    return %c0_i32, %c0_i32_0 : i32, i32
  }
}

</mosaic_0001>

<sc_bundles>
// kernel: kernel.11.cloned.1.call-start
scs
__scs_entry_jumppad:
0x0: {  	(pc) =	sbr.rel $0x88, $3  }
0x1: {  	(tag) =	ssettag $0x0;
	lr =	simm.s32 $0x1  }
0x2: {  	[smem:$0x3F7D] =	sst lr;
	_ =	strace $0xD0000000  }
0x3: {  	_ = 	snop  }
0x4: {  	_ = 	snop  }
0x5: {  	_ = 	snop  }
0x6: {  	_ = 	snop  }
0x7: {  	_ = 	snop  }
__scs_overlays_trampoline_lowered:
0x8: {  	[smem:$0x3F8C] =	sst s0  }
0x9: {  	[smem:$0x3F8D] =	sst s1  }
0xa: {  	[smem:$0x3F8E] =	sst s2  }
0xb: {  	[smem:$0x3F8F] =	sst s3  }
0xc: {  	[smem:$0x3F90] =	sst s4  }
0xd: {  	[smem:$0x3F91] =	sst s5  }
0xe: {  	[smem:$0x3F92] =	sst s6  }
0xf: {  	[smem:$0x3F93] =	sst s7  }
0x10: {  	[smem:$0x3F94] =	sst s8  }
0x11: {  	[smem:$0x3F95] =	sst s9;
	s0 =	simm.s32 @!p0 $0x0  }
0x12: {  	s1 =	sld [smem:$0x3F7B];
	s0 =	simm.s32 @p0 $0x1  }
0x13: {  	[smem:$0x3F96] =	sst s0;
	s0 =	simm.s32 @!p1 $0x0  }
0x14: {  	s2 =	sld [smem:$0x3F7A];
	s0 =	simm.s32 @p1 $0x1  }
0x15: {  	[smem:$0x3F97] =	sst s0;
	s0 =	simm.s32 @!p2 $0x0  }
0x16: {  	s3 =	sld [smem:$0x3FDB];
	s0 =	simm.s32 @p2 $0x1  }
0x17: {  	s4 =	simm.s32 $0x1BF5;
	[smem:$0x3F99] =	sst s0  }
0x18: {  	s0 =	sld [smem:$0x3F7C];
	_ =	swait.ge [sflag:s4], $0x0  }
0x19: {  	s7 =	sld [smem:$0x3F7D]  }
0x1a: {  	s8 =	sadd.s32 $0xFFFFE003, lr  }
0x1b: {  	s9 =	sadd.s32 $0xFFFFFEF7, lr;
	s5 =	simm.s32 $0xFFFFFFFF;
	p2 =	slt.u32 s8, $0xFFFFF086  }
0x1c: {  	p1 =	slt.u32 s9, $0xF7A;
	s5 =	simm.s32 @!p2 $0x0  }
0x1d: {  	s5 =	simm.s32 @p1 $0x1;
	p0 =	seq.s32 s7, s2  }
0x1e: {  	s7 =	smul.u32 @!p0 $0xF7A, s2;
	p2 =	seq.s32 @!p0 s5, $0x0  }
0x1f: {  	s9 =	smul.u32 $0xF7A, s1;
	s8 =	simm.s32 @!p0 $0x1BF5;
	p2 =	por !p2, p0  }
0x20: {  	[sflag:s8] =	ssyncset.s32 @!p0 $0xFFFFF086;
	s6 =	sadd.s32 @!p0 s3, s7;
	s7 =	simm.s32 @!p0 $0x108  }
0x21: {  	s3 =	sadd.s32 s3, s9;
	s6 =	sadd.s32 @!p0 $0x88, s6;
	s7 =	simm.s32 @p2 $0x1082  }
0x22: {  	[simem:s7], [sflag:s8] =	dma.local @!p0 [hbm:s6], $0xF7A  }
0x23: {  	s9 =	sor.u32 $0xD0000000, s2;
	s6 =	simm.s32 $0x108;
	_ =	swait.ge @!p0 [sflag:s8], $0x0  }
0x24: {  	s3 =	sadd.s32 $0x88, s3;
	s6 =	simm.s32 @!p1 $0x1082;
	[sflag:s4] =	ssyncset.s32 $0xFFFFF086  }
0x25: {  	[simem:s6], [sflag:s4] =	dma.local [hbm:s3], $0xF7A  }
0x26: {  	[smem:$0x3F7D] =	sst s1;
	(tag) =	ssettag s2;
	_ =	strace s9  }
0x27: {  	s1 =	sld [smem:$0x3F8D]  }
0x28: {  	s2 =	sld [smem:$0x3F8E]  }
0x29: {  	s4 =	sld [smem:$0x3F90]  }
0x2a: {  	p0 =	seq.s32 s5, $0x0;
	s5 =	sld [smem:$0x3F91]  }
0x2b: {  	s6 =	sld [smem:$0x3F92]  }
0x2c: {  	s7 =	sld [smem:$0x3F93]  }
0x2d: {  	s3 =	simm.s32 $0x108;
	s8 =	sld [smem:$0x3F94]  }
0x2e: {  	s3 =	simm.s32 @!p0 $0x1082;
	s9 =	sld [smem:$0x3F95]  }
0x2f: {  	lr =	sadd.s32 s0, s3;
	s0 =	sld [smem:$0x3F8C]  }
0x30: {  	s3 =	sld [smem:$0x3F8F]  }
0x31: {  	[smem:$0x3F98] =	sst s10  }
0x32: {  	s10 =	sld [smem:$0x3F96];
	_ =	sdelay $0x3  }
0x33: {  	p0 =	seq.s32 s10, $0x1;
	s10 =	sld [smem:$0x3F98];
	_ =	sdelay $0x3  }
0x34: {  	[smem:$0x3F98] =	sst s10  }
0x35: {  	s10 =	sld [smem:$0x3F97];
	_ =	sdelay $0x3  }
0x36: {  	p1 =	seq.s32 s10, $0x1;
	s10 =	sld [smem:$0x3F98];
	_ =	sdelay $0x3  }
0x37: {  	[smem:$0x3F98] =	sst s10  }
0x38: {  	s10 =	sld [smem:$0x3F99]  }
0x39: {  	_ = 	snop;
	(pc) =	sbr.ind lr, $3  }
0x3a: {  	_ = 	snop  }
0x3b: {  	_ = 	snop  }
0x3c: {  	p2 =	seq.s32 s10, $0x1;
	s10 =	sld [smem:$0x3F98]  }
0x3d: {  	_ =	shalt  }
0x3e: {  	_ =	shalt  }
0x3f: {  	_ =	shalt  }
0x40: {  	_ =	shalt  }
0x41: {  	_ =	shalt  }
0x42: {  	_ =	shalt  }
0x43: {  	_ =	shalt  }
0x44: {  	_ =	shalt  }
0x45: {  	_ =	shalt  }
0x46: {  	_ =	shalt  }
0x47: {  	_ =	shalt  }
0x48: {  	_ =	shalt  }
0x49: {  	_ =	shalt  }
0x4a: {  	_ =	shalt  }
0x4b: {  	_ =	shalt  }
0x4c: {  	_ =	shalt  }
0x4d: {  	_ =	shalt  }
0x4e: {  	_ =	shalt  }
0x4f: {  	_ =	shalt  }
0x50: {  	_ =	shalt  }
0x51: {  	_ =	shalt  }
0x52: {  	_ =	shalt  }
0x53: {  	_ =	shalt  }
0x54: {  	_ =	shalt  }
0x55: {  	_ =	shalt  }
0x56: {  	_ =	shalt  }
0x57: {  	_ =	shalt  }
0x58: {  	_ =	shalt  }
0x59: {  	_ =	shalt  }
0x5a: {  	_ =	shalt  }
0x5b: {  	_ =	shalt  }
0x5c: {  	_ =	shalt  }
0x5d: {  	_ =	shalt  }
0x5e: {  	_ =	shalt  }
0x5f: {  	_ =	shalt  }
0x60: {  	_ =	shalt  }
0x61: {  	_ =	shalt  }
0x62: {  	_ =	shalt  }
0x63: {  	_ =	shalt  }
0x64: {  	_ =	shalt  }
0x65: {  	_ =	shalt  }
0x66: {  	_ =	shalt  }
0x67: {  	_ =	shalt  }
0x68: {  	_ =	shalt  }
0x69: {  	_ =	shalt  }
0x6a: {  	_ =	shalt  }
0x6b: {  	_ =	shalt  }
0x6c: {  	_ =	shalt  }
0x6d: {  	_ =	shalt  }
0x6e: {  	_ =	shalt  }
0x6f: {  	_ =	shalt  }
0x70: {  	_ =	shalt  }
0x71: {  	_ =	shalt  }
0x72: {  	_ =	shalt  }
0x73: {  	_ =	shalt  }
0x74: {  	_ =	shalt  }
0x75: {  	_ =	shalt  }
0x76: {  	_ =	shalt  }
0x77: {  	_ =	shalt  }
0x78: {  	_ =	shalt  }
0x79: {  	_ =	shalt  }
0x7a: {  	_ =	shalt  }
0x7b: {  	_ =	shalt  }
0x7c: {  	_ =	shalt  }
0x7d: {  	_ =	shalt  }
0x7e: {  	_ =	shalt  }
0x7f: {  	_ =	shalt  }
0x80: {  	_ =	shalt  }
0x81: {  	_ =	shalt  }
0x82: {  	_ =	shalt  }
0x83: {  	_ =	shalt  }
0x84: {  	_ =	shalt  }
0x85: {  	_ =	shalt  }
0x86: {  	_ =	shalt  }
0x87: {  	_ =	shalt  }
.Lfunc_end0:
.L_simem_size_0:
called_computation_lowered:
.L_overlay_start_0:
0x88: {  	s2 =	sld [smem:$0x3FD9]  }
0x89: {  	s3 =	sld [smem:$0x3FFE];
	_ =	sdelay $0x1  }
0x8a: {  	s1 =	srdreg.scid  }
0x8b: {  	s0 =	sand.u32 $0x1, s1  }
0x8c: {  	s16 =	sshll.u32 s0, $0xA;
	s2 =	sadd.s32 s3, s2  }
0x8d: {  	s2 =	sadd.s32 s2, s16  }
0x8e: {  	[smem:$0x3FA4] =	sst s2  }
0x8f: {  	_ = 	snop  }
0x90: {  	(tm) =	ssettm $0x1  }
0x91: {  	s17 =	sld [smem:$0x3FFB];
	_ =	sdelay $0x3  }
0x92: {  	_ =	strace s17  }
0x93: {  	s2 =	sld [smem:$0x3FFC];
	_ =	sdelay $0x3  }
0x94: {  	_ =	strace s2  }
0x95: {  	s2 =	sld [smem:$0x3FFD];
	_ =	sdelay $0x3  }
0x96: {  	_ =	strace s2  }
0x97: {  	_ =	strace $0x8FFFFFFF  }
0x98: {  	s18 =	sld [smem:$0x3FDB];
	_ =	sdelay $0x1  }
0x99: {  	s19 =	simm.s32 $_scs_section_size  }
0x9a: {  	s4 =	simm.s32 $_size__tile_overlayer_lowered;
	s5 =	simm.s32 $_tile_overlayer_lowered  }
0x9b: {  	s22 =	simm.s32 $0x1BFF;
	s21 =	sshll.u32 s5, $0x1;
	s2 =	sadd.s32 s19, s18  }
0x9c: {  	s6 =	simm.s32 $0x0;
	s20 =	sshll.u32 s4, $0x1;
	s4 =	sadd.s32 s21, s2  }
0x9d: {  	[timem:s6], [sflag:s22] =	dma.local [hbm:s4], s20  }
0x9e: {  	_ =	swait.ge [sflag:s22], s20  }
0x9f: {  	s3 =	ssub.s32 $0x0, s20;
	[sflag:s22] =	ssyncset.done $0x0  }
0xa0: {  	[sflag:s22] =	ssyncadd.s32 s3;
	_ =	sdelay $0x1  }
0xa1: {  	s23 =	simm.s32 $0x1B8B  }
0xa2: {  	_ =	swait.ge [sflag:s23], $0x1  }
0xa3: {  	[sflag:s23] =	ssyncset.done $0x0  }
0xa4: {  	s25 =	simm.s32 $0x1B8E;
	s24 =	sld [smem:$0x3FFE];
	[sflag:s23] =	ssyncadd.s32 $0xFFFFFFFF  }
0xa5: {  	s26 =	simm.s32 $execute0_lowered;
	[smem:$0x3FD2] =	sst s25  }
0xa6: {  	s4 =	sshll.u32 s26, $0x1;
	_ =	strace $0x80000046;
	[dreg:$0x1] =	wrdreg $0xFFFFFFFF  }
0xa7: {  	s28 =	simm.s32 $_size_execute0_lowered;
	s2 =	sadd.s32 s2, s4;
	[dreg:$0x0] =	wrdreg $0x0  }
0xa8: {  	s4 =	sshll.u32 s28, $0x1;
	[dreg:$0x2] =	wrdreg s2  }
0xa9: {  	[dreg:$0x3] =	wrdreg s4  }
0xaa: {  	[dreg:$0x4] =	wrdreg $0xC0  }
0xab: {  	_ =	task [dreg:s6], $0x5FFFF  }
0xac: {  	[dreg:$0x1] =	wrdreg $0xFFFFFFFF  }
0xad: {  	[dreg:$0x0] =	wrdreg $0x60  }
0xae: {  	[dreg:$0x2] =	wrdreg s24  }
0xaf: {  	[dreg:$0x3] =	wrdreg $0x9  }
0xb0: {  	_ =	task.clear_ibuf [dreg:s6], $0x4FFFF;
	_ =	strace $0x90000046  }
0xb1: {  	s29 =	simm.s32 $0x9;
	_ =	strace $0x80000048  }
0xb2: {  	_ =	swait.ge [sflag:s29], $0x1  }
0xb3: {  	[sflag:s29] =	ssyncadd.s32 $0xFFFFFFFF  }
0xb4: {  	_ =	strace $0x90000048  }
0xb5: {  	_ =	sfence  }
0xb6: {  	s30 =	sld [smem:$0x0];
	_ =	sdelay $0x2  }
0xb7: {  	s31 =	sshll.u32 s1, $0xD;
	s1 =	sshrl.u32 s1, $0x2  }
0xb8: {  	s3 =	sand.u32 $0x4000, s31;
	s1 =	sadd.s32 s1, s30  }
0xb9: {  	s0 =	sor.u32 s3, s0;
	s1 =	sshll.u32 s1, $0x11  }
0xba: {  	s0 =	sor.u32 s1, s0  }
0xbb: {  	s0 =	sadd.s32 $0x8F2B, s0  }
0xbc: {  	[sflag:s0] =	ssyncadd.remote.s32 $0x1  }
0xbd: {  	_ =	sfence.sel $0xFFFF  }
0xbe: {  	[dreg:$0x0] =	wrdreg $0xFFFFFFFF;
	(pc) =	sbr.abs _section_cstart, $3  }
0xbf: {  	[dreg:$0x1] =	wrdreg $0xFFFFFFFF  }
0xc0: {  	_ =	task.clear_ibuf [dreg:s6], $0x2FFFF;
	_ =	strace $0x9FFFFFFF  }
0xc1: {  	(tm) =	ssettm $0x7FFFFFFF  }
tec
execute0_lowered:
.L_overlay_start_1:
0x0: {  	(tag) =	ssettag $0x1  }
0x1: {  	s1 =	srdreg.scid;
	s0 =	stileid.u32  }
0x2: {  	s4 =	rddreg [dreg:$0x0];
	s2 =	simm.s32 $0x0;
	s7 =	smul.u32 $0x4E20, s0  }
0x3: {  	s11 =	simm.s32 $0x20D0;
	s5 =	sand.u32 $0x1, s1;
	s8 =	smul.u32 $0x27100, s0  }
0x4: {  	s12 =	sshll.u32 s0, $0x1;
	[smem:$0x7FF] =	sst s2;
	s9 =	smul.u32 $0x13880, s5  }
0x5: {  	s3 =	sadd.s32 $0x4800, s4;
	s1 =	sor.u32 s5, s12;
	s10 =	smul.u32 $0x2710, s5  }
0x6: {  	s5 =	ssub.s32 $0x2, s5;
	s12 =	simm.s32 $0x2710;
	s6 =	smul.u32 $0x28A, s1  }
0x7: {  	s1 =	rddreg [dreg:$0x1];
	_ =	strace $0x80000047;
	s13 =	sshrl.u32 s5, $0x1  }
0x8: {  	s8 =	sadd.s32 s9, s8;
	s7 =	sadd.s32 s10, s7;
	s9 =	ssub.s32 s5, s13  }
0x9: {  	s10 =	simm.s32 $0x1A90;
	s13 =	simm.s32 $0x2D50;
	s6 =	sadd.s32 s6, s4  }
0xa: {  	s4 =	sadd.s32 $0xEA00, s4;
	s14 =	sadd.s32 $0x3840, s8;
	[dreg:$0x2] =	wrdreg s7  }
0xb: {  	s16 =	sadd.s32 $0x3200, s8;
	s18 =	sadd.s32 $0x2BC0, s8;
	s20 =	sadd.s32 $0x2580, s8  }
0xc: {  	s22 =	sadd.s32 $0x1F40, s8;
	s24 =	sadd.s32 $0x1900, s8;
	s26 =	sadd.s32 $0x12C0, s8  }
0xd: {  	s29 =	sadd.s32 $0xC80, s8;
	s8 =	sadd.s32 $0x640, s8;
	s15 =	sshrl.u32 s14, $0x3  }
0xe: {  	s7 =	simm.s32 $0x3;
	s17 =	sshrl.u32 s16, $0x3;
	[dreg:$0x3] =	wrdreg s15  }
0xf: {  	s19 =	sshrl.u32 s18, $0x3;
	s21 =	sshrl.u32 s20, $0x3;
	[dreg:$0x4] =	wrdreg s17  }
0x10: {  	s23 =	sshrl.u32 s22, $0x3;
	s25 =	sshrl.u32 s24, $0x3;
	[dreg:$0x5] =	wrdreg s19  }
0x11: {  	s28 =	sshrl.u32 s26, $0x3;
	s30 =	sshrl.u32 s29, $0x3;
	[dreg:$0x6] =	wrdreg s21  }
0x12: {  	s31 =	sshrl.u32 s8, $0x3;
	s5 =	sadd.s32 $0x9800, s6;
	[dreg:$0x7] =	wrdreg s23  }
0x13: {  	s6 =	smax.u32 s9, $0x1;
	s8 =	simm.s32 $0x64;
	[dreg:$0x8] =	wrdreg s25  }
0x14: {  	s9 =	simm.s32 $0x1450;
	s14 =	simm.s32 $0x3390;
	[dreg:$0x9] =	wrdreg s28  }
0x15: {  	s16 =	simm.s32 $0x4010;
	s18 =	simm.s32 $0x4C90;
	[dreg:$0xa] =	wrdreg s30  }
0x16: {  	s20 =	simm.s32 $0x2;
	[dreg:$0xb] =	wrdreg s31;
	s15 =	simm.s32 $0x39D0  }
0x17: {  	s17 =	simm.s32 $0x4650;
	s19 =	simm.s32 $0x1;
	s21 =	simm.s32 $0x0  }
.LBB2_1:
0x18: {  	[tilespmem:s2], [sflag:$0x3] =	stream.linear.gather [hbm4b:s5+s2], $0x1450, $0x38;
	[tilespmem:$0x52D0] =	vst v63  }
0x19: {  	_ =	swait.ge [sflag:s7], $0x1450  }
0x1a: {  	[sflag:s7] =	ssyncset.done $0x0  }
0x1b: {  	s22 =	simm.s32 $0x0;
	[sflag:s7] =	ssyncadd.s32 $0xFFFFEBB0  }
0x1c: {  	[tilespmem:s9], [sflag:$0x1] =	stream.indirect.gather [hbm4b:s3+s8], $0x10, s22, s8, $0xb8;
	[tilespmem:$0x52D0] =	vst v63  }
0x1d: {  	s25 =	simm.s32 $0x68  }
0x1e: {  	[tilespmem:s10], [sflag:$0x1] =	stream.indirect.gather [hbm4b:s3+s8], $0x10, s25, s8, $0xb8;
	[tilespmem:$0x52D0] =	vst v63  }
0x1f: {  	s26 =	simm.s32 $0xD0  }
0x20: {  	[tilespmem:s11], [sflag:$0x1] =	stream.indirect.gather [hbm4b:s3+s8], $0x10, s26, s8, $0xb8;
	[tilespmem:$0x52D0] =	vst v63  }
0x21: {  	s28 =	simm.s32 $0x138  }
0x22: {  	[tilespmem:s12], [sflag:$0x1] =	stream.indirect.gather [hbm4b:s3+s8], $0x10, s28, s8, $0xb8;
	[tilespmem:$0x52D0] =	vst v63  }
0x23: {  	s29 =	simm.s32 $0x1A0  }
0x24: {  	[tilespmem:s13], [sflag:$0x1] =	stream.indirect.gather [hbm4b:s3+s8], $0x10, s29, s8, $0xb8;
	[tilespmem:$0x52D0] =	vst v63  }
0x25: {  	s30 =	simm.s32 $0x208  }
0x26: {  	[tilespmem:s14], [sflag:$0x1] =	stream.indirect.gather [hbm4b:s3+s8], $0x10, s30, s8, $0xb8;
	[tilespmem:$0x52D0] =	vst v63  }
0x27: {  	s31 =	simm.s32 $0x270  }
0x28: {  	[tilespmem:s15], [sflag:$0x1] =	stream.indirect.gather [hbm4b:s3+s8], $0x10, s31, s8, $0xb8;
	[tilespmem:$0x52D0] =	vst v63  }
0x29: {  	s23 =	simm.s32 $0x2D8  }
0x2a: {  	[tilespmem:s16], [sflag:$0x1] =	stream.indirect.gather [hbm4b:s3+s8], $0x10, s23, s8, $0xb8;
	[tilespmem:$0x52D0] =	vst v63  }
0x2b: {  	s24 =	simm.s32 $0x340  }
0x2c: {  	[tilespmem:s17], [sflag:$0x1] =	stream.indirect.gather [hbm4b:s3+s8], $0x10, s24, s8, $0xb8;
	[tilespmem:$0x52D0] =	vst v63  }
0x2d: {  	s25 =	simm.s32 $0x3A8  }
0x2e: {  	[tilespmem:s18], [sflag:$0x1] =	stream.indirect.gather [hbm4b:s3+s8], $0x10, s25, s8, $0xb8;
	[tilespmem:$0x52D0] =	vst v63  }
0x2f: {  	_ =	swait.ge [sflag:s19], $0x640  }
0x30: {  	[sflag:s19] =	ssyncset.done $0x0  }
0x31: {  	[sflag:s19] =	ssyncadd.s32 $0xFFFFF9C0  }
0x32: {  	_ =	swait.ge [sflag:s19], $0x640  }
0x33: {  	[sflag:s19] =	ssyncset.done $0x0  }
0x34: {  	[sflag:s19] =	ssyncadd.s32 $0xFFFFF9C0  }
0x35: {  	_ =	swait.ge [sflag:s19], $0x640  }
0x36: {  	[sflag:s19] =	ssyncset.done $0x0  }
0x37: {  	[sflag:s19] =	ssyncadd.s32 $0xFFFFF9C0  }
0x38: {  	_ =	swait.ge [sflag:s19], $0x640  }
0x39: {  	[sflag:s19] =	ssyncset.done $0x0  }
0x3a: {  	[sflag:s19] =	ssyncadd.s32 $0xFFFFF9C0  }
0x3b: {  	_ =	swait.ge [sflag:s19], $0x640  }
0x3c: {  	[sflag:s19] =	ssyncset.done $0x0  }
0x3d: {  	[sflag:s19] =	ssyncadd.s32 $0xFFFFF9C0  }
0x3e: {  	_ =	swait.ge [sflag:s19], $0x640  }
0x3f: {  	[sflag:s19] =	ssyncset.done $0x0  }
0x40: {  	[sflag:s19] =	ssyncadd.s32 $0xFFFFF9C0  }
0x41: {  	_ =	swait.ge [sflag:s19], $0x640  }
0x42: {  	[sflag:s19] =	ssyncset.done $0x0  }
0x43: {  	[sflag:s19] =	ssyncadd.s32 $0xFFFFF9C0  }
0x44: {  	_ =	swait.ge [sflag:s19], $0x640  }
0x45: {  	[sflag:s19] =	ssyncset.done $0x0  }
0x46: {  	[sflag:s19] =	ssyncadd.s32 $0xFFFFF9C0  }
0x47: {  	_ =	swait.ge [sflag:s19], $0x640  }
0x48: {  	[sflag:s19] =	ssyncset.done $0x0  }
0x49: {  	[sflag:s19] =	ssyncadd.s32 $0xFFFFF9C0  }
0x4a: {  	_ =	swait.ge [sflag:s19], $0x640  }
0x4b: {  	s26 =	rddreg [dreg:$0x2];
	[sflag:s19] =	ssyncset.done $0x0  }
0x4c: {  	s23 =	rddreg [dreg:$0xb];
	[sflag:s19] =	ssyncadd.s32 $0xFFFFF9C0;
	s22 =	sadd.s32 s4, s26  }
0x4d: {  	[hbm4b:s22+s2] =	stream.linear.scatter [tilespmem:s9], [sflag:$0x2], $0x640, $0x38;
	[tilespmem:$0x52D0] =	vst v63  }
0x4e: {  	s24 =	rddreg [dreg:$0xa];
	s28 =	sadd.s32 s4, s23  }
0x4f: {  	[hbm4b:s28+s2] =	stream.linear.scatter [tilespmem:s10], [sflag:$0x2], $0x640, $0x38;
	[tilespmem:$0x52D0] =	vst v63  }
0x50: {  	s29 =	rddreg [dreg:$0x9];
	s30 =	sadd.s32 s4, s24  }
0x51: {  	[hbm4b:s30+s2] =	stream.linear.scatter [tilespmem:s11], [sflag:$0x2], $0x640, $0x38;
	[tilespmem:$0x52D0] =	vst v63  }
0x52: {  	s31 =	rddreg [dreg:$0x8];
	s25 =	sadd.s32 s4, s29  }
0x53: {  	[hbm4b:s25+s2] =	stream.linear.scatter [tilespmem:s12], [sflag:$0x2], $0x640, $0x38;
	[tilespmem:$0x52D0] =	vst v63  }
0x54: {  	s26 =	rddreg [dreg:$0x7];
	s28 =	sadd.s32 s4, s31  }
0x55: {  	[hbm4b:s28+s2] =	stream.linear.scatter [tilespmem:s13], [sflag:$0x2], $0x640, $0x38;
	[tilespmem:$0x52D0] =	vst v63  }
0x56: {  	s29 =	rddreg [dreg:$0x6];
	s30 =	sadd.s32 s4, s26  }
0x57: {  	[hbm4b:s30+s2] =	stream.linear.scatter [tilespmem:s14], [sflag:$0x2], $0x640, $0x38;
	[tilespmem:$0x52D0] =	vst v63  }
0x58: {  	s31 =	rddreg [dreg:$0x5];
	s25 =	sadd.s32 s4, s29  }
0x59: {  	[hbm4b:s25+s2] =	stream.linear.scatter [tilespmem:s15], [sflag:$0x2], $0x640, $0x38;
	[tilespmem:$0x52D0] =	vst v63  }
0x5a: {  	s26 =	rddreg [dreg:$0x4];
	s28 =	sadd.s32 s4, s31  }
0x5b: {  	[hbm4b:s28+s2] =	stream.linear.scatter [tilespmem:s16], [sflag:$0x2], $0x640, $0x38;
	[tilespmem:$0x52D0] =	vst v63  }
0x5c: {  	s29 =	rddreg [dreg:$0x3];
	s30 =	sadd.s32 s4, s26  }
0x5d: {  	[hbm4b:s30+s2] =	stream.linear.scatter [tilespmem:s17], [sflag:$0x2], $0x640, $0x38;
	[tilespmem:$0x52D0] =	vst v63  }
0x5e: {  	s31 =	sadd.s32 s4, s29  }
0x5f: {  	[hbm4b:s31+s2] =	stream.linear.scatter [tilespmem:s18], [sflag:$0x2], $0x640, $0x38;
	[tilespmem:$0x52D0] =	vst v63  }
0x60: {  	_ =	swait.ge [sflag:s20], $0x640  }
0x61: {  	[sflag:s20] =	ssyncset.done $0x0  }
0x62: {  	[sflag:s20] =	ssyncadd.s32 $0xFFFFF9C0  }
0x63: {  	_ =	swait.ge [sflag:s20], $0x640  }
0x64: {  	[sflag:s20] =	ssyncset.done $0x0  }
0x65: {  	[sflag:s20] =	ssyncadd.s32 $0xFFFFF9C0  }
0x66: {  	_ =	swait.ge [sflag:s20], $0x640  }
0x67: {  	[sflag:s20] =	ssyncset.done $0x0  }
0x68: {  	[sflag:s20] =	ssyncadd.s32 $0xFFFFF9C0  }
0x69: {  	_ =	swait.ge [sflag:s20], $0x640  }
0x6a: {  	[sflag:s20] =	ssyncset.done $0x0  }
0x6b: {  	[sflag:s20] =	ssyncadd.s32 $0xFFFFF9C0  }
0x6c: {  	_ =	swait.ge [sflag:s20], $0x640  }
0x6d: {  	[sflag:s20] =	ssyncset.done $0x0  }
0x6e: {  	[sflag:s20] =	ssyncadd.s32 $0xFFFFF9C0  }
0x6f: {  	_ =	swait.ge [sflag:s20], $0x640  }
0x70: {  	[sflag:s20] =	ssyncset.done $0x0  }
0x71: {  	[sflag:s20] =	ssyncadd.s32 $0xFFFFF9C0  }
0x72: {  	_ =	swait.ge [sflag:s20], $0x640  }
0x73: {  	[sflag:s20] =	ssyncset.done $0x0  }
0x74: {  	[sflag:s20] =	ssyncadd.s32 $0xFFFFF9C0  }
0x75: {  	_ =	swait.ge [sflag:s20], $0x640  }
0x76: {  	[sflag:s20] =	ssyncset.done $0x0  }
0x77: {  	[sflag:s20] =	ssyncadd.s32 $0xFFFFF9C0  }
0x78: {  	_ =	swait.ge [sflag:s20], $0x640  }
0x79: {  	[sflag:s20] =	ssyncset.done $0x0  }
0x7a: {  	[sflag:s20] =	ssyncadd.s32 $0xFFFFF9C0  }
0x7b: {  	s23 =	simm.s32 $0x1040;
	_ =	swait.ge [sflag:s20], $0x640  }
0x7c: {  	s22 =	sadd.s32 $0x7D0, s4;
	s25 =	simm.s32 $0x2080;
	[sflag:s20] =	ssyncset.done $0x0  }
.LBB2_2:
0x7d: {  	s26 =	sshra.s32 s23, $0x2;
	[sflag:s20] =	ssyncadd.s32 $0xFFFFF9C0  }
0x7e: {  	[tilespmem:s9], [sflag:$0x1] =	stream.indirect.gather [hbm4b:s3+s8], $0x10, s26, s8, $0xb8;
	[tilespmem:$0x52D0] =	vst v63  }
0x7f: {  	s29 =	sadd.s32 $0x68, s26  }
0x80: {  	[tilespmem:s10], [sflag:$0x1] =	stream.indirect.gather [hbm4b:s3+s8], $0x10, s29, s8, $0xb8;
	[tilespmem:$0x52D0] =	vst v63  }
0x81: {  	s30 =	sadd.s32 $0xD0, s26  }
0x82: {  	[tilespmem:s11], [sflag:$0x1] =	stream.indirect.gather [hbm4b:s3+s8], $0x10, s30, s8, $0xb8;
	[tilespmem:$0x52D0] =	vst v63  }
0x83: {  	s31 =	sadd.s32 $0x138, s26  }
0x84: {  	[tilespmem:s12], [sflag:$0x1] =	stream.indirect.gather [hbm4b:s3+s8], $0x10, s31, s8, $0xb8;
	[tilespmem:$0x52D0] =	vst v63  }
0x85: {  	s28 =	sadd.s32 $0x1A0, s26  }
0x86: {  	[tilespmem:s13], [sflag:$0x1] =	stream.indirect.gather [hbm4b:s3+s8], $0x10, s28, s8, $0xb8;
	[tilespmem:$0x52D0] =	vst v63  }
0x87: {  	s29 =	sadd.s32 $0x208, s26  }
0x88: {  	[tilespmem:s14], [sflag:$0x1] =	stream.indirect.gather [hbm4b:s3+s8], $0x10, s29, s8, $0xb8;
	[tilespmem:$0x52D0] =	vst v63  }
0x89: {  	s30 =	sadd.s32 $0x270, s26  }
0x8a: {  	[tilespmem:s15], [sflag:$0x1] =	stream.indirect.gather [hbm4b:s3+s8], $0x10, s30, s8, $0xb8;
	[tilespmem:$0x52D0] =	vst v63  }
0x8b: {  	s31 =	sadd.s32 $0x2D8, s26  }
0x8c: {  	[tilespmem:s16], [sflag:$0x1] =	stream.indirect.gather [hbm4b:s3+s8], $0x10, s31, s8, $0xb8;
	[tilespmem:$0x52D0] =	vst v63  }
0x8d: {  	s28 =	sadd.s32 $0x340, s26  }
0x8e: {  	[tilespmem:s17], [sflag:$0x1] =	stream.indirect.gather [hbm4b:s3+s8], $0x10, s28, s8, $0xb8;
	[tilespmem:$0x52D0] =	vst v63  }
0x8f: {  	s29 =	sadd.s32 $0x3A8, s26  }
0x90: {  	[tilespmem:s18], [sflag:$0x1] =	stream.indirect.gather [hbm4b:s3+s8], $0x10, s29, s8, $0xb8;
	[tilespmem:$0x52D0] =	vst v63  }
0x91: {  	_ =	swait.ge [sflag:s19], $0x640  }
0x92: {  	[sflag:s19] =	ssyncset.done $0x0  }
0x93: {  	[sflag:s19] =	ssyncadd.s32 $0xFFFFF9C0  }
0x94: {  	_ =	swait.ge [sflag:s19], $0x640  }
0x95: {  	[sflag:s19] =	ssyncset.done $0x0  }
0x96: {  	[sflag:s19] =	ssyncadd.s32 $0xFFFFF9C0  }
0x97: {  	_ =	swait.ge [sflag:s19], $0x640  }
0x98: {  	[sflag:s19] =	ssyncset.done $0x0  }
0x99: {  	[sflag:s19] =	ssyncadd.s32 $0xFFFFF9C0  }
0x9a: {  	_ =	swait.ge [sflag:s19], $0x640  }
0x9b: {  	[sflag:s19] =	ssyncset.done $0x0  }
0x9c: {  	[sflag:s19] =	ssyncadd.s32 $0xFFFFF9C0  }
0x9d: {  	_ =	swait.ge [sflag:s19], $0x640  }
0x9e: {  	[sflag:s19] =	ssyncset.done $0x0  }
0x9f: {  	[sflag:s19] =	ssyncadd.s32 $0xFFFFF9C0  }
0xa0: {  	_ =	swait.ge [sflag:s19], $0x640  }
0xa1: {  	[sflag:s19] =	ssyncset.done $0x0  }
0xa2: {  	[sflag:s19] =	ssyncadd.s32 $0xFFFFF9C0  }
0xa3: {  	_ =	swait.ge [sflag:s19], $0x640  }
0xa4: {  	[sflag:s19] =	ssyncset.done $0x0  }
0xa5: {  	[sflag:s19] =	ssyncadd.s32 $0xFFFFF9C0  }
0xa6: {  	_ =	swait.ge [sflag:s19], $0x640  }
0xa7: {  	[sflag:s19] =	ssyncset.done $0x0  }
0xa8: {  	[sflag:s19] =	ssyncadd.s32 $0xFFFFF9C0  }
0xa9: {  	_ =	swait.ge [sflag:s19], $0x640  }
0xaa: {  	[sflag:s19] =	ssyncset.done $0x0  }
0xab: {  	[sflag:s19] =	ssyncadd.s32 $0xFFFFF9C0  }
0xac: {  	s23 =	smov.u32 s25;
	s24 =	sadd.s32 $0x1040, s25;
	_ =	swait.ge [sflag:s19], $0x640  }
0xad: {  	p0 =	sne.s32 s25, $0x4100;
	s30 =	rddreg [dreg:$0x2];
	[sflag:s19] =	ssyncset.done $0x0  }
0xae: {  	s31 =	rddreg [dreg:$0xb];
	[sflag:s19] =	ssyncadd.s32 $0xFFFFF9C0;
	s25 =	sadd.s32 s22, s30  }
0xaf: {  	[hbm4b:s25+s2] =	stream.linear.scatter [tilespmem:s9], [sflag:$0x2], $0x640, $0x38;
	[tilespmem:$0x52D0] =	vst v63  }
0xb0: {  	s28 =	rddreg [dreg:$0xa];
	s26 =	sadd.s32 s22, s31  }
0xb1: {  	[hbm4b:s26+s2] =	stream.linear.scatter [tilespmem:s10], [sflag:$0x2], $0x640, $0x38;
	[tilespmem:$0x52D0] =	vst v63  }
0xb2: {  	s29 =	rddreg [dreg:$0x9];
	s30 =	sadd.s32 s22, s28  }
0xb3: {  	[hbm4b:s30+s2] =	stream.linear.scatter [tilespmem:s11], [sflag:$0x2], $0x640, $0x38;
	[tilespmem:$0x52D0] =	vst v63  }
0xb4: {  	s31 =	rddreg [dreg:$0x8];
	s26 =	sadd.s32 s22, s29  }
0xb5: {  	[hbm4b:s26+s2] =	stream.linear.scatter [tilespmem:s12], [sflag:$0x2], $0x640, $0x38;
	[tilespmem:$0x52D0] =	vst v63  }
0xb6: {  	s29 =	rddreg [dreg:$0x7];
	s30 =	sadd.s32 s22, s31  }
0xb7: {  	[hbm4b:s30+s2] =	stream.linear.scatter [tilespmem:s13], [sflag:$0x2], $0x640, $0x38;
	[tilespmem:$0x52D0] =	vst v63  }
0xb8: {  	s31 =	rddreg [dreg:$0x6];
	s26 =	sadd.s32 s22, s29  }
0xb9: {  	[hbm4b:s26+s2] =	stream.linear.scatter [tilespmem:s14], [sflag:$0x2], $0x640, $0x38;
	[tilespmem:$0x52D0] =	vst v63  }
0xba: {  	s29 =	rddreg [dreg:$0x5];
	s30 =	sadd.s32 s22, s31  }
0xbb: {  	[hbm4b:s30+s2] =	stream.linear.scatter [tilespmem:s15], [sflag:$0x2], $0x640, $0x38;
	[tilespmem:$0x52D0] =	vst v63  }
0xbc: {  	s31 =	rddreg [dreg:$0x4];
	s26 =	sadd.s32 s22, s29  }
0xbd: {  	[hbm4b:s26+s2] =	stream.linear.scatter [tilespmem:s16], [sflag:$0x2], $0x640, $0x38;
	[tilespmem:$0x52D0] =	vst v63  }
0xbe: {  	s29 =	rddreg [dreg:$0x3];
	s30 =	sadd.s32 s22, s31  }
0xbf: {  	[hbm4b:s30+s2] =	stream.linear.scatter [tilespmem:s17], [sflag:$0x2], $0x640, $0x38;
	[tilespmem:$0x52D0] =	vst v63  }
0xc0: {  	s31 =	sadd.s32 s22, s29  }
0xc1: {  	[hbm4b:s31+s2] =	stream.linear.scatter [tilespmem:s18], [sflag:$0x2], $0x640, $0x38;
	[tilespmem:$0x52D0] =	vst v63  }
0xc2: {  	_ =	swait.ge [sflag:s20], $0x640  }
0xc3: {  	[sflag:s20] =	ssyncset.done $0x0  }
0xc4: {  	[sflag:s20] =	ssyncadd.s32 $0xFFFFF9C0  }
0xc5: {  	_ =	swait.ge [sflag:s20], $0x640  }
0xc6: {  	[sflag:s20] =	ssyncset.done $0x0  }
0xc7: {  	[sflag:s20] =	ssyncadd.s32 $0xFFFFF9C0  }
0xc8: {  	_ =	swait.ge [sflag:s20], $0x640  }
0xc9: {  	[sflag:s20] =	ssyncset.done $0x0  }
0xca: {  	[sflag:s20] =	ssyncadd.s32 $0xFFFFF9C0  }
0xcb: {  	_ =	swait.ge [sflag:s20], $0x640  }
0xcc: {  	[sflag:s20] =	ssyncset.done $0x0  }
0xcd: {  	[sflag:s20] =	ssyncadd.s32 $0xFFFFF9C0  }
0xce: {  	_ =	swait.ge [sflag:s20], $0x640  }
0xcf: {  	[sflag:s20] =	ssyncset.done $0x0  }
0xd0: {  	[sflag:s20] =	ssyncadd.s32 $0xFFFFF9C0  }
0xd1: {  	_ =	swait.ge [sflag:s20], $0x640  }
0xd2: {  	[sflag:s20] =	ssyncset.done $0x0  }
0xd3: {  	[sflag:s20] =	ssyncadd.s32 $0xFFFFF9C0  }
0xd4: {  	_ =	swait.ge [sflag:s20], $0x640  }
0xd5: {  	[sflag:s20] =	ssyncset.done $0x0  }
0xd6: {  	[sflag:s20] =	ssyncadd.s32 $0xFFFFF9C0  }
0xd7: {  	_ =	swait.ge [sflag:s20], $0x640  }
0xd8: {  	[sflag:s20] =	ssyncset.done $0x0  }
0xd9: {  	[sflag:s20] =	ssyncadd.s32 $0xFFFFF9C0  }
.Ltmp0:
0xda: {  	_ =	swait.ge [sflag:s20], $0x640;
	(pc) =	sbr.rel @p0 .LBB2_2-.Ltmp0, $4  }
0xdb: {  	[sflag:s20] =	ssyncset.done $0x0  }
0xdc: {  	[sflag:s20] =	ssyncadd.s32 $0xFFFFF9C0  }
0xdd: {  	_ =	swait.ge [sflag:s20], $0x640  }
0xde: {  	s25 =	smov.u32 s24;
	s22 =	sadd.s32 $0x7D0, s22;
	[sflag:s20] =	ssyncset.done $0x0  }
0xdf: {  	s23 =	sshra.s32 s23, $0x2;
	[sflag:s20] =	ssyncadd.s32 $0xFFFFF9C0  }
0xe0: {  	[tilespmem:s9], [sflag:$0x1] =	stream.indirect.gather [hbm4b:s3+s8], $0x10, s23, s8, $0xb8;
	[tilespmem:$0x52D0] =	vst v63  }
0xe1: {  	s24 =	sadd.s32 $0x68, s23  }
0xe2: {  	[tilespmem:s10], [sflag:$0x1] =	stream.indirect.gather [hbm4b:s3+s8], $0x10, s24, s8, $0xb8;
	[tilespmem:$0x52D0] =	vst v63  }
0xe3: {  	s31 =	sadd.s32 $0xD0, s23  }
0xe4: {  	[tilespmem:s11], [sflag:$0x1] =	stream.indirect.gather [hbm4b:s3+s8], $0x10, s31, s8, $0xb8;
	[tilespmem:$0x52D0] =	vst v63  }
0xe5: {  	s25 =	sadd.s32 $0x138, s23  }
0xe6: {  	[tilespmem:s12], [sflag:$0x1] =	stream.indirect.gather [hbm4b:s3+s8], $0x10, s25, s8, $0xb8;
	[tilespmem:$0x52D0] =	vst v63  }
0xe7: {  	s26 =	sadd.s32 $0x1A0, s23  }
0xe8: {  	[tilespmem:s13], [sflag:$0x1] =	stream.indirect.gather [hbm4b:s3+s8], $0x10, s26, s8, $0xb8;
	[tilespmem:$0x52D0] =	vst v63  }
0xe9: {  	s28 =	sadd.s32 $0x208, s23  }
0xea: {  	[tilespmem:s14], [sflag:$0x1] =	stream.indirect.gather [hbm4b:s3+s8], $0x10, s28, s8, $0xb8;
	[tilespmem:$0x52D0] =	vst v63  }
0xeb: {  	s29 =	sadd.s32 $0x270, s23  }
0xec: {  	[tilespmem:s15], [sflag:$0x1] =	stream.indirect.gather [hbm4b:s3+s8], $0x10, s29, s8, $0xb8;
	[tilespmem:$0x52D0] =	vst v63  }
0xed: {  	s30 =	sadd.s32 $0x2D8, s23  }
0xee: {  	[tilespmem:s16], [sflag:$0x1] =	stream.indirect.gather [hbm4b:s3+s8], $0x10, s30, s8, $0xb8;
	[tilespmem:$0x52D0] =	vst v63  }
0xef: {  	s31 =	sadd.s32 $0x340, s23  }
0xf0: {  	[tilespmem:s17], [sflag:$0x1] =	stream.indirect.gather [hbm4b:s3+s8], $0x10, s31, s8, $0xb8;
	[tilespmem:$0x52D0] =	vst v63  }
0xf1: {  	s23 =	sadd.s32 $0x3A8, s23  }
0xf2: {  	[tilespmem:s18], [sflag:$0x1] =	stream.indirect.gather [hbm4b:s3+s8], $0x10, s23, s8, $0xb8;
	[tilespmem:$0x52D0] =	vst v63  }
0xf3: {  	_ =	swait.ge [sflag:s19], $0x640  }
0xf4: {  	[sflag:s19] =	ssyncset.done $0x0  }
0xf5: {  	[sflag:s19] =	ssyncadd.s32 $0xFFFFF9C0  }
0xf6: {  	_ =	swait.ge [sflag:s19], $0x640  }
0xf7: {  	[sflag:s19] =	ssyncset.done $0x0  }
0xf8: {  	[sflag:s19] =	ssyncadd.s32 $0xFFFFF9C0  }
0xf9: {  	_ =	swait.ge [sflag:s19], $0x640  }
0xfa: {  	[sflag:s19] =	ssyncset.done $0x0  }
0xfb: {  	[sflag:s19] =	ssyncadd.s32 $0xFFFFF9C0  }
0xfc: {  	_ =	swait.ge [sflag:s19], $0x640  }
0xfd: {  	[sflag:s19] =	ssyncset.done $0x0  }
0xfe: {  	[sflag:s19] =	ssyncadd.s32 $0xFFFFF9C0  }
0xff: {  	_ =	swait.ge [sflag:s19], $0x640  }
0x100: {  	[sflag:s19] =	ssyncset.done $0x0  }
0x101: {  	[sflag:s19] =	ssyncadd.s32 $0xFFFFF9C0  }
0x102: {  	_ =	swait.ge [sflag:s19], $0x640  }
0x103: {  	[sflag:s19] =	ssyncset.done $0x0  }
0x104: {  	[sflag:s19] =	ssyncadd.s32 $0xFFFFF9C0  }
0x105: {  	_ =	swait.ge [sflag:s19], $0x640  }
0x106: {  	[sflag:s19] =	ssyncset.done $0x0  }
0x107: {  	[sflag:s19] =	ssyncadd.s32 $0xFFFFF9C0  }
0x108: {  	_ =	swait.ge [sflag:s19], $0x640  }
0x109: {  	[sflag:s19] =	ssyncset.done $0x0  }
0x10a: {  	[sflag:s19] =	ssyncadd.s32 $0xFFFFF9C0  }
0x10b: {  	_ =	swait.ge [sflag:s19], $0x640  }
0x10c: {  	[sflag:s19] =	ssyncset.done $0x0  }
0x10d: {  	[sflag:s19] =	ssyncadd.s32 $0xFFFFF9C0  }
0x10e: {  	_ =	swait.ge [sflag:s19], $0x640  }
0x10f: {  	s25 =	rddreg [dreg:$0x2];
	[sflag:s19] =	ssyncset.done $0x0  }
0x110: {  	s26 =	rddreg [dreg:$0xb];
	[sflag:s19] =	ssyncadd.s32 $0xFFFFF9C0;
	s23 =	sadd.s32 s22, s25  }
0x111: {  	[hbm4b:s23+s2] =	stream.linear.scatter [tilespmem:s9], [sflag:$0x2], $0x640, $0x38;
	[tilespmem:$0x52D0] =	vst v63  }
0x112: {  	s25 =	rddreg [dreg:$0xa];
	s28 =	sadd.s32 s22, s26  }
0x113: {  	[hbm4b:s28+s2] =	stream.linear.scatter [tilespmem:s10], [sflag:$0x2], $0x640, $0x38;
	[tilespmem:$0x52D0] =	vst v63  }
0x114: {  	s29 =	rddreg [dreg:$0x9];
	s30 =	sadd.s32 s22, s25  }
0x115: {  	[hbm4b:s30+s2] =	stream.linear.scatter [tilespmem:s11], [sflag:$0x2], $0x640, $0x38;
	[tilespmem:$0x52D0] =	vst v63  }
0x116: {  	s31 =	rddreg [dreg:$0x8];
	s24 =	sadd.s32 s22, s29  }
0x117: {  	[hbm4b:s24+s2] =	stream.linear.scatter [tilespmem:s12], [sflag:$0x2], $0x640, $0x38;
	[tilespmem:$0x52D0] =	vst v63  }
0x118: {  	s26 =	rddreg [dreg:$0x7];
	s28 =	sadd.s32 s22, s31  }
0x119: {  	[hbm4b:s28+s2] =	stream.linear.scatter [tilespmem:s13], [sflag:$0x2], $0x640, $0x38;
	[tilespmem:$0x52D0] =	vst v63  }
0x11a: {  	s29 =	rddreg [dreg:$0x6];
	s30 =	sadd.s32 s22, s26  }
0x11b: {  	[hbm4b:s30+s2] =	stream.linear.scatter [tilespmem:s14], [sflag:$0x2], $0x640, $0x38;
	[tilespmem:$0x52D0] =	vst v63  }
0x11c: {  	s25 =	sadd.s32 s22, s29;
	s31 =	rddreg [dreg:$0x5]  }
0x11d: {  	[hbm4b:s25+s2] =	stream.linear.scatter [tilespmem:s15], [sflag:$0x2], $0x640, $0x38;
	[tilespmem:$0x52D0] =	vst v63  }
0x11e: {  	s26 =	rddreg [dreg:$0x4];
	s28 =	sadd.s32 s22, s31  }
0x11f: {  	[hbm4b:s28+s2] =	stream.linear.scatter [tilespmem:s16], [sflag:$0x2], $0x640, $0x38;
	[tilespmem:$0x52D0] =	vst v63  }
0x120: {  	s29 =	rddreg [dreg:$0x3];
	s30 =	sadd.s32 s22, s26  }
0x121: {  	[hbm4b:s30+s2] =	stream.linear.scatter [tilespmem:s17], [sflag:$0x2], $0x640, $0x38;
	[tilespmem:$0x52D0] =	vst v63  }
0x122: {  	s31 =	sadd.s32 s22, s29  }
0x123: {  	[hbm4b:s31+s2] =	stream.linear.scatter [tilespmem:s18], [sflag:$0x2], $0x640, $0x38;
	[tilespmem:$0x52D0] =	vst v63  }
0x124: {  	_ =	swait.ge [sflag:s20], $0x640  }
0x125: {  	[sflag:s20] =	ssyncset.done $0x0  }
0x126: {  	[sflag:s20] =	ssyncadd.s32 $0xFFFFF9C0  }
0x127: {  	_ =	swait.ge [sflag:s20], $0x640  }
0x128: {  	[sflag:s20] =	ssyncset.done $0x0  }
0x129: {  	[sflag:s20] =	ssyncadd.s32 $0xFFFFF9C0  }
0x12a: {  	_ =	swait.ge [sflag:s20], $0x640  }
0x12b: {  	[sflag:s20] =	ssyncset.done $0x0  }
0x12c: {  	[sflag:s20] =	ssyncadd.s32 $0xFFFFF9C0  }
0x12d: {  	_ =	swait.ge [sflag:s20], $0x640  }
0x12e: {  	[sflag:s20] =	ssyncset.done $0x0  }
0x12f: {  	[sflag:s20] =	ssyncadd.s32 $0xFFFFF9C0  }
0x130: {  	_ =	swait.ge [sflag:s20], $0x640  }
0x131: {  	[sflag:s20] =	ssyncset.done $0x0  }
0x132: {  	[sflag:s20] =	ssyncadd.s32 $0xFFFFF9C0  }
0x133: {  	_ =	swait.ge [sflag:s20], $0x640  }
0x134: {  	[sflag:s20] =	ssyncset.done $0x0  }
0x135: {  	[sflag:s20] =	ssyncadd.s32 $0xFFFFF9C0  }
0x136: {  	_ =	swait.ge [sflag:s20], $0x640  }
0x137: {  	[sflag:s20] =	ssyncset.done $0x0  }
0x138: {  	[sflag:s20] =	ssyncadd.s32 $0xFFFFF9C0  }
0x139: {  	_ =	swait.ge [sflag:s20], $0x640  }
0x13a: {  	[sflag:s20] =	ssyncset.done $0x0  }
0x13b: {  	s21 =	sadd.s32 $0x1, s21;
	[sflag:s20] =	ssyncadd.s32 $0xFFFFF9C0  }
0x13c: {  	p0 =	sne.s32 s21, s6;
	_ =	swait.ge [sflag:s20], $0x640  }
.Ltmp1:
0x13d: {  	[sflag:s20] =	ssyncset.done $0x0;
	(pc) =	sbr.rel @p0 .LBB2_1-.Ltmp1, $4  }
0x13e: {  	[sflag:s20] =	ssyncadd.s32 $0xFFFFF9C0  }
0x13f: {  	_ =	swait.ge [sflag:s20], $0x640  }
0x140: {  	[sflag:s20] =	ssyncset.done $0x0  }
0x141: {  	[sflag:s20] =	ssyncadd.s32 $0xFFFFF9C0  }
0x142: {  	_ =	sfence.sel $0x180000  }
0x143: {  	[bflag:$0x0] =	sbarrier.arrive $0xFFFF  }
0x144: {  	p0 =	sne.s32 s0, $0x0;
	_ =	strace $0x90000047  }
0x145: {  	s0 =	sadd.s32 @!p0 $0x100000, s1;
	[bflag:$0x2] =	sbarrier.arrive $0xFFFF  }
0x146: {  	[sflag:s0] =	ssyncadd.tile.s32 @!p0 $0x1;
	_ =	shalt  }
.Lfunc_end2:
_tile_overlayer_lowered:
.L_overlay_start_2:
0x147: {  	(tag) =	ssettag $0x2  }
0x148: {  	s0 =	rddreg [dreg:$0x0];
	s2 =	stileid.u32  }
0x149: {  	s1 =	rddreg [dreg:$0x1];
	p0 =	sne.s32 s2, $0x0  }
0x14a: {  	s3 =	rddreg [dreg:$0x2];
	[bflag:$0x3] =	sbarrier.arrive $0xFFFF;
	s2 =	simm.s32 @!p0 $0x1C03  }
0x14b: {  	[timem:s3], [sflag:s2] =	dma.local @!p0 [hbm:s0], s1  }
0x14c: {  	s0 =	simm.s32 @!p0 $0x3  }
0x14d: {  	_ =	swait.ge @!p0 [sflag:s0], s1  }
0x14e: {  	s1 =	ssub.s32 @!p0 $0x0, s1;
	[sflag:s0] =	ssyncset.done @!p0 $0x0  }
0x14f: {  	[sflag:s0] =	ssyncadd.s32 @!p0 s1  }
0x150: {  	[bflag:$0x3] =	sbarrier.arrive $0xFFFF  }
0x151: {  	_ =	shalt  }

// kernel: kernel.14.cloned.1.call-start
scs
__scs_entry_jumppad:
0x0: {  	(pc) =	sbr.rel $0x88, $3  }
0x1: {  	(tag) =	ssettag $0x0;
	lr =	simm.s32 $0x1  }
0x2: {  	[smem:$0x3F7D] =	sst lr;
	_ =	strace $0xD0000000  }
0x3: {  	_ = 	snop  }
0x4: {  	_ = 	snop  }
0x5: {  	_ = 	snop  }
0x6: {  	_ = 	snop  }
0x7: {  	_ = 	snop  }
__scs_overlays_trampoline_lowered:
0x8: {  	[smem:$0x3F8C] =	sst s0  }
0x9: {  	[smem:$0x3F8D] =	sst s1  }
0xa: {  	[smem:$0x3F8E] =	sst s2  }
0xb: {  	[smem:$0x3F8F] =	sst s3  }
0xc: {  	[smem:$0x3F90] =	sst s4  }
0xd: {  	[smem:$0x3F91] =	sst s5  }
0xe: {  	[smem:$0x3F92] =	sst s6  }
0xf: {  	[smem:$0x3F93] =	sst s7  }
0x10: {  	[smem:$0x3F94] =	sst s8  }
0x11: {  	[smem:$0x3F95] =	sst s9;
	s0 =	simm.s32 @!p0 $0x0  }
0x12: {  	s1 =	sld [smem:$0x3F7B];
	s0 =	simm.s32 @p0 $0x1  }
0x13: {  	[smem:$0x3F96] =	sst s0;
	s0 =	simm.s32 @!p1 $0x0  }
0x14: {  	s2 =	sld [smem:$0x3F7A];
	s0 =	simm.s32 @p1 $0x1  }
0x15: {  	[smem:$0x3F97] =	sst s0;
	s0 =	simm.s32 @!p2 $0x0  }
0x16: {  	s3 =	sld [smem:$0x3FDB];
	s0 =	simm.s32 @p2 $0x1  }
0x17: {  	s4 =	simm.s32 $0x1BF5;
	[smem:$0x3F99] =	sst s0  }
0x18: {  	s0 =	sld [smem:$0x3F7C];
	_ =	swait.ge [sflag:s4], $0x0  }
0x19: {  	s7 =	sld [smem:$0x3F7D]  }
0x1a: {  	s8 =	sadd.s32 $0xFFFFE003, lr  }
0x1b: {  	s9 =	sadd.s32 $0xFFFFFEF7, lr;
	s5 =	simm.s32 $0xFFFFFFFF;
	p2 =	slt.u32 s8, $0xFFFFF086  }
0x1c: {  	p1 =	slt.u32 s9, $0xF7A;
	s5 =	simm.s32 @!p2 $0x0  }
0x1d: {  	s5 =	simm.s32 @p1 $0x1;
	p0 =	seq.s32 s7, s2  }
0x1e: {  	s7 =	smul.u32 @!p0 $0xF7A, s2;
	p2 =	seq.s32 @!p0 s5, $0x0  }
0x1f: {  	s9 =	smul.u32 $0xF7A, s1;
	s8 =	simm.s32 @!p0 $0x1BF5;
	p2 =	por !p2, p0  }
0x20: {  	[sflag:s8] =	ssyncset.s32 @!p0 $0xFFFFF086;
	s6 =	sadd.s32 @!p0 s3, s7;
	s7 =	simm.s32 @!p0 $0x108  }
0x21: {  	s3 =	sadd.s32 s3, s9;
	s6 =	sadd.s32 @!p0 $0x88, s6;
	s7 =	simm.s32 @p2 $0x1082  }
0x22: {  	[simem:s7], [sflag:s8] =	dma.local @!p0 [hbm:s6], $0xF7A  }
0x23: {  	s9 =	sor.u32 $0xD0000000, s2;
	s6 =	simm.s32 $0x108;
	_ =	swait.ge @!p0 [sflag:s8], $0x0  }
0x24: {  	s3 =	sadd.s32 $0x88, s3;
	s6 =	simm.s32 @!p1 $0x1082;
	[sflag:s4] =	ssyncset.s32 $0xFFFFF086  }
0x25: {  	[simem:s6], [sflag:s4] =	dma.local [hbm:s3], $0xF7A  }
0x26: {  	[smem:$0x3F7D] =	sst s1;
	(tag) =	ssettag s2;
	_ =	strace s9  }
0x27: {  	s1 =	sld [smem:$0x3F8D]  }
0x28: {  	s2 =	sld [smem:$0x3F8E]  }
0x29: {  	s4 =	sld [smem:$0x3F90]  }
0x2a: {  	p0 =	seq.s32 s5, $0x0;
	s5 =	sld [smem:$0x3F91]  }
0x2b: {  	s6 =	sld [smem:$0x3F92]  }
0x2c: {  	s7 =	sld [smem:$0x3F93]  }
0x2d: {  	s3 =	simm.s32 $0x108;
	s8 =	sld [smem:$0x3F94]  }
0x2e: {  	s3 =	simm.s32 @!p0 $0x1082;
	s9 =	sld [smem:$0x3F95]  }
0x2f: {  	lr =	sadd.s32 s0, s3;
	s0 =	sld [smem:$0x3F8C]  }
0x30: {  	s3 =	sld [smem:$0x3F8F]  }
0x31: {  	[smem:$0x3F98] =	sst s10  }
0x32: {  	s10 =	sld [smem:$0x3F96];
	_ =	sdelay $0x3  }
0x33: {  	p0 =	seq.s32 s10, $0x1;
	s10 =	sld [smem:$0x3F98];
	_ =	sdelay $0x3  }
0x34: {  	[smem:$0x3F98] =	sst s10  }
0x35: {  	s10 =	sld [smem:$0x3F97];
	_ =	sdelay $0x3  }
0x36: {  	p1 =	seq.s32 s10, $0x1;
	s10 =	sld [smem:$0x3F98];
	_ =	sdelay $0x3  }
0x37: {  	[smem:$0x3F98] =	sst s10  }
0x38: {  	s10 =	sld [smem:$0x3F99]  }
0x39: {  	_ = 	snop;
	(pc) =	sbr.ind lr, $3  }
0x3a: {  	_ = 	snop  }
0x3b: {  	_ = 	snop  }
0x3c: {  	p2 =	seq.s32 s10, $0x1;
	s10 =	sld [smem:$0x3F98]  }
0x3d: {  	_ =	shalt  }
0x3e: {  	_ =	shalt  }
0x3f: {  	_ =	shalt  }
0x40: {  	_ =	shalt  }
0x41: {  	_ =	shalt  }
0x42: {  	_ =	shalt  }
0x43: {  	_ =	shalt  }
0x44: {  	_ =	shalt  }
0x45: {  	_ =	shalt  }
0x46: {  	_ =	shalt  }
0x47: {  	_ =	shalt  }
0x48: {  	_ =	shalt  }
0x49: {  	_ =	shalt  }
0x4a: {  	_ =	shalt  }
0x4b: {  	_ =	shalt  }
0x4c: {  	_ =	shalt  }
0x4d: {  	_ =	shalt  }
0x4e: {  	_ =	shalt  }
0x4f: {  	_ =	shalt  }
0x50: {  	_ =	shalt  }
0x51: {  	_ =	shalt  }
0x52: {  	_ =	shalt  }
0x53: {  	_ =	shalt  }
0x54: {  	_ =	shalt  }
0x55: {  	_ =	shalt  }
0x56: {  	_ =	shalt  }
0x57: {  	_ =	shalt  }
0x58: {  	_ =	shalt  }
0x59: {  	_ =	shalt  }
0x5a: {  	_ =	shalt  }
0x5b: {  	_ =	shalt  }
0x5c: {  	_ =	shalt  }
0x5d: {  	_ =	shalt  }
0x5e: {  	_ =	shalt  }
0x5f: {  	_ =	shalt  }
0x60: {  	_ =	shalt  }
0x61: {  	_ =	shalt  }
0x62: {  	_ =	shalt  }
0x63: {  	_ =	shalt  }
0x64: {  	_ =	shalt  }
0x65: {  	_ =	shalt  }
0x66: {  	_ =	shalt  }
0x67: {  	_ =	shalt  }
0x68: {  	_ =	shalt  }
0x69: {  	_ =	shalt  }
0x6a: {  	_ =	shalt  }
0x6b: {  	_ =	shalt  }
0x6c: {  	_ =	shalt  }
0x6d: {  	_ =	shalt  }
0x6e: {  	_ =	shalt  }
0x6f: {  	_ =	shalt  }
0x70: {  	_ =	shalt  }
0x71: {  	_ =	shalt  }
0x72: {  	_ =	shalt  }
0x73: {  	_ =	shalt  }
0x74: {  	_ =	shalt  }
0x75: {  	_ =	shalt  }
0x76: {  	_ =	shalt  }
0x77: {  	_ =	shalt  }
0x78: {  	_ =	shalt  }
0x79: {  	_ =	shalt  }
0x7a: {  	_ =	shalt  }
0x7b: {  	_ =	shalt  }
0x7c: {  	_ =	shalt  }
0x7d: {  	_ =	shalt  }
0x7e: {  	_ =	shalt  }
0x7f: {  	_ =	shalt  }
0x80: {  	_ =	shalt  }
0x81: {  	_ =	shalt  }
0x82: {  	_ =	shalt  }
0x83: {  	_ =	shalt  }
0x84: {  	_ =	shalt  }
0x85: {  	_ =	shalt  }
0x86: {  	_ =	shalt  }
0x87: {  	_ =	shalt  }
.Lfunc_end0:
.L_simem_size_0:
called_computation.1_lowered:
.L_overlay_start_0:
0x88: {  	s2 =	sld [smem:$0x3FD9]  }
0x89: {  	s3 =	sld [smem:$0x3FFE];
	_ =	sdelay $0x1  }
0x8a: {  	s1 =	srdreg.scid  }
0x8b: {  	s0 =	sand.u32 $0x1, s1  }
0x8c: {  	s16 =	sshll.u32 s0, $0xA;
	s2 =	sadd.s32 s3, s2  }
0x8d: {  	s2 =	sadd.s32 s2, s16  }
0x8e: {  	[smem:$0x3FA4] =	sst s2  }
0x8f: {  	_ = 	snop  }
0x90: {  	(tm) =	ssettm $0x1  }
0x91: {  	s17 =	sld [smem:$0x3FFB];
	_ =	sdelay $0x3  }
0x92: {  	_ =	strace s17  }
0x93: {  	s2 =	sld [smem:$0x3FFC];
	_ =	sdelay $0x3  }
0x94: {  	_ =	strace s2  }
0x95: {  	s2 =	sld [smem:$0x3FFD];
	_ =	sdelay $0x3  }
0x96: {  	_ =	strace s2  }
0x97: {  	_ =	strace $0x8FFFFFFF  }
0x98: {  	s18 =	sld [smem:$0x3FDB];
	_ =	sdelay $0x1  }
0x99: {  	s19 =	simm.s32 $_scs_section_size  }
0x9a: {  	s4 =	simm.s32 $_size__tile_overlayer_lowered;
	s5 =	simm.s32 $_tile_overlayer_lowered  }
0x9b: {  	s22 =	simm.s32 $0x1BFF;
	s21 =	sshll.u32 s5, $0x1;
	s2 =	sadd.s32 s19, s18  }
0x9c: {  	s6 =	simm.s32 $0x0;
	s20 =	sshll.u32 s4, $0x1;
	s4 =	sadd.s32 s21, s2  }
0x9d: {  	[timem:s6], [sflag:s22] =	dma.local [hbm:s4], s20  }
0x9e: {  	_ =	swait.ge [sflag:s22], s20  }
0x9f: {  	s3 =	ssub.s32 $0x0, s20;
	[sflag:s22] =	ssyncset.done $0x0  }
0xa0: {  	[sflag:s22] =	ssyncadd.s32 s3;
	_ =	sdelay $0x1  }
0xa1: {  	s23 =	simm.s32 $0x1B8B  }
0xa2: {  	_ =	swait.ge [sflag:s23], $0x1  }
0xa3: {  	[sflag:s23] =	ssyncset.done $0x0  }
0xa4: {  	s25 =	simm.s32 $0x1B8E;
	s24 =	sld [smem:$0x3FFE];
	[sflag:s23] =	ssyncadd.s32 $0xFFFFFFFF  }
0xa5: {  	s26 =	simm.s32 $execute0_lowered;
	[smem:$0x3FD2] =	sst s25  }
0xa6: {  	s4 =	sshll.u32 s26, $0x1;
	_ =	strace $0x80000049;
	[dreg:$0x1] =	wrdreg $0xFFFFFFFF  }
0xa7: {  	s28 =	simm.s32 $_size_execute0_lowered;
	s2 =	sadd.s32 s2, s4;
	[dreg:$0x0] =	wrdreg $0x0  }
0xa8: {  	s4 =	sshll.u32 s28, $0x1;
	[dreg:$0x2] =	wrdreg s2  }
0xa9: {  	[dreg:$0x3] =	wrdreg s4  }
0xaa: {  	[dreg:$0x4] =	wrdreg $0xC0  }
0xab: {  	_ =	task [dreg:s6], $0x5FFFF  }
0xac: {  	[dreg:$0x1] =	wrdreg $0xFFFFFFFF  }
0xad: {  	[dreg:$0x0] =	wrdreg $0x60  }
0xae: {  	[dreg:$0x2] =	wrdreg s24  }
0xaf: {  	[dreg:$0x3] =	wrdreg $0x91500  }
0xb0: {  	[dreg:$0x4] =	wrdreg $0x9  }
0xb1: {  	_ =	task.clear_ibuf [dreg:s6], $0x5FFFF;
	_ =	strace $0x90000049  }
0xb2: {  	s29 =	simm.s32 $0x9;
	_ =	strace $0x8000004B  }
0xb3: {  	_ =	swait.ge [sflag:s29], $0x1  }
0xb4: {  	[sflag:s29] =	ssyncadd.s32 $0xFFFFFFFF  }
0xb5: {  	_ =	strace $0x9000004B  }
0xb6: {  	_ =	sfence  }
0xb7: {  	s30 =	sld [smem:$0x0];
	_ =	sdelay $0x2  }
0xb8: {  	s31 =	sshll.u32 s1, $0xD;
	s1 =	sshrl.u32 s1, $0x2  }
0xb9: {  	s3 =	sand.u32 $0x4000, s31;
	s1 =	sadd.s32 s1, s30  }
0xba: {  	s0 =	sor.u32 s3, s0;
	s1 =	sshll.u32 s1, $0x11  }
0xbb: {  	s0 =	sor.u32 s1, s0  }
0xbc: {  	s0 =	sadd.s32 $0x8F2B, s0  }
0xbd: {  	[sflag:s0] =	ssyncadd.remote.s32 $0x1  }
0xbe: {  	_ =	sfence.sel $0xFFFF  }
0xbf: {  	[dreg:$0x0] =	wrdreg $0xFFFFFFFF;
	(pc) =	sbr.abs _section_cstart, $3  }
0xc0: {  	[dreg:$0x1] =	wrdreg $0xFFFFFFFF  }
0xc1: {  	_ =	task.clear_ibuf [dreg:s6], $0x2FFFF;
	_ =	strace $0x9FFFFFFF  }
0xc2: {  	(tm) =	ssettm $0x7FFFFFFF  }
0xc3: {  	_ =	shalt  }
tec
execute0_lowered:
.L_overlay_start_1:
0x0: {  	(tag) =	ssettag $0x1  }
0x1: {  	s4 =	rddreg [dreg:$0x0];
	s0 =	srdreg.scid  }
0x2: {  	s8 =	stileid.u32;
	s1 =	rddreg [dreg:$0x1];
	s2 =	simm.s32 $0x0  }
0x3: {  	s11 =	simm.s32 $0x64;
	s12 =	simm.s32 $0x20D0;
	s13 =	simm.s32 $0x2D50  }
0x4: {  	s14 =	simm.s32 $0x39D0;
	s15 =	simm.s32 $0x4650;
	s16 =	simm.s32 $0x52D0  }
0x5: {  	s17 =	simm.s32 $0x5F50;
	s18 =	simm.s32 $0x6BD0;
	s19 =	simm.s32 $0x7850  }
0x6: {  	s20 =	simm.s32 $0x84D0;
	s21 =	simm.s32 $0x1;
	s22 =	simm.s32 $0x0  }
0x7: {  	s3 =	sand.u32 $0x1, s0;
	s5 =	sshll.u32 s8, $0x1;
	s0 =	rddreg [dreg:$0x2]  }
0x8: {  	[smem:$0x7FF] =	sst s2;
	s10 =	smul.u32 $0x9C40, s8;
	p0 =	sne.s32 s8, $0x0  }
0x9: {  	s5 =	sor.u32 s3, s5;
	_ =	strace $0x8000004A;
	s6 =	smul.u32 $0x4E20, s3  }
0xa: {  	s7 =	ssub.s32 $0x2, s3;
	s3 =	sadd.s32 $0x4800, s4;
	s5 =	smul.u32 $0x28A, s5  }
0xb: {  	s8 =	sshrl.u32 @!p0 s1, $0x3;
	s9 =	sshrl.u32 s7, $0x1;
	s6 =	sadd.s32 s6, s4  }
0xc: {  	s7 =	ssub.s32 s7, s9;
	s9 =	simm.s32 $0x2;
	s5 =	sadd.s32 s5, s4  }
0xd: {  	s31 =	sadd.s32 s10, s6;
	s10 =	simm.s32 $0x1450;
	s4 =	sadd.s32 $0x5CC00, s5  }
0xe: {  	s5 =	sadd.s32 $0x9800, s6;
	s6 =	smax.u32 s7, $0x1;
	s7 =	sadd.s32 $0x61E00, s31  }
.LBB2_1:
0xf: {  	s23 =	simm.s32 @!p0 $0x1C02  }
0x10: {  	[spmem:s8], [sflag:s23] =	dma.local @!p0 [hbm:s3], $0x4E20  }
0x11: {  	s23 =	simm.s32 @!p0 $0x2  }
0x12: {  	_ =	swait.ge @!p0 [sflag:s23], $0x4E20  }
0x13: {  	[sflag:s23] =	ssyncset.done @!p0 $0x0  }
0x14: {  	[sflag:s23] =	ssyncadd.s32 @!p0 $0xFFFFB1E0  }
0x15: {  	[bflag:$0x0] =	sbarrier.arrive $0xFFFF  }
0x16: {  	[tilespmem:s2], [sflag:$0x2] =	stream.linear.gather [hbm4b:s4+s2], $0x1450, $0x38;
	[tilespmem:$0xB860] =	vst v63  }
0x17: {  	_ =	swait.ge [sflag:s9], $0x1450  }
0x18: {  	[sflag:s9] =	ssyncset.done $0x0  }
0x19: {  	[sflag:s9] =	ssyncadd.s32 $0xFFFFEBB0  }
0x1a: {  	[tilespmem:s10], [sflag:$0x2] =	stream.linear.gather [hbm4b:s7+s2], $0x7D00, $0x38;
	[tilespmem:$0xB860] =	vst v63  }
0x1b: {  	_ =	swait.ge [sflag:s9], $0x7D00  }
0x1c: {  	[sflag:s9] =	ssyncset.done $0x0  }
0x1d: {  	s29 =	simm.s32 $0x0;
	[sflag:s9] =	ssyncadd.s32 $0xFFFF8300  }
0x1e: {  	[spmem:s1] =	stream.indirect.scatter.add.f32 [tilespmem:s10], [sflag:$0x1], $0x20, s29, s11, $0xb8;
	[tilespmem:$0xB860] =	vst v63  }
0x1f: {  	s30 =	simm.s32 $0x68  }
0x20: {  	[spmem:s1] =	stream.indirect.scatter.add.f32 [tilespmem:s12], [sflag:$0x1], $0x20, s30, s11, $0xb8;
	[tilespmem:$0xB860] =	vst v63  }
0x21: {  	s31 =	simm.s32 $0xD0  }
0x22: {  	[spmem:s1] =	stream.indirect.scatter.add.f32 [tilespmem:s13], [sflag:$0x1], $0x20, s31, s11, $0xb8;
	[tilespmem:$0xB860] =	vst v63  }
0x23: {  	s24 =	simm.s32 $0x138  }
0x24: {  	[spmem:s1] =	stream.indirect.scatter.add.f32 [tilespmem:s14], [sflag:$0x1], $0x20, s24, s11, $0xb8;
	[tilespmem:$0xB860] =	vst v63  }
0x25: {  	s25 =	simm.s32 $0x1A0  }
0x26: {  	[spmem:s1] =	stream.indirect.scatter.add.f32 [tilespmem:s15], [sflag:$0x1], $0x20, s25, s11, $0xb8;
	[tilespmem:$0xB860] =	vst v63  }
0x27: {  	s26 =	simm.s32 $0x208  }
0x28: {  	[spmem:s1] =	stream.indirect.scatter.add.f32 [tilespmem:s16], [sflag:$0x1], $0x20, s26, s11, $0xb8;
	[tilespmem:$0xB860] =	vst v63  }
0x29: {  	s28 =	simm.s32 $0x270  }
0x2a: {  	[spmem:s1] =	stream.indirect.scatter.add.f32 [tilespmem:s17], [sflag:$0x1], $0x20, s28, s11, $0xb8;
	[tilespmem:$0xB860] =	vst v63  }
0x2b: {  	s29 =	simm.s32 $0x2D8  }
0x2c: {  	[spmem:s1] =	stream.indirect.scatter.add.f32 [tilespmem:s18], [sflag:$0x1], $0x20, s29, s11, $0xb8;
	[tilespmem:$0xB860] =	vst v63  }
0x2d: {  	s30 =	simm.s32 $0x340  }
0x2e: {  	[spmem:s1] =	stream.indirect.scatter.add.f32 [tilespmem:s19], [sflag:$0x1], $0x20, s30, s11, $0xb8;
	[tilespmem:$0xB860] =	vst v63  }
0x2f: {  	s31 =	simm.s32 $0x3A8  }
0x30: {  	[spmem:s1] =	stream.indirect.scatter.add.f32 [tilespmem:s20], [sflag:$0x1], $0x20, s31, s11, $0xb8;
	[tilespmem:$0xB860] =	vst v63  }
0x31: {  	_ =	swait.ge [sflag:s21], $0xC80  }
0x32: {  	[sflag:s21] =	ssyncset.done $0x0  }
0x33: {  	[sflag:s21] =	ssyncadd.s32 $0xFFFFF380  }
0x34: {  	_ =	swait.ge [sflag:s21], $0xC80  }
0x35: {  	[sflag:s21] =	ssyncset.done $0x0  }
0x36: {  	[sflag:s21] =	ssyncadd.s32 $0xFFFFF380  }
0x37: {  	_ =	swait.ge [sflag:s21], $0xC80  }
0x38: {  	[sflag:s21] =	ssyncset.done $0x0  }
0x39: {  	[sflag:s21] =	ssyncadd.s32 $0xFFFFF380  }
0x3a: {  	_ =	swait.ge [sflag:s21], $0xC80  }
0x3b: {  	[sflag:s21] =	ssyncset.done $0x0  }
0x3c: {  	[sflag:s21] =	ssyncadd.s32 $0xFFFFF380  }
0x3d: {  	_ =	swait.ge [sflag:s21], $0xC80  }
0x3e: {  	[sflag:s21] =	ssyncset.done $0x0  }
0x3f: {  	[sflag:s21] =	ssyncadd.s32 $0xFFFFF380  }
0x40: {  	_ =	swait.ge [sflag:s21], $0xC80  }
0x41: {  	[sflag:s21] =	ssyncset.done $0x0  }
0x42: {  	[sflag:s21] =	ssyncadd.s32 $0xFFFFF380  }
0x43: {  	_ =	swait.ge [sflag:s21], $0xC80  }
0x44: {  	[sflag:s21] =	ssyncset.done $0x0  }
0x45: {  	[sflag:s21] =	ssyncadd.s32 $0xFFFFF380  }
0x46: {  	_ =	swait.ge [sflag:s21], $0xC80  }
0x47: {  	[sflag:s21] =	ssyncset.done $0x0  }
0x48: {  	[sflag:s21] =	ssyncadd.s32 $0xFFFFF380  }
0x49: {  	_ =	swait.ge [sflag:s21], $0xC80  }
0x4a: {  	[sflag:s21] =	ssyncset.done $0x0  }
0x4b: {  	[sflag:s21] =	ssyncadd.s32 $0xFFFFF380  }
0x4c: {  	_ =	swait.ge [sflag:s21], $0xC80  }
0x4d: {  	s23 =	simm.s32 $0x1040;
	s24 =	smov.u32 s7;
	[sflag:s21] =	ssyncset.done $0x0  }
.LBB2_2:
0x4e: {  	p1 =	sne.s32 s23, $0x4100;
	[sflag:s21] =	ssyncadd.s32 $0xFFFFF380;
	s24 =	sadd.s32 $0xFA0, s24  }
0x4f: {  	[tilespmem:s10], [sflag:$0x2] =	stream.linear.gather [hbm4b:s24+s2], $0x7D00, $0x38;
	[tilespmem:$0xB860] =	vst v63  }
0x50: {  	s25 =	smov.u32 s23;
	s23 =	sadd.s32 $0x1040, s23;
	_ =	swait.ge [sflag:s9], $0x7D00  }
0x51: {  	[sflag:s9] =	ssyncset.done $0x0  }
0x52: {  	s25 =	sshra.s32 s25, $0x2;
	[sflag:s9] =	ssyncadd.s32 $0xFFFF8300  }
0x53: {  	[spmem:s1] =	stream.indirect.scatter.add.f32 [tilespmem:s10], [sflag:$0x1], $0x20, s25, s11, $0xb8;
	[tilespmem:$0xB860] =	vst v63  }
0x54: {  	s26 =	sadd.s32 $0x68, s25  }
0x55: {  	[spmem:s1] =	stream.indirect.scatter.add.f32 [tilespmem:s12], [sflag:$0x1], $0x20, s26, s11, $0xb8;
	[tilespmem:$0xB860] =	vst v63  }
0x56: {  	s26 =	sadd.s32 $0xD0, s25  }
0x57: {  	[spmem:s1] =	stream.indirect.scatter.add.f32 [tilespmem:s13], [sflag:$0x1], $0x20, s26, s11, $0xb8;
	[tilespmem:$0xB860] =	vst v63  }
0x58: {  	s26 =	sadd.s32 $0x138, s25  }
0x59: {  	[spmem:s1] =	stream.indirect.scatter.add.f32 [tilespmem:s14], [sflag:$0x1], $0x20, s26, s11, $0xb8;
	[tilespmem:$0xB860] =	vst v63  }
0x5a: {  	s26 =	sadd.s32 $0x1A0, s25  }
0x5b: {  	[spmem:s1] =	stream.indirect.scatter.add.f32 [tilespmem:s15], [sflag:$0x1], $0x20, s26, s11, $0xb8;
	[tilespmem:$0xB860] =	vst v63  }
0x5c: {  	s26 =	sadd.s32 $0x208, s25  }
0x5d: {  	[spmem:s1] =	stream.indirect.scatter.add.f32 [tilespmem:s16], [sflag:$0x1], $0x20, s26, s11, $0xb8;
	[tilespmem:$0xB860] =	vst v63  }
0x5e: {  	s26 =	sadd.s32 $0x270, s25  }
0x5f: {  	[spmem:s1] =	stream.indirect.scatter.add.f32 [tilespmem:s17], [sflag:$0x1], $0x20, s26, s11, $0xb8;
	[tilespmem:$0xB860] =	vst v63  }
0x60: {  	s26 =	sadd.s32 $0x2D8, s25  }
0x61: {  	[spmem:s1] =	stream.indirect.scatter.add.f32 [tilespmem:s18], [sflag:$0x1], $0x20, s26, s11, $0xb8;
	[tilespmem:$0xB860] =	vst v63  }
0x62: {  	s26 =	sadd.s32 $0x340, s25  }
0x63: {  	[spmem:s1] =	stream.indirect.scatter.add.f32 [tilespmem:s19], [sflag:$0x1], $0x20, s26, s11, $0xb8;
	[tilespmem:$0xB860] =	vst v63  }
0x64: {  	s25 =	sadd.s32 $0x3A8, s25  }
0x65: {  	[spmem:s1] =	stream.indirect.scatter.add.f32 [tilespmem:s20], [sflag:$0x1], $0x20, s25, s11, $0xb8;
	[tilespmem:$0xB860] =	vst v63  }
0x66: {  	_ =	swait.ge [sflag:s21], $0xC80  }
0x67: {  	[sflag:s21] =	ssyncset.done $0x0  }
0x68: {  	[sflag:s21] =	ssyncadd.s32 $0xFFFFF380  }
0x69: {  	_ =	swait.ge [sflag:s21], $0xC80  }
0x6a: {  	[sflag:s21] =	ssyncset.done $0x0  }
0x6b: {  	[sflag:s21] =	ssyncadd.s32 $0xFFFFF380  }
0x6c: {  	_ =	swait.ge [sflag:s21], $0xC80  }
0x6d: {  	[sflag:s21] =	ssyncset.done $0x0  }
0x6e: {  	[sflag:s21] =	ssyncadd.s32 $0xFFFFF380  }
0x6f: {  	_ =	swait.ge [sflag:s21], $0xC80  }
0x70: {  	[sflag:s21] =	ssyncset.done $0x0  }
0x71: {  	[sflag:s21] =	ssyncadd.s32 $0xFFFFF380  }
0x72: {  	_ =	swait.ge [sflag:s21], $0xC80  }
0x73: {  	[sflag:s21] =	ssyncset.done $0x0  }
0x74: {  	[sflag:s21] =	ssyncadd.s32 $0xFFFFF380  }
0x75: {  	_ =	swait.ge [sflag:s21], $0xC80  }
0x76: {  	[sflag:s21] =	ssyncset.done $0x0  }
0x77: {  	[sflag:s21] =	ssyncadd.s32 $0xFFFFF380  }
0x78: {  	_ =	swait.ge [sflag:s21], $0xC80  }
0x79: {  	[sflag:s21] =	ssyncset.done $0x0  }
0x7a: {  	[sflag:s21] =	ssyncadd.s32 $0xFFFFF380  }
0x7b: {  	_ =	swait.ge [sflag:s21], $0xC80  }
0x7c: {  	[sflag:s21] =	ssyncset.done $0x0  }
0x7d: {  	[sflag:s21] =	ssyncadd.s32 $0xFFFFF380  }
.Ltmp0:
0x7e: {  	_ =	swait.ge [sflag:s21], $0xC80;
	(pc) =	sbr.rel @p1 .LBB2_2-.Ltmp0, $4  }
0x7f: {  	[sflag:s21] =	ssyncset.done $0x0  }
0x80: {  	[sflag:s21] =	ssyncadd.s32 $0xFFFFF380  }
0x81: {  	_ =	swait.ge [sflag:s21], $0xC80  }
0x82: {  	[sflag:s21] =	ssyncset.done $0x0  }
0x83: {  	[sflag:s21] =	ssyncadd.s32 $0xFFFFF380;
	s22 =	sadd.s32 $0x1, s22  }
0x84: {  	s23 =	simm.s32 @!p0 $0x1C02;
	[bflag:$0x0] =	sbarrier.arrive $0xFFFF;
	p1 =	sne.s32 s22, s6  }
0x85: {  	[hbm:s5], [sflag:s23] =	dma.local @!p0 [spmem:s8], $0x4E20  }
.Ltmp1:
0x86: {  	_ = 	snop;
	(pc) =	sbr.rel @p1 .LBB2_1-.Ltmp1, $4  }
0x87: {  	s23 =	simm.s32 @!p0 $0x2  }
0x88: {  	_ =	swait.ge @!p0 [sflag:s23], $0x4E20  }
0x89: {  	[sflag:s23] =	ssyncset.done @!p0 $0x0  }
0x8a: {  	[sflag:s23] =	ssyncadd.s32 @!p0 $0xFFFFB1E0  }
0x8b: {  	_ =	sfence.sel $0x180000  }
0x8c: {  	[bflag:$0x0] =	sbarrier.arrive $0xFFFF  }
0x8d: {  	_ =	strace $0x9000004A  }
0x8e: {  	s0 =	sadd.s32 @!p0 $0x100000, s0;
	[bflag:$0x2] =	sbarrier.arrive $0xFFFF  }
0x8f: {  	[sflag:s0] =	ssyncadd.tile.s32 @!p0 $0x1;
	_ =	shalt  }
.Lfunc_end2:
_tile_overlayer_lowered:
.L_overlay_start_2:
0x90: {  	(tag) =	ssettag $0x2  }
0x91: {  	s0 =	rddreg [dreg:$0x0];
	s2 =	stileid.u32  }
0x92: {  	s1 =	rddreg [dreg:$0x1];
	p0 =	sne.s32 s2, $0x0  }
0x93: {  	s3 =	rddreg [dreg:$0x2];
	[bflag:$0x3] =	sbarrier.arrive $0xFFFF;
	s2 =	simm.s32 @!p0 $0x1C02  }
0x94: {  	[timem:s3], [sflag:s2] =	dma.local @!p0 [hbm:s0], s1  }
0x95: {  	s0 =	simm.s32 @!p0 $0x2  }
0x96: {  	_ =	swait.ge @!p0 [sflag:s0], s1  }
0x97: {  	s1 =	ssub.s32 @!p0 $0x0, s1;
	[sflag:s0] =	ssyncset.done @!p0 $0x0  }
0x98: {  	[sflag:s0] =	ssyncadd.s32 @!p0 s1  }
0x99: {  	[bflag:$0x3] =	sbarrier.arrive $0xFFFF  }
0x9a: {  	_ =	shalt  }

// kernel: kernel.17.cloned.1.call-start
scs
__scs_entry_jumppad:
0x0: {  	(pc) =	sbr.rel $0x88, $3  }
0x1: {  	(tag) =	ssettag $0x0;
	lr =	simm.s32 $0x1  }
0x2: {  	[smem:$0x3F7D] =	sst lr;
	_ =	strace $0xD0000000  }
0x3: {  	_ = 	snop  }
0x4: {  	_ = 	snop  }
0x5: {  	_ = 	snop  }
0x6: {  	_ = 	snop  }
0x7: {  	_ = 	snop  }
__scs_overlays_trampoline_lowered:
0x8: {  	[smem:$0x3F8C] =	sst s0  }
0x9: {  	[smem:$0x3F8D] =	sst s1  }
0xa: {  	[smem:$0x3F8E] =	sst s2  }
0xb: {  	[smem:$0x3F8F] =	sst s3  }
0xc: {  	[smem:$0x3F90] =	sst s4  }
0xd: {  	[smem:$0x3F91] =	sst s5  }
0xe: {  	[smem:$0x3F92] =	sst s6  }
0xf: {  	[smem:$0x3F93] =	sst s7  }
0x10: {  	[smem:$0x3F94] =	sst s8  }
0x11: {  	[smem:$0x3F95] =	sst s9;
	s0 =	simm.s32 @!p0 $0x0  }
0x12: {  	s1 =	sld [smem:$0x3F7B];
	s0 =	simm.s32 @p0 $0x1  }
0x13: {  	[smem:$0x3F96] =	sst s0;
	s0 =	simm.s32 @!p1 $0x0  }
0x14: {  	s2 =	sld [smem:$0x3F7A];
	s0 =	simm.s32 @p1 $0x1  }
0x15: {  	[smem:$0x3F97] =	sst s0;
	s0 =	simm.s32 @!p2 $0x0  }
0x16: {  	s3 =	sld [smem:$0x3FDB];
	s0 =	simm.s32 @p2 $0x1  }
0x17: {  	s4 =	simm.s32 $0x1BF5;
	[smem:$0x3F99] =	sst s0  }
0x18: {  	s0 =	sld [smem:$0x3F7C];
	_ =	swait.ge [sflag:s4], $0x0  }
0x19: {  	s7 =	sld [smem:$0x3F7D]  }
0x1a: {  	s8 =	sadd.s32 $0xFFFFE003, lr  }
0x1b: {  	s9 =	sadd.s32 $0xFFFFFEF7, lr;
	s5 =	simm.s32 $0xFFFFFFFF;
	p2 =	slt.u32 s8, $0xFFFFF086  }
0x1c: {  	p1 =	slt.u32 s9, $0xF7A;
	s5 =	simm.s32 @!p2 $0x0  }
0x1d: {  	s5 =	simm.s32 @p1 $0x1;
	p0 =	seq.s32 s7, s2  }
0x1e: {  	s7 =	smul.u32 @!p0 $0xF7A, s2;
	p2 =	seq.s32 @!p0 s5, $0x0  }
0x1f: {  	s9 =	smul.u32 $0xF7A, s1;
	s8 =	simm.s32 @!p0 $0x1BF5;
	p2 =	por !p2, p0  }
0x20: {  	[sflag:s8] =	ssyncset.s32 @!p0 $0xFFFFF086;
	s6 =	sadd.s32 @!p0 s3, s7;
	s7 =	simm.s32 @!p0 $0x108  }
0x21: {  	s3 =	sadd.s32 s3, s9;
	s6 =	sadd.s32 @!p0 $0x88, s6;
	s7 =	simm.s32 @p2 $0x1082  }
0x22: {  	[simem:s7], [sflag:s8] =	dma.local @!p0 [hbm:s6], $0xF7A  }
0x23: {  	s9 =	sor.u32 $0xD0000000, s2;
	s6 =	simm.s32 $0x108;
	_ =	swait.ge @!p0 [sflag:s8], $0x0  }
0x24: {  	s3 =	sadd.s32 $0x88, s3;
	s6 =	simm.s32 @!p1 $0x1082;
	[sflag:s4] =	ssyncset.s32 $0xFFFFF086  }
0x25: {  	[simem:s6], [sflag:s4] =	dma.local [hbm:s3], $0xF7A  }
0x26: {  	[smem:$0x3F7D] =	sst s1;
	(tag) =	ssettag s2;
	_ =	strace s9  }
0x27: {  	s1 =	sld [smem:$0x3F8D]  }
0x28: {  	s2 =	sld [smem:$0x3F8E]  }
0x29: {  	s4 =	sld [smem:$0x3F90]  }
0x2a: {  	p0 =	seq.s32 s5, $0x0;
	s5 =	sld [smem:$0x3F91]  }
0x2b: {  	s6 =	sld [smem:$0x3F92]  }
0x2c: {  	s7 =	sld [smem:$0x3F93]  }
0x2d: {  	s3 =	simm.s32 $0x108;
	s8 =	sld [smem:$0x3F94]  }
0x2e: {  	s3 =	simm.s32 @!p0 $0x1082;
	s9 =	sld [smem:$0x3F95]  }
0x2f: {  	lr =	sadd.s32 s0, s3;
	s0 =	sld [smem:$0x3F8C]  }
0x30: {  	s3 =	sld [smem:$0x3F8F]  }
0x31: {  	[smem:$0x3F98] =	sst s10  }
0x32: {  	s10 =	sld [smem:$0x3F96];
	_ =	sdelay $0x3  }
0x33: {  	p0 =	seq.s32 s10, $0x1;
	s10 =	sld [smem:$0x3F98];
	_ =	sdelay $0x3  }
0x34: {  	[smem:$0x3F98] =	sst s10  }
0x35: {  	s10 =	sld [smem:$0x3F97];
	_ =	sdelay $0x3  }
0x36: {  	p1 =	seq.s32 s10, $0x1;
	s10 =	sld [smem:$0x3F98];
	_ =	sdelay $0x3  }
0x37: {  	[smem:$0x3F98] =	sst s10  }
0x38: {  	s10 =	sld [smem:$0x3F99]  }
0x39: {  	_ = 	snop;
	(pc) =	sbr.ind lr, $3  }
0x3a: {  	_ = 	snop  }
0x3b: {  	_ = 	snop  }
0x3c: {  	p2 =	seq.s32 s10, $0x1;
	s10 =	sld [smem:$0x3F98]  }
0x3d: {  	_ =	shalt  }
0x3e: {  	_ =	shalt  }
0x3f: {  	_ =	shalt  }
0x40: {  	_ =	shalt  }
0x41: {  	_ =	shalt  }
0x42: {  	_ =	shalt  }
0x43: {  	_ =	shalt  }
0x44: {  	_ =	shalt  }
0x45: {  	_ =	shalt  }
0x46: {  	_ =	shalt  }
0x47: {  	_ =	shalt  }
0x48: {  	_ =	shalt  }
0x49: {  	_ =	shalt  }
0x4a: {  	_ =	shalt  }
0x4b: {  	_ =	shalt  }
0x4c: {  	_ =	shalt  }
0x4d: {  	_ =	shalt  }
0x4e: {  	_ =	shalt  }
0x4f: {  	_ =	shalt  }
0x50: {  	_ =	shalt  }
0x51: {  	_ =	shalt  }
0x52: {  	_ =	shalt  }
0x53: {  	_ =	shalt  }
0x54: {  	_ =	shalt  }
0x55: {  	_ =	shalt  }
0x56: {  	_ =	shalt  }
0x57: {  	_ =	shalt  }
0x58: {  	_ =	shalt  }
0x59: {  	_ =	shalt  }
0x5a: {  	_ =	shalt  }
0x5b: {  	_ =	shalt  }
0x5c: {  	_ =	shalt  }
0x5d: {  	_ =	shalt  }
0x5e: {  	_ =	shalt  }
0x5f: {  	_ =	shalt  }
0x60: {  	_ =	shalt  }
0x61: {  	_ =	shalt  }
0x62: {  	_ =	shalt  }
0x63: {  	_ =	shalt  }
0x64: {  	_ =	shalt  }
0x65: {  	_ =	shalt  }
0x66: {  	_ =	shalt  }
0x67: {  	_ =	shalt  }
0x68: {  	_ =	shalt  }
0x69: {  	_ =	shalt  }
0x6a: {  	_ =	shalt  }
0x6b: {  	_ =	shalt  }
0x6c: {  	_ =	shalt  }
0x6d: {  	_ =	shalt  }
0x6e: {  	_ =	shalt  }
0x6f: {  	_ =	shalt  }
0x70: {  	_ =	shalt  }
0x71: {  	_ =	shalt  }
0x72: {  	_ =	shalt  }
0x73: {  	_ =	shalt  }
0x74: {  	_ =	shalt  }
0x75: {  	_ =	shalt  }
0x76: {  	_ =	shalt  }
0x77: {  	_ =	shalt  }
0x78: {  	_ =	shalt  }
0x79: {  	_ =	shalt  }
0x7a: {  	_ =	shalt  }
0x7b: {  	_ =	shalt  }
0x7c: {  	_ =	shalt  }
0x7d: {  	_ =	shalt  }
0x7e: {  	_ =	shalt  }
0x7f: {  	_ =	shalt  }
0x80: {  	_ =	shalt  }
0x81: {  	_ =	shalt  }
0x82: {  	_ =	shalt  }
0x83: {  	_ =	shalt  }
0x84: {  	_ =	shalt  }
0x85: {  	_ =	shalt  }
0x86: {  	_ =	shalt  }
0x87: {  	_ =	shalt  }
.Lfunc_end0:
.L_simem_size_0:
called_computation.2_lowered:
.L_overlay_start_0:
0x88: {  	s2 =	sld [smem:$0x3FD9]  }
0x89: {  	s3 =	sld [smem:$0x3FFE];
	_ =	sdelay $0x1  }
0x8a: {  	s1 =	srdreg.scid  }
0x8b: {  	s0 =	sand.u32 $0x1, s1  }
0x8c: {  	s16 =	sshll.u32 s0, $0xA;
	s2 =	sadd.s32 s3, s2  }
0x8d: {  	s2 =	sadd.s32 s2, s16  }
0x8e: {  	[smem:$0x3FA4] =	sst s2  }
0x8f: {  	_ = 	snop  }
0x90: {  	(tm) =	ssettm $0x1  }
0x91: {  	s17 =	sld [smem:$0x3FFB];
	_ =	sdelay $0x3  }
0x92: {  	_ =	strace s17  }
0x93: {  	s2 =	sld [smem:$0x3FFC];
	_ =	sdelay $0x3  }
0x94: {  	_ =	strace s2  }
0x95: {  	s2 =	sld [smem:$0x3FFD];
	_ =	sdelay $0x3  }
0x96: {  	_ =	strace s2  }
0x97: {  	_ =	strace $0x8FFFFFFF  }
0x98: {  	s18 =	sld [smem:$0x3FDB];
	_ =	sdelay $0x1  }
0x99: {  	s19 =	simm.s32 $_scs_section_size  }
0x9a: {  	s4 =	simm.s32 $_size__tile_overlayer_lowered;
	s5 =	simm.s32 $_tile_overlayer_lowered  }
0x9b: {  	s22 =	simm.s32 $0x1BFF;
	s21 =	sshll.u32 s5, $0x1;
	s2 =	sadd.s32 s19, s18  }
0x9c: {  	s6 =	simm.s32 $0x0;
	s20 =	sshll.u32 s4, $0x1;
	s4 =	sadd.s32 s21, s2  }
0x9d: {  	[timem:s6], [sflag:s22] =	dma.local [hbm:s4], s20  }
0x9e: {  	_ =	swait.ge [sflag:s22], s20  }
0x9f: {  	s3 =	ssub.s32 $0x0, s20;
	[sflag:s22] =	ssyncset.done $0x0  }
0xa0: {  	[sflag:s22] =	ssyncadd.s32 s3;
	_ =	sdelay $0x1  }
0xa1: {  	s23 =	simm.s32 $0x1B8B  }
0xa2: {  	_ =	swait.ge [sflag:s23], $0x1  }
0xa3: {  	[sflag:s23] =	ssyncset.done $0x0  }
0xa4: {  	s25 =	simm.s32 $0x1B8E;
	s24 =	sld [smem:$0x3FFE];
	[sflag:s23] =	ssyncadd.s32 $0xFFFFFFFF  }
0xa5: {  	s26 =	simm.s32 $execute0_lowered;
	[smem:$0x3FD2] =	sst s25  }
0xa6: {  	s4 =	sshll.u32 s26, $0x1;
	_ =	strace $0x8000004C;
	[dreg:$0x1] =	wrdreg $0xFFFFFFFF  }
0xa7: {  	s28 =	simm.s32 $_size_execute0_lowered;
	s2 =	sadd.s32 s2, s4;
	[dreg:$0x0] =	wrdreg $0x0  }
0xa8: {  	s4 =	sshll.u32 s28, $0x1;
	[dreg:$0x2] =	wrdreg s2  }
0xa9: {  	[dreg:$0x3] =	wrdreg s4  }
0xaa: {  	[dreg:$0x4] =	wrdreg $0xC0  }
0xab: {  	_ =	task [dreg:s6], $0x5FFFF  }
0xac: {  	[dreg:$0x1] =	wrdreg $0xFFFFFFFF  }
0xad: {  	[dreg:$0x0] =	wrdreg $0x60  }
0xae: {  	[dreg:$0x2] =	wrdreg s24  }
0xaf: {  	[dreg:$0x3] =	wrdreg $0x9  }
0xb0: {  	_ =	task.clear_ibuf [dreg:s6], $0x4FFFF;
	_ =	strace $0x9000004C  }
0xb1: {  	s29 =	simm.s32 $0x9;
	_ =	strace $0x8000004E  }
0xb2: {  	_ =	swait.ge [sflag:s29], $0x1  }
0xb3: {  	[sflag:s29] =	ssyncadd.s32 $0xFFFFFFFF  }
0xb4: {  	_ =	strace $0x9000004E  }
0xb5: {  	_ =	sfence  }
0xb6: {  	s30 =	sld [smem:$0x0];
	_ =	sdelay $0x2  }
0xb7: {  	s31 =	sshll.u32 s1, $0xD;
	s1 =	sshrl.u32 s1, $0x2  }
0xb8: {  	s3 =	sand.u32 $0x4000, s31;
	s1 =	sadd.s32 s1, s30  }
0xb9: {  	s0 =	sor.u32 s3, s0;
	s1 =	sshll.u32 s1, $0x11  }
0xba: {  	s0 =	sor.u32 s1, s0  }
0xbb: {  	s0 =	sadd.s32 $0x8F2B, s0  }
0xbc: {  	[sflag:s0] =	ssyncadd.remote.s32 $0x1  }
0xbd: {  	_ =	sfence.sel $0xFFFF  }
0xbe: {  	[dreg:$0x0] =	wrdreg $0xFFFFFFFF;
	(pc) =	sbr.abs _section_cstart, $3  }
0xbf: {  	[dreg:$0x1] =	wrdreg $0xFFFFFFFF  }
0xc0: {  	_ =	task.clear_ibuf [dreg:s6], $0x2FFFF;
	_ =	strace $0x9FFFFFFF  }
0xc1: {  	(tm) =	ssettm $0x7FFFFFFF  }
tec
execute0_lowered:
.L_overlay_start_1:
0x0: {  	(tag) =	ssettag $0x1  }
0x1: {  	s1 =	srdreg.scid  }
0x2: {  	s0 =	stileid.u32;
	s4 =	rddreg [dreg:$0x0]  }
0x3: {  	s2 =	simm.s32 $0x0;
	s13 =	simm.s32 $0xA28;
	s14 =	simm.s32 $0x1068  }
0x4: {  	s15 =	simm.s32 $0x16A8;
	s16 =	simm.s32 $0x1CE8;
	s17 =	simm.s32 $0x2328  }
0x5: {  	s18 =	simm.s32 $0x1;
	s19 =	simm.s32 $0x2;
	s20 =	simm.s32 $0x0  }
0x6: {  	s5 =	sand.u32 $0x1, s1;
	s1 =	rddreg [dreg:$0x1];
	s7 =	smul.u32 $0x13880, s0  }
0x7: {  	s3 =	sshll.u32 s0, $0x1;
	[smem:$0x7FF] =	sst s2;
	s11 =	smul.u32 $0x2710, s0  }
0x8: {  	s10 =	sadd.s32 $0x16000, s4;
	s3 =	sor.u32 s5, s3;
	s9 =	smul.u32 $0x9C40, s5  }
0x9: {  	_ =	strace $0x8000004D;
	s8 =	ssub.s32 $0x2, s5;
	s28 =	smul.u32 $0x1388, s5  }
0xa: {  	s6 =	smul.u32 $0x145, s3;
	s3 =	sadd.s32 $0x4800, s4;
	s26 =	sshrl.u32 s8, $0x1  }
0xb: {  	s29 =	sadd.s32 s11, s10;
	s8 =	ssub.s32 s8, s26;
	s9 =	sadd.s32 s9, s7  }
0xc: {  	s6 =	sadd.s32 s6, s4;
	s7 =	sadd.s32 $0x1900, s9;
	s5 =	smax.u32 s8, $0x1  }
0xd: {  	s30 =	sadd.s32 $0x12C0, s9;
	s31 =	sadd.s32 $0xC80, s9;
	s9 =	sadd.s32 $0x640, s9  }
0xe: {  	s4 =	sadd.s32 $0x13600, s6;
	s7 =	sshrl.u32 s7, $0x3;
	s6 =	sadd.s32 s28, s29  }
0xf: {  	s8 =	sshrl.u32 s30, $0x3;
	s11 =	sshrl.u32 s31, $0x3;
	s12 =	sshrl.u32 s9, $0x3  }
0x10: {  	s7 =	sadd.s32 s7, s10;
	s8 =	sadd.s32 s8, s10;
	s9 =	sadd.s32 s11, s10  }
0x11: {  	s10 =	sadd.s32 s12, s10;
	s11 =	simm.s32 $0x3;
	s12 =	simm.s32 $0x64  }
.LBB2_1:
0x12: {  	[tilespmem:s2], [sflag:$0x3] =	stream.linear.gather [hbm4b:s4+s2], $0xA28, $0x38;
	[tilespmem:$0x2968] =	vst v63  }
0x13: {  	_ =	swait.ge [sflag:s11], $0xA28  }
0x14: {  	[sflag:s11] =	ssyncset.done $0x0  }
0x15: {  	s21 =	simm.s32 $0x0;
	[sflag:s11] =	ssyncadd.s32 $0xFFFFF5D8  }
0x16: {  	[tilespmem:s13], [sflag:$0x1] =	stream.indirect.gather [hbm4b:s3+s12], $0x10, s21, s12, $0xb8;
	[tilespmem:$0x2968] =	vst v63  }
0x17: {  	s26 =	simm.s32 $0x68  }
0x18: {  	[tilespmem:s14], [sflag:$0x1] =	stream.indirect.gather [hbm4b:s3+s12], $0x10, s26, s12, $0xb8;
	[tilespmem:$0x2968] =	vst v63  }
0x19: {  	s28 =	simm.s32 $0xD0  }
0x1a: {  	[tilespmem:s15], [sflag:$0x1] =	stream.indirect.gather [hbm4b:s3+s12], $0x10, s28, s12, $0xb8;
	[tilespmem:$0x2968] =	vst v63  }
0x1b: {  	s30 =	simm.s32 $0x138  }
0x1c: {  	[tilespmem:s16], [sflag:$0x1] =	stream.indirect.gather [hbm4b:s3+s12], $0x10, s30, s12, $0xb8;
	[tilespmem:$0x2968] =	vst v63  }
0x1d: {  	s31 =	simm.s32 $0x1A0  }
0x1e: {  	[tilespmem:s17], [sflag:$0x1] =	stream.indirect.gather [hbm4b:s3+s12], $0x10, s31, s12, $0xb8;
	[tilespmem:$0x2968] =	vst v63  }
0x1f: {  	_ =	swait.ge [sflag:s18], $0x640  }
0x20: {  	[sflag:s18] =	ssyncset.done $0x0  }
0x21: {  	[sflag:s18] =	ssyncadd.s32 $0xFFFFF9C0  }
0x22: {  	_ =	swait.ge [sflag:s18], $0x640  }
0x23: {  	[sflag:s18] =	ssyncset.done $0x0  }
0x24: {  	[sflag:s18] =	ssyncadd.s32 $0xFFFFF9C0  }
0x25: {  	_ =	swait.ge [sflag:s18], $0x640  }
0x26: {  	[sflag:s18] =	ssyncset.done $0x0  }
0x27: {  	[sflag:s18] =	ssyncadd.s32 $0xFFFFF9C0  }
0x28: {  	_ =	swait.ge [sflag:s18], $0x640  }
0x29: {  	[sflag:s18] =	ssyncset.done $0x0  }
0x2a: {  	[sflag:s18] =	ssyncadd.s32 $0xFFFFF9C0  }
0x2b: {  	_ =	swait.ge [sflag:s18], $0x640  }
0x2c: {  	[sflag:s18] =	ssyncset.done $0x0  }
0x2d: {  	[sflag:s18] =	ssyncadd.s32 $0xFFFFF9C0  }
0x2e: {  	[hbm4b:s6+s2] =	stream.linear.scatter [tilespmem:s13], [sflag:$0x2], $0x640, $0x38;
	[tilespmem:$0x2968] =	vst v63  }
0x2f: {  	_ = 	snop  }
0x30: {  	[hbm4b:s10+s2] =	stream.linear.scatter [tilespmem:s14], [sflag:$0x2], $0x640, $0x38;
	[tilespmem:$0x2968] =	vst v63  }
0x31: {  	_ = 	snop  }
0x32: {  	[hbm4b:s9+s2] =	stream.linear.scatter [tilespmem:s15], [sflag:$0x2], $0x640, $0x38;
	[tilespmem:$0x2968] =	vst v63  }
0x33: {  	_ = 	snop  }
0x34: {  	[hbm4b:s8+s2] =	stream.linear.scatter [tilespmem:s16], [sflag:$0x2], $0x640, $0x38;
	[tilespmem:$0x2968] =	vst v63  }
0x35: {  	_ = 	snop  }
0x36: {  	[hbm4b:s7+s2] =	stream.linear.scatter [tilespmem:s17], [sflag:$0x2], $0x640, $0x38;
	[tilespmem:$0x2968] =	vst v63  }
0x37: {  	_ =	swait.ge [sflag:s19], $0x640  }
0x38: {  	[sflag:s19] =	ssyncset.done $0x0  }
0x39: {  	[sflag:s19] =	ssyncadd.s32 $0xFFFFF9C0  }
0x3a: {  	_ =	swait.ge [sflag:s19], $0x640  }
0x3b: {  	[sflag:s19] =	ssyncset.done $0x0  }
0x3c: {  	[sflag:s19] =	ssyncadd.s32 $0xFFFFF9C0  }
0x3d: {  	_ =	swait.ge [sflag:s19], $0x640  }
0x3e: {  	[sflag:s19] =	ssyncset.done $0x0  }
0x3f: {  	[sflag:s19] =	ssyncadd.s32 $0xFFFFF9C0  }
0x40: {  	_ =	swait.ge [sflag:s19], $0x640  }
0x41: {  	s29 =	simm.s32 $0x1040;
	[sflag:s19] =	ssyncset.done $0x0  }
0x42: {  	s22 =	sadd.s32 $0x3E8, s8;
	s23 =	sadd.s32 $0x3E8, s9;
	[sflag:s19] =	ssyncadd.s32 $0xFFFFF9C0  }
0x43: {  	s25 =	sadd.s32 $0x3E8, s6;
	s24 =	sadd.s32 $0x3E8, s7;
	_ =	swait.ge [sflag:s19], $0x640  }
0x44: {  	s21 =	sadd.s32 $0x3E8, s10;
	s26 =	simm.s32 $0x820;
	[sflag:s19] =	ssyncset.done $0x0  }
.LBB2_2:
0x45: {  	s30 =	sshra.s32 s26, $0x2  }
0x46: {  	[sflag:s19] =	ssyncadd.s32 $0xFFFFF9C0;
	s26 =	smov.u32 s29;
	s28 =	sadd.s32 $0x820, s29  }
0x47: {  	[tilespmem:s13], [sflag:$0x1] =	stream.indirect.gather [hbm4b:s3+s12], $0x10, s30, s12, $0xb8;
	[tilespmem:$0x2968] =	vst v63  }
0x48: {  	p0 =	sne.s32 s29, $0x2080;
	s29 =	sadd.s32 $0x68, s30  }
0x49: {  	[tilespmem:s14], [sflag:$0x1] =	stream.indirect.gather [hbm4b:s3+s12], $0x10, s29, s12, $0xb8;
	[tilespmem:$0x2968] =	vst v63  }
0x4a: {  	s29 =	sadd.s32 $0xD0, s30  }
0x4b: {  	[tilespmem:s15], [sflag:$0x1] =	stream.indirect.gather [hbm4b:s3+s12], $0x10, s29, s12, $0xb8;
	[tilespmem:$0x2968] =	vst v63  }
0x4c: {  	s29 =	sadd.s32 $0x138, s30  }
0x4d: {  	[tilespmem:s16], [sflag:$0x1] =	stream.indirect.gather [hbm4b:s3+s12], $0x10, s29, s12, $0xb8;
	[tilespmem:$0x2968] =	vst v63  }
0x4e: {  	s29 =	sadd.s32 $0x1A0, s30  }
0x4f: {  	[tilespmem:s17], [sflag:$0x1] =	stream.indirect.gather [hbm4b:s3+s12], $0x10, s29, s12, $0xb8;
	[tilespmem:$0x2968] =	vst v63  }
0x50: {  	_ =	swait.ge [sflag:s18], $0x640  }
0x51: {  	[sflag:s18] =	ssyncset.done $0x0  }
0x52: {  	[sflag:s18] =	ssyncadd.s32 $0xFFFFF9C0  }
0x53: {  	_ =	swait.ge [sflag:s18], $0x640  }
0x54: {  	[sflag:s18] =	ssyncset.done $0x0  }
0x55: {  	[sflag:s18] =	ssyncadd.s32 $0xFFFFF9C0  }
0x56: {  	_ =	swait.ge [sflag:s18], $0x640  }
0x57: {  	[sflag:s18] =	ssyncset.done $0x0  }
0x58: {  	[sflag:s18] =	ssyncadd.s32 $0xFFFFF9C0  }
0x59: {  	_ =	swait.ge [sflag:s18], $0x640  }
0x5a: {  	[sflag:s18] =	ssyncset.done $0x0  }
0x5b: {  	[sflag:s18] =	ssyncadd.s32 $0xFFFFF9C0  }
0x5c: {  	_ =	swait.ge [sflag:s18], $0x640  }
0x5d: {  	[sflag:s18] =	ssyncset.done $0x0  }
0x5e: {  	[sflag:s18] =	ssyncadd.s32 $0xFFFFF9C0  }
0x5f: {  	[hbm4b:s25+s2] =	stream.linear.scatter [tilespmem:s13], [sflag:$0x2], $0x640, $0x38;
	[tilespmem:$0x2968] =	vst v63  }
0x60: {  	_ = 	snop  }
0x61: {  	[hbm4b:s21+s2] =	stream.linear.scatter [tilespmem:s14], [sflag:$0x2], $0x640, $0x38;
	[tilespmem:$0x2968] =	vst v63  }
0x62: {  	_ = 	snop  }
0x63: {  	[hbm4b:s23+s2] =	stream.linear.scatter [tilespmem:s15], [sflag:$0x2], $0x640, $0x38;
	[tilespmem:$0x2968] =	vst v63  }
0x64: {  	_ = 	snop  }
0x65: {  	[hbm4b:s22+s2] =	stream.linear.scatter [tilespmem:s16], [sflag:$0x2], $0x640, $0x38;
	[tilespmem:$0x2968] =	vst v63  }
0x66: {  	_ = 	snop  }
0x67: {  	[hbm4b:s24+s2] =	stream.linear.scatter [tilespmem:s17], [sflag:$0x2], $0x640, $0x38;
	[tilespmem:$0x2968] =	vst v63  }
0x68: {  	_ =	swait.ge [sflag:s19], $0x640  }
0x69: {  	[sflag:s19] =	ssyncset.done $0x0  }
0x6a: {  	[sflag:s19] =	ssyncadd.s32 $0xFFFFF9C0  }
0x6b: {  	_ =	swait.ge [sflag:s19], $0x640  }
0x6c: {  	[sflag:s19] =	ssyncset.done $0x0  }
0x6d: {  	[sflag:s19] =	ssyncadd.s32 $0xFFFFF9C0  }
0x6e: {  	_ =	swait.ge [sflag:s19], $0x640  }
0x6f: {  	[sflag:s19] =	ssyncset.done $0x0  }
0x70: {  	[sflag:s19] =	ssyncadd.s32 $0xFFFFF9C0  }
.Ltmp0:
0x71: {  	_ =	swait.ge [sflag:s19], $0x640;
	(pc) =	sbr.rel @p0 .LBB2_2-.Ltmp0, $4  }
0x72: {  	[sflag:s19] =	ssyncset.done $0x0  }
0x73: {  	s29 =	smov.u32 s28;
	s21 =	sadd.s32 $0x3E8, s21;
	[sflag:s19] =	ssyncadd.s32 $0xFFFFF9C0  }
0x74: {  	s23 =	sadd.s32 $0x3E8, s23;
	s22 =	sadd.s32 $0x3E8, s22;
	_ =	swait.ge [sflag:s19], $0x640  }
0x75: {  	s25 =	sadd.s32 $0x3E8, s25;
	s24 =	sadd.s32 $0x3E8, s24;
	[sflag:s19] =	ssyncset.done $0x0  }
0x76: {  	s26 =	sshra.s32 s26, $0x2;
	[sflag:s19] =	ssyncadd.s32 $0xFFFFF9C0  }
0x77: {  	[tilespmem:s13], [sflag:$0x1] =	stream.indirect.gather [hbm4b:s3+s12], $0x10, s26, s12, $0xb8;
	[tilespmem:$0x2968] =	vst v63  }
0x78: {  	s28 =	sadd.s32 $0x68, s26  }
0x79: {  	[tilespmem:s14], [sflag:$0x1] =	stream.indirect.gather [hbm4b:s3+s12], $0x10, s28, s12, $0xb8;
	[tilespmem:$0x2968] =	vst v63  }
0x7a: {  	s30 =	sadd.s32 $0xD0, s26  }
0x7b: {  	[tilespmem:s15], [sflag:$0x1] =	stream.indirect.gather [hbm4b:s3+s12], $0x10, s30, s12, $0xb8;
	[tilespmem:$0x2968] =	vst v63  }
0x7c: {  	s31 =	sadd.s32 $0x138, s26  }
0x7d: {  	[tilespmem:s16], [sflag:$0x1] =	stream.indirect.gather [hbm4b:s3+s12], $0x10, s31, s12, $0xb8;
	[tilespmem:$0x2968] =	vst v63  }
0x7e: {  	s26 =	sadd.s32 $0x1A0, s26  }
0x7f: {  	[tilespmem:s17], [sflag:$0x1] =	stream.indirect.gather [hbm4b:s3+s12], $0x10, s26, s12, $0xb8;
	[tilespmem:$0x2968] =	vst v63  }
0x80: {  	_ =	swait.ge [sflag:s18], $0x640  }
0x81: {  	[sflag:s18] =	ssyncset.done $0x0  }
0x82: {  	[sflag:s18] =	ssyncadd.s32 $0xFFFFF9C0  }
0x83: {  	_ =	swait.ge [sflag:s18], $0x640  }
0x84: {  	[sflag:s18] =	ssyncset.done $0x0  }
0x85: {  	[sflag:s18] =	ssyncadd.s32 $0xFFFFF9C0  }
0x86: {  	_ =	swait.ge [sflag:s18], $0x640  }
0x87: {  	[sflag:s18] =	ssyncset.done $0x0  }
0x88: {  	[sflag:s18] =	ssyncadd.s32 $0xFFFFF9C0  }
0x89: {  	_ =	swait.ge [sflag:s18], $0x640  }
0x8a: {  	[sflag:s18] =	ssyncset.done $0x0  }
0x8b: {  	[sflag:s18] =	ssyncadd.s32 $0xFFFFF9C0  }
0x8c: {  	_ =	swait.ge [sflag:s18], $0x640  }
0x8d: {  	[sflag:s18] =	ssyncset.done $0x0  }
0x8e: {  	[sflag:s18] =	ssyncadd.s32 $0xFFFFF9C0  }
0x8f: {  	[hbm4b:s25+s2] =	stream.linear.scatter [tilespmem:s13], [sflag:$0x2], $0x640, $0x38;
	[tilespmem:$0x2968] =	vst v63  }
0x90: {  	_ = 	snop  }
0x91: {  	[hbm4b:s21+s2] =	stream.linear.scatter [tilespmem:s14], [sflag:$0x2], $0x640, $0x38;
	[tilespmem:$0x2968] =	vst v63  }
0x92: {  	_ = 	snop  }
0x93: {  	[hbm4b:s23+s2] =	stream.linear.scatter [tilespmem:s15], [sflag:$0x2], $0x640, $0x38;
	[tilespmem:$0x2968] =	vst v63  }
0x94: {  	_ = 	snop  }
0x95: {  	[hbm4b:s22+s2] =	stream.linear.scatter [tilespmem:s16], [sflag:$0x2], $0x640, $0x38;
	[tilespmem:$0x2968] =	vst v63  }
0x96: {  	_ = 	snop  }
0x97: {  	[hbm4b:s24+s2] =	stream.linear.scatter [tilespmem:s17], [sflag:$0x2], $0x640, $0x38;
	[tilespmem:$0x2968] =	vst v63  }
0x98: {  	_ =	swait.ge [sflag:s19], $0x640  }
0x99: {  	[sflag:s19] =	ssyncset.done $0x0  }
0x9a: {  	[sflag:s19] =	ssyncadd.s32 $0xFFFFF9C0  }
0x9b: {  	_ =	swait.ge [sflag:s19], $0x640  }
0x9c: {  	[sflag:s19] =	ssyncset.done $0x0  }
0x9d: {  	[sflag:s19] =	ssyncadd.s32 $0xFFFFF9C0  }
0x9e: {  	_ =	swait.ge [sflag:s19], $0x640  }
0x9f: {  	[sflag:s19] =	ssyncset.done $0x0  }
0xa0: {  	s20 =	sadd.s32 $0x1, s20;
	[sflag:s19] =	ssyncadd.s32 $0xFFFFF9C0  }
0xa1: {  	p0 =	sne.s32 s20, s5;
	_ =	swait.ge [sflag:s19], $0x640  }
.Ltmp1:
0xa2: {  	[sflag:s19] =	ssyncset.done $0x0;
	(pc) =	sbr.rel @p0 .LBB2_1-.Ltmp1, $4  }
0xa3: {  	[sflag:s19] =	ssyncadd.s32 $0xFFFFF9C0  }
0xa4: {  	_ =	swait.ge [sflag:s19], $0x640  }
0xa5: {  	[sflag:s19] =	ssyncset.done $0x0  }
0xa6: {  	[sflag:s19] =	ssyncadd.s32 $0xFFFFF9C0  }
0xa7: {  	_ =	sfence.sel $0x180000  }
0xa8: {  	[bflag:$0x0] =	sbarrier.arrive $0xFFFF  }
0xa9: {  	p0 =	sne.s32 s0, $0x0;
	_ =	strace $0x9000004D  }
0xaa: {  	s0 =	sadd.s32 @!p0 $0x100000, s1;
	[bflag:$0x2] =	sbarrier.arrive $0xFFFF  }
0xab: {  	[sflag:s0] =	ssyncadd.tile.s32 @!p0 $0x1;
	_ =	shalt  }
.Lfunc_end2:
_tile_overlayer_lowered:
.L_overlay_start_2:
0xac: {  	(tag) =	ssettag $0x2  }
0xad: {  	s0 =	rddreg [dreg:$0x0];
	s2 =	stileid.u32  }
0xae: {  	s1 =	rddreg [dreg:$0x1];
	p0 =	sne.s32 s2, $0x0  }
0xaf: {  	s3 =	rddreg [dreg:$0x2];
	[bflag:$0x3] =	sbarrier.arrive $0xFFFF;
	s2 =	simm.s32 @!p0 $0x1C03  }
0xb0: {  	[timem:s3], [sflag:s2] =	dma.local @!p0 [hbm:s0], s1  }
0xb1: {  	s0 =	simm.s32 @!p0 $0x3  }
0xb2: {  	_ =	swait.ge @!p0 [sflag:s0], s1  }
0xb3: {  	s1 =	ssub.s32 @!p0 $0x0, s1;
	[sflag:s0] =	ssyncset.done @!p0 $0x0  }
0xb4: {  	[sflag:s0] =	ssyncadd.s32 @!p0 s1  }
0xb5: {  	[bflag:$0x3] =	sbarrier.arrive $0xFFFF  }
0xb6: {  	_ =	shalt  }

// kernel: kernel.20.cloned.1.call-start
scs
__scs_entry_jumppad:
0x0: {  	(pc) =	sbr.rel $0x88, $3  }
0x1: {  	(tag) =	ssettag $0x0;
	lr =	simm.s32 $0x1  }
0x2: {  	[smem:$0x3F7D] =	sst lr;
	_ =	strace $0xD0000000  }
0x3: {  	_ = 	snop  }
0x4: {  	_ = 	snop  }
0x5: {  	_ = 	snop  }
0x6: {  	_ = 	snop  }
0x7: {  	_ = 	snop  }
__scs_overlays_trampoline_lowered:
0x8: {  	[smem:$0x3F8C] =	sst s0  }
0x9: {  	[smem:$0x3F8D] =	sst s1  }
0xa: {  	[smem:$0x3F8E] =	sst s2  }
0xb: {  	[smem:$0x3F8F] =	sst s3  }
0xc: {  	[smem:$0x3F90] =	sst s4  }
0xd: {  	[smem:$0x3F91] =	sst s5  }
0xe: {  	[smem:$0x3F92] =	sst s6  }
0xf: {  	[smem:$0x3F93] =	sst s7  }
0x10: {  	[smem:$0x3F94] =	sst s8  }
0x11: {  	[smem:$0x3F95] =	sst s9;
	s0 =	simm.s32 @!p0 $0x0  }
0x12: {  	s1 =	sld [smem:$0x3F7B];
	s0 =	simm.s32 @p0 $0x1  }
0x13: {  	[smem:$0x3F96] =	sst s0;
	s0 =	simm.s32 @!p1 $0x0  }
0x14: {  	s2 =	sld [smem:$0x3F7A];
	s0 =	simm.s32 @p1 $0x1  }
0x15: {  	[smem:$0x3F97] =	sst s0;
	s0 =	simm.s32 @!p2 $0x0  }
0x16: {  	s3 =	sld [smem:$0x3FDB];
	s0 =	simm.s32 @p2 $0x1  }
0x17: {  	s4 =	simm.s32 $0x1BF5;
	[smem:$0x3F99] =	sst s0  }
0x18: {  	s0 =	sld [smem:$0x3F7C];
	_ =	swait.ge [sflag:s4], $0x0  }
0x19: {  	s7 =	sld [smem:$0x3F7D]  }
0x1a: {  	s8 =	sadd.s32 $0xFFFFE003, lr  }
0x1b: {  	s9 =	sadd.s32 $0xFFFFFEF7, lr;
	s5 =	simm.s32 $0xFFFFFFFF;
	p2 =	slt.u32 s8, $0xFFFFF086  }
0x1c: {  	p1 =	slt.u32 s9, $0xF7A;
	s5 =	simm.s32 @!p2 $0x0  }
0x1d: {  	s5 =	simm.s32 @p1 $0x1;
	p0 =	seq.s32 s7, s2  }
0x1e: {  	s7 =	smul.u32 @!p0 $0xF7A, s2;
	p2 =	seq.s32 @!p0 s5, $0x0  }
0x1f: {  	s9 =	smul.u32 $0xF7A, s1;
	s8 =	simm.s32 @!p0 $0x1BF5;
	p2 =	por !p2, p0  }
0x20: {  	[sflag:s8] =	ssyncset.s32 @!p0 $0xFFFFF086;
	s6 =	sadd.s32 @!p0 s3, s7;
	s7 =	simm.s32 @!p0 $0x108  }
0x21: {  	s3 =	sadd.s32 s3, s9;
	s6 =	sadd.s32 @!p0 $0x88, s6;
	s7 =	simm.s32 @p2 $0x1082  }
0x22: {  	[simem:s7], [sflag:s8] =	dma.local @!p0 [hbm:s6], $0xF7A  }
0x23: {  	s9 =	sor.u32 $0xD0000000, s2;
	s6 =	simm.s32 $0x108;
	_ =	swait.ge @!p0 [sflag:s8], $0x0  }
0x24: {  	s3 =	sadd.s32 $0x88, s3;
	s6 =	simm.s32 @!p1 $0x1082;
	[sflag:s4] =	ssyncset.s32 $0xFFFFF086  }
0x25: {  	[simem:s6], [sflag:s4] =	dma.local [hbm:s3], $0xF7A  }
0x26: {  	[smem:$0x3F7D] =	sst s1;
	(tag) =	ssettag s2;
	_ =	strace s9  }
0x27: {  	s1 =	sld [smem:$0x3F8D]  }
0x28: {  	s2 =	sld [smem:$0x3F8E]  }
0x29: {  	s4 =	sld [smem:$0x3F90]  }
0x2a: {  	p0 =	seq.s32 s5, $0x0;
	s5 =	sld [smem:$0x3F91]  }
0x2b: {  	s6 =	sld [smem:$0x3F92]  }
0x2c: {  	s7 =	sld [smem:$0x3F93]  }
0x2d: {  	s3 =	simm.s32 $0x108;
	s8 =	sld [smem:$0x3F94]  }
0x2e: {  	s3 =	simm.s32 @!p0 $0x1082;
	s9 =	sld [smem:$0x3F95]  }
0x2f: {  	lr =	sadd.s32 s0, s3;
	s0 =	sld [smem:$0x3F8C]  }
0x30: {  	s3 =	sld [smem:$0x3F8F]  }
0x31: {  	[smem:$0x3F98] =	sst s10  }
0x32: {  	s10 =	sld [smem:$0x3F96];
	_ =	sdelay $0x3  }
0x33: {  	p0 =	seq.s32 s10, $0x1;
	s10 =	sld [smem:$0x3F98];
	_ =	sdelay $0x3  }
0x34: {  	[smem:$0x3F98] =	sst s10  }
0x35: {  	s10 =	sld [smem:$0x3F97];
	_ =	sdelay $0x3  }
0x36: {  	p1 =	seq.s32 s10, $0x1;
	s10 =	sld [smem:$0x3F98];
	_ =	sdelay $0x3  }
0x37: {  	[smem:$0x3F98] =	sst s10  }
0x38: {  	s10 =	sld [smem:$0x3F99]  }
0x39: {  	_ = 	snop;
	(pc) =	sbr.ind lr, $3  }
0x3a: {  	_ = 	snop  }
0x3b: {  	_ = 	snop  }
0x3c: {  	p2 =	seq.s32 s10, $0x1;
	s10 =	sld [smem:$0x3F98]  }
0x3d: {  	_ =	shalt  }
0x3e: {  	_ =	shalt  }
0x3f: {  	_ =	shalt  }
0x40: {  	_ =	shalt  }
0x41: {  	_ =	shalt  }
0x42: {  	_ =	shalt  }
0x43: {  	_ =	shalt  }
0x44: {  	_ =	shalt  }
0x45: {  	_ =	shalt  }
0x46: {  	_ =	shalt  }
0x47: {  	_ =	shalt  }
0x48: {  	_ =	shalt  }
0x49: {  	_ =	shalt  }
0x4a: {  	_ =	shalt  }
0x4b: {  	_ =	shalt  }
0x4c: {  	_ =	shalt  }
0x4d: {  	_ =	shalt  }
0x4e: {  	_ =	shalt  }
0x4f: {  	_ =	shalt  }
0x50: {  	_ =	shalt  }
0x51: {  	_ =	shalt  }
0x52: {  	_ =	shalt  }
0x53: {  	_ =	shalt  }
0x54: {  	_ =	shalt  }
0x55: {  	_ =	shalt  }
0x56: {  	_ =	shalt  }
0x57: {  	_ =	shalt  }
0x58: {  	_ =	shalt  }
0x59: {  	_ =	shalt  }
0x5a: {  	_ =	shalt  }
0x5b: {  	_ =	shalt  }
0x5c: {  	_ =	shalt  }
0x5d: {  	_ =	shalt  }
0x5e: {  	_ =	shalt  }
0x5f: {  	_ =	shalt  }
0x60: {  	_ =	shalt  }
0x61: {  	_ =	shalt  }
0x62: {  	_ =	shalt  }
0x63: {  	_ =	shalt  }
0x64: {  	_ =	shalt  }
0x65: {  	_ =	shalt  }
0x66: {  	_ =	shalt  }
0x67: {  	_ =	shalt  }
0x68: {  	_ =	shalt  }
0x69: {  	_ =	shalt  }
0x6a: {  	_ =	shalt  }
0x6b: {  	_ =	shalt  }
0x6c: {  	_ =	shalt  }
0x6d: {  	_ =	shalt  }
0x6e: {  	_ =	shalt  }
0x6f: {  	_ =	shalt  }
0x70: {  	_ =	shalt  }
0x71: {  	_ =	shalt  }
0x72: {  	_ =	shalt  }
0x73: {  	_ =	shalt  }
0x74: {  	_ =	shalt  }
0x75: {  	_ =	shalt  }
0x76: {  	_ =	shalt  }
0x77: {  	_ =	shalt  }
0x78: {  	_ =	shalt  }
0x79: {  	_ =	shalt  }
0x7a: {  	_ =	shalt  }
0x7b: {  	_ =	shalt  }
0x7c: {  	_ =	shalt  }
0x7d: {  	_ =	shalt  }
0x7e: {  	_ =	shalt  }
0x7f: {  	_ =	shalt  }
0x80: {  	_ =	shalt  }
0x81: {  	_ =	shalt  }
0x82: {  	_ =	shalt  }
0x83: {  	_ =	shalt  }
0x84: {  	_ =	shalt  }
0x85: {  	_ =	shalt  }
0x86: {  	_ =	shalt  }
0x87: {  	_ =	shalt  }
.Lfunc_end0:
.L_simem_size_0:
called_computation.3_lowered:
.L_overlay_start_0:
0x88: {  	s2 =	sld [smem:$0x3FD9]  }
0x89: {  	s3 =	sld [smem:$0x3FFE];
	_ =	sdelay $0x1  }
0x8a: {  	s1 =	srdreg.scid  }
0x8b: {  	s0 =	sand.u32 $0x1, s1  }
0x8c: {  	s16 =	sshll.u32 s0, $0xA;
	s2 =	sadd.s32 s3, s2  }
0x8d: {  	s2 =	sadd.s32 s2, s16  }
0x8e: {  	[smem:$0x3FA4] =	sst s2  }
0x8f: {  	_ = 	snop  }
0x90: {  	(tm) =	ssettm $0x1  }
0x91: {  	s17 =	sld [smem:$0x3FFB];
	_ =	sdelay $0x3  }
0x92: {  	_ =	strace s17  }
0x93: {  	s2 =	sld [smem:$0x3FFC];
	_ =	sdelay $0x3  }
0x94: {  	_ =	strace s2  }
0x95: {  	s2 =	sld [smem:$0x3FFD];
	_ =	sdelay $0x3  }
0x96: {  	_ =	strace s2  }
0x97: {  	_ =	strace $0x8FFFFFFF  }
0x98: {  	s18 =	sld [smem:$0x3FDB];
	_ =	sdelay $0x1  }
0x99: {  	s19 =	simm.s32 $_scs_section_size  }
0x9a: {  	s4 =	simm.s32 $_size__tile_overlayer_lowered;
	s5 =	simm.s32 $_tile_overlayer_lowered  }
0x9b: {  	s22 =	simm.s32 $0x1BFF;
	s21 =	sshll.u32 s5, $0x1;
	s2 =	sadd.s32 s19, s18  }
0x9c: {  	s6 =	simm.s32 $0x0;
	s20 =	sshll.u32 s4, $0x1;
	s4 =	sadd.s32 s21, s2  }
0x9d: {  	[timem:s6], [sflag:s22] =	dma.local [hbm:s4], s20  }
0x9e: {  	_ =	swait.ge [sflag:s22], s20  }
0x9f: {  	s3 =	ssub.s32 $0x0, s20;
	[sflag:s22] =	ssyncset.done $0x0  }
0xa0: {  	[sflag:s22] =	ssyncadd.s32 s3;
	_ =	sdelay $0x1  }
0xa1: {  	s23 =	simm.s32 $0x1B8B  }
0xa2: {  	_ =	swait.ge [sflag:s23], $0x1  }
0xa3: {  	[sflag:s23] =	ssyncset.done $0x0  }
0xa4: {  	s25 =	simm.s32 $0x1B8E;
	s24 =	sld [smem:$0x3FFE];
	[sflag:s23] =	ssyncadd.s32 $0xFFFFFFFF  }
0xa5: {  	s26 =	simm.s32 $execute0_lowered;
	[smem:$0x3FD2] =	sst s25  }
0xa6: {  	s4 =	sshll.u32 s26, $0x1;
	_ =	strace $0x8000004F;
	[dreg:$0x1] =	wrdreg $0xFFFFFFFF  }
0xa7: {  	s28 =	simm.s32 $_size_execute0_lowered;
	s2 =	sadd.s32 s2, s4;
	[dreg:$0x0] =	wrdreg $0x0  }
0xa8: {  	s4 =	sshll.u32 s28, $0x1;
	[dreg:$0x2] =	wrdreg s2  }
0xa9: {  	[dreg:$0x3] =	wrdreg s4  }
0xaa: {  	[dreg:$0x4] =	wrdreg $0xC0  }
0xab: {  	_ =	task [dreg:s6], $0x5FFFF  }
0xac: {  	[dreg:$0x1] =	wrdreg $0xFFFFFFFF  }
0xad: {  	[dreg:$0x0] =	wrdreg $0x60  }
0xae: {  	[dreg:$0x2] =	wrdreg s24  }
0xaf: {  	[dreg:$0x3] =	wrdreg $0x48A80  }
0xb0: {  	[dreg:$0x4] =	wrdreg $0x9  }
0xb1: {  	_ =	task.clear_ibuf [dreg:s6], $0x5FFFF;
	_ =	strace $0x9000004F  }
0xb2: {  	s29 =	simm.s32 $0x9;
	_ =	strace $0x80000051  }
0xb3: {  	_ =	swait.ge [sflag:s29], $0x1  }
0xb4: {  	[sflag:s29] =	ssyncadd.s32 $0xFFFFFFFF  }
0xb5: {  	_ =	strace $0x90000051  }
0xb6: {  	_ =	sfence  }
0xb7: {  	s30 =	sld [smem:$0x0];
	_ =	sdelay $0x2  }
0xb8: {  	s31 =	sshll.u32 s1, $0xD;
	s1 =	sshrl.u32 s1, $0x2  }
0xb9: {  	s3 =	sand.u32 $0x4000, s31;
	s1 =	sadd.s32 s1, s30  }
0xba: {  	s0 =	sor.u32 s3, s0;
	s1 =	sshll.u32 s1, $0x11  }
0xbb: {  	s0 =	sor.u32 s1, s0  }
0xbc: {  	s0 =	sadd.s32 $0x8F2B, s0  }
0xbd: {  	[sflag:s0] =	ssyncadd.remote.s32 $0x1  }
0xbe: {  	_ =	sfence.sel $0xFFFF  }
0xbf: {  	[dreg:$0x0] =	wrdreg $0xFFFFFFFF;
	(pc) =	sbr.abs _section_cstart, $3  }
0xc0: {  	[dreg:$0x1] =	wrdreg $0xFFFFFFFF  }
0xc1: {  	_ =	task.clear_ibuf [dreg:s6], $0x2FFFF;
	_ =	strace $0x9FFFFFFF  }
0xc2: {  	(tm) =	ssettm $0x7FFFFFFF  }
0xc3: {  	_ =	shalt  }
tec
execute0_lowered:
.L_overlay_start_1:
0x0: {  	(tag) =	ssettag $0x1  }
0x1: {  	s0 =	rddreg [dreg:$0x0]  }
0x2: {  	s2 =	srdreg.scid;
	s1 =	rddreg [dreg:$0x1]  }
0x3: {  	s3 =	stileid.u32;
	s31 =	rddreg [dreg:$0x2]  }
0x4: {  	s21 =	simm.s32 $0x68;
	s22 =	simm.s32 $0xD0;
	s23 =	simm.s32 $0x138  }
0x5: {  	s24 =	simm.s32 $0x1A0;
	s9 =	simm.s32 $0x2328;
	s25 =	simm.s32 $0x208  }
0x6: {  	s10 =	simm.s32 $0x2FA8;
	s4 =	sand.u32 $0x1, s2;
	s2 =	simm.s32 $0x0  }
0x7: {  	s26 =	simm.s32 $0x270;
	s8 =	sadd.s32 $0x4800, s0;
	[smem:$0x7FF] =	sst s2  }
0x8: {  	s11 =	simm.s32 $0x3C28;
	_ =	strace $0x80000050;
	[dreg:$0x3] =	wrdreg s8  }
0x9: {  	s29 =	simm.s32 $0x2D8;
	s30 =	simm.s32 $0x340;
	[dreg:$0xb] =	wrdreg s21  }
0xa: {  	s28 =	simm.s32 $0x3A8;
	s13 =	simm.s32 $0x888;
	[dreg:$0xc] =	wrdreg s22  }
0xb: {  	p1 =	por $0x0, $0x0;
	s5 =	sshll.u32 s3, $0x1;
	[dreg:$0xd] =	wrdreg s23  }
0xc: {  	p0 =	sne.s32 s3, $0x0;
	s5 =	sor.u32 s4, s5;
	[dreg:$0xe] =	wrdreg s24  }
0xd: {  	s7 =	smul.u32 $0x1F40, s4;
	s4 =	ssub.s32 $0x2, s4;
	[dreg:$0xf] =	wrdreg s25  }
0xe: {  	s3 =	sshrl.u32 @!p0 s1, $0x3;
	s6 =	smul.u32 $0x145, s5;
	[dreg:$0x10] =	wrdreg s26  }
0xf: {  	s5 =	smul.u32 $0x2710, s5;
	s19 =	sshrl.u32 s4, $0x1;
	[dreg:$0x11] =	wrdreg s29  }
0x10: {  	s8 =	simm.s32 $0x16A8;
	[dreg:$0x12] =	wrdreg s30;
	s22 =	simm.s32 $0x410  }
0x11: {  	s23 =	simm.s32 $0x478;
	s24 =	simm.s32 $0x4E0;
	s25 =	simm.s32 $0x548  }
0x12: {  	s26 =	simm.s32 $0x5B0;
	s21 =	simm.s32 $0x7B8;
	s7 =	sadd.s32 s7, s0  }
0x13: {  	s4 =	ssub.s32 s4, s19;
	s19 =	simm.s32 $0x6E8;
	s6 =	sadd.s32 s6, s0  }
0x14: {  	s0 =	sadd.s32 s5, s0;
	s15 =	sadd.s32 $0x57C00, s7;
	s14 =	smax.u32 s4, $0x1  }
0x15: {  	s4 =	simm.s32 $0x2;
	s6 =	sadd.s32 $0x7000, s6;
	[dreg:$0x5] =	wrdreg s15  }
0x16: {  	s7 =	simm.s32 $0xA28;
	s16 =	sadd.s32 $0x9A00, s0;
	[dreg:$0x4] =	wrdreg s6  }
0x17: {  	s17 =	sadd.s32 $0xA1D0, s0;
	s12 =	sadd.s32 $0xFFFFFFFF, s14;
	[dreg:$0x6] =	wrdreg s16  }
0x18: {  	s18 =	sadd.s32 $0xA9A0, s0;
	[dreg:$0x7] =	wrdreg s17;
	p2 =	sne.s32 s12, $0x0  }
.Ltmp0:
0x19: {  	s20 =	sadd.s32 $0xB170, s0;
	[dreg:$0x8] =	wrdreg s18;
	(pc) =	sbr.rel @!p2 .LBB2_1-.Ltmp0, $4  }
0x1a: {  	s5 =	simm.s32 $0x64;
	s0 =	sadd.s32 $0xB940, s0;
	[dreg:$0x9] =	wrdreg s20  }
0x1b: {  	s14 =	simm.s32 $0x8F0;
	s15 =	simm.s32 $0x958;
	[dreg:$0xa] =	wrdreg s0  }
0x1c: {  	s6 =	simm.s32 $0x1;
	s17 =	simm.s32 $0x618;
	s18 =	simm.s32 $0x680  }
0x1d: {  	s20 =	simm.s32 $0x750;
	s16 =	simm.s32 $0x9C0;
	s0 =	rddreg [dreg:$0x3]  }
0x1e: {  	s30 =	simm.s32 @!p0 $0x1C02;
	s29 =	simm.s32 @!p0 $0x2  }
0x1f: {  	[spmem:s3], [sflag:s30] =	dma.local @!p0 [hbm:s0], $0x1F40  }
0x20: {  	_ =	swait.ge @!p0 [sflag:s29], $0x1F40  }
0x21: {  	[sflag:s29] =	ssyncset.done @!p0 $0x0  }
0x22: {  	[sflag:s29] =	ssyncadd.s32 @!p0 $0xFFFFE0C0  }
0x23: {  	[bflag:$0x0] =	sbarrier.arrive $0xFFFF  }
0x24: {  	s0 =	rddreg [dreg:$0x4]  }
0x25: {  	[tilespmem:s2], [sflag:$0x2] =	stream.linear.gather [hbm4b:s0+s2], $0xA28, $0x38;
	[tilespmem:$0x5848] =	vst v63  }
0x26: {  	_ =	swait.ge [sflag:s4], $0xA28  }
0x27: {  	[sflag:s4] =	ssyncset.done $0x0  }
0x28: {  	s0 =	rddreg [dreg:$0x6];
	[sflag:s4] =	ssyncadd.s32 $0xFFFFF5D8  }
0x29: {  	[tilespmem:s7], [sflag:$0x2] =	stream.linear.gather [hbm4b:s0+s2], $0x3E80, $0x38;
	[tilespmem:$0x5848] =	vst v63  }
0x2a: {  	_ =	swait.ge [sflag:s4], $0x3E80  }
0x2b: {  	[sflag:s4] =	ssyncset.done $0x0  }
0x2c: {  	[sflag:s4] =	ssyncadd.s32 $0xFFFFC180  }
0x2d: {  	[spmem:s1] =	stream.indirect.scatter.add.f32 [tilespmem:s7], [sflag:$0x1], $0x20, s2, s5, $0xb8;
	[tilespmem:$0x5848] =	vst v63  }
0x2e: {  	s0 =	rddreg [dreg:$0xb]  }
0x2f: {  	[spmem:s1] =	stream.indirect.scatter.add.f32 [tilespmem:s8], [sflag:$0x1], $0x20, s0, s5, $0xb8;
	[tilespmem:$0x5848] =	vst v63  }
0x30: {  	s31 =	rddreg [dreg:$0xc]  }
0x31: {  	[spmem:s1] =	stream.indirect.scatter.add.f32 [tilespmem:s9], [sflag:$0x1], $0x20, s31, s5, $0xb8;
	[tilespmem:$0x5848] =	vst v63  }
0x32: {  	s0 =	rddreg [dreg:$0xd]  }
0x33: {  	[spmem:s1] =	stream.indirect.scatter.add.f32 [tilespmem:s10], [sflag:$0x1], $0x20, s0, s5, $0xb8;
	[tilespmem:$0x5848] =	vst v63  }
0x34: {  	s31 =	rddreg [dreg:$0xe]  }
0x35: {  	[spmem:s1] =	stream.indirect.scatter.add.f32 [tilespmem:s11], [sflag:$0x1], $0x20, s31, s5, $0xb8;
	[tilespmem:$0x5848] =	vst v63  }
0x36: {  	_ =	swait.ge [sflag:s6], $0xC80  }
0x37: {  	[sflag:s6] =	ssyncset.done $0x0  }
0x38: {  	[sflag:s6] =	ssyncadd.s32 $0xFFFFF380  }
0x39: {  	_ =	swait.ge [sflag:s6], $0xC80  }
0x3a: {  	[sflag:s6] =	ssyncset.done $0x0  }
0x3b: {  	[sflag:s6] =	ssyncadd.s32 $0xFFFFF380  }
0x3c: {  	_ =	swait.ge [sflag:s6], $0xC80  }
0x3d: {  	[sflag:s6] =	ssyncset.done $0x0  }
0x3e: {  	[sflag:s6] =	ssyncadd.s32 $0xFFFFF380  }
0x3f: {  	_ =	swait.ge [sflag:s6], $0xC80  }
0x40: {  	[sflag:s6] =	ssyncset.done $0x0  }
0x41: {  	[sflag:s6] =	ssyncadd.s32 $0xFFFFF380  }
0x42: {  	_ =	swait.ge [sflag:s6], $0xC80  }
0x43: {  	[sflag:s6] =	ssyncset.done $0x0  }
0x44: {  	s0 =	rddreg [dreg:$0x7];
	[sflag:s6] =	ssyncadd.s32 $0xFFFFF380  }
0x45: {  	[tilespmem:s7], [sflag:$0x2] =	stream.linear.gather [hbm4b:s0+s2], $0x3E80, $0x38;
	[tilespmem:$0x5848] =	vst v63  }
0x46: {  	_ =	swait.ge [sflag:s4], $0x3E80  }
0x47: {  	[sflag:s4] =	ssyncset.done $0x0  }
0x48: {  	s0 =	rddreg [dreg:$0xf];
	[sflag:s4] =	ssyncadd.s32 $0xFFFFC180  }
0x49: {  	[spmem:s1] =	stream.indirect.scatter.add.f32 [tilespmem:s7], [sflag:$0x1], $0x20, s0, s5, $0xb8;
	[tilespmem:$0x5848] =	vst v63  }
0x4a: {  	s31 =	rddreg [dreg:$0x10]  }
0x4b: {  	[spmem:s1] =	stream.indirect.scatter.add.f32 [tilespmem:s8], [sflag:$0x1], $0x20, s31, s5, $0xb8;
	[tilespmem:$0x5848] =	vst v63  }
0x4c: {  	s0 =	rddreg [dreg:$0x11]  }
0x4d: {  	[spmem:s1] =	stream.indirect.scatter.add.f32 [tilespmem:s9], [sflag:$0x1], $0x20, s0, s5, $0xb8;
	[tilespmem:$0x5848] =	vst v63  }
0x4e: {  	s31 =	rddreg [dreg:$0x12]  }
0x4f: {  	[spmem:s1] =	stream.indirect.scatter.add.f32 [tilespmem:s10], [sflag:$0x1], $0x20, s31, s5, $0xb8;
	[tilespmem:$0x5848] =	vst v63  }
0x50: {  	_ = 	snop  }
0x51: {  	[spmem:s1] =	stream.indirect.scatter.add.f32 [tilespmem:s11], [sflag:$0x1], $0x20, s28, s5, $0xb8;
	[tilespmem:$0x5848] =	vst v63  }
0x52: {  	_ =	swait.ge [sflag:s6], $0xC80  }
0x53: {  	[sflag:s6] =	ssyncset.done $0x0  }
0x54: {  	[sflag:s6] =	ssyncadd.s32 $0xFFFFF380  }
0x55: {  	_ =	swait.ge [sflag:s6], $0xC80  }
0x56: {  	[sflag:s6] =	ssyncset.done $0x0  }
0x57: {  	[sflag:s6] =	ssyncadd.s32 $0xFFFFF380  }
0x58: {  	_ =	swait.ge [sflag:s6], $0xC80  }
0x59: {  	[sflag:s6] =	ssyncset.done $0x0  }
0x5a: {  	[sflag:s6] =	ssyncadd.s32 $0xFFFFF380  }
0x5b: {  	_ =	swait.ge [sflag:s6], $0xC80  }
0x5c: {  	[sflag:s6] =	ssyncset.done $0x0  }
0x5d: {  	[sflag:s6] =	ssyncadd.s32 $0xFFFFF380  }
0x5e: {  	_ =	swait.ge [sflag:s6], $0xC80  }
0x5f: {  	[sflag:s6] =	ssyncset.done $0x0  }
0x60: {  	s0 =	rddreg [dreg:$0x8];
	[sflag:s6] =	ssyncadd.s32 $0xFFFFF380  }
0x61: {  	[tilespmem:s7], [sflag:$0x2] =	stream.linear.gather [hbm4b:s0+s2], $0x3E80, $0x38;
	[tilespmem:$0x5848] =	vst v63  }
0x62: {  	_ =	swait.ge [sflag:s4], $0x3E80  }
0x63: {  	[sflag:s4] =	ssyncset.done $0x0  }
0x64: {  	[sflag:s4] =	ssyncadd.s32 $0xFFFFC180  }
0x65: {  	[spmem:s1] =	stream.indirect.scatter.add.f32 [tilespmem:s7], [sflag:$0x1], $0x20, s22, s5, $0xb8;
	[tilespmem:$0x5848] =	vst v63  }
0x66: {  	_ = 	snop  }
0x67: {  	[spmem:s1] =	stream.indirect.scatter.add.f32 [tilespmem:s8], [sflag:$0x1], $0x20, s23, s5, $0xb8;
	[tilespmem:$0x5848] =	vst v63  }
0x68: {  	_ = 	snop  }
0x69: {  	[spmem:s1] =	stream.indirect.scatter.add.f32 [tilespmem:s9], [sflag:$0x1], $0x20, s24, s5, $0xb8;
	[tilespmem:$0x5848] =	vst v63  }
0x6a: {  	_ = 	snop  }
0x6b: {  	[spmem:s1] =	stream.indirect.scatter.add.f32 [tilespmem:s10], [sflag:$0x1], $0x20, s25, s5, $0xb8;
	[tilespmem:$0x5848] =	vst v63  }
0x6c: {  	_ = 	snop  }
0x6d: {  	[spmem:s1] =	stream.indirect.scatter.add.f32 [tilespmem:s11], [sflag:$0x1], $0x20, s26, s5, $0xb8;
	[tilespmem:$0x5848] =	vst v63  }
0x6e: {  	_ =	swait.ge [sflag:s6], $0xC80  }
0x6f: {  	[sflag:s6] =	ssyncset.done $0x0  }
0x70: {  	[sflag:s6] =	ssyncadd.s32 $0xFFFFF380  }
0x71: {  	_ =	swait.ge [sflag:s6], $0xC80  }
0x72: {  	[sflag:s6] =	ssyncset.done $0x0  }
0x73: {  	[sflag:s6] =	ssyncadd.s32 $0xFFFFF380  }
0x74: {  	_ =	swait.ge [sflag:s6], $0xC80  }
0x75: {  	[sflag:s6] =	ssyncset.done $0x0  }
0x76: {  	[sflag:s6] =	ssyncadd.s32 $0xFFFFF380  }
0x77: {  	_ =	swait.ge [sflag:s6], $0xC80  }
0x78: {  	[sflag:s6] =	ssyncset.done $0x0  }
0x79: {  	[sflag:s6] =	ssyncadd.s32 $0xFFFFF380  }
0x7a: {  	_ =	swait.ge [sflag:s6], $0xC80  }
0x7b: {  	[sflag:s6] =	ssyncset.done $0x0  }
0x7c: {  	s0 =	rddreg [dreg:$0x9];
	[sflag:s6] =	ssyncadd.s32 $0xFFFFF380  }
0x7d: {  	[tilespmem:s7], [sflag:$0x2] =	stream.linear.gather [hbm4b:s0+s2], $0x3E80, $0x38;
	[tilespmem:$0x5848] =	vst v63  }
0x7e: {  	_ =	swait.ge [sflag:s4], $0x3E80  }
0x7f: {  	[sflag:s4] =	ssyncset.done $0x0  }
0x80: {  	[sflag:s4] =	ssyncadd.s32 $0xFFFFC180  }
0x81: {  	[spmem:s1] =	stream.indirect.scatter.add.f32 [tilespmem:s7], [sflag:$0x1], $0x20, s17, s5, $0xb8;
	[tilespmem:$0x5848] =	vst v63  }
0x82: {  	_ = 	snop  }
0x83: {  	[spmem:s1] =	stream.indirect.scatter.add.f32 [tilespmem:s8], [sflag:$0x1], $0x20, s18, s5, $0xb8;
	[tilespmem:$0x5848] =	vst v63  }
0x84: {  	_ = 	snop  }
0x85: {  	[spmem:s1] =	stream.indirect.scatter.add.f32 [tilespmem:s9], [sflag:$0x1], $0x20, s19, s5, $0xb8;
	[tilespmem:$0x5848] =	vst v63  }
0x86: {  	_ = 	snop  }
0x87: {  	[spmem:s1] =	stream.indirect.scatter.add.f32 [tilespmem:s10], [sflag:$0x1], $0x20, s20, s5, $0xb8;
	[tilespmem:$0x5848] =	vst v63  }
0x88: {  	_ = 	snop  }
0x89: {  	[spmem:s1] =	stream.indirect.scatter.add.f32 [tilespmem:s11], [sflag:$0x1], $0x20, s21, s5, $0xb8;
	[tilespmem:$0x5848] =	vst v63  }
0x8a: {  	_ =	swait.ge [sflag:s6], $0xC80  }
0x8b: {  	[sflag:s6] =	ssyncset.done $0x0  }
0x8c: {  	[sflag:s6] =	ssyncadd.s32 $0xFFFFF380  }
0x8d: {  	_ =	swait.ge [sflag:s6], $0xC80  }
0x8e: {  	[sflag:s6] =	ssyncset.done $0x0  }
0x8f: {  	[sflag:s6] =	ssyncadd.s32 $0xFFFFF380  }
0x90: {  	_ =	swait.ge [sflag:s6], $0xC80  }
0x91: {  	[sflag:s6] =	ssyncset.done $0x0  }
0x92: {  	[sflag:s6] =	ssyncadd.s32 $0xFFFFF380  }
0x93: {  	_ =	swait.ge [sflag:s6], $0xC80  }
0x94: {  	[sflag:s6] =	ssyncset.done $0x0  }
0x95: {  	[sflag:s6] =	ssyncadd.s32 $0xFFFFF380  }
0x96: {  	_ =	swait.ge [sflag:s6], $0xC80  }
0x97: {  	[sflag:s6] =	ssyncset.done $0x0  }
0x98: {  	s0 =	rddreg [dreg:$0xa];
	[sflag:s6] =	ssyncadd.s32 $0xFFFFF380  }
0x99: {  	[tilespmem:s7], [sflag:$0x2] =	stream.linear.gather [hbm4b:s0+s2], $0x3E80, $0x38;
	[tilespmem:$0x5848] =	vst v63  }
0x9a: {  	_ =	swait.ge [sflag:s4], $0x3E80  }
0x9b: {  	[sflag:s4] =	ssyncset.done $0x0  }
0x9c: {  	s0 =	simm.s32 $0x820;
	[sflag:s4] =	ssyncadd.s32 $0xFFFFC180  }
0x9d: {  	[spmem:s1] =	stream.indirect.scatter.add.f32 [tilespmem:s7], [sflag:$0x1], $0x20, s0, s5, $0xb8;
	[tilespmem:$0x5848] =	vst v63  }
0x9e: {  	_ = 	snop  }
0x9f: {  	[spmem:s1] =	stream.indirect.scatter.add.f32 [tilespmem:s8], [sflag:$0x1], $0x20, s13, s5, $0xb8;
	[tilespmem:$0x5848] =	vst v63  }
0xa0: {  	_ = 	snop  }
0xa1: {  	[spmem:s1] =	stream.indirect.scatter.add.f32 [tilespmem:s9], [sflag:$0x1], $0x20, s14, s5, $0xb8;
	[tilespmem:$0x5848] =	vst v63  }
0xa2: {  	_ = 	snop  }
0xa3: {  	[spmem:s1] =	stream.indirect.scatter.add.f32 [tilespmem:s10], [sflag:$0x1], $0x20, s15, s5, $0xb8;
	[tilespmem:$0x5848] =	vst v63  }
0xa4: {  	_ = 	snop  }
0xa5: {  	[spmem:s1] =	stream.indirect.scatter.add.f32 [tilespmem:s11], [sflag:$0x1], $0x20, s16, s5, $0xb8;
	[tilespmem:$0x5848] =	vst v63  }
0xa6: {  	_ =	swait.ge [sflag:s6], $0xC80  }
0xa7: {  	[sflag:s6] =	ssyncset.done $0x0  }
0xa8: {  	[sflag:s6] =	ssyncadd.s32 $0xFFFFF380  }
0xa9: {  	_ =	swait.ge [sflag:s6], $0xC80  }
0xaa: {  	[sflag:s6] =	ssyncset.done $0x0  }
0xab: {  	[sflag:s6] =	ssyncadd.s32 $0xFFFFF380  }
0xac: {  	_ =	swait.ge [sflag:s6], $0xC80  }
0xad: {  	[sflag:s6] =	ssyncset.done $0x0  }
0xae: {  	[sflag:s6] =	ssyncadd.s32 $0xFFFFF380  }
0xaf: {  	_ =	swait.ge [sflag:s6], $0xC80  }
0xb0: {  	[sflag:s6] =	ssyncset.done $0x0  }
0xb1: {  	[sflag:s6] =	ssyncadd.s32 $0xFFFFF380  }
0xb2: {  	_ =	swait.ge [sflag:s6], $0xC80  }
0xb3: {  	s31 =	sadd.s32 $0xFFFFFFFF, s12;
	[sflag:s6] =	ssyncset.done $0x0  }
0xb4: {  	p2 =	sne.s32 s31, $0x0;
	[sflag:s6] =	ssyncadd.s32 $0xFFFFF380  }
.Ltmp1:
0xb5: {  	[bflag:$0x0] =	sbarrier.arrive $0xFFFF;
	(pc) =	sbr.rel @!p2 .LBB2_3-.Ltmp1, $4  }
0xb6: {  	s0 =	rddreg [dreg:$0x5]  }
0xb7: {  	[hbm:s0], [sflag:s30] =	dma.local @!p0 [spmem:s3], $0x1F40  }
0xb8: {  	_ =	swait.ge @!p0 [sflag:s29], $0x1F40  }
0xb9: {  	p1 =	por $0x1, $0x1;
	s0 =	rddreg [dreg:$0x3];
	[sflag:s29] =	ssyncset.done @!p0 $0x0  }
.LBB2_4:
0xba: {  	[sflag:s29] =	ssyncadd.s32 @!p0 $0xFFFFE0C0  }
0xbb: {  	[spmem:s3], [sflag:s30] =	dma.local @!p0 [hbm:s0], $0x1F40  }
0xbc: {  	_ =	swait.ge @!p0 [sflag:s29], $0x1F40  }
0xbd: {  	[sflag:s29] =	ssyncset.done @!p0 $0x0  }
0xbe: {  	[sflag:s29] =	ssyncadd.s32 @!p0 $0xFFFFE0C0  }
0xbf: {  	[bflag:$0x0] =	sbarrier.arrive $0xFFFF  }
0xc0: {  	s12 =	rddreg [dreg:$0x4]  }
0xc1: {  	[tilespmem:s2], [sflag:$0x2] =	stream.linear.gather [hbm4b:s12+s2], $0xA28, $0x38;
	[tilespmem:$0x5848] =	vst v63  }
0xc2: {  	_ =	swait.ge [sflag:s4], $0xA28  }
0xc3: {  	[sflag:s4] =	ssyncset.done $0x0  }
0xc4: {  	s12 =	rddreg [dreg:$0x6];
	[sflag:s4] =	ssyncadd.s32 $0xFFFFF5D8  }
0xc5: {  	[tilespmem:s7], [sflag:$0x2] =	stream.linear.gather [hbm4b:s12+s2], $0x3E80, $0x38;
	[tilespmem:$0x5848] =	vst v63  }
0xc6: {  	_ =	swait.ge [sflag:s4], $0x3E80  }
0xc7: {  	[sflag:s4] =	ssyncset.done $0x0  }
0xc8: {  	[sflag:s4] =	ssyncadd.s32 $0xFFFFC180  }
0xc9: {  	[spmem:s1] =	stream.indirect.scatter.add.f32 [tilespmem:s7], [sflag:$0x1], $0x20, s2, s5, $0xb8;
	[tilespmem:$0x5848] =	vst v63  }
0xca: {  	s0 =	rddreg [dreg:$0xb]  }
0xcb: {  	[spmem:s1] =	stream.indirect.scatter.add.f32 [tilespmem:s8], [sflag:$0x1], $0x20, s0, s5, $0xb8;
	[tilespmem:$0x5848] =	vst v63  }
0xcc: {  	s12 =	rddreg [dreg:$0xc]  }
0xcd: {  	[spmem:s1] =	stream.indirect.scatter.add.f32 [tilespmem:s9], [sflag:$0x1], $0x20, s12, s5, $0xb8;
	[tilespmem:$0x5848] =	vst v63  }
0xce: {  	s0 =	rddreg [dreg:$0xd]  }
0xcf: {  	[spmem:s1] =	stream.indirect.scatter.add.f32 [tilespmem:s10], [sflag:$0x1], $0x20, s0, s5, $0xb8;
	[tilespmem:$0x5848] =	vst v63  }
0xd0: {  	s12 =	rddreg [dreg:$0xe]  }
0xd1: {  	[spmem:s1] =	stream.indirect.scatter.add.f32 [tilespmem:s11], [sflag:$0x1], $0x20, s12, s5, $0xb8;
	[tilespmem:$0x5848] =	vst v63  }
0xd2: {  	_ =	swait.ge [sflag:s6], $0xC80  }
0xd3: {  	[sflag:s6] =	ssyncset.done $0x0  }
0xd4: {  	[sflag:s6] =	ssyncadd.s32 $0xFFFFF380  }
0xd5: {  	_ =	swait.ge [sflag:s6], $0xC80  }
0xd6: {  	[sflag:s6] =	ssyncset.done $0x0  }
0xd7: {  	[sflag:s6] =	ssyncadd.s32 $0xFFFFF380  }
0xd8: {  	_ =	swait.ge [sflag:s6], $0xC80  }
0xd9: {  	[sflag:s6] =	ssyncset.done $0x0  }
0xda: {  	[sflag:s6] =	ssyncadd.s32 $0xFFFFF380  }
0xdb: {  	_ =	swait.ge [sflag:s6], $0xC80  }
0xdc: {  	[sflag:s6] =	ssyncset.done $0x0  }
0xdd: {  	[sflag:s6] =	ssyncadd.s32 $0xFFFFF380  }
0xde: {  	_ =	swait.ge [sflag:s6], $0xC80  }
0xdf: {  	[sflag:s6] =	ssyncset.done $0x0  }
0xe0: {  	s12 =	rddreg [dreg:$0x7];
	[sflag:s6] =	ssyncadd.s32 $0xFFFFF380  }
0xe1: {  	[tilespmem:s7], [sflag:$0x2] =	stream.linear.gather [hbm4b:s12+s2], $0x3E80, $0x38;
	[tilespmem:$0x5848] =	vst v63  }
0xe2: {  	_ =	swait.ge [sflag:s4], $0x3E80  }
0xe3: {  	[sflag:s4] =	ssyncset.done $0x0  }
0xe4: {  	s0 =	rddreg [dreg:$0xf];
	[sflag:s4] =	ssyncadd.s32 $0xFFFFC180  }
0xe5: {  	[spmem:s1] =	stream.indirect.scatter.add.f32 [tilespmem:s7], [sflag:$0x1], $0x20, s0, s5, $0xb8;
	[tilespmem:$0x5848] =	vst v63  }
0xe6: {  	s12 =	rddreg [dreg:$0x10]  }
0xe7: {  	[spmem:s1] =	stream.indirect.scatter.add.f32 [tilespmem:s8], [sflag:$0x1], $0x20, s12, s5, $0xb8;
	[tilespmem:$0x5848] =	vst v63  }
0xe8: {  	s0 =	rddreg [dreg:$0x11]  }
0xe9: {  	[spmem:s1] =	stream.indirect.scatter.add.f32 [tilespmem:s9], [sflag:$0x1], $0x20, s0, s5, $0xb8;
	[tilespmem:$0x5848] =	vst v63  }
0xea: {  	s12 =	rddreg [dreg:$0x12]  }
0xeb: {  	[spmem:s1] =	stream.indirect.scatter.add.f32 [tilespmem:s10], [sflag:$0x1], $0x20, s12, s5, $0xb8;
	[tilespmem:$0x5848] =	vst v63  }
0xec: {  	_ = 	snop  }
0xed: {  	[spmem:s1] =	stream.indirect.scatter.add.f32 [tilespmem:s11], [sflag:$0x1], $0x20, s28, s5, $0xb8;
	[tilespmem:$0x5848] =	vst v63  }
0xee: {  	_ =	swait.ge [sflag:s6], $0xC80  }
0xef: {  	[sflag:s6] =	ssyncset.done $0x0  }
0xf0: {  	[sflag:s6] =	ssyncadd.s32 $0xFFFFF380  }
0xf1: {  	_ =	swait.ge [sflag:s6], $0xC80  }
0xf2: {  	[sflag:s6] =	ssyncset.done $0x0  }
0xf3: {  	[sflag:s6] =	ssyncadd.s32 $0xFFFFF380  }
0xf4: {  	_ =	swait.ge [sflag:s6], $0xC80  }
0xf5: {  	[sflag:s6] =	ssyncset.done $0x0  }
0xf6: {  	[sflag:s6] =	ssyncadd.s32 $0xFFFFF380  }
0xf7: {  	_ =	swait.ge [sflag:s6], $0xC80  }
0xf8: {  	[sflag:s6] =	ssyncset.done $0x0  }
0xf9: {  	[sflag:s6] =	ssyncadd.s32 $0xFFFFF380  }
0xfa: {  	_ =	swait.ge [sflag:s6], $0xC80  }
0xfb: {  	[sflag:s6] =	ssyncset.done $0x0  }
0xfc: {  	s0 =	rddreg [dreg:$0x8];
	[sflag:s6] =	ssyncadd.s32 $0xFFFFF380  }
0xfd: {  	[tilespmem:s7], [sflag:$0x2] =	stream.linear.gather [hbm4b:s0+s2], $0x3E80, $0x38;
	[tilespmem:$0x5848] =	vst v63  }
0xfe: {  	_ =	swait.ge [sflag:s4], $0x3E80  }
0xff: {  	[sflag:s4] =	ssyncset.done $0x0  }
0x100: {  	[sflag:s4] =	ssyncadd.s32 $0xFFFFC180  }
0x101: {  	[spmem:s1] =	stream.indirect.scatter.add.f32 [tilespmem:s7], [sflag:$0x1], $0x20, s22, s5, $0xb8;
	[tilespmem:$0x5848] =	vst v63  }
0x102: {  	_ = 	snop  }
0x103: {  	[spmem:s1] =	stream.indirect.scatter.add.f32 [tilespmem:s8], [sflag:$0x1], $0x20, s23, s5, $0xb8;
	[tilespmem:$0x5848] =	vst v63  }
0x104: {  	_ = 	snop  }
0x105: {  	[spmem:s1] =	stream.indirect.scatter.add.f32 [tilespmem:s9], [sflag:$0x1], $0x20, s24, s5, $0xb8;
	[tilespmem:$0x5848] =	vst v63  }
0x106: {  	_ = 	snop  }
0x107: {  	[spmem:s1] =	stream.indirect.scatter.add.f32 [tilespmem:s10], [sflag:$0x1], $0x20, s25, s5, $0xb8;
	[tilespmem:$0x5848] =	vst v63  }
0x108: {  	_ = 	snop  }
0x109: {  	[spmem:s1] =	stream.indirect.scatter.add.f32 [tilespmem:s11], [sflag:$0x1], $0x20, s26, s5, $0xb8;
	[tilespmem:$0x5848] =	vst v63  }
0x10a: {  	_ =	swait.ge [sflag:s6], $0xC80  }
0x10b: {  	[sflag:s6] =	ssyncset.done $0x0  }
0x10c: {  	[sflag:s6] =	ssyncadd.s32 $0xFFFFF380  }
0x10d: {  	_ =	swait.ge [sflag:s6], $0xC80  }
0x10e: {  	[sflag:s6] =	ssyncset.done $0x0  }
0x10f: {  	[sflag:s6] =	ssyncadd.s32 $0xFFFFF380  }
0x110: {  	_ =	swait.ge [sflag:s6], $0xC80  }
0x111: {  	[sflag:s6] =	ssyncset.done $0x0  }
0x112: {  	[sflag:s6] =	ssyncadd.s32 $0xFFFFF380  }
0x113: {  	_ =	swait.ge [sflag:s6], $0xC80  }
0x114: {  	[sflag:s6] =	ssyncset.done $0x0  }
0x115: {  	[sflag:s6] =	ssyncadd.s32 $0xFFFFF380  }
0x116: {  	_ =	swait.ge [sflag:s6], $0xC80  }
0x117: {  	[sflag:s6] =	ssyncset.done $0x0  }
0x118: {  	s0 =	rddreg [dreg:$0x9];
	[sflag:s6] =	ssyncadd.s32 $0xFFFFF380  }
0x119: {  	[tilespmem:s7], [sflag:$0x2] =	stream.linear.gather [hbm4b:s0+s2], $0x3E80, $0x38;
	[tilespmem:$0x5848] =	vst v63  }
0x11a: {  	_ =	swait.ge [sflag:s4], $0x3E80  }
0x11b: {  	[sflag:s4] =	ssyncset.done $0x0  }
0x11c: {  	[sflag:s4] =	ssyncadd.s32 $0xFFFFC180  }
0x11d: {  	[spmem:s1] =	stream.indirect.scatter.add.f32 [tilespmem:s7], [sflag:$0x1], $0x20, s17, s5, $0xb8;
	[tilespmem:$0x5848] =	vst v63  }
0x11e: {  	_ = 	snop  }
0x11f: {  	[spmem:s1] =	stream.indirect.scatter.add.f32 [tilespmem:s8], [sflag:$0x1], $0x20, s18, s5, $0xb8;
	[tilespmem:$0x5848] =	vst v63  }
0x120: {  	_ = 	snop  }
0x121: {  	[spmem:s1] =	stream.indirect.scatter.add.f32 [tilespmem:s9], [sflag:$0x1], $0x20, s19, s5, $0xb8;
	[tilespmem:$0x5848] =	vst v63  }
0x122: {  	_ = 	snop  }
0x123: {  	[spmem:s1] =	stream.indirect.scatter.add.f32 [tilespmem:s10], [sflag:$0x1], $0x20, s20, s5, $0xb8;
	[tilespmem:$0x5848] =	vst v63  }
0x124: {  	_ = 	snop  }
0x125: {  	[spmem:s1] =	stream.indirect.scatter.add.f32 [tilespmem:s11], [sflag:$0x1], $0x20, s21, s5, $0xb8;
	[tilespmem:$0x5848] =	vst v63  }
0x126: {  	_ =	swait.ge [sflag:s6], $0xC80  }
0x127: {  	[sflag:s6] =	ssyncset.done $0x0  }
0x128: {  	[sflag:s6] =	ssyncadd.s32 $0xFFFFF380  }
0x129: {  	_ =	swait.ge [sflag:s6], $0xC80  }
0x12a: {  	[sflag:s6] =	ssyncset.done $0x0  }
0x12b: {  	[sflag:s6] =	ssyncadd.s32 $0xFFFFF380  }
0x12c: {  	_ =	swait.ge [sflag:s6], $0xC80  }
0x12d: {  	[sflag:s6] =	ssyncset.done $0x0  }
0x12e: {  	[sflag:s6] =	ssyncadd.s32 $0xFFFFF380  }
0x12f: {  	_ =	swait.ge [sflag:s6], $0xC80  }
0x130: {  	[sflag:s6] =	ssyncset.done $0x0  }
0x131: {  	[sflag:s6] =	ssyncadd.s32 $0xFFFFF380  }
0x132: {  	_ =	swait.ge [sflag:s6], $0xC80  }
0x133: {  	[sflag:s6] =	ssyncset.done $0x0  }
0x134: {  	s0 =	rddreg [dreg:$0xa];
	[sflag:s6] =	ssyncadd.s32 $0xFFFFF380  }
0x135: {  	[tilespmem:s7], [sflag:$0x2] =	stream.linear.gather [hbm4b:s0+s2], $0x3E80, $0x38;
	[tilespmem:$0x5848] =	vst v63  }
0x136: {  	_ =	swait.ge [sflag:s4], $0x3E80  }
0x137: {  	[sflag:s4] =	ssyncset.done $0x0  }
0x138: {  	s12 =	simm.s32 $0x820;
	[sflag:s4] =	ssyncadd.s32 $0xFFFFC180  }
0x139: {  	[spmem:s1] =	stream.indirect.scatter.add.f32 [tilespmem:s7], [sflag:$0x1], $0x20, s12, s5, $0xb8;
	[tilespmem:$0x5848] =	vst v63  }
0x13a: {  	_ = 	snop  }
0x13b: {  	[spmem:s1] =	stream.indirect.scatter.add.f32 [tilespmem:s8], [sflag:$0x1], $0x20, s13, s5, $0xb8;
	[tilespmem:$0x5848] =	vst v63  }
0x13c: {  	_ = 	snop  }
0x13d: {  	[spmem:s1] =	stream.indirect.scatter.add.f32 [tilespmem:s9], [sflag:$0x1], $0x20, s14, s5, $0xb8;
	[tilespmem:$0x5848] =	vst v63  }
0x13e: {  	_ = 	snop  }
0x13f: {  	[spmem:s1] =	stream.indirect.scatter.add.f32 [tilespmem:s10], [sflag:$0x1], $0x20, s15, s5, $0xb8;
	[tilespmem:$0x5848] =	vst v63  }
0x140: {  	_ = 	snop  }
0x141: {  	[spmem:s1] =	stream.indirect.scatter.add.f32 [tilespmem:s11], [sflag:$0x1], $0x20, s16, s5, $0xb8;
	[tilespmem:$0x5848] =	vst v63  }
0x142: {  	_ =	swait.ge [sflag:s6], $0xC80  }
0x143: {  	[sflag:s6] =	ssyncset.done $0x0  }
0x144: {  	[sflag:s6] =	ssyncadd.s32 $0xFFFFF380  }
0x145: {  	_ =	swait.ge [sflag:s6], $0xC80  }
0x146: {  	[sflag:s6] =	ssyncset.done $0x0  }
0x147: {  	[sflag:s6] =	ssyncadd.s32 $0xFFFFF380  }
0x148: {  	_ =	swait.ge [sflag:s6], $0xC80  }
0x149: {  	[sflag:s6] =	ssyncset.done $0x0  }
0x14a: {  	[sflag:s6] =	ssyncadd.s32 $0xFFFFF380  }
0x14b: {  	_ =	swait.ge [sflag:s6], $0xC80  }
0x14c: {  	[sflag:s6] =	ssyncset.done $0x0  }
0x14d: {  	[sflag:s6] =	ssyncadd.s32 $0xFFFFF380  }
0x14e: {  	_ =	swait.ge [sflag:s6], $0xC80  }
0x14f: {  	s31 =	sadd.s32 $0xFFFFFFFF, s31;
	[sflag:s6] =	ssyncset.done $0x0  }
0x150: {  	p2 =	sne.s32 s31, $0x0;
	[sflag:s6] =	ssyncadd.s32 $0xFFFFF380  }
.Ltmp2:
0x151: {  	[bflag:$0x0] =	sbarrier.arrive $0xFFFF;
	(pc) =	sbr.rel @p2 .LBB2_4-.Ltmp2, $4  }
0x152: {  	s0 =	rddreg [dreg:$0x5]  }
0x153: {  	[hbm:s0], [sflag:s30] =	dma.local @!p0 [spmem:s3], $0x1F40  }
0x154: {  	_ =	swait.ge @!p0 [sflag:s29], $0x1F40  }
0x155: {  	s0 =	rddreg [dreg:$0x3];
	[sflag:s29] =	ssyncset.done @!p0 $0x0  }
0x156: {  	s30 =	simm.s32 $0x820;
	s31 =	rddreg [dreg:$0x2]  }
.LBB2_6:
0x157: {  	p1 =	por p0, !p1  }
0x158: {  	s12 =	simm.s32 @!p0 $0x1C02;
	[sflag:s29] =	ssyncadd.s32 @!p1 $0xFFFFE0C0;
	s29 =	simm.s32 @!p0 $0x2  }
0x159: {  	[spmem:s3], [sflag:s12] =	dma.local @!p0 [hbm:s0], $0x1F40  }
0x15a: {  	_ =	swait.ge @!p0 [sflag:s29], $0x1F40  }
0x15b: {  	[sflag:s29] =	ssyncset.done @!p0 $0x0  }
0x15c: {  	[sflag:s29] =	ssyncadd.s32 @!p0 $0xFFFFE0C0  }
0x15d: {  	[bflag:$0x0] =	sbarrier.arrive $0xFFFF  }
0x15e: {  	s12 =	rddreg [dreg:$0x4]  }
0x15f: {  	[tilespmem:s2], [sflag:$0x2] =	stream.linear.gather [hbm4b:s12+s2], $0xA28, $0x38;
	[tilespmem:$0x5848] =	vst v63  }
0x160: {  	_ =	swait.ge [sflag:s4], $0xA28  }
0x161: {  	[sflag:s4] =	ssyncset.done $0x0  }
0x162: {  	s12 =	rddreg [dreg:$0x6];
	[sflag:s4] =	ssyncadd.s32 $0xFFFFF5D8  }
0x163: {  	[tilespmem:s7], [sflag:$0x2] =	stream.linear.gather [hbm4b:s12+s2], $0x3E80, $0x38;
	[tilespmem:$0x5848] =	vst v63  }
0x164: {  	_ =	swait.ge [sflag:s4], $0x3E80  }
0x165: {  	[sflag:s4] =	ssyncset.done $0x0  }
0x166: {  	[sflag:s4] =	ssyncadd.s32 $0xFFFFC180  }
0x167: {  	[spmem:s1] =	stream.indirect.scatter.add.f32 [tilespmem:s7], [sflag:$0x1], $0x20, s2, s5, $0xb8;
	[tilespmem:$0x5848] =	vst v63  }
0x168: {  	s0 =	rddreg [dreg:$0xb]  }
0x169: {  	[spmem:s1] =	stream.indirect.scatter.add.f32 [tilespmem:s8], [sflag:$0x1], $0x20, s0, s5, $0xb8;
	[tilespmem:$0x5848] =	vst v63  }
0x16a: {  	s12 =	rddreg [dreg:$0xc]  }
0x16b: {  	[spmem:s1] =	stream.indirect.scatter.add.f32 [tilespmem:s9], [sflag:$0x1], $0x20, s12, s5, $0xb8;
	[tilespmem:$0x5848] =	vst v63  }
0x16c: {  	s0 =	rddreg [dreg:$0xd]  }
0x16d: {  	[spmem:s1] =	stream.indirect.scatter.add.f32 [tilespmem:s10], [sflag:$0x1], $0x20, s0, s5, $0xb8;
	[tilespmem:$0x5848] =	vst v63  }
0x16e: {  	s12 =	rddreg [dreg:$0xe]  }
0x16f: {  	[spmem:s1] =	stream.indirect.scatter.add.f32 [tilespmem:s11], [sflag:$0x1], $0x20, s12, s5, $0xb8;
	[tilespmem:$0x5848] =	vst v63  }
0x170: {  	_ =	swait.ge [sflag:s6], $0xC80  }
0x171: {  	[sflag:s6] =	ssyncset.done $0x0  }
0x172: {  	[sflag:s6] =	ssyncadd.s32 $0xFFFFF380  }
0x173: {  	_ =	swait.ge [sflag:s6], $0xC80  }
0x174: {  	[sflag:s6] =	ssyncset.done $0x0  }
0x175: {  	[sflag:s6] =	ssyncadd.s32 $0xFFFFF380  }
0x176: {  	_ =	swait.ge [sflag:s6], $0xC80  }
0x177: {  	[sflag:s6] =	ssyncset.done $0x0  }
0x178: {  	[sflag:s6] =	ssyncadd.s32 $0xFFFFF380  }
0x179: {  	_ =	swait.ge [sflag:s6], $0xC80  }
0x17a: {  	[sflag:s6] =	ssyncset.done $0x0  }
0x17b: {  	[sflag:s6] =	ssyncadd.s32 $0xFFFFF380  }
0x17c: {  	_ =	swait.ge [sflag:s6], $0xC80  }
0x17d: {  	[sflag:s6] =	ssyncset.done $0x0  }
0x17e: {  	s12 =	rddreg [dreg:$0x7];
	[sflag:s6] =	ssyncadd.s32 $0xFFFFF380  }
0x17f: {  	[tilespmem:s7], [sflag:$0x2] =	stream.linear.gather [hbm4b:s12+s2], $0x3E80, $0x38;
	[tilespmem:$0x5848] =	vst v63  }
0x180: {  	_ =	swait.ge [sflag:s4], $0x3E80  }
0x181: {  	[sflag:s4] =	ssyncset.done $0x0  }
0x182: {  	s0 =	rddreg [dreg:$0xf];
	[sflag:s4] =	ssyncadd.s32 $0xFFFFC180  }
0x183: {  	[spmem:s1] =	stream.indirect.scatter.add.f32 [tilespmem:s7], [sflag:$0x1], $0x20, s0, s5, $0xb8;
	[tilespmem:$0x5848] =	vst v63  }
0x184: {  	s12 =	rddreg [dreg:$0x10]  }
0x185: {  	[spmem:s1] =	stream.indirect.scatter.add.f32 [tilespmem:s8], [sflag:$0x1], $0x20, s12, s5, $0xb8;
	[tilespmem:$0x5848] =	vst v63  }
0x186: {  	s0 =	rddreg [dreg:$0x11]  }
0x187: {  	[spmem:s1] =	stream.indirect.scatter.add.f32 [tilespmem:s9], [sflag:$0x1], $0x20, s0, s5, $0xb8;
	[tilespmem:$0x5848] =	vst v63  }
0x188: {  	s12 =	rddreg [dreg:$0x12]  }
0x189: {  	[spmem:s1] =	stream.indirect.scatter.add.f32 [tilespmem:s10], [sflag:$0x1], $0x20, s12, s5, $0xb8;
	[tilespmem:$0x5848] =	vst v63  }
0x18a: {  	_ = 	snop  }
0x18b: {  	[spmem:s1] =	stream.indirect.scatter.add.f32 [tilespmem:s11], [sflag:$0x1], $0x20, s28, s5, $0xb8;
	[tilespmem:$0x5848] =	vst v63  }
0x18c: {  	_ =	swait.ge [sflag:s6], $0xC80  }
0x18d: {  	[sflag:s6] =	ssyncset.done $0x0  }
0x18e: {  	[sflag:s6] =	ssyncadd.s32 $0xFFFFF380  }
0x18f: {  	_ =	swait.ge [sflag:s6], $0xC80  }
0x190: {  	[sflag:s6] =	ssyncset.done $0x0  }
0x191: {  	[sflag:s6] =	ssyncadd.s32 $0xFFFFF380  }
0x192: {  	_ =	swait.ge [sflag:s6], $0xC80  }
0x193: {  	[sflag:s6] =	ssyncset.done $0x0  }
0x194: {  	[sflag:s6] =	ssyncadd.s32 $0xFFFFF380  }
0x195: {  	_ =	swait.ge [sflag:s6], $0xC80  }
0x196: {  	[sflag:s6] =	ssyncset.done $0x0  }
0x197: {  	[sflag:s6] =	ssyncadd.s32 $0xFFFFF380  }
0x198: {  	_ =	swait.ge [sflag:s6], $0xC80  }
0x199: {  	[sflag:s6] =	ssyncset.done $0x0  }
0x19a: {  	s12 =	rddreg [dreg:$0x8];
	[sflag:s6] =	ssyncadd.s32 $0xFFFFF380  }
0x19b: {  	[tilespmem:s7], [sflag:$0x2] =	stream.linear.gather [hbm4b:s12+s2], $0x3E80, $0x38;
	[tilespmem:$0x5848] =	vst v63  }
0x19c: {  	_ =	swait.ge [sflag:s4], $0x3E80  }
0x19d: {  	[sflag:s4] =	ssyncset.done $0x0  }
0x19e: {  	[sflag:s4] =	ssyncadd.s32 $0xFFFFC180  }
0x19f: {  	[spmem:s1] =	stream.indirect.scatter.add.f32 [tilespmem:s7], [sflag:$0x1], $0x20, s22, s5, $0xb8;
	[tilespmem:$0x5848] =	vst v63  }
0x1a0: {  	_ = 	snop  }
0x1a1: {  	[spmem:s1] =	stream.indirect.scatter.add.f32 [tilespmem:s8], [sflag:$0x1], $0x20, s23, s5, $0xb8;
	[tilespmem:$0x5848] =	vst v63  }
0x1a2: {  	_ = 	snop  }
0x1a3: {  	[spmem:s1] =	stream.indirect.scatter.add.f32 [tilespmem:s9], [sflag:$0x1], $0x20, s24, s5, $0xb8;
	[tilespmem:$0x5848] =	vst v63  }
0x1a4: {  	_ = 	snop  }
0x1a5: {  	[spmem:s1] =	stream.indirect.scatter.add.f32 [tilespmem:s10], [sflag:$0x1], $0x20, s25, s5, $0xb8;
	[tilespmem:$0x5848] =	vst v63  }
0x1a6: {  	_ = 	snop  }
0x1a7: {  	[spmem:s1] =	stream.indirect.scatter.add.f32 [tilespmem:s11], [sflag:$0x1], $0x20, s26, s5, $0xb8;
	[tilespmem:$0x5848] =	vst v63  }
0x1a8: {  	_ =	swait.ge [sflag:s6], $0xC80  }
0x1a9: {  	[sflag:s6] =	ssyncset.done $0x0  }
0x1aa: {  	[sflag:s6] =	ssyncadd.s32 $0xFFFFF380  }
0x1ab: {  	_ =	swait.ge [sflag:s6], $0xC80  }
0x1ac: {  	[sflag:s6] =	ssyncset.done $0x0  }
0x1ad: {  	[sflag:s6] =	ssyncadd.s32 $0xFFFFF380  }
0x1ae: {  	_ =	swait.ge [sflag:s6], $0xC80  }
0x1af: {  	[sflag:s6] =	ssyncset.done $0x0  }
0x1b0: {  	[sflag:s6] =	ssyncadd.s32 $0xFFFFF380  }
0x1b1: {  	_ =	swait.ge [sflag:s6], $0xC80  }
0x1b2: {  	[sflag:s6] =	ssyncset.done $0x0  }
0x1b3: {  	[sflag:s6] =	ssyncadd.s32 $0xFFFFF380  }
0x1b4: {  	_ =	swait.ge [sflag:s6], $0xC80  }
0x1b5: {  	[sflag:s6] =	ssyncset.done $0x0  }
0x1b6: {  	s26 =	rddreg [dreg:$0x9];
	[sflag:s6] =	ssyncadd.s32 $0xFFFFF380  }
0x1b7: {  	[tilespmem:s7], [sflag:$0x2] =	stream.linear.gather [hbm4b:s26+s2], $0x3E80, $0x38;
	[tilespmem:$0x5848] =	vst v63  }
0x1b8: {  	_ =	swait.ge [sflag:s4], $0x3E80  }
0x1b9: {  	[sflag:s4] =	ssyncset.done $0x0  }
0x1ba: {  	[sflag:s4] =	ssyncadd.s32 $0xFFFFC180  }
0x1bb: {  	[spmem:s1] =	stream.indirect.scatter.add.f32 [tilespmem:s7], [sflag:$0x1], $0x20, s17, s5, $0xb8;
	[tilespmem:$0x5848] =	vst v63  }
0x1bc: {  	_ = 	snop  }
0x1bd: {  	[spmem:s1] =	stream.indirect.scatter.add.f32 [tilespmem:s8], [sflag:$0x1], $0x20, s18, s5, $0xb8;
	[tilespmem:$0x5848] =	vst v63  }
0x1be: {  	_ = 	snop  }
0x1bf: {  	[spmem:s1] =	stream.indirect.scatter.add.f32 [tilespmem:s9], [sflag:$0x1], $0x20, s19, s5, $0xb8;
	[tilespmem:$0x5848] =	vst v63  }
0x1c0: {  	_ = 	snop  }
0x1c1: {  	[spmem:s1] =	stream.indirect.scatter.add.f32 [tilespmem:s10], [sflag:$0x1], $0x20, s20, s5, $0xb8;
	[tilespmem:$0x5848] =	vst v63  }
0x1c2: {  	_ = 	snop  }
0x1c3: {  	[spmem:s1] =	stream.indirect.scatter.add.f32 [tilespmem:s11], [sflag:$0x1], $0x20, s21, s5, $0xb8;
	[tilespmem:$0x5848] =	vst v63  }
0x1c4: {  	_ =	swait.ge [sflag:s6], $0xC80  }
0x1c5: {  	[sflag:s6] =	ssyncset.done $0x0  }
0x1c6: {  	[sflag:s6] =	ssyncadd.s32 $0xFFFFF380  }
0x1c7: {  	_ =	swait.ge [sflag:s6], $0xC80  }
0x1c8: {  	[sflag:s6] =	ssyncset.done $0x0  }
0x1c9: {  	[sflag:s6] =	ssyncadd.s32 $0xFFFFF380  }
0x1ca: {  	_ =	swait.ge [sflag:s6], $0xC80  }
0x1cb: {  	[sflag:s6] =	ssyncset.done $0x0  }
0x1cc: {  	[sflag:s6] =	ssyncadd.s32 $0xFFFFF380  }
0x1cd: {  	_ =	swait.ge [sflag:s6], $0xC80  }
0x1ce: {  	[sflag:s6] =	ssyncset.done $0x0  }
0x1cf: {  	[sflag:s6] =	ssyncadd.s32 $0xFFFFF380  }
0x1d0: {  	_ =	swait.ge [sflag:s6], $0xC80  }
0x1d1: {  	[sflag:s6] =	ssyncset.done $0x0  }
0x1d2: {  	s28 =	rddreg [dreg:$0xa];
	[sflag:s6] =	ssyncadd.s32 $0xFFFFF380  }
0x1d3: {  	[tilespmem:s7], [sflag:$0x2] =	stream.linear.gather [hbm4b:s28+s2], $0x3E80, $0x38;
	[tilespmem:$0x5848] =	vst v63  }
0x1d4: {  	_ =	swait.ge [sflag:s4], $0x3E80  }
0x1d5: {  	[sflag:s4] =	ssyncset.done $0x0  }
0x1d6: {  	[sflag:s4] =	ssyncadd.s32 $0xFFFFC180  }
0x1d7: {  	[spmem:s1] =	stream.indirect.scatter.add.f32 [tilespmem:s7], [sflag:$0x1], $0x20, s30, s5, $0xb8;
	[tilespmem:$0x5848] =	vst v63  }
0x1d8: {  	_ = 	snop  }
0x1d9: {  	[spmem:s1] =	stream.indirect.scatter.add.f32 [tilespmem:s8], [sflag:$0x1], $0x20, s13, s5, $0xb8;
	[tilespmem:$0x5848] =	vst v63  }
0x1da: {  	_ = 	snop  }
0x1db: {  	[spmem:s1] =	stream.indirect.scatter.add.f32 [tilespmem:s9], [sflag:$0x1], $0x20, s14, s5, $0xb8;
	[tilespmem:$0x5848] =	vst v63  }
0x1dc: {  	_ = 	snop  }
0x1dd: {  	[spmem:s1] =	stream.indirect.scatter.add.f32 [tilespmem:s10], [sflag:$0x1], $0x20, s15, s5, $0xb8;
	[tilespmem:$0x5848] =	vst v63  }
0x1de: {  	_ = 	snop  }
0x1df: {  	[spmem:s1] =	stream.indirect.scatter.add.f32 [tilespmem:s11], [sflag:$0x1], $0x20, s16, s5, $0xb8;
	[tilespmem:$0x5848] =	vst v63  }
0x1e0: {  	_ =	swait.ge [sflag:s6], $0xC80  }
0x1e1: {  	[sflag:s6] =	ssyncset.done $0x0  }
0x1e2: {  	[sflag:s6] =	ssyncadd.s32 $0xFFFFF380  }
0x1e3: {  	_ =	swait.ge [sflag:s6], $0xC80  }
0x1e4: {  	[sflag:s6] =	ssyncset.done $0x0  }
0x1e5: {  	[sflag:s6] =	ssyncadd.s32 $0xFFFFF380  }
0x1e6: {  	_ =	swait.ge [sflag:s6], $0xC80  }
0x1e7: {  	[sflag:s6] =	ssyncset.done $0x0  }
0x1e8: {  	[sflag:s6] =	ssyncadd.s32 $0xFFFFF380  }
0x1e9: {  	_ =	swait.ge [sflag:s6], $0xC80  }
0x1ea: {  	[sflag:s6] =	ssyncset.done $0x0  }
0x1eb: {  	[sflag:s6] =	ssyncadd.s32 $0xFFFFF380  }
0x1ec: {  	_ =	swait.ge [sflag:s6], $0xC80  }
0x1ed: {  	[sflag:s6] =	ssyncset.done $0x0  }
0x1ee: {  	[sflag:s6] =	ssyncadd.s32 $0xFFFFF380  }
0x1ef: {  	[bflag:$0x0] =	sbarrier.arrive $0xFFFF  }
0x1f0: {  	s1 =	simm.s32 @!p0 $0x1C02;
	s0 =	rddreg [dreg:$0x5]  }
0x1f1: {  	[hbm:s0], [sflag:s1] =	dma.local @!p0 [spmem:s3], $0x1F40  }
0x1f2: {  	_ =	swait.ge @!p0 [sflag:s29], $0x1F40  }
0x1f3: {  	[sflag:s29] =	ssyncset.done @!p0 $0x0  }
0x1f4: {  	[sflag:s29] =	ssyncadd.s32 @!p0 $0xFFFFE0C0  }
0x1f5: {  	_ =	sfence.sel $0x180000  }
0x1f6: {  	[bflag:$0x0] =	sbarrier.arrive $0xFFFF  }
0x1f7: {  	_ =	strace $0x90000050  }
0x1f8: {  	s0 =	sadd.s32 @!p0 $0x100000, s31;
	[bflag:$0x2] =	sbarrier.arrive $0xFFFF  }
0x1f9: {  	[sflag:s0] =	ssyncadd.tile.s32 @!p0 $0x1;
	_ =	shalt  }
.LBB2_1:
.Ltmp3:
0x1fa: {  	(pc) =	sbr.rel .LBB2_6-.Ltmp3, $2  }
0x1fb: {  	_ =	sdelay $0x2  }
0x1fc: {  	s30 =	simm.s32 $0x820  }
.LBB2_3:
.Ltmp4:
0x1fd: {  	(pc) =	sbr.rel .LBB2_6-.Ltmp4, $2  }
0x1fe: {  	_ =	sdelay $0x2  }
0x1ff: {  	s30 =	simm.s32 $0x820;
	s31 =	rddreg [dreg:$0x2]  }
.Lfunc_end2:
_tile_overlayer_lowered:
.L_overlay_start_2:
0x200: {  	(tag) =	ssettag $0x2  }
0x201: {  	s0 =	rddreg [dreg:$0x0];
	s2 =	stileid.u32  }
0x202: {  	s1 =	rddreg [dreg:$0x1];
	p0 =	sne.s32 s2, $0x0  }
0x203: {  	s3 =	rddreg [dreg:$0x2];
	[bflag:$0x3] =	sbarrier.arrive $0xFFFF;
	s2 =	simm.s32 @!p0 $0x1C02  }
0x204: {  	[timem:s3], [sflag:s2] =	dma.local @!p0 [hbm:s0], s1  }
0x205: {  	s0 =	simm.s32 @!p0 $0x2  }
0x206: {  	_ =	swait.ge @!p0 [sflag:s0], s1  }
0x207: {  	s1 =	ssub.s32 @!p0 $0x0, s1;
	[sflag:s0] =	ssyncset.done @!p0 $0x0  }
0x208: {  	[sflag:s0] =	ssyncadd.s32 @!p0 s1  }
0x209: {  	[bflag:$0x3] =	sbarrier.arrive $0xFFFF  }
0x20a: {  	_ =	shalt  }

</sc_bundles>
